<compile_context>
chip_gen: v7x
topology: tpu7x:2x2x1
jax: 0.10.2.dev20260603
libtpu: 0.0.44.dev20260713+nightly
codegen_flags: <defaults>
</compile_context>

<pallas_src>
import jax
import jax.numpy as jnp
from jax import lax
from jax.experimental import pallas as pl
from jax.experimental.pallas import tpu as pltpu
from jax.experimental.pallas import tpu_sc as plsc

NC = 2
NS = 16
NW = NC * NS
L = 16
CHUNK = 128


def _fill_1d(ref, n, val):

    @pl.loop(0, n // L)
    def _(i):
        ref[pl.ds(i * L, L)] = jnp.full((L,), val, ref.dtype)


def _make_deg_kernel(n_pad, cpw):
    rows_per_sub = n_pad // NS
    mesh = plsc.VectorSubcoreMesh(core_axis_name="c", subcore_axis_name="s")

    def body(src_hbm, dst_hbm, deg_hbm, src_v, dst_v, ones_v, zer_v,
             deg_o_sh, deg_i_sh, sem_a):
        c = lax.axis_index("c")
        s = lax.axis_index("s")
        wid = c * NS + s
        pltpu.async_copy(src_hbm.at[wid], src_v, sem_a)
        pltpu.async_copy(dst_hbm.at[wid], dst_v, sem_a)
        _fill_1d(ones_v, CHUNK, 1.0)
        _fill_1d(zer_v, rows_per_sub, 0.0)
        sl = pl.ds(s * rows_per_sub, rows_per_sub)
        pltpu.sync_copy(zer_v, deg_o_sh.at[sl])
        pltpu.sync_copy(zer_v, deg_i_sh.at[sl])
        pltpu.make_async_copy(src_hbm.at[wid], src_v, sem_a).wait()
        pltpu.make_async_copy(dst_hbm.at[wid], dst_v, sem_a).wait()
        plsc.subcore_barrier()

        @pl.loop(0, cpw)
        def _(j):
            pltpu.async_copy(ones_v, deg_o_sh.at[src_v.at[j]], sem_a,
                             add=True)
            pltpu.async_copy(ones_v, deg_i_sh.at[dst_v.at[j]], sem_a,
                             add=True)

        @pl.loop(0, cpw)
        def _(j):
            pltpu.make_async_copy(
                ones_v, deg_o_sh.at[src_v.at[0]], sem_a).wait()
            pltpu.make_async_copy(
                ones_v, deg_i_sh.at[dst_v.at[0]], sem_a).wait()

        plsc.subcore_barrier()
        pltpu.sync_copy(deg_o_sh.at[sl], deg_hbm.at[2 * c, sl])
        pltpu.sync_copy(deg_i_sh.at[sl], deg_hbm.at[2 * c + 1, sl])

    return pl.kernel(
        body,
        out_type=jax.ShapeDtypeStruct((4, n_pad), jnp.float32),
        mesh=mesh,
        scratch_types=[
            pltpu.VMEM((cpw, CHUNK), jnp.int32),
            pltpu.VMEM((cpw, CHUNK), jnp.int32),
            pltpu.VMEM((CHUNK,), jnp.float32),
            pltpu.VMEM((rows_per_sub,), jnp.float32),
            pltpu.VMEM_SHARED((n_pad,), jnp.float32),
            pltpu.VMEM_SHARED((n_pad,), jnp.float32),
            pltpu.SemaphoreType.DMA,
        ],
    )


GRP = 16
ECHUNK = 32
NBUF = 8


def _make_agg_kernel(n_pad, k0, k1, d):
    rows_per_sub = n_pad // NS
    mesh = plsc.VectorSubcoreMesh(core_axis_name="c", subcore_axis_name="s")

    def body(h_hbm, src_hbm, dst_hbm, out_hbm, si0, di0, si1, di1, bufs,
             acc_sh, sem_g, sem_s, sem_i):
        c = lax.axis_index("c")
        s = lax.axis_index("s")

        with jax.named_scope("zeroinit"):
            @pl.loop(0, ECHUNK)
            def _(r):
                @pl.loop(0, d // L)
                def _(k):
                    bufs[0][r, pl.ds(k * L, L)] = jnp.zeros((L,),
                                                            jnp.float32)

            @pl.loop(0, rows_per_sub // ECHUNK)
            def _(k):
                pltpu.sync_copy(
                    bufs[0],
                    acc_sh.at[pl.ds(s * rows_per_sub + k * ECHUNK, ECHUNK)])

        plsc.subcore_barrier()

        def start_g(idx_row, b):
            pltpu.async_copy(h_hbm.at[idx_row], bufs[b], sem_g[b])

        def wait_g(idx_row, b):
            pltpu.make_async_copy(h_hbm.at[idx_row], bufs[b], sem_g[b]).wait()

        def start_s(idx_row, b):
            pltpu.async_copy(bufs[b], acc_sh.at[idx_row], sem_s[b], add=True)

        def wait_s(idx_row, b):
            pltpu.make_async_copy(
                bufs[b], acc_sh.at[idx_row], sem_s[b]).wait()

        def load_idx_grp(base, g, si, di):
            sl = pl.ds(base + g * GRP, GRP)
            pltpu.async_copy(src_hbm.at[sl], si, sem_i)
            pltpu.async_copy(dst_hbm.at[sl], di, sem_i)

        def wait_idx_grp(base, g, si, di):
            sl = pl.ds(base + g * GRP, GRP)
            pltpu.make_async_copy(src_hbm.at[sl], si, sem_i).wait()
            pltpu.make_async_copy(dst_hbm.at[sl], di, sem_i).wait()

        def edge_loop(base, nch):
            ng = nch // GRP

            load_idx_grp(base, 0, si0, di0)
            wait_idx_grp(base, 0, si0, di0)
            for j in range(NBUF - 1):
                start_g(si0.at[j], j)

            @pl.loop(0, ng, step=2)
            def _(go):
                for p in range(2):
                    g = go + p
                    si_cur, di_cur = (si0, di0) if p == 0 else (si1, di1)
                    si_nxt, di_nxt = (si1, di1) if p == 0 else (si0, di0)

                    for jl in range(GRP):
                        j = g * GRP + jl
                        b = jl % NBUF
                        pb = (jl - 1) % NBUF

                        if jl == 0:
                            @pl.when(g + 1 < ng)
                            def _():
                                load_idx_grp(base, g + 1, si_nxt, di_nxt)

                        wait_g(si_cur.at[jl], b)
                        start_s(di_cur.at[jl], b)
                        if jl < GRP - (NBUF - 1):
                            @pl.when(j >= 1)
                            def _():
                                wait_s(di_cur.at[pb], pb)

                            start_g(si_cur.at[jl + NBUF - 1], pb)
                        else:
                            if jl == GRP - (NBUF - 1):
                                @pl.when(g + 1 < ng)
                                def _():
                                    wait_idx_grp(base, g + 1, si_nxt, di_nxt)

                            @pl.when(g + 1 < ng)
                            def _():
                                wait_s(di_cur.at[pb], pb)
                                start_g(si_nxt.at[jl + NBUF - 1 - GRP], pb)

            for k in range(NBUF):
                jl = GRP - NBUF + k
                wait_s(si0.at[0], jl % NBUF)

        with jax.named_scope("edges"):
            @pl.when(c == 0)
            def _():
                edge_loop(s * k0, k0)

            @pl.when(c == 1)
            def _():
                edge_loop(NS * k0 + s * k1, k1)

        plsc.subcore_barrier()
        with jax.named_scope("dump"):
            row0 = s * rows_per_sub
            pltpu.sync_copy(acc_sh.at[pl.ds(row0, rows_per_sub)],
                            out_hbm.at[pl.ds(c * n_pad + row0,
                                             rows_per_sub)])

    return pl.kernel(
        body,
        out_type=jax.ShapeDtypeStruct((NC * n_pad, d), jnp.float32),
        mesh=mesh,
        scratch_types=[
            pltpu.VMEM((GRP, ECHUNK), jnp.int32),
            pltpu.VMEM((GRP, ECHUNK), jnp.int32),
            pltpu.VMEM((GRP, ECHUNK), jnp.int32),
            pltpu.VMEM((GRP, ECHUNK), jnp.int32),
            [pltpu.VMEM((ECHUNK, d), jnp.float32) for _ in range(NBUF)],
            pltpu.VMEM_SHARED((n_pad, d), jnp.float32),
            [pltpu.SemaphoreType.DMA for _ in range(NBUF)],
            [pltpu.SemaphoreType.DMA for _ in range(NBUF)],
            pltpu.SemaphoreType.DMA,
        ],
    )


def _scale_body(x_ref, degs_ref, h_ref):
    deg_out = degs_ref[0, :] + degs_ref[2, :]
    nsrc = jnp.where(deg_out > 0, lax.rsqrt(deg_out), 0.0)
    h_ref[...] = x_ref[...] * nsrc[:, None]


def _tail_body(a0_ref, a1_ref, degs_ref, x_ref, w_ref, b_ref, g_ref, be_ref,
               o_ref):
    deg_in = degs_ref[:, 1] + degs_ref[:, 3]
    nd = jnp.where(deg_in > 0, lax.rsqrt(deg_in), 0.0)
    agg = (a0_ref[...] + a1_ref[...]) * nd[:, None]
    out = jnp.dot(agg, w_ref[...], preferred_element_type=jnp.float32)
    out = out + b_ref[...]
    mu = jnp.mean(out, axis=-1, keepdims=True)
    var = jnp.mean((out - mu) ** 2, axis=-1, keepdims=True)
    out = (out - mu) * lax.rsqrt(var + 1e-5) * g_ref[...] + be_ref[...]
    o_ref[...] = jnp.maximum(out, 0.0) + x_ref[...]


@jax.jit
def kernel(x, edge_index, W, b, gamma, beta):
    n, d = x.shape
    e = edge_index.shape[1]
    ei = edge_index.astype(jnp.int32)

    n_pad = -(-(n + 1) // (NS * CHUNK)) * (NS * CHUNK)
    quantum = NW * 2 * GRP * ECHUNK
    e_pad = -(-e // quantum) * quantum
    cpw_a = e_pad // (NW * CHUNK)
    tot_ch = e_pad // ECHUNK
    k1 = tot_ch // NW
    k0 = tot_ch // NS - k1

    pad = n + (jnp.arange(e_pad - e, dtype=jnp.int32) % (n_pad - n))
    src_flat = jnp.concatenate([ei[0], pad])
    dst_flat = jnp.concatenate([ei[1], pad])
    src_r = src_flat.reshape(NW, cpw_a, CHUNK)
    dst_r = dst_flat.reshape(NW, cpw_a, CHUNK)
    src_r2 = src_flat.reshape(tot_ch, ECHUNK)
    dst_r2 = dst_flat.reshape(tot_ch, ECHUNK)
    x_pad = jnp.pad(x, ((0, n_pad - n), (0, 0)))

    degs = _make_deg_kernel(n_pad, cpw_a)(src_r, dst_r)

    blk = 2048
    h_pad = pl.pallas_call(
        _scale_body,
        grid=(n_pad // blk,),
        in_specs=[
            pl.BlockSpec((blk, d), lambda i: (i, 0)),
            pl.BlockSpec((4, blk), lambda i: (0, i)),
        ],
        out_specs=pl.BlockSpec((blk, d), lambda i: (i, 0)),
        out_shape=jax.ShapeDtypeStruct((n_pad, d), jnp.float32),
    )(x_pad, degs)

    accs = _make_agg_kernel(n_pad, k0, k1, d)(h_pad, src_r2, dst_r2)

    blk2 = 2048
    nblk = n_pad // blk2
    degs_n = degs.T[:n]
    out = pl.pallas_call(
        _tail_body,
        grid=(-(-n // blk2),),
        in_specs=[
            pl.BlockSpec((blk2, d), lambda i: (i, 0)),
            pl.BlockSpec((blk2, d), lambda i: (i + nblk, 0)),
            pl.BlockSpec((blk2, 4), lambda i: (i, 0)),
            pl.BlockSpec((blk2, d), lambda i: (i, 0)),
            pl.BlockSpec((d, d), lambda i: (0, 0)),
            pl.BlockSpec((1, d), lambda i: (0, 0)),
            pl.BlockSpec((1, d), lambda i: (0, 0)),
            pl.BlockSpec((1, d), lambda i: (0, 0)),
        ],
        out_specs=pl.BlockSpec((blk2, d), lambda i: (i, 0)),
        out_shape=jax.ShapeDtypeStruct((n, d), jnp.float32),
    )(accs, accs, degs_n, x,
      W, b.reshape(1, d), gamma.reshape(1, d), beta.reshape(1, d))
    return out

# --- scband reference (transcript-rebuilt; emitter-appended) ---
"""Pipeline reference for scband-gcnblock-11914239279898 (READ-ONLY COPY).

The authoritative reference and input builder live on the scoring server;
editing this copy changes nothing except your own understanding.
"""

import jax, jax.numpy as jnp
import numpy as np

N = 10000
E = 320000
D = 128


def setup_inputs(seed: int = 0) -> dict:
    key = jax.random.key(seed)
    k1, k2, k3, k4 = jax.random.split(key, 4)
    x = jax.random.normal(k1, (N, D), dtype=jnp.float32)
    edge_index = jax.random.randint(k2, (2, E), 0, N, dtype=jnp.int32).astype(jnp.int64)
    # GraphConv linear weight + bias (in_feats=D, out_feats=D)
    W = jax.random.normal(k3, (D, D), dtype=jnp.float32) * 0.05
    b = jnp.zeros((D,), dtype=jnp.float32)
    # LayerNorm params
    gamma = jnp.ones((D,), dtype=jnp.float32)
    beta = jnp.zeros((D,), dtype=jnp.float32)
    return {"x": x, "edge_index": edge_index, "W": W, "b": b, "gamma": gamma, "beta": beta}


def reference(x, edge_index, W, b, gamma, beta):
    # DGL GraphConv, norm='both': h = D_in^{-1/2} A D_out^{-1/2} X W + b
    src = edge_index[0]
    dst = edge_index[1]
    n = x.shape[0]
    ones_e = jnp.ones((src.shape[0],), dtype=x.dtype)
    deg_out = jnp.zeros((n,), dtype=x.dtype).at[src].add(ones_e)
    deg_in = jnpp_pow = None
    deg_in = jnp.zeros((n,), dtype=x.dtype).at[dst].add(ones_e)
    norm_src = jnp.where(deg_out > 0, deg_out ** -0.5, 0.0)
    norm_dst = jnp.where(deg_in > 0, deg_in ** -0.5, 0.0)
    h = x * norm_src[:, None]
    # gather from src, scatter-add to dst
    msgs = jnp.take(h, src, axis=0)
    agg = jnp.zeros_like(x).at[dst].add(msgs)
    agg = agg * norm_dst[:, None]
    out = agg @ W + b
    # LayerNorm
    mu = jnp.mean(out, axis=-1, keepdims=True)
    var = jnp.mean((out - mu) ** 2, axis=-1, keepdims=True)
    out = (out - mu) / jnp.sqrt(var + 1e-5) * gamma + beta
    # activation (ReLU)
    out = jax.nn.relu(out)
    # dropout p=0 -> identity; skip = Identity (input_dim == hidden_dim)
    out = out + x
    return out

if __name__ == "__main__":
    import jax
    _d = setup_inputs()
    print(jax.jit(kernel)(*tuple(_d.values())))

</pallas_src>

<mosaic_0001>
#map = affine_map<(d0, d1) -> (0, 0, 0)>
#map1 = affine_map<(d0, d1) -> (0, 0)>
module attributes {stable_mosaic.version = 14 : i64} {
  func.func @body(%arg0: i32, %arg1: i32, %arg2: memref<32x80x128xi32, #tpu.memory_space<hbm>>, %arg3: memref<32x80x128xi32, #tpu.memory_space<hbm>>, %arg4: memref<4x10240xf32, #tpu.memory_space<hbm>>, %arg5: memref<80x128xi32, #tpu.memory_space<vmem>>, %arg6: memref<80x128xi32, #tpu.memory_space<vmem>>, %arg7: memref<128xf32, #tpu.memory_space<vmem>>, %arg8: memref<640xf32, #tpu.memory_space<vmem>>, %arg9: memref<10240xf32, #tpu.memory_space<vmem_shared>>, %arg10: memref<10240xf32, #tpu.memory_space<vmem_shared>>, %arg11: memref<!tpu.dma_semaphore, #tpu.memory_space<semaphore_mem>>) attributes {dimension_semantics = [#tpu.dimension_semantics<core_parallel>, #tpu.dimension_semantics<subcore_parallel>], iteration_bounds = array<i64: 2, 16>, scalar_prefetch = 0 : i64, scratch_operands = 7 : i64, tpu.core_type = #tpu.core_type<sc_vector_subcore>, window_params = [{transform_indices = #map}, {transform_indices = #map}, {transform_indices = #map1}]} {
    %mul3A = arith.constant 16 : i32
    %mul3A_0 = arith.muli %arg0, %mul3A : i32
    %add3A = arith.addi %mul3A_0, %arg1 : i32
    %dma_start3A = arith.constant 0 : i32
    %dma_start3A_1 = arith.constant 0 : i32
    %dma_start3A_2 = tpu.memref_slice %arg2[%add3A, %dma_start3A, %dma_start3A_1] : memref<32x80x128xi32, #tpu.memory_space<hbm>> -> memref<1x80x128xi32, #tpu.memory_space<hbm>>
    %dma_start3A_3 = tpu.memref_squeeze %dma_start3A_2 : memref<1x80x128xi32, #tpu.memory_space<hbm>> -> memref<80x128xi32, #tpu.memory_space<hbm>>
    %dma_start3A_4 = arith.constant 0 : i32
    %dma_start3A_5 = arith.constant 0 : i32
    %dma_start3A_6 = tpu.memref_slice %arg2[%add3A, %dma_start3A_4, %dma_start3A_5] : memref<32x80x128xi32, #tpu.memory_space<hbm>> -> memref<1x80x128xi32, #tpu.memory_space<hbm>>
    %dma_start3A_7 = tpu.memref_squeeze %dma_start3A_6 : memref<1x80x128xi32, #tpu.memory_space<hbm>> -> memref<80x128xi32, #tpu.memory_space<hbm>>
    tpu.enqueue_dma source(%dma_start3A_7 : memref<80x128xi32, #tpu.memory_space<hbm>>) target(%arg5 : memref<80x128xi32, #tpu.memory_space<vmem>>) target_semaphore(%arg11 : memref<!tpu.dma_semaphore, #tpu.memory_space<semaphore_mem>>)
    %dma_start3A_8 = arith.constant 0 : i32
    %dma_start3A_9 = arith.constant 0 : i32
    %dma_start3A_10 = tpu.memref_slice %arg3[%add3A, %dma_start3A_8, %dma_start3A_9] : memref<32x80x128xi32, #tpu.memory_space<hbm>> -> memref<1x80x128xi32, #tpu.memory_space<hbm>>
    %dma_start3A_11 = tpu.memref_squeeze %dma_start3A_10 : memref<1x80x128xi32, #tpu.memory_space<hbm>> -> memref<80x128xi32, #tpu.memory_space<hbm>>
    %dma_start3A_12 = arith.constant 0 : i32
    %dma_start3A_13 = arith.constant 0 : i32
    %dma_start3A_14 = tpu.memref_slice %arg3[%add3A, %dma_start3A_12, %dma_start3A_13] : memref<32x80x128xi32, #tpu.memory_space<hbm>> -> memref<1x80x128xi32, #tpu.memory_space<hbm>>
    %dma_start3A_15 = tpu.memref_squeeze %dma_start3A_14 : memref<1x80x128xi32, #tpu.memory_space<hbm>> -> memref<80x128xi32, #tpu.memory_space<hbm>>
    tpu.enqueue_dma source(%dma_start3A_15 : memref<80x128xi32, #tpu.memory_space<hbm>>) target(%arg6 : memref<80x128xi32, #tpu.memory_space<vmem>>) target_semaphore(%arg11 : memref<!tpu.dma_semaphore, #tpu.memory_space<semaphore_mem>>)
    %scan3A = arith.constant 0 : i32
    %scan3A_16 = arith.constant 8 : i32
    %scan3A_17 = arith.addi %scan3A, %scan3A_16 : i32
    %scan3A_18 = arith.constant 1 : i32
    scf.for %scan3A_59 = %scan3A to %scan3A_17 step %scan3A_18  : i32 {
      %mul3A_60 = arith.constant 1 : i32
      %mul3A_61 = arith.muli %scan3A_59, %mul3A_60 : i32
      %add3A_62 = arith.constant 0 : i32
      %add3A_63 = arith.addi %add3A_62, %mul3A_61 : i32
      %broadcast_in_dim3A = arith.constant 1.000000e+00 : f32
      %broadcast_in_dim3A_64 = vector.broadcast %broadcast_in_dim3A : f32 to vector<16xf32>
      %mul3A_65 = arith.constant 16 : i32
      %mul3A_66 = arith.muli %add3A_63, %mul3A_65 : i32
      %swap3A = arith.index_cast %mul3A_66 : i32 to index
      %swap3A_67 = tpu.vector_load %arg7[%swap3A] {strides = array<i32>} : memref<128xf32, #tpu.memory_space<vmem>>, vector<16xf32>,
      %swap3A_68 = vector.shape_cast %swap3A_67 : vector<16xf32> to vector<16xf32>
      %swap3A_69 = vector.shape_cast %broadcast_in_dim3A_64 : vector<16xf32> to vector<16xf32>
      tpu.vector_store %arg7[%swap3A], %swap3A_69 {strides = array<i32>} : memref<128xf32, #tpu.memory_space<vmem>>, vector<16xf32>,
    }
    %scan3A_19 = arith.constant 8 : i32
    %scan3A_20 = arith.constant 0 : i32
    %scan3A_21 = arith.constant 40 : i32
    %scan3A_22 = arith.addi %scan3A_20, %scan3A_21 : i32
    %scan3A_23 = arith.constant 1 : i32
    scf.for %scan3A_59 = %scan3A_20 to %scan3A_22 step %scan3A_23  : i32 {
      %mul3A_60 = arith.constant 1 : i32
      %mul3A_61 = arith.muli %scan3A_59, %mul3A_60 : i32
      %add3A_62 = arith.constant 0 : i32
      %add3A_63 = arith.addi %add3A_62, %mul3A_61 : i32
      %broadcast_in_dim3A = arith.constant 0.000000e+00 : f32
      %broadcast_in_dim3A_64 = vector.broadcast %broadcast_in_dim3A : f32 to vector<16xf32>
      %mul3A_65 = arith.constant 16 : i32
      %mul3A_66 = arith.muli %add3A_63, %mul3A_65 : i32
      %swap3A = arith.index_cast %mul3A_66 : i32 to index
      %swap3A_67 = tpu.vector_load %arg8[%swap3A] {strides = array<i32>} : memref<640xf32, #tpu.memory_space<vmem>>, vector<16xf32>,
      %swap3A_68 = vector.shape_cast %swap3A_67 : vector<16xf32> to vector<16xf32>
      %swap3A_69 = vector.shape_cast %broadcast_in_dim3A_64 : vector<16xf32> to vector<16xf32>
      tpu.vector_store %arg8[%swap3A], %swap3A_69 {strides = array<i32>} : memref<640xf32, #tpu.memory_space<vmem>>, vector<16xf32>,
    }
    %scan3A_24 = arith.constant 40 : i32
    %mul3A_25 = arith.constant 640 : i32
    %mul3A_26 = arith.muli %arg1, %mul3A_25 : i32
    "tpu.region"() ({
      %run_scoped3A = tpu.sem_alloc : memref<!tpu.dma_semaphore, #tpu.memory_space<semaphore_mem>>
      %dma_start3A_59 = tpu.memref_slice %arg9[%mul3A_26] : memref<10240xf32, #tpu.memory_space<vmem_shared>> -> memref<640xf32, #tpu.memory_space<vmem_shared>>
      %dma_start3A_60 = tpu.memref_slice %arg9[%mul3A_26] : memref<10240xf32, #tpu.memory_space<vmem_shared>> -> memref<640xf32, #tpu.memory_space<vmem_shared>>
      tpu.enqueue_dma source(%arg8 : memref<640xf32, #tpu.memory_space<vmem>>) target(%dma_start3A_60 : memref<640xf32, #tpu.memory_space<vmem_shared>>) target_semaphore(%run_scoped3A : memref<!tpu.dma_semaphore, #tpu.memory_space<semaphore_mem>>)
      %dma_wait3A_61 = tpu.memref_slice %arg9[%mul3A_26] : memref<10240xf32, #tpu.memory_space<vmem_shared>> -> memref<640xf32, #tpu.memory_space<vmem_shared>>
      %dma_wait3A_62 = tpu.memref_slice %arg9[%mul3A_26] : memref<10240xf32, #tpu.memory_space<vmem_shared>> -> memref<640xf32, #tpu.memory_space<vmem_shared>>
      tpu.wait_dma2 semaphore(%run_scoped3A : memref<!tpu.dma_semaphore, #tpu.memory_space<semaphore_mem>>) src(%arg8 : memref<640xf32, #tpu.memory_space<vmem>>) dst(%dma_wait3A_62 : memref<640xf32, #tpu.memory_space<vmem_shared>>)
      tpu.yield
    }) : () -> ()
    "tpu.region"() ({
      %run_scoped3A = tpu.sem_alloc : memref<!tpu.dma_semaphore, #tpu.memory_space<semaphore_mem>>
      %dma_start3A_59 = tpu.memref_slice %arg10[%mul3A_26] : memref<10240xf32, #tpu.memory_space<vmem_shared>> -> memref<640xf32, #tpu.memory_space<vmem_shared>>
      %dma_start3A_60 = tpu.memref_slice %arg10[%mul3A_26] : memref<10240xf32, #tpu.memory_space<vmem_shared>> -> memref<640xf32, #tpu.memory_space<vmem_shared>>
      tpu.enqueue_dma source(%arg8 : memref<640xf32, #tpu.memory_space<vmem>>) target(%dma_start3A_60 : memref<640xf32, #tpu.memory_space<vmem_shared>>) target_semaphore(%run_scoped3A : memref<!tpu.dma_semaphore, #tpu.memory_space<semaphore_mem>>)
      %dma_wait3A_61 = tpu.memref_slice %arg10[%mul3A_26] : memref<10240xf32, #tpu.memory_space<vmem_shared>> -> memref<640xf32, #tpu.memory_space<vmem_shared>>
      %dma_wait3A_62 = tpu.memref_slice %arg10[%mul3A_26] : memref<10240xf32, #tpu.memory_space<vmem_shared>> -> memref<640xf32, #tpu.memory_space<vmem_shared>>
      tpu.wait_dma2 semaphore(%run_scoped3A : memref<!tpu.dma_semaphore, #tpu.memory_space<semaphore_mem>>) src(%arg8 : memref<640xf32, #tpu.memory_space<vmem>>) dst(%dma_wait3A_62 : memref<640xf32, #tpu.memory_space<vmem_shared>>)
      tpu.yield
    }) : () -> ()
    %dma_wait3A = arith.constant 0 : i32
    %dma_wait3A_27 = arith.constant 0 : i32
    %dma_wait3A_28 = tpu.memref_slice %arg2[%add3A, %dma_wait3A, %dma_wait3A_27] : memref<32x80x128xi32, #tpu.memory_space<hbm>> -> memref<1x80x128xi32, #tpu.memory_space<hbm>>
    %dma_wait3A_29 = tpu.memref_squeeze %dma_wait3A_28 : memref<1x80x128xi32, #tpu.memory_space<hbm>> -> memref<80x128xi32, #tpu.memory_space<hbm>>
    %dma_wait3A_30 = arith.constant 0 : i32
    %dma_wait3A_31 = arith.constant 0 : i32
    %dma_wait3A_32 = tpu.memref_slice %arg2[%add3A, %dma_wait3A_30, %dma_wait3A_31] : memref<32x80x128xi32, #tpu.memory_space<hbm>> -> memref<1x80x128xi32, #tpu.memory_space<hbm>>
    %dma_wait3A_33 = tpu.memref_squeeze %dma_wait3A_32 : memref<1x80x128xi32, #tpu.memory_space<hbm>> -> memref<80x128xi32, #tpu.memory_space<hbm>>
    tpu.wait_dma2 semaphore(%arg11 : memref<!tpu.dma_semaphore, #tpu.memory_space<semaphore_mem>>) src(%dma_wait3A_33 : memref<80x128xi32, #tpu.memory_space<hbm>>) dst(%arg5 : memref<80x128xi32, #tpu.memory_space<vmem>>)
    %dma_wait3A_34 = arith.constant 0 : i32
    %dma_wait3A_35 = arith.constant 0 : i32
    %dma_wait3A_36 = tpu.memref_slice %arg3[%add3A, %dma_wait3A_34, %dma_wait3A_35] : memref<32x80x128xi32, #tpu.memory_space<hbm>> -> memref<1x80x128xi32, #tpu.memory_space<hbm>>
    %dma_wait3A_37 = tpu.memref_squeeze %dma_wait3A_36 : memref<1x80x128xi32, #tpu.memory_space<hbm>> -> memref<80x128xi32, #tpu.memory_space<hbm>>
    %dma_wait3A_38 = arith.constant 0 : i32
    %dma_wait3A_39 = arith.constant 0 : i32
    %dma_wait3A_40 = tpu.memref_slice %arg3[%add3A, %dma_wait3A_38, %dma_wait3A_39] : memref<32x80x128xi32, #tpu.memory_space<hbm>> -> memref<1x80x128xi32, #tpu.memory_space<hbm>>
    %dma_wait3A_41 = tpu.memref_squeeze %dma_wait3A_40 : memref<1x80x128xi32, #tpu.memory_space<hbm>> -> memref<80x128xi32, #tpu.memory_space<hbm>>
    tpu.wait_dma2 semaphore(%arg11 : memref<!tpu.dma_semaphore, #tpu.memory_space<semaphore_mem>>) src(%dma_wait3A_41 : memref<80x128xi32, #tpu.memory_space<hbm>>) dst(%arg6 : memref<80x128xi32, #tpu.memory_space<vmem>>)
    %barrier3A = arith.constant 0 : index
    tpu.barrier barrier_id(%barrier3A)
    %scan3A_42 = arith.constant 0 : i32
    %scan3A_43 = arith.constant 80 : i32
    %scan3A_44 = arith.addi %scan3A_42, %scan3A_43 : i32
    %scan3A_45 = arith.constant 1 : i32
    scf.for %scan3A_59 = %scan3A_42 to %scan3A_44 step %scan3A_45  : i32 {
      %mul3A_60 = arith.constant 1 : i32
      %mul3A_61 = arith.muli %scan3A_59, %mul3A_60 : i32
      %add3A_62 = arith.constant 0 : i32
      %add3A_63 = arith.addi %add3A_62, %mul3A_61 : i32
      %dma_start3A_64 = arith.constant 0 : i32
      %dma_start3A_65 = tpu.memref_slice %arg5[%add3A_63, %dma_start3A_64] : memref<80x128xi32, #tpu.memory_space<vmem>> -> memref<1x128xi32, #tpu.memory_space<vmem>>
      %dma_start3A_66 = tpu.memref_squeeze %dma_start3A_65 : memref<1x128xi32, #tpu.memory_space<vmem>> -> memref<128xi32, #tpu.memory_space<vmem>>
      %dma_start3A_67 = arith.constant 0 : i32
      %dma_start3A_68 = tpu.memref_slice %arg9[%dma_start3A_67] : memref<10240xf32, #tpu.memory_space<vmem_shared>> -> memref<10240xf32, #tpu.memory_space<vmem_shared>>
      tpu.enqueue_indirect_dma source(%arg7 : memref<128xf32, #tpu.memory_space<vmem>>) target(%dma_start3A_68 : memref<10240xf32, #tpu.memory_space<vmem_shared>>) offsets(%dma_start3A_66 : memref<128xi32, #tpu.memory_space<vmem>>) semaphore(%arg11 : memref<!tpu.dma_semaphore, #tpu.memory_space<semaphore_mem>>) {add = true}
      %dma_start3A_69 = arith.constant 0 : i32
      %dma_start3A_70 = tpu.memref_slice %arg6[%add3A_63, %dma_start3A_69] : memref<80x128xi32, #tpu.memory_space<vmem>> -> memref<1x128xi32, #tpu.memory_space<vmem>>
      %dma_start3A_71 = tpu.memref_squeeze %dma_start3A_70 : memref<1x128xi32, #tpu.memory_space<vmem>> -> memref<128xi32, #tpu.memory_space<vmem>>
      %dma_start3A_72 = arith.constant 0 : i32
      %dma_start3A_73 = tpu.memref_slice %arg10[%dma_start3A_72] : memref<10240xf32, #tpu.memory_space<vmem_shared>> -> memref<10240xf32, #tpu.memory_space<vmem_shared>>
      tpu.enqueue_indirect_dma source(%arg7 : memref<128xf32, #tpu.memory_space<vmem>>) target(%dma_start3A_73 : memref<10240xf32, #tpu.memory_space<vmem_shared>>) offsets(%dma_start3A_71 : memref<128xi32, #tpu.memory_space<vmem>>) semaphore(%arg11 : memref<!tpu.dma_semaphore, #tpu.memory_space<semaphore_mem>>) {add = true}
    }
    %scan3A_46 = arith.constant 80 : i32
    %scan3A_47 = arith.constant 0 : i32
    %scan3A_48 = arith.constant 80 : i32
    %scan3A_49 = arith.addi %scan3A_47, %scan3A_48 : i32
    %scan3A_50 = arith.constant 1 : i32
    scf.for %scan3A_59 = %scan3A_47 to %scan3A_49 step %scan3A_50  : i32 {
      %mul3A_60 = arith.constant 1 : i32
      %mul3A_61 = arith.muli %scan3A_59, %mul3A_60 : i32
      %add3A_62 = arith.constant 0 : i32
      %add3A_63 = arith.addi %add3A_62, %mul3A_61 : i32
      %dma_wait3A_64 = arith.constant 0 : i32
      %dma_wait3A_65 = arith.constant 0 : i32
      %dma_wait3A_66 = tpu.memref_slice %arg5[%dma_wait3A_64, %dma_wait3A_65] : memref<80x128xi32, #tpu.memory_space<vmem>> -> memref<1x128xi32, #tpu.memory_space<vmem>>
      %dma_wait3A_67 = tpu.memref_squeeze %dma_wait3A_66 : memref<1x128xi32, #tpu.memory_space<vmem>> -> memref<128xi32, #tpu.memory_space<vmem>>
      %dma_wait3A_68 = arith.constant 0 : i32
      %dma_wait3A_69 = tpu.memref_slice %arg9[%dma_wait3A_68] : memref<10240xf32, #tpu.memory_space<vmem_shared>> -> memref<10240xf32, #tpu.memory_space<vmem_shared>>
      tpu.wait_indirect_dma semaphore(%arg11 : memref<!tpu.dma_semaphore, #tpu.memory_space<semaphore_mem>>) src(%arg7 : memref<128xf32, #tpu.memory_space<vmem>>) dst(%dma_wait3A_69 : memref<10240xf32, #tpu.memory_space<vmem_shared>>)
      %dma_wait3A_70 = arith.constant 0 : i32
      %dma_wait3A_71 = arith.constant 0 : i32
      %dma_wait3A_72 = tpu.memref_slice %arg6[%dma_wait3A_70, %dma_wait3A_71] : memref<80x128xi32, #tpu.memory_space<vmem>> -> memref<1x128xi32, #tpu.memory_space<vmem>>
      %dma_wait3A_73 = tpu.memref_squeeze %dma_wait3A_72 : memref<1x128xi32, #tpu.memory_space<vmem>> -> memref<128xi32, #tpu.memory_space<vmem>>
      %dma_wait3A_74 = arith.constant 0 : i32
      %dma_wait3A_75 = tpu.memref_slice %arg10[%dma_wait3A_74] : memref<10240xf32, #tpu.memory_space<vmem_shared>> -> memref<10240xf32, #tpu.memory_space<vmem_shared>>
      tpu.wait_indirect_dma semaphore(%arg11 : memref<!tpu.dma_semaphore, #tpu.memory_space<semaphore_mem>>) src(%arg7 : memref<128xf32, #tpu.memory_space<vmem>>) dst(%dma_wait3A_75 : memref<10240xf32, #tpu.memory_space<vmem_shared>>)
    }
    %scan3A_51 = arith.constant 80 : i32
    %barrier3A_52 = arith.constant 0 : index
    tpu.barrier barrier_id(%barrier3A_52)
    %mul3A_53 = arith.constant 2 : i32
    %mul3A_54 = arith.muli %mul3A_53, %arg0 : i32
    "tpu.region"() ({
      %run_scoped3A = tpu.sem_alloc : memref<!tpu.dma_semaphore, #tpu.memory_space<semaphore_mem>>
      %dma_start3A_59 = tpu.memref_slice %arg4[%mul3A_54, %mul3A_26] : memref<4x10240xf32, #tpu.memory_space<hbm>> -> memref<1x640xf32, #tpu.memory_space<hbm>>
      %dma_start3A_60 = tpu.memref_squeeze %dma_start3A_59 : memref<1x640xf32, #tpu.memory_space<hbm>> -> memref<640xf32, #tpu.memory_space<hbm>>
      %dma_start3A_61 = tpu.memref_slice %arg9[%mul3A_26] : memref<10240xf32, #tpu.memory_space<vmem_shared>> -> memref<640xf32, #tpu.memory_space<vmem_shared>>
      tpu.enqueue_dma source(%dma_start3A_61 : memref<640xf32, #tpu.memory_space<vmem_shared>>) target(%dma_start3A_60 : memref<640xf32, #tpu.memory_space<hbm>>) target_semaphore(%run_scoped3A : memref<!tpu.dma_semaphore, #tpu.memory_space<semaphore_mem>>)
      %dma_wait3A_62 = tpu.memref_slice %arg4[%mul3A_54, %mul3A_26] : memref<4x10240xf32, #tpu.memory_space<hbm>> -> memref<1x640xf32, #tpu.memory_space<hbm>>
      %dma_wait3A_63 = tpu.memref_squeeze %dma_wait3A_62 : memref<1x640xf32, #tpu.memory_space<hbm>> -> memref<640xf32, #tpu.memory_space<hbm>>
      %dma_wait3A_64 = tpu.memref_slice %arg9[%mul3A_26] : memref<10240xf32, #tpu.memory_space<vmem_shared>> -> memref<640xf32, #tpu.memory_space<vmem_shared>>
      tpu.wait_dma2 semaphore(%run_scoped3A : memref<!tpu.dma_semaphore, #tpu.memory_space<semaphore_mem>>) src(%dma_wait3A_64 : memref<640xf32, #tpu.memory_space<vmem_shared>>) dst(%dma_wait3A_63 : memref<640xf32, #tpu.memory_space<hbm>>)
      tpu.yield
    }) : () -> ()
    %mul3A_55 = arith.constant 2 : i32
    %mul3A_56 = arith.muli %mul3A_55, %arg0 : i32
    %add3A_57 = arith.constant 1 : i32
    %add3A_58 = arith.addi %mul3A_56, %add3A_57 : i32
    "tpu.region"() ({
      %run_scoped3A = tpu.sem_alloc : memref<!tpu.dma_semaphore, #tpu.memory_space<semaphore_mem>>
      %dma_start3A_59 = tpu.memref_slice %arg4[%add3A_58, %mul3A_26] : memref<4x10240xf32, #tpu.memory_space<hbm>> -> memref<1x640xf32, #tpu.memory_space<hbm>>
      %dma_start3A_60 = tpu.memref_squeeze %dma_start3A_59 : memref<1x640xf32, #tpu.memory_space<hbm>> -> memref<640xf32, #tpu.memory_space<hbm>>
      %dma_start3A_61 = tpu.memref_slice %arg10[%mul3A_26] : memref<10240xf32, #tpu.memory_space<vmem_shared>> -> memref<640xf32, #tpu.memory_space<vmem_shared>>
      tpu.enqueue_dma source(%dma_start3A_61 : memref<640xf32, #tpu.memory_space<vmem_shared>>) target(%dma_start3A_60 : memref<640xf32, #tpu.memory_space<hbm>>) target_semaphore(%run_scoped3A : memref<!tpu.dma_semaphore, #tpu.memory_space<semaphore_mem>>)
      %dma_wait3A_62 = tpu.memref_slice %arg4[%add3A_58, %mul3A_26] : memref<4x10240xf32, #tpu.memory_space<hbm>> -> memref<1x640xf32, #tpu.memory_space<hbm>>
      %dma_wait3A_63 = tpu.memref_squeeze %dma_wait3A_62 : memref<1x640xf32, #tpu.memory_space<hbm>> -> memref<640xf32, #tpu.memory_space<hbm>>
      %dma_wait3A_64 = tpu.memref_slice %arg10[%mul3A_26] : memref<10240xf32, #tpu.memory_space<vmem_shared>> -> memref<640xf32, #tpu.memory_space<vmem_shared>>
      tpu.wait_dma2 semaphore(%run_scoped3A : memref<!tpu.dma_semaphore, #tpu.memory_space<semaphore_mem>>) src(%dma_wait3A_64 : memref<640xf32, #tpu.memory_space<vmem_shared>>) dst(%dma_wait3A_63 : memref<640xf32, #tpu.memory_space<hbm>>)
      tpu.yield
    }) : () -> ()
    return
  }
}

#map = affine_map<(d0, d1) -> (0, 0)>
module attributes {stable_mosaic.version = 14 : i64} {
  func.func @body(%arg0: i32, %arg1: i32, %arg2: memref<10240x128xf32, #tpu.memory_space<hbm>>, %arg3: memref<10240x32xi32, #tpu.memory_space<hbm>>, %arg4: memref<10240x32xi32, #tpu.memory_space<hbm>>, %arg5: memref<20480x128xf32, #tpu.memory_space<hbm>>, %arg6: memref<16x32xi32, #tpu.memory_space<vmem>>, %arg7: memref<16x32xi32, #tpu.memory_space<vmem>>, %arg8: memref<16x32xi32, #tpu.memory_space<vmem>>, %arg9: memref<16x32xi32, #tpu.memory_space<vmem>>, %arg10: memref<32x128xf32, #tpu.memory_space<vmem>>, %arg11: memref<32x128xf32, #tpu.memory_space<vmem>>, %arg12: memref<32x128xf32, #tpu.memory_space<vmem>>, %arg13: memref<32x128xf32, #tpu.memory_space<vmem>>, %arg14: memref<32x128xf32, #tpu.memory_space<vmem>>, %arg15: memref<32x128xf32, #tpu.memory_space<vmem>>, %arg16: memref<32x128xf32, #tpu.memory_space<vmem>>, %arg17: memref<32x128xf32, #tpu.memory_space<vmem>>, %arg18: memref<10240x128xf32, #tpu.memory_space<vmem_shared>>, %arg19: memref<!tpu.dma_semaphore, #tpu.memory_space<semaphore_mem>>, %arg20: memref<!tpu.dma_semaphore, #tpu.memory_space<semaphore_mem>>, %arg21: memref<!tpu.dma_semaphore, #tpu.memory_space<semaphore_mem>>, %arg22: memref<!tpu.dma_semaphore, #tpu.memory_space<semaphore_mem>>, %arg23: memref<!tpu.dma_semaphore, #tpu.memory_space<semaphore_mem>>, %arg24: memref<!tpu.dma_semaphore, #tpu.memory_space<semaphore_mem>>, %arg25: memref<!tpu.dma_semaphore, #tpu.memory_space<semaphore_mem>>, %arg26: memref<!tpu.dma_semaphore, #tpu.memory_space<semaphore_mem>>, %arg27: memref<!tpu.dma_semaphore, #tpu.memory_space<semaphore_mem>>, %arg28: memref<!tpu.dma_semaphore, #tpu.memory_space<semaphore_mem>>, %arg29: memref<!tpu.dma_semaphore, #tpu.memory_space<semaphore_mem>>, %arg30: memref<!tpu.dma_semaphore, #tpu.memory_space<semaphore_mem>>, %arg31: memref<!tpu.dma_semaphore, #tpu.memory_space<semaphore_mem>>, %arg32: memref<!tpu.dma_semaphore, #tpu.memory_space<semaphore_mem>>, %arg33: memref<!tpu.dma_semaphore, #tpu.memory_space<semaphore_mem>>, %arg34: memref<!tpu.dma_semaphore, #tpu.memory_space<semaphore_mem>>, %arg35: memref<!tpu.dma_semaphore, #tpu.memory_space<semaphore_mem>>) attributes {dimension_semantics = [#tpu.dimension_semantics<core_parallel>, #tpu.dimension_semantics<subcore_parallel>], iteration_bounds = array<i64: 2, 16>, scalar_prefetch = 0 : i64, scratch_operands = 30 : i64, tpu.core_type = #tpu.core_type<sc_vector_subcore>, window_params = [{transform_indices = #map}, {transform_indices = #map}, {transform_indices = #map}, {transform_indices = #map}]} {
    "tpu.trace_start"() <{level = 10 : i32, message = "zeroinit"}> : () -> ()
    %scan3A = arith.constant 0 : i32
    %scan3A_0 = arith.constant 32 : i32
    %scan3A_1 = arith.addi %scan3A, %scan3A_0 : i32
    %scan3A_2 = arith.constant 1 : i32
    scf.for %scan3A_20 = %scan3A to %scan3A_1 step %scan3A_2  : i32 {
      %mul3A_21 = arith.constant 1 : i32
      %mul3A_22 = arith.muli %scan3A_20, %mul3A_21 : i32
      %add3A_23 = arith.constant 0 : i32
      %add3A_24 = arith.addi %add3A_23, %mul3A_22 : i32
      %scan3A_25 = arith.constant 0 : i32
      %scan3A_26 = arith.constant 8 : i32
      %scan3A_27 = arith.addi %scan3A_25, %scan3A_26 : i32
      %scan3A_28 = arith.constant 1 : i32
      scf.for %scan3A_30 = %scan3A_25 to %scan3A_27 step %scan3A_28  : i32 {
        %mul3A_31 = arith.constant 1 : i32
        %mul3A_32 = arith.muli %scan3A_30, %mul3A_31 : i32
        %add3A_33 = arith.constant 0 : i32
        %add3A_34 = arith.addi %add3A_33, %mul3A_32 : i32
        %broadcast_in_dim3A = arith.constant 0.000000e+00 : f32
        %broadcast_in_dim3A_35 = vector.broadcast %broadcast_in_dim3A : f32 to vector<16xf32>
        %mul3A_36 = arith.constant 16 : i32
        %mul3A_37 = arith.muli %add3A_34, %mul3A_36 : i32
        %swap3A = arith.index_cast %add3A_24 : i32 to index
        %swap3A_38 = arith.index_cast %mul3A_37 : i32 to index
        %swap3A_39 = tpu.vector_load %arg10[%swap3A, %swap3A_38] {strides = array<i32>} : memref<32x128xf32, #tpu.memory_space<vmem>>, vector<1x16xf32>,
        %swap3A_40 = vector.shape_cast %swap3A_39 : vector<1x16xf32> to vector<16xf32>
        %swap3A_41 = vector.shape_cast %broadcast_in_dim3A_35 : vector<16xf32> to vector<1x16xf32>
        tpu.vector_store %arg10[%swap3A, %swap3A_38], %swap3A_41 {strides = array<i32>} : memref<32x128xf32, #tpu.memory_space<vmem>>, vector<1x16xf32>,
      }
      %scan3A_29 = arith.constant 8 : i32
    }
    %scan3A_3 = arith.constant 32 : i32
    %scan3A_4 = arith.constant 0 : i32
    %scan3A_5 = arith.constant 20 : i32
    %scan3A_6 = arith.addi %scan3A_4, %scan3A_5 : i32
    %scan3A_7 = arith.constant 1 : i32
    scf.for %scan3A_20 = %scan3A_4 to %scan3A_6 step %scan3A_7  : i32 {
      %mul3A_21 = arith.constant 1 : i32
      %mul3A_22 = arith.muli %scan3A_20, %mul3A_21 : i32
      %add3A_23 = arith.constant 0 : i32
      %add3A_24 = arith.addi %add3A_23, %mul3A_22 : i32
      %mul3A_25 = arith.constant 640 : i32
      %mul3A_26 = arith.muli %arg1, %mul3A_25 : i32
      %mul3A_27 = arith.constant 32 : i32
      %mul3A_28 = arith.muli %add3A_24, %mul3A_27 : i32
      %add3A_29 = arith.addi %mul3A_26, %mul3A_28 : i32
      "tpu.region"() ({
        %run_scoped3A = tpu.sem_alloc : memref<!tpu.dma_semaphore, #tpu.memory_space<semaphore_mem>>
        %dma_start3A = arith.constant 0 : i32
        %dma_start3A_30 = tpu.memref_slice %arg18[%add3A_29, %dma_start3A] : memref<10240x128xf32, #tpu.memory_space<vmem_shared>> -> memref<32x128xf32, #tpu.memory_space<vmem_shared>>
        %dma_start3A_31 = arith.constant 0 : i32
        %dma_start3A_32 = tpu.memref_slice %arg18[%add3A_29, %dma_start3A_31] : memref<10240x128xf32, #tpu.memory_space<vmem_shared>> -> memref<32x128xf32, #tpu.memory_space<vmem_shared>>
        tpu.enqueue_dma source(%arg10 : memref<32x128xf32, #tpu.memory_space<vmem>>) target(%dma_start3A_32 : memref<32x128xf32, #tpu.memory_space<vmem_shared>>) target_semaphore(%run_scoped3A : memref<!tpu.dma_semaphore, #tpu.memory_space<semaphore_mem>>)
        %dma_wait3A = arith.constant 0 : i32
        %dma_wait3A_33 = tpu.memref_slice %arg18[%add3A_29, %dma_wait3A] : memref<10240x128xf32, #tpu.memory_space<vmem_shared>> -> memref<32x128xf32, #tpu.memory_space<vmem_shared>>
        %dma_wait3A_34 = arith.constant 0 : i32
        %dma_wait3A_35 = tpu.memref_slice %arg18[%add3A_29, %dma_wait3A_34] : memref<10240x128xf32, #tpu.memory_space<vmem_shared>> -> memref<32x128xf32, #tpu.memory_space<vmem_shared>>
        tpu.wait_dma2 semaphore(%run_scoped3A : memref<!tpu.dma_semaphore, #tpu.memory_space<semaphore_mem>>) src(%arg10 : memref<32x128xf32, #tpu.memory_space<vmem>>) dst(%dma_wait3A_35 : memref<32x128xf32, #tpu.memory_space<vmem_shared>>)
        tpu.yield
      }) : () -> ()
    }
    %scan3A_8 = arith.constant 20 : i32
    "tpu.trace_stop"() : () -> ()
    %barrier3A = arith.constant 0 : index
    tpu.barrier barrier_id(%barrier3A)
    %eq3A = arith.constant 0 : i32
    "tpu.trace_start"() <{level = 10 : i32, message = "edges"}> : () -> ()
    %eq3A_9 = arith.cmpi eq, %arg0, %eq3A : i32
    %convert_element_type3A = arith.extui %eq3A_9 : i1 to i32
    %cond3A = arith.constant 0 : i32
    %cond3A_10 = arith.cmpi ne, %convert_element_type3A, %cond3A : i32
    scf.if %cond3A_10 {
      %mul3A_20 = arith.constant 320 : i32
      %mul3A_21 = arith.muli %arg1, %mul3A_20 : i32
      %add3A_22 = arith.constant 0 : i32
      %add3A_23 = arith.addi %mul3A_21, %add3A_22 : i32
      %dma_start3A = arith.constant 0 : i32
      %dma_start3A_24 = tpu.memref_slice %arg3[%add3A_23, %dma_start3A] : memref<10240x32xi32, #tpu.memory_space<hbm>> -> memref<16x32xi32, #tpu.memory_space<hbm>>
      %dma_start3A_25 = arith.constant 0 : i32
      %dma_start3A_26 = tpu.memref_slice %arg3[%add3A_23, %dma_start3A_25] : memref<10240x32xi32, #tpu.memory_space<hbm>> -> memref<16x32xi32, #tpu.memory_space<hbm>>
      tpu.enqueue_dma source(%dma_start3A_26 : memref<16x32xi32, #tpu.memory_space<hbm>>) target(%arg6 : memref<16x32xi32, #tpu.memory_space<vmem>>) target_semaphore(%arg35 : memref<!tpu.dma_semaphore, #tpu.memory_space<semaphore_mem>>)
      %dma_start3A_27 = arith.constant 0 : i32
      %dma_start3A_28 = tpu.memref_slice %arg4[%add3A_23, %dma_start3A_27] : memref<10240x32xi32, #tpu.memory_space<hbm>> -> memref<16x32xi32, #tpu.memory_space<hbm>>
      %dma_start3A_29 = arith.constant 0 : i32
      %dma_start3A_30 = tpu.memref_slice %arg4[%add3A_23, %dma_start3A_29] : memref<10240x32xi32, #tpu.memory_space<hbm>> -> memref<16x32xi32, #tpu.memory_space<hbm>>
      tpu.enqueue_dma source(%dma_start3A_30 : memref<16x32xi32, #tpu.memory_space<hbm>>) target(%arg7 : memref<16x32xi32, #tpu.memory_space<vmem>>) target_semaphore(%arg35 : memref<!tpu.dma_semaphore, #tpu.memory_space<semaphore_mem>>)
      %add3A_31 = arith.constant 0 : i32
      %add3A_32 = arith.addi %mul3A_21, %add3A_31 : i32
      %dma_wait3A = arith.constant 0 : i32
      %dma_wait3A_33 = tpu.memref_slice %arg3[%add3A_32, %dma_wait3A] : memref<10240x32xi32, #tpu.memory_space<hbm>> -> memref<16x32xi32, #tpu.memory_space<hbm>>
      %dma_wait3A_34 = arith.constant 0 : i32
      %dma_wait3A_35 = tpu.memref_slice %arg3[%add3A_32, %dma_wait3A_34] : memref<10240x32xi32, #tpu.memory_space<hbm>> -> memref<16x32xi32, #tpu.memory_space<hbm>>
      tpu.wait_dma2 semaphore(%arg35 : memref<!tpu.dma_semaphore, #tpu.memory_space<semaphore_mem>>) src(%dma_wait3A_35 : memref<16x32xi32, #tpu.memory_space<hbm>>) dst(%arg6 : memref<16x32xi32, #tpu.memory_space<vmem>>)
      %dma_wait3A_36 = arith.constant 0 : i32
      %dma_wait3A_37 = tpu.memref_slice %arg4[%add3A_32, %dma_wait3A_36] : memref<10240x32xi32, #tpu.memory_space<hbm>> -> memref<16x32xi32, #tpu.memory_space<hbm>>
      %dma_wait3A_38 = arith.constant 0 : i32
      %dma_wait3A_39 = tpu.memref_slice %arg4[%add3A_32, %dma_wait3A_38] : memref<10240x32xi32, #tpu.memory_space<hbm>> -> memref<16x32xi32, #tpu.memory_space<hbm>>
      tpu.wait_dma2 semaphore(%arg35 : memref<!tpu.dma_semaphore, #tpu.memory_space<semaphore_mem>>) src(%dma_wait3A_39 : memref<16x32xi32, #tpu.memory_space<hbm>>) dst(%arg7 : memref<16x32xi32, #tpu.memory_space<vmem>>)
      %dma_start3A_40 = arith.constant 0 : i32
      %dma_start3A_41 = arith.constant 0 : i32
      %dma_start3A_42 = tpu.memref_slice %arg6[%dma_start3A_40, %dma_start3A_41] : memref<16x32xi32, #tpu.memory_space<vmem>> -> memref<1x32xi32, #tpu.memory_space<vmem>>
      %dma_start3A_43 = tpu.memref_squeeze %dma_start3A_42 : memref<1x32xi32, #tpu.memory_space<vmem>> -> memref<32xi32, #tpu.memory_space<vmem>>
      %dma_start3A_44 = arith.constant 0 : i32
      %dma_start3A_45 = arith.constant 0 : i32
      %dma_start3A_46 = tpu.memref_slice %arg2[%dma_start3A_44, %dma_start3A_45] : memref<10240x128xf32, #tpu.memory_space<hbm>> -> memref<10240x128xf32, #tpu.memory_space<hbm>>
      tpu.enqueue_indirect_dma source(%dma_start3A_46 : memref<10240x128xf32, #tpu.memory_space<hbm>>) target(%arg10 : memref<32x128xf32, #tpu.memory_space<vmem>>) offsets(%dma_start3A_43 : memref<32xi32, #tpu.memory_space<vmem>>) semaphore(%arg19 : memref<!tpu.dma_semaphore, #tpu.memory_space<semaphore_mem>>)
      %dma_start3A_47 = arith.constant 1 : i32
      %dma_start3A_48 = arith.constant 0 : i32
      %dma_start3A_49 = tpu.memref_slice %arg6[%dma_start3A_47, %dma_start3A_48] : memref<16x32xi32, #tpu.memory_space<vmem>> -> memref<1x32xi32, #tpu.memory_space<vmem>>
      %dma_start3A_50 = tpu.memref_squeeze %dma_start3A_49 : memref<1x32xi32, #tpu.memory_space<vmem>> -> memref<32xi32, #tpu.memory_space<vmem>>
      %dma_start3A_51 = arith.constant 0 : i32
      %dma_start3A_52 = arith.constant 0 : i32
      %dma_start3A_53 = tpu.memref_slice %arg2[%dma_start3A_51, %dma_start3A_52] : memref<10240x128xf32, #tpu.memory_space<hbm>> -> memref<10240x128xf32, #tpu.memory_space<hbm>>
      tpu.enqueue_indirect_dma source(%dma_start3A_53 : memref<10240x128xf32, #tpu.memory_space<hbm>>) target(%arg11 : memref<32x128xf32, #tpu.memory_space<vmem>>) offsets(%dma_start3A_50 : memref<32xi32, #tpu.memory_space<vmem>>) semaphore(%arg20 : memref<!tpu.dma_semaphore, #tpu.memory_space<semaphore_mem>>)
      %dma_start3A_54 = arith.constant 2 : i32
      %dma_start3A_55 = arith.constant 0 : i32
      %dma_start3A_56 = tpu.memref_slice %arg6[%dma_start3A_54, %dma_start3A_55] : memref<16x32xi32, #tpu.memory_space<vmem>> -> memref<1x32xi32, #tpu.memory_space<vmem>>
      %dma_start3A_57 = tpu.memref_squeeze %dma_start3A_56 : memref<1x32xi32, #tpu.memory_space<vmem>> -> memref<32xi32, #tpu.memory_space<vmem>>
      %dma_start3A_58 = arith.constant 0 : i32
      %dma_start3A_59 = arith.constant 0 : i32
      %dma_start3A_60 = tpu.memref_slice %arg2[%dma_start3A_58, %dma_start3A_59] : memref<10240x128xf32, #tpu.memory_space<hbm>> -> memref<10240x128xf32, #tpu.memory_space<hbm>>
      tpu.enqueue_indirect_dma source(%dma_start3A_60 : memref<10240x128xf32, #tpu.memory_space<hbm>>) target(%arg12 : memref<32x128xf32, #tpu.memory_space<vmem>>) offsets(%dma_start3A_57 : memref<32xi32, #tpu.memory_space<vmem>>) semaphore(%arg21 : memref<!tpu.dma_semaphore, #tpu.memory_space<semaphore_mem>>)
      %dma_start3A_61 = arith.constant 3 : i32
      %dma_start3A_62 = arith.constant 0 : i32
      %dma_start3A_63 = tpu.memref_slice %arg6[%dma_start3A_61, %dma_start3A_62] : memref<16x32xi32, #tpu.memory_space<vmem>> -> memref<1x32xi32, #tpu.memory_space<vmem>>
      %dma_start3A_64 = tpu.memref_squeeze %dma_start3A_63 : memref<1x32xi32, #tpu.memory_space<vmem>> -> memref<32xi32, #tpu.memory_space<vmem>>
      %dma_start3A_65 = arith.constant 0 : i32
      %dma_start3A_66 = arith.constant 0 : i32
      %dma_start3A_67 = tpu.memref_slice %arg2[%dma_start3A_65, %dma_start3A_66] : memref<10240x128xf32, #tpu.memory_space<hbm>> -> memref<10240x128xf32, #tpu.memory_space<hbm>>
      tpu.enqueue_indirect_dma source(%dma_start3A_67 : memref<10240x128xf32, #tpu.memory_space<hbm>>) target(%arg13 : memref<32x128xf32, #tpu.memory_space<vmem>>) offsets(%dma_start3A_64 : memref<32xi32, #tpu.memory_space<vmem>>) semaphore(%arg22 : memref<!tpu.dma_semaphore, #tpu.memory_space<semaphore_mem>>)
      %dma_start3A_68 = arith.constant 4 : i32
      %dma_start3A_69 = arith.constant 0 : i32
      %dma_start3A_70 = tpu.memref_slice %arg6[%dma_start3A_68, %dma_start3A_69] : memref<16x32xi32, #tpu.memory_space<vmem>> -> memref<1x32xi32, #tpu.memory_space<vmem>>
      %dma_start3A_71 = tpu.memref_squeeze %dma_start3A_70 : memref<1x32xi32, #tpu.memory_space<vmem>> -> memref<32xi32, #tpu.memory_space<vmem>>
      %dma_start3A_72 = arith.constant 0 : i32
      %dma_start3A_73 = arith.constant 0 : i32
      %dma_start3A_74 = tpu.memref_slice %arg2[%dma_start3A_72, %dma_start3A_73] : memref<10240x128xf32, #tpu.memory_space<hbm>> -> memref<10240x128xf32, #tpu.memory_space<hbm>>
      tpu.enqueue_indirect_dma source(%dma_start3A_74 : memref<10240x128xf32, #tpu.memory_space<hbm>>) target(%arg14 : memref<32x128xf32, #tpu.memory_space<vmem>>) offsets(%dma_start3A_71 : memref<32xi32, #tpu.memory_space<vmem>>) semaphore(%arg23 : memref<!tpu.dma_semaphore, #tpu.memory_space<semaphore_mem>>)
      %dma_start3A_75 = arith.constant 5 : i32
      %dma_start3A_76 = arith.constant 0 : i32
      %dma_start3A_77 = tpu.memref_slice %arg6[%dma_start3A_75, %dma_start3A_76] : memref<16x32xi32, #tpu.memory_space<vmem>> -> memref<1x32xi32, #tpu.memory_space<vmem>>
      %dma_start3A_78 = tpu.memref_squeeze %dma_start3A_77 : memref<1x32xi32, #tpu.memory_space<vmem>> -> memref<32xi32, #tpu.memory_space<vmem>>
      %dma_start3A_79 = arith.constant 0 : i32
      %dma_start3A_80 = arith.constant 0 : i32
      %dma_start3A_81 = tpu.memref_slice %arg2[%dma_start3A_79, %dma_start3A_80] : memref<10240x128xf32, #tpu.memory_space<hbm>> -> memref<10240x128xf32, #tpu.memory_space<hbm>>
      tpu.enqueue_indirect_dma source(%dma_start3A_81 : memref<10240x128xf32, #tpu.memory_space<hbm>>) target(%arg15 : memref<32x128xf32, #tpu.memory_space<vmem>>) offsets(%dma_start3A_78 : memref<32xi32, #tpu.memory_space<vmem>>) semaphore(%arg24 : memref<!tpu.dma_semaphore, #tpu.memory_space<semaphore_mem>>)
      %dma_start3A_82 = arith.constant 6 : i32
      %dma_start3A_83 = arith.constant 0 : i32
      %dma_start3A_84 = tpu.memref_slice %arg6[%dma_start3A_82, %dma_start3A_83] : memref<16x32xi32, #tpu.memory_space<vmem>> -> memref<1x32xi32, #tpu.memory_space<vmem>>
      %dma_start3A_85 = tpu.memref_squeeze %dma_start3A_84 : memref<1x32xi32, #tpu.memory_space<vmem>> -> memref<32xi32, #tpu.memory_space<vmem>>
      %dma_start3A_86 = arith.constant 0 : i32
      %dma_start3A_87 = arith.constant 0 : i32
      %dma_start3A_88 = tpu.memref_slice %arg2[%dma_start3A_86, %dma_start3A_87] : memref<10240x128xf32, #tpu.memory_space<hbm>> -> memref<10240x128xf32, #tpu.memory_space<hbm>>
      tpu.enqueue_indirect_dma source(%dma_start3A_88 : memref<10240x128xf32, #tpu.memory_space<hbm>>) target(%arg16 : memref<32x128xf32, #tpu.memory_space<vmem>>) offsets(%dma_start3A_85 : memref<32xi32, #tpu.memory_space<vmem>>) semaphore(%arg25 : memref<!tpu.dma_semaphore, #tpu.memory_space<semaphore_mem>>)
      %scan3A_89 = arith.constant 0 : i32
      %scan3A_90 = arith.constant 10 : i32
      %scan3A_91 = arith.addi %scan3A_89, %scan3A_90 : i32
      %scan3A_92 = arith.constant 1 : i32
      scf.for %scan3A_150 = %scan3A_89 to %scan3A_91 step %scan3A_92  : i32 {
        %mul3A_151 = arith.constant 2 : i32
        %mul3A_152 = arith.muli %scan3A_150, %mul3A_151 : i32
        %add3A_153 = arith.constant 0 : i32
        %add3A_154 = arith.addi %add3A_153, %mul3A_152 : i32
        %add3A_155 = arith.constant 0 : i32
        %add3A_156 = arith.addi %add3A_154, %add3A_155 : i32
        %mul3A_157 = arith.constant 16 : i32
        %mul3A_158 = arith.muli %add3A_156, %mul3A_157 : i32
        %add3A_159 = arith.constant 0 : i32
        %add3A_160 = arith.addi %mul3A_158, %add3A_159 : i32
        %add3A_161 = arith.constant 1 : i32
        %add3A_162 = arith.addi %add3A_156, %add3A_161 : i32
        %lt3A = arith.constant 20 : i32
        %lt3A_163 = arith.cmpi slt, %add3A_162, %lt3A : i32
        %convert_element_type3A_164 = arith.extui %lt3A_163 : i1 to i32
        %cond3A_165 = arith.constant 0 : i32
        %cond3A_166 = arith.cmpi ne, %convert_element_type3A_164, %cond3A_165 : i32
        scf.if %cond3A_166 {
          %add3A_1075 = arith.constant 1 : i32
          %add3A_1076 = arith.addi %add3A_156, %add3A_1075 : i32
          %mul3A_1077 = arith.constant 16 : i32
          %mul3A_1078 = arith.muli %add3A_1076, %mul3A_1077 : i32
          %add3A_1079 = arith.addi %mul3A_21, %mul3A_1078 : i32
          %dma_start3A_1080 = arith.constant 0 : i32
          %dma_start3A_1081 = tpu.memref_slice %arg3[%add3A_1079, %dma_start3A_1080] : memref<10240x32xi32, #tpu.memory_space<hbm>> -> memref<16x32xi32, #tpu.memory_space<hbm>>
          %dma_start3A_1082 = arith.constant 0 : i32
          %dma_start3A_1083 = tpu.memref_slice %arg3[%add3A_1079, %dma_start3A_1082] : memref<10240x32xi32, #tpu.memory_space<hbm>> -> memref<16x32xi32, #tpu.memory_space<hbm>>
          tpu.enqueue_dma source(%dma_start3A_1083 : memref<16x32xi32, #tpu.memory_space<hbm>>) target(%arg8 : memref<16x32xi32, #tpu.memory_space<vmem>>) target_semaphore(%arg35 : memref<!tpu.dma_semaphore, #tpu.memory_space<semaphore_mem>>)
          %dma_start3A_1084 = arith.constant 0 : i32
          %dma_start3A_1085 = tpu.memref_slice %arg4[%add3A_1079, %dma_start3A_1084] : memref<10240x32xi32, #tpu.memory_space<hbm>> -> memref<16x32xi32, #tpu.memory_space<hbm>>
          %dma_start3A_1086 = arith.constant 0 : i32
          %dma_start3A_1087 = tpu.memref_slice %arg4[%add3A_1079, %dma_start3A_1086] : memref<10240x32xi32, #tpu.memory_space<hbm>> -> memref<16x32xi32, #tpu.memory_space<hbm>>
          tpu.enqueue_dma source(%dma_start3A_1087 : memref<16x32xi32, #tpu.memory_space<hbm>>) target(%arg9 : memref<16x32xi32, #tpu.memory_space<vmem>>) target_semaphore(%arg35 : memref<!tpu.dma_semaphore, #tpu.memory_space<semaphore_mem>>)
        } else {
        }
        %dma_wait3A_167 = arith.constant 0 : i32
        %dma_wait3A_168 = arith.constant 0 : i32
        %dma_wait3A_169 = tpu.memref_slice %arg6[%dma_wait3A_167, %dma_wait3A_168] : memref<16x32xi32, #tpu.memory_space<vmem>> -> memref<1x32xi32, #tpu.memory_space<vmem>>
        %dma_wait3A_170 = tpu.memref_squeeze %dma_wait3A_169 : memref<1x32xi32, #tpu.memory_space<vmem>> -> memref<32xi32, #tpu.memory_space<vmem>>
        %dma_wait3A_171 = arith.constant 0 : i32
        %dma_wait3A_172 = arith.constant 0 : i32
        %dma_wait3A_173 = tpu.memref_slice %arg2[%dma_wait3A_171, %dma_wait3A_172] : memref<10240x128xf32, #tpu.memory_space<hbm>> -> memref<10240x128xf32, #tpu.memory_space<hbm>>
        tpu.wait_indirect_dma semaphore(%arg19 : memref<!tpu.dma_semaphore, #tpu.memory_space<semaphore_mem>>) src(%dma_wait3A_173 : memref<10240x128xf32, #tpu.memory_space<hbm>>) dst(%arg10 : memref<32x128xf32, #tpu.memory_space<vmem>>)
        %dma_start3A_174 = arith.constant 0 : i32
        %dma_start3A_175 = arith.constant 0 : i32
        %dma_start3A_176 = tpu.memref_slice %arg7[%dma_start3A_174, %dma_start3A_175] : memref<16x32xi32, #tpu.memory_space<vmem>> -> memref<1x32xi32, #tpu.memory_space<vmem>>
        %dma_start3A_177 = tpu.memref_squeeze %dma_start3A_176 : memref<1x32xi32, #tpu.memory_space<vmem>> -> memref<32xi32, #tpu.memory_space<vmem>>
        %dma_start3A_178 = arith.constant 0 : i32
        %dma_start3A_179 = arith.constant 0 : i32
        %dma_start3A_180 = tpu.memref_slice %arg18[%dma_start3A_178, %dma_start3A_179] : memref<10240x128xf32, #tpu.memory_space<vmem_shared>> -> memref<10240x128xf32, #tpu.memory_space<vmem_shared>>
        tpu.enqueue_indirect_dma source(%arg10 : memref<32x128xf32, #tpu.memory_space<vmem>>) target(%dma_start3A_180 : memref<10240x128xf32, #tpu.memory_space<vmem_shared>>) offsets(%dma_start3A_177 : memref<32xi32, #tpu.memory_space<vmem>>) semaphore(%arg27 : memref<!tpu.dma_semaphore, #tpu.memory_space<semaphore_mem>>) {add = true}
        %ge3A = arith.constant 1 : i32
        %ge3A_181 = arith.cmpi sge, %add3A_160, %ge3A : i32
        %convert_element_type3A_182 = arith.extui %ge3A_181 : i1 to i32
        %cond3A_183 = arith.constant 0 : i32
        %cond3A_184 = arith.cmpi ne, %convert_element_type3A_182, %cond3A_183 : i32
        scf.if %cond3A_184 {
          %dma_wait3A_1075 = arith.constant 7 : i32
          %dma_wait3A_1076 = arith.constant 0 : i32
          %dma_wait3A_1077 = tpu.memref_slice %arg7[%dma_wait3A_1075, %dma_wait3A_1076] : memref<16x32xi32, #tpu.memory_space<vmem>> -> memref<1x32xi32, #tpu.memory_space<vmem>>
          %dma_wait3A_1078 = tpu.memref_squeeze %dma_wait3A_1077 : memref<1x32xi32, #tpu.memory_space<vmem>> -> memref<32xi32, #tpu.memory_space<vmem>>
          %dma_wait3A_1079 = arith.constant 0 : i32
          %dma_wait3A_1080 = arith.constant 0 : i32
          %dma_wait3A_1081 = tpu.memref_slice %arg18[%dma_wait3A_1079, %dma_wait3A_1080] : memref<10240x128xf32, #tpu.memory_space<vmem_shared>> -> memref<10240x128xf32, #tpu.memory_space<vmem_shared>>
          tpu.wait_indirect_dma semaphore(%arg34 : memref<!tpu.dma_semaphore, #tpu.memory_space<semaphore_mem>>) src(%arg17 : memref<32x128xf32, #tpu.memory_space<vmem>>) dst(%dma_wait3A_1081 : memref<10240x128xf32, #tpu.memory_space<vmem_shared>>)
        } else {
        }
        %dma_start3A_185 = arith.constant 7 : i32
        %dma_start3A_186 = arith.constant 0 : i32
        %dma_start3A_187 = tpu.memref_slice %arg6[%dma_start3A_185, %dma_start3A_186] : memref<16x32xi32, #tpu.memory_space<vmem>> -> memref<1x32xi32, #tpu.memory_space<vmem>>
        %dma_start3A_188 = tpu.memref_squeeze %dma_start3A_187 : memref<1x32xi32, #tpu.memory_space<vmem>> -> memref<32xi32, #tpu.memory_space<vmem>>
        %dma_start3A_189 = arith.constant 0 : i32
        %dma_start3A_190 = arith.constant 0 : i32
        %dma_start3A_191 = tpu.memref_slice %arg2[%dma_start3A_189, %dma_start3A_190] : memref<10240x128xf32, #tpu.memory_space<hbm>> -> memref<10240x128xf32, #tpu.memory_space<hbm>>
        tpu.enqueue_indirect_dma source(%dma_start3A_191 : memref<10240x128xf32, #tpu.memory_space<hbm>>) target(%arg17 : memref<32x128xf32, #tpu.memory_space<vmem>>) offsets(%dma_start3A_188 : memref<32xi32, #tpu.memory_space<vmem>>) semaphore(%arg26 : memref<!tpu.dma_semaphore, #tpu.memory_space<semaphore_mem>>)
        %mul3A_192 = arith.constant 16 : i32
        %mul3A_193 = arith.muli %add3A_156, %mul3A_192 : i32
        %add3A_194 = arith.constant 1 : i32
        %add3A_195 = arith.addi %mul3A_193, %add3A_194 : i32
        %dma_wait3A_196 = arith.constant 1 : i32
        %dma_wait3A_197 = arith.constant 0 : i32
        %dma_wait3A_198 = tpu.memref_slice %arg6[%dma_wait3A_196, %dma_wait3A_197] : memref<16x32xi32, #tpu.memory_space<vmem>> -> memref<1x32xi32, #tpu.memory_space<vmem>>
        %dma_wait3A_199 = tpu.memref_squeeze %dma_wait3A_198 : memref<1x32xi32, #tpu.memory_space<vmem>> -> memref<32xi32, #tpu.memory_space<vmem>>
        %dma_wait3A_200 = arith.constant 0 : i32
        %dma_wait3A_201 = arith.constant 0 : i32
        %dma_wait3A_202 = tpu.memref_slice %arg2[%dma_wait3A_200, %dma_wait3A_201] : memref<10240x128xf32, #tpu.memory_space<hbm>> -> memref<10240x128xf32, #tpu.memory_space<hbm>>
        tpu.wait_indirect_dma semaphore(%arg20 : memref<!tpu.dma_semaphore, #tpu.memory_space<semaphore_mem>>) src(%dma_wait3A_202 : memref<10240x128xf32, #tpu.memory_space<hbm>>) dst(%arg11 : memref<32x128xf32, #tpu.memory_space<vmem>>)
        %dma_start3A_203 = arith.constant 1 : i32
        %dma_start3A_204 = arith.constant 0 : i32
        %dma_start3A_205 = tpu.memref_slice %arg7[%dma_start3A_203, %dma_start3A_204] : memref<16x32xi32, #tpu.memory_space<vmem>> -> memref<1x32xi32, #tpu.memory_space<vmem>>
        %dma_start3A_206 = tpu.memref_squeeze %dma_start3A_205 : memref<1x32xi32, #tpu.memory_space<vmem>> -> memref<32xi32, #tpu.memory_space<vmem>>
        %dma_start3A_207 = arith.constant 0 : i32
        %dma_start3A_208 = arith.constant 0 : i32
        %dma_start3A_209 = tpu.memref_slice %arg18[%dma_start3A_207, %dma_start3A_208] : memref<10240x128xf32, #tpu.memory_space<vmem_shared>> -> memref<10240x128xf32, #tpu.memory_space<vmem_shared>>
        tpu.enqueue_indirect_dma source(%arg11 : memref<32x128xf32, #tpu.memory_space<vmem>>) target(%dma_start3A_209 : memref<10240x128xf32, #tpu.memory_space<vmem_shared>>) offsets(%dma_start3A_206 : memref<32xi32, #tpu.memory_space<vmem>>) semaphore(%arg28 : memref<!tpu.dma_semaphore, #tpu.memory_space<semaphore_mem>>) {add = true}
        %ge3A_210 = arith.constant 1 : i32
        %ge3A_211 = arith.cmpi sge, %add3A_195, %ge3A_210 : i32
        %convert_element_type3A_212 = arith.extui %ge3A_211 : i1 to i32
        %cond3A_213 = arith.constant 0 : i32
        %cond3A_214 = arith.cmpi ne, %convert_element_type3A_212, %cond3A_213 : i32
        scf.if %cond3A_214 {
          %dma_wait3A_1075 = arith.constant 0 : i32
          %dma_wait3A_1076 = arith.constant 0 : i32
          %dma_wait3A_1077 = tpu.memref_slice %arg7[%dma_wait3A_1075, %dma_wait3A_1076] : memref<16x32xi32, #tpu.memory_space<vmem>> -> memref<1x32xi32, #tpu.memory_space<vmem>>
          %dma_wait3A_1078 = tpu.memref_squeeze %dma_wait3A_1077 : memref<1x32xi32, #tpu.memory_space<vmem>> -> memref<32xi32, #tpu.memory_space<vmem>>
          %dma_wait3A_1079 = arith.constant 0 : i32
          %dma_wait3A_1080 = arith.constant 0 : i32
          %dma_wait3A_1081 = tpu.memref_slice %arg18[%dma_wait3A_1079, %dma_wait3A_1080] : memref<10240x128xf32, #tpu.memory_space<vmem_shared>> -> memref<10240x128xf32, #tpu.memory_space<vmem_shared>>
          tpu.wait_indirect_dma semaphore(%arg27 : memref<!tpu.dma_semaphore, #tpu.memory_space<semaphore_mem>>) src(%arg10 : memref<32x128xf32, #tpu.memory_space<vmem>>) dst(%dma_wait3A_1081 : memref<10240x128xf32, #tpu.memory_space<vmem_shared>>)
        } else {
        }
        %dma_start3A_215 = arith.constant 8 : i32
        %dma_start3A_216 = arith.constant 0 : i32
        %dma_start3A_217 = tpu.memref_slice %arg6[%dma_start3A_215, %dma_start3A_216] : memref<16x32xi32, #tpu.memory_space<vmem>> -> memref<1x32xi32, #tpu.memory_space<vmem>>
        %dma_start3A_218 = tpu.memref_squeeze %dma_start3A_217 : memref<1x32xi32, #tpu.memory_space<vmem>> -> memref<32xi32, #tpu.memory_space<vmem>>
        %dma_start3A_219 = arith.constant 0 : i32
        %dma_start3A_220 = arith.constant 0 : i32
        %dma_start3A_221 = tpu.memref_slice %arg2[%dma_start3A_219, %dma_start3A_220] : memref<10240x128xf32, #tpu.memory_space<hbm>> -> memref<10240x128xf32, #tpu.memory_space<hbm>>
        tpu.enqueue_indirect_dma source(%dma_start3A_221 : memref<10240x128xf32, #tpu.memory_space<hbm>>) target(%arg10 : memref<32x128xf32, #tpu.memory_space<vmem>>) offsets(%dma_start3A_218 : memref<32xi32, #tpu.memory_space<vmem>>) semaphore(%arg19 : memref<!tpu.dma_semaphore, #tpu.memory_space<semaphore_mem>>)
        %mul3A_222 = arith.constant 16 : i32
        %mul3A_223 = arith.muli %add3A_156, %mul3A_222 : i32
        %add3A_224 = arith.constant 2 : i32
        %add3A_225 = arith.addi %mul3A_223, %add3A_224 : i32
        %dma_wait3A_226 = arith.constant 2 : i32
        %dma_wait3A_227 = arith.constant 0 : i32
        %dma_wait3A_228 = tpu.memref_slice %arg6[%dma_wait3A_226, %dma_wait3A_227] : memref<16x32xi32, #tpu.memory_space<vmem>> -> memref<1x32xi32, #tpu.memory_space<vmem>>
        %dma_wait3A_229 = tpu.memref_squeeze %dma_wait3A_228 : memref<1x32xi32, #tpu.memory_space<vmem>> -> memref<32xi32, #tpu.memory_space<vmem>>
        %dma_wait3A_230 = arith.constant 0 : i32
        %dma_wait3A_231 = arith.constant 0 : i32
        %dma_wait3A_232 = tpu.memref_slice %arg2[%dma_wait3A_230, %dma_wait3A_231] : memref<10240x128xf32, #tpu.memory_space<hbm>> -> memref<10240x128xf32, #tpu.memory_space<hbm>>
        tpu.wait_indirect_dma semaphore(%arg21 : memref<!tpu.dma_semaphore, #tpu.memory_space<semaphore_mem>>) src(%dma_wait3A_232 : memref<10240x128xf32, #tpu.memory_space<hbm>>) dst(%arg12 : memref<32x128xf32, #tpu.memory_space<vmem>>)
        %dma_start3A_233 = arith.constant 2 : i32
        %dma_start3A_234 = arith.constant 0 : i32
        %dma_start3A_235 = tpu.memref_slice %arg7[%dma_start3A_233, %dma_start3A_234] : memref<16x32xi32, #tpu.memory_space<vmem>> -> memref<1x32xi32, #tpu.memory_space<vmem>>
        %dma_start3A_236 = tpu.memref_squeeze %dma_start3A_235 : memref<1x32xi32, #tpu.memory_space<vmem>> -> memref<32xi32, #tpu.memory_space<vmem>>
        %dma_start3A_237 = arith.constant 0 : i32
        %dma_start3A_238 = arith.constant 0 : i32
        %dma_start3A_239 = tpu.memref_slice %arg18[%dma_start3A_237, %dma_start3A_238] : memref<10240x128xf32, #tpu.memory_space<vmem_shared>> -> memref<10240x128xf32, #tpu.memory_space<vmem_shared>>
        tpu.enqueue_indirect_dma source(%arg12 : memref<32x128xf32, #tpu.memory_space<vmem>>) target(%dma_start3A_239 : memref<10240x128xf32, #tpu.memory_space<vmem_shared>>) offsets(%dma_start3A_236 : memref<32xi32, #tpu.memory_space<vmem>>) semaphore(%arg29 : memref<!tpu.dma_semaphore, #tpu.memory_space<semaphore_mem>>) {add = true}
        %ge3A_240 = arith.constant 1 : i32
        %ge3A_241 = arith.cmpi sge, %add3A_225, %ge3A_240 : i32
        %convert_element_type3A_242 = arith.extui %ge3A_241 : i1 to i32
        %cond3A_243 = arith.constant 0 : i32
        %cond3A_244 = arith.cmpi ne, %convert_element_type3A_242, %cond3A_243 : i32
        scf.if %cond3A_244 {
          %dma_wait3A_1075 = arith.constant 1 : i32
          %dma_wait3A_1076 = arith.constant 0 : i32
          %dma_wait3A_1077 = tpu.memref_slice %arg7[%dma_wait3A_1075, %dma_wait3A_1076] : memref<16x32xi32, #tpu.memory_space<vmem>> -> memref<1x32xi32, #tpu.memory_space<vmem>>
          %dma_wait3A_1078 = tpu.memref_squeeze %dma_wait3A_1077 : memref<1x32xi32, #tpu.memory_space<vmem>> -> memref<32xi32, #tpu.memory_space<vmem>>
          %dma_wait3A_1079 = arith.constant 0 : i32
          %dma_wait3A_1080 = arith.constant 0 : i32
          %dma_wait3A_1081 = tpu.memref_slice %arg18[%dma_wait3A_1079, %dma_wait3A_1080] : memref<10240x128xf32, #tpu.memory_space<vmem_shared>> -> memref<10240x128xf32, #tpu.memory_space<vmem_shared>>
          tpu.wait_indirect_dma semaphore(%arg28 : memref<!tpu.dma_semaphore, #tpu.memory_space<semaphore_mem>>) src(%arg11 : memref<32x128xf32, #tpu.memory_space<vmem>>) dst(%dma_wait3A_1081 : memref<10240x128xf32, #tpu.memory_space<vmem_shared>>)
        } else {
        }
        %dma_start3A_245 = arith.constant 9 : i32
        %dma_start3A_246 = arith.constant 0 : i32
        %dma_start3A_247 = tpu.memref_slice %arg6[%dma_start3A_245, %dma_start3A_246] : memref<16x32xi32, #tpu.memory_space<vmem>> -> memref<1x32xi32, #tpu.memory_space<vmem>>
        %dma_start3A_248 = tpu.memref_squeeze %dma_start3A_247 : memref<1x32xi32, #tpu.memory_space<vmem>> -> memref<32xi32, #tpu.memory_space<vmem>>
        %dma_start3A_249 = arith.constant 0 : i32
        %dma_start3A_250 = arith.constant 0 : i32
        %dma_start3A_251 = tpu.memref_slice %arg2[%dma_start3A_249, %dma_start3A_250] : memref<10240x128xf32, #tpu.memory_space<hbm>> -> memref<10240x128xf32, #tpu.memory_space<hbm>>
        tpu.enqueue_indirect_dma source(%dma_start3A_251 : memref<10240x128xf32, #tpu.memory_space<hbm>>) target(%arg11 : memref<32x128xf32, #tpu.memory_space<vmem>>) offsets(%dma_start3A_248 : memref<32xi32, #tpu.memory_space<vmem>>) semaphore(%arg20 : memref<!tpu.dma_semaphore, #tpu.memory_space<semaphore_mem>>)
        %mul3A_252 = arith.constant 16 : i32
        %mul3A_253 = arith.muli %add3A_156, %mul3A_252 : i32
        %add3A_254 = arith.constant 3 : i32
        %add3A_255 = arith.addi %mul3A_253, %add3A_254 : i32
        %dma_wait3A_256 = arith.constant 3 : i32
        %dma_wait3A_257 = arith.constant 0 : i32
        %dma_wait3A_258 = tpu.memref_slice %arg6[%dma_wait3A_256, %dma_wait3A_257] : memref<16x32xi32, #tpu.memory_space<vmem>> -> memref<1x32xi32, #tpu.memory_space<vmem>>
        %dma_wait3A_259 = tpu.memref_squeeze %dma_wait3A_258 : memref<1x32xi32, #tpu.memory_space<vmem>> -> memref<32xi32, #tpu.memory_space<vmem>>
        %dma_wait3A_260 = arith.constant 0 : i32
        %dma_wait3A_261 = arith.constant 0 : i32
        %dma_wait3A_262 = tpu.memref_slice %arg2[%dma_wait3A_260, %dma_wait3A_261] : memref<10240x128xf32, #tpu.memory_space<hbm>> -> memref<10240x128xf32, #tpu.memory_space<hbm>>
        tpu.wait_indirect_dma semaphore(%arg22 : memref<!tpu.dma_semaphore, #tpu.memory_space<semaphore_mem>>) src(%dma_wait3A_262 : memref<10240x128xf32, #tpu.memory_space<hbm>>) dst(%arg13 : memref<32x128xf32, #tpu.memory_space<vmem>>)
        %dma_start3A_263 = arith.constant 3 : i32
        %dma_start3A_264 = arith.constant 0 : i32
        %dma_start3A_265 = tpu.memref_slice %arg7[%dma_start3A_263, %dma_start3A_264] : memref<16x32xi32, #tpu.memory_space<vmem>> -> memref<1x32xi32, #tpu.memory_space<vmem>>
        %dma_start3A_266 = tpu.memref_squeeze %dma_start3A_265 : memref<1x32xi32, #tpu.memory_space<vmem>> -> memref<32xi32, #tpu.memory_space<vmem>>
        %dma_start3A_267 = arith.constant 0 : i32
        %dma_start3A_268 = arith.constant 0 : i32
        %dma_start3A_269 = tpu.memref_slice %arg18[%dma_start3A_267, %dma_start3A_268] : memref<10240x128xf32, #tpu.memory_space<vmem_shared>> -> memref<10240x128xf32, #tpu.memory_space<vmem_shared>>
        tpu.enqueue_indirect_dma source(%arg13 : memref<32x128xf32, #tpu.memory_space<vmem>>) target(%dma_start3A_269 : memref<10240x128xf32, #tpu.memory_space<vmem_shared>>) offsets(%dma_start3A_266 : memref<32xi32, #tpu.memory_space<vmem>>) semaphore(%arg30 : memref<!tpu.dma_semaphore, #tpu.memory_space<semaphore_mem>>) {add = true}
        %ge3A_270 = arith.constant 1 : i32
        %ge3A_271 = arith.cmpi sge, %add3A_255, %ge3A_270 : i32
        %convert_element_type3A_272 = arith.extui %ge3A_271 : i1 to i32
        %cond3A_273 = arith.constant 0 : i32
        %cond3A_274 = arith.cmpi ne, %convert_element_type3A_272, %cond3A_273 : i32
        scf.if %cond3A_274 {
          %dma_wait3A_1075 = arith.constant 2 : i32
          %dma_wait3A_1076 = arith.constant 0 : i32
          %dma_wait3A_1077 = tpu.memref_slice %arg7[%dma_wait3A_1075, %dma_wait3A_1076] : memref<16x32xi32, #tpu.memory_space<vmem>> -> memref<1x32xi32, #tpu.memory_space<vmem>>
          %dma_wait3A_1078 = tpu.memref_squeeze %dma_wait3A_1077 : memref<1x32xi32, #tpu.memory_space<vmem>> -> memref<32xi32, #tpu.memory_space<vmem>>
          %dma_wait3A_1079 = arith.constant 0 : i32
          %dma_wait3A_1080 = arith.constant 0 : i32
          %dma_wait3A_1081 = tpu.memref_slice %arg18[%dma_wait3A_1079, %dma_wait3A_1080] : memref<10240x128xf32, #tpu.memory_space<vmem_shared>> -> memref<10240x128xf32, #tpu.memory_space<vmem_shared>>
          tpu.wait_indirect_dma semaphore(%arg29 : memref<!tpu.dma_semaphore, #tpu.memory_space<semaphore_mem>>) src(%arg12 : memref<32x128xf32, #tpu.memory_space<vmem>>) dst(%dma_wait3A_1081 : memref<10240x128xf32, #tpu.memory_space<vmem_shared>>)
        } else {
        }
        %dma_start3A_275 = arith.constant 10 : i32
        %dma_start3A_276 = arith.constant 0 : i32
        %dma_start3A_277 = tpu.memref_slice %arg6[%dma_start3A_275, %dma_start3A_276] : memref<16x32xi32, #tpu.memory_space<vmem>> -> memref<1x32xi32, #tpu.memory_space<vmem>>
        %dma_start3A_278 = tpu.memref_squeeze %dma_start3A_277 : memref<1x32xi32, #tpu.memory_space<vmem>> -> memref<32xi32, #tpu.memory_space<vmem>>
        %dma_start3A_279 = arith.constant 0 : i32
        %dma_start3A_280 = arith.constant 0 : i32
        %dma_start3A_281 = tpu.memref_slice %arg2[%dma_start3A_279, %dma_start3A_280] : memref<10240x128xf32, #tpu.memory_space<hbm>> -> memref<10240x128xf32, #tpu.memory_space<hbm>>
        tpu.enqueue_indirect_dma source(%dma_start3A_281 : memref<10240x128xf32, #tpu.memory_space<hbm>>) target(%arg12 : memref<32x128xf32, #tpu.memory_space<vmem>>) offsets(%dma_start3A_278 : memref<32xi32, #tpu.memory_space<vmem>>) semaphore(%arg21 : memref<!tpu.dma_semaphore, #tpu.memory_space<semaphore_mem>>)
        %mul3A_282 = arith.constant 16 : i32
        %mul3A_283 = arith.muli %add3A_156, %mul3A_282 : i32
        %add3A_284 = arith.constant 4 : i32
        %add3A_285 = arith.addi %mul3A_283, %add3A_284 : i32
        %dma_wait3A_286 = arith.constant 4 : i32
        %dma_wait3A_287 = arith.constant 0 : i32
        %dma_wait3A_288 = tpu.memref_slice %arg6[%dma_wait3A_286, %dma_wait3A_287] : memref<16x32xi32, #tpu.memory_space<vmem>> -> memref<1x32xi32, #tpu.memory_space<vmem>>
        %dma_wait3A_289 = tpu.memref_squeeze %dma_wait3A_288 : memref<1x32xi32, #tpu.memory_space<vmem>> -> memref<32xi32, #tpu.memory_space<vmem>>
        %dma_wait3A_290 = arith.constant 0 : i32
        %dma_wait3A_291 = arith.constant 0 : i32
        %dma_wait3A_292 = tpu.memref_slice %arg2[%dma_wait3A_290, %dma_wait3A_291] : memref<10240x128xf32, #tpu.memory_space<hbm>> -> memref<10240x128xf32, #tpu.memory_space<hbm>>
        tpu.wait_indirect_dma semaphore(%arg23 : memref<!tpu.dma_semaphore, #tpu.memory_space<semaphore_mem>>) src(%dma_wait3A_292 : memref<10240x128xf32, #tpu.memory_space<hbm>>) dst(%arg14 : memref<32x128xf32, #tpu.memory_space<vmem>>)
        %dma_start3A_293 = arith.constant 4 : i32
        %dma_start3A_294 = arith.constant 0 : i32
        %dma_start3A_295 = tpu.memref_slice %arg7[%dma_start3A_293, %dma_start3A_294] : memref<16x32xi32, #tpu.memory_space<vmem>> -> memref<1x32xi32, #tpu.memory_space<vmem>>
        %dma_start3A_296 = tpu.memref_squeeze %dma_start3A_295 : memref<1x32xi32, #tpu.memory_space<vmem>> -> memref<32xi32, #tpu.memory_space<vmem>>
        %dma_start3A_297 = arith.constant 0 : i32
        %dma_start3A_298 = arith.constant 0 : i32
        %dma_start3A_299 = tpu.memref_slice %arg18[%dma_start3A_297, %dma_start3A_298] : memref<10240x128xf32, #tpu.memory_space<vmem_shared>> -> memref<10240x128xf32, #tpu.memory_space<vmem_shared>>
        tpu.enqueue_indirect_dma source(%arg14 : memref<32x128xf32, #tpu.memory_space<vmem>>) target(%dma_start3A_299 : memref<10240x128xf32, #tpu.memory_space<vmem_shared>>) offsets(%dma_start3A_296 : memref<32xi32, #tpu.memory_space<vmem>>) semaphore(%arg31 : memref<!tpu.dma_semaphore, #tpu.memory_space<semaphore_mem>>) {add = true}
        %ge3A_300 = arith.constant 1 : i32
        %ge3A_301 = arith.cmpi sge, %add3A_285, %ge3A_300 : i32
        %convert_element_type3A_302 = arith.extui %ge3A_301 : i1 to i32
        %cond3A_303 = arith.constant 0 : i32
        %cond3A_304 = arith.cmpi ne, %convert_element_type3A_302, %cond3A_303 : i32
        scf.if %cond3A_304 {
          %dma_wait3A_1075 = arith.constant 3 : i32
          %dma_wait3A_1076 = arith.constant 0 : i32
          %dma_wait3A_1077 = tpu.memref_slice %arg7[%dma_wait3A_1075, %dma_wait3A_1076] : memref<16x32xi32, #tpu.memory_space<vmem>> -> memref<1x32xi32, #tpu.memory_space<vmem>>
          %dma_wait3A_1078 = tpu.memref_squeeze %dma_wait3A_1077 : memref<1x32xi32, #tpu.memory_space<vmem>> -> memref<32xi32, #tpu.memory_space<vmem>>
          %dma_wait3A_1079 = arith.constant 0 : i32
          %dma_wait3A_1080 = arith.constant 0 : i32
          %dma_wait3A_1081 = tpu.memref_slice %arg18[%dma_wait3A_1079, %dma_wait3A_1080] : memref<10240x128xf32, #tpu.memory_space<vmem_shared>> -> memref<10240x128xf32, #tpu.memory_space<vmem_shared>>
          tpu.wait_indirect_dma semaphore(%arg30 : memref<!tpu.dma_semaphore, #tpu.memory_space<semaphore_mem>>) src(%arg13 : memref<32x128xf32, #tpu.memory_space<vmem>>) dst(%dma_wait3A_1081 : memref<10240x128xf32, #tpu.memory_space<vmem_shared>>)
        } else {
        }
        %dma_start3A_305 = arith.constant 11 : i32
        %dma_start3A_306 = arith.constant 0 : i32
        %dma_start3A_307 = tpu.memref_slice %arg6[%dma_start3A_305, %dma_start3A_306] : memref<16x32xi32, #tpu.memory_space<vmem>> -> memref<1x32xi32, #tpu.memory_space<vmem>>
        %dma_start3A_308 = tpu.memref_squeeze %dma_start3A_307 : memref<1x32xi32, #tpu.memory_space<vmem>> -> memref<32xi32, #tpu.memory_space<vmem>>
        %dma_start3A_309 = arith.constant 0 : i32
        %dma_start3A_310 = arith.constant 0 : i32
        %dma_start3A_311 = tpu.memref_slice %arg2[%dma_start3A_309, %dma_start3A_310] : memref<10240x128xf32, #tpu.memory_space<hbm>> -> memref<10240x128xf32, #tpu.memory_space<hbm>>
        tpu.enqueue_indirect_dma source(%dma_start3A_311 : memref<10240x128xf32, #tpu.memory_space<hbm>>) target(%arg13 : memref<32x128xf32, #tpu.memory_space<vmem>>) offsets(%dma_start3A_308 : memref<32xi32, #tpu.memory_space<vmem>>) semaphore(%arg22 : memref<!tpu.dma_semaphore, #tpu.memory_space<semaphore_mem>>)
        %mul3A_312 = arith.constant 16 : i32
        %mul3A_313 = arith.muli %add3A_156, %mul3A_312 : i32
        %add3A_314 = arith.constant 5 : i32
        %add3A_315 = arith.addi %mul3A_313, %add3A_314 : i32
        %dma_wait3A_316 = arith.constant 5 : i32
        %dma_wait3A_317 = arith.constant 0 : i32
        %dma_wait3A_318 = tpu.memref_slice %arg6[%dma_wait3A_316, %dma_wait3A_317] : memref<16x32xi32, #tpu.memory_space<vmem>> -> memref<1x32xi32, #tpu.memory_space<vmem>>
        %dma_wait3A_319 = tpu.memref_squeeze %dma_wait3A_318 : memref<1x32xi32, #tpu.memory_space<vmem>> -> memref<32xi32, #tpu.memory_space<vmem>>
        %dma_wait3A_320 = arith.constant 0 : i32
        %dma_wait3A_321 = arith.constant 0 : i32
        %dma_wait3A_322 = tpu.memref_slice %arg2[%dma_wait3A_320, %dma_wait3A_321] : memref<10240x128xf32, #tpu.memory_space<hbm>> -> memref<10240x128xf32, #tpu.memory_space<hbm>>
        tpu.wait_indirect_dma semaphore(%arg24 : memref<!tpu.dma_semaphore, #tpu.memory_space<semaphore_mem>>) src(%dma_wait3A_322 : memref<10240x128xf32, #tpu.memory_space<hbm>>) dst(%arg15 : memref<32x128xf32, #tpu.memory_space<vmem>>)
        %dma_start3A_323 = arith.constant 5 : i32
        %dma_start3A_324 = arith.constant 0 : i32
        %dma_start3A_325 = tpu.memref_slice %arg7[%dma_start3A_323, %dma_start3A_324] : memref<16x32xi32, #tpu.memory_space<vmem>> -> memref<1x32xi32, #tpu.memory_space<vmem>>
        %dma_start3A_326 = tpu.memref_squeeze %dma_start3A_325 : memref<1x32xi32, #tpu.memory_space<vmem>> -> memref<32xi32, #tpu.memory_space<vmem>>
        %dma_start3A_327 = arith.constant 0 : i32
        %dma_start3A_328 = arith.constant 0 : i32
        %dma_start3A_329 = tpu.memref_slice %arg18[%dma_start3A_327, %dma_start3A_328] : memref<10240x128xf32, #tpu.memory_space<vmem_shared>> -> memref<10240x128xf32, #tpu.memory_space<vmem_shared>>
        tpu.enqueue_indirect_dma source(%arg15 : memref<32x128xf32, #tpu.memory_space<vmem>>) target(%dma_start3A_329 : memref<10240x128xf32, #tpu.memory_space<vmem_shared>>) offsets(%dma_start3A_326 : memref<32xi32, #tpu.memory_space<vmem>>) semaphore(%arg32 : memref<!tpu.dma_semaphore, #tpu.memory_space<semaphore_mem>>) {add = true}
        %ge3A_330 = arith.constant 1 : i32
        %ge3A_331 = arith.cmpi sge, %add3A_315, %ge3A_330 : i32
        %convert_element_type3A_332 = arith.extui %ge3A_331 : i1 to i32
        %cond3A_333 = arith.constant 0 : i32
        %cond3A_334 = arith.cmpi ne, %convert_element_type3A_332, %cond3A_333 : i32
        scf.if %cond3A_334 {
          %dma_wait3A_1075 = arith.constant 4 : i32
          %dma_wait3A_1076 = arith.constant 0 : i32
          %dma_wait3A_1077 = tpu.memref_slice %arg7[%dma_wait3A_1075, %dma_wait3A_1076] : memref<16x32xi32, #tpu.memory_space<vmem>> -> memref<1x32xi32, #tpu.memory_space<vmem>>
          %dma_wait3A_1078 = tpu.memref_squeeze %dma_wait3A_1077 : memref<1x32xi32, #tpu.memory_space<vmem>> -> memref<32xi32, #tpu.memory_space<vmem>>
          %dma_wait3A_1079 = arith.constant 0 : i32
          %dma_wait3A_1080 = arith.constant 0 : i32
          %dma_wait3A_1081 = tpu.memref_slice %arg18[%dma_wait3A_1079, %dma_wait3A_1080] : memref<10240x128xf32, #tpu.memory_space<vmem_shared>> -> memref<10240x128xf32, #tpu.memory_space<vmem_shared>>
          tpu.wait_indirect_dma semaphore(%arg31 : memref<!tpu.dma_semaphore, #tpu.memory_space<semaphore_mem>>) src(%arg14 : memref<32x128xf32, #tpu.memory_space<vmem>>) dst(%dma_wait3A_1081 : memref<10240x128xf32, #tpu.memory_space<vmem_shared>>)
        } else {
        }
        %dma_start3A_335 = arith.constant 12 : i32
        %dma_start3A_336 = arith.constant 0 : i32
        %dma_start3A_337 = tpu.memref_slice %arg6[%dma_start3A_335, %dma_start3A_336] : memref<16x32xi32, #tpu.memory_space<vmem>> -> memref<1x32xi32, #tpu.memory_space<vmem>>
        %dma_start3A_338 = tpu.memref_squeeze %dma_start3A_337 : memref<1x32xi32, #tpu.memory_space<vmem>> -> memref<32xi32, #tpu.memory_space<vmem>>
        %dma_start3A_339 = arith.constant 0 : i32
        %dma_start3A_340 = arith.constant 0 : i32
        %dma_start3A_341 = tpu.memref_slice %arg2[%dma_start3A_339, %dma_start3A_340] : memref<10240x128xf32, #tpu.memory_space<hbm>> -> memref<10240x128xf32, #tpu.memory_space<hbm>>
        tpu.enqueue_indirect_dma source(%dma_start3A_341 : memref<10240x128xf32, #tpu.memory_space<hbm>>) target(%arg14 : memref<32x128xf32, #tpu.memory_space<vmem>>) offsets(%dma_start3A_338 : memref<32xi32, #tpu.memory_space<vmem>>) semaphore(%arg23 : memref<!tpu.dma_semaphore, #tpu.memory_space<semaphore_mem>>)
        %mul3A_342 = arith.constant 16 : i32
        %mul3A_343 = arith.muli %add3A_156, %mul3A_342 : i32
        %add3A_344 = arith.constant 6 : i32
        %add3A_345 = arith.addi %mul3A_343, %add3A_344 : i32
        %dma_wait3A_346 = arith.constant 6 : i32
        %dma_wait3A_347 = arith.constant 0 : i32
        %dma_wait3A_348 = tpu.memref_slice %arg6[%dma_wait3A_346, %dma_wait3A_347] : memref<16x32xi32, #tpu.memory_space<vmem>> -> memref<1x32xi32, #tpu.memory_space<vmem>>
        %dma_wait3A_349 = tpu.memref_squeeze %dma_wait3A_348 : memref<1x32xi32, #tpu.memory_space<vmem>> -> memref<32xi32, #tpu.memory_space<vmem>>
        %dma_wait3A_350 = arith.constant 0 : i32
        %dma_wait3A_351 = arith.constant 0 : i32
        %dma_wait3A_352 = tpu.memref_slice %arg2[%dma_wait3A_350, %dma_wait3A_351] : memref<10240x128xf32, #tpu.memory_space<hbm>> -> memref<10240x128xf32, #tpu.memory_space<hbm>>
        tpu.wait_indirect_dma semaphore(%arg25 : memref<!tpu.dma_semaphore, #tpu.memory_space<semaphore_mem>>) src(%dma_wait3A_352 : memref<10240x128xf32, #tpu.memory_space<hbm>>) dst(%arg16 : memref<32x128xf32, #tpu.memory_space<vmem>>)
        %dma_start3A_353 = arith.constant 6 : i32
        %dma_start3A_354 = arith.constant 0 : i32
        %dma_start3A_355 = tpu.memref_slice %arg7[%dma_start3A_353, %dma_start3A_354] : memref<16x32xi32, #tpu.memory_space<vmem>> -> memref<1x32xi32, #tpu.memory_space<vmem>>
        %dma_start3A_356 = tpu.memref_squeeze %dma_start3A_355 : memref<1x32xi32, #tpu.memory_space<vmem>> -> memref<32xi32, #tpu.memory_space<vmem>>
        %dma_start3A_357 = arith.constant 0 : i32
        %dma_start3A_358 = arith.constant 0 : i32
        %dma_start3A_359 = tpu.memref_slice %arg18[%dma_start3A_357, %dma_start3A_358] : memref<10240x128xf32, #tpu.memory_space<vmem_shared>> -> memref<10240x128xf32, #tpu.memory_space<vmem_shared>>
        tpu.enqueue_indirect_dma source(%arg16 : memref<32x128xf32, #tpu.memory_space<vmem>>) target(%dma_start3A_359 : memref<10240x128xf32, #tpu.memory_space<vmem_shared>>) offsets(%dma_start3A_356 : memref<32xi32, #tpu.memory_space<vmem>>) semaphore(%arg33 : memref<!tpu.dma_semaphore, #tpu.memory_space<semaphore_mem>>) {add = true}
        %ge3A_360 = arith.constant 1 : i32
        %ge3A_361 = arith.cmpi sge, %add3A_345, %ge3A_360 : i32
        %convert_element_type3A_362 = arith.extui %ge3A_361 : i1 to i32
        %cond3A_363 = arith.constant 0 : i32
        %cond3A_364 = arith.cmpi ne, %convert_element_type3A_362, %cond3A_363 : i32
        scf.if %cond3A_364 {
          %dma_wait3A_1075 = arith.constant 5 : i32
          %dma_wait3A_1076 = arith.constant 0 : i32
          %dma_wait3A_1077 = tpu.memref_slice %arg7[%dma_wait3A_1075, %dma_wait3A_1076] : memref<16x32xi32, #tpu.memory_space<vmem>> -> memref<1x32xi32, #tpu.memory_space<vmem>>
          %dma_wait3A_1078 = tpu.memref_squeeze %dma_wait3A_1077 : memref<1x32xi32, #tpu.memory_space<vmem>> -> memref<32xi32, #tpu.memory_space<vmem>>
          %dma_wait3A_1079 = arith.constant 0 : i32
          %dma_wait3A_1080 = arith.constant 0 : i32
          %dma_wait3A_1081 = tpu.memref_slice %arg18[%dma_wait3A_1079, %dma_wait3A_1080] : memref<10240x128xf32, #tpu.memory_space<vmem_shared>> -> memref<10240x128xf32, #tpu.memory_space<vmem_shared>>
          tpu.wait_indirect_dma semaphore(%arg32 : memref<!tpu.dma_semaphore, #tpu.memory_space<semaphore_mem>>) src(%arg15 : memref<32x128xf32, #tpu.memory_space<vmem>>) dst(%dma_wait3A_1081 : memref<10240x128xf32, #tpu.memory_space<vmem_shared>>)
        } else {
        }
        %dma_start3A_365 = arith.constant 13 : i32
        %dma_start3A_366 = arith.constant 0 : i32
        %dma_start3A_367 = tpu.memref_slice %arg6[%dma_start3A_365, %dma_start3A_366] : memref<16x32xi32, #tpu.memory_space<vmem>> -> memref<1x32xi32, #tpu.memory_space<vmem>>
        %dma_start3A_368 = tpu.memref_squeeze %dma_start3A_367 : memref<1x32xi32, #tpu.memory_space<vmem>> -> memref<32xi32, #tpu.memory_space<vmem>>
        %dma_start3A_369 = arith.constant 0 : i32
        %dma_start3A_370 = arith.constant 0 : i32
        %dma_start3A_371 = tpu.memref_slice %arg2[%dma_start3A_369, %dma_start3A_370] : memref<10240x128xf32, #tpu.memory_space<hbm>> -> memref<10240x128xf32, #tpu.memory_space<hbm>>
        tpu.enqueue_indirect_dma source(%dma_start3A_371 : memref<10240x128xf32, #tpu.memory_space<hbm>>) target(%arg15 : memref<32x128xf32, #tpu.memory_space<vmem>>) offsets(%dma_start3A_368 : memref<32xi32, #tpu.memory_space<vmem>>) semaphore(%arg24 : memref<!tpu.dma_semaphore, #tpu.memory_space<semaphore_mem>>)
        %mul3A_372 = arith.constant 16 : i32
        %mul3A_373 = arith.muli %add3A_156, %mul3A_372 : i32
        %add3A_374 = arith.constant 7 : i32
        %add3A_375 = arith.addi %mul3A_373, %add3A_374 : i32
        %dma_wait3A_376 = arith.constant 7 : i32
        %dma_wait3A_377 = arith.constant 0 : i32
        %dma_wait3A_378 = tpu.memref_slice %arg6[%dma_wait3A_376, %dma_wait3A_377] : memref<16x32xi32, #tpu.memory_space<vmem>> -> memref<1x32xi32, #tpu.memory_space<vmem>>
        %dma_wait3A_379 = tpu.memref_squeeze %dma_wait3A_378 : memref<1x32xi32, #tpu.memory_space<vmem>> -> memref<32xi32, #tpu.memory_space<vmem>>
        %dma_wait3A_380 = arith.constant 0 : i32
        %dma_wait3A_381 = arith.constant 0 : i32
        %dma_wait3A_382 = tpu.memref_slice %arg2[%dma_wait3A_380, %dma_wait3A_381] : memref<10240x128xf32, #tpu.memory_space<hbm>> -> memref<10240x128xf32, #tpu.memory_space<hbm>>
        tpu.wait_indirect_dma semaphore(%arg26 : memref<!tpu.dma_semaphore, #tpu.memory_space<semaphore_mem>>) src(%dma_wait3A_382 : memref<10240x128xf32, #tpu.memory_space<hbm>>) dst(%arg17 : memref<32x128xf32, #tpu.memory_space<vmem>>)
        %dma_start3A_383 = arith.constant 7 : i32
        %dma_start3A_384 = arith.constant 0 : i32
        %dma_start3A_385 = tpu.memref_slice %arg7[%dma_start3A_383, %dma_start3A_384] : memref<16x32xi32, #tpu.memory_space<vmem>> -> memref<1x32xi32, #tpu.memory_space<vmem>>
        %dma_start3A_386 = tpu.memref_squeeze %dma_start3A_385 : memref<1x32xi32, #tpu.memory_space<vmem>> -> memref<32xi32, #tpu.memory_space<vmem>>
        %dma_start3A_387 = arith.constant 0 : i32
        %dma_start3A_388 = arith.constant 0 : i32
        %dma_start3A_389 = tpu.memref_slice %arg18[%dma_start3A_387, %dma_start3A_388] : memref<10240x128xf32, #tpu.memory_space<vmem_shared>> -> memref<10240x128xf32, #tpu.memory_space<vmem_shared>>
        tpu.enqueue_indirect_dma source(%arg17 : memref<32x128xf32, #tpu.memory_space<vmem>>) target(%dma_start3A_389 : memref<10240x128xf32, #tpu.memory_space<vmem_shared>>) offsets(%dma_start3A_386 : memref<32xi32, #tpu.memory_space<vmem>>) semaphore(%arg34 : memref<!tpu.dma_semaphore, #tpu.memory_space<semaphore_mem>>) {add = true}
        %ge3A_390 = arith.constant 1 : i32
        %ge3A_391 = arith.cmpi sge, %add3A_375, %ge3A_390 : i32
        %convert_element_type3A_392 = arith.extui %ge3A_391 : i1 to i32
        %cond3A_393 = arith.constant 0 : i32
        %cond3A_394 = arith.cmpi ne, %convert_element_type3A_392, %cond3A_393 : i32
        scf.if %cond3A_394 {
          %dma_wait3A_1075 = arith.constant 6 : i32
          %dma_wait3A_1076 = arith.constant 0 : i32
          %dma_wait3A_1077 = tpu.memref_slice %arg7[%dma_wait3A_1075, %dma_wait3A_1076] : memref<16x32xi32, #tpu.memory_space<vmem>> -> memref<1x32xi32, #tpu.memory_space<vmem>>
          %dma_wait3A_1078 = tpu.memref_squeeze %dma_wait3A_1077 : memref<1x32xi32, #tpu.memory_space<vmem>> -> memref<32xi32, #tpu.memory_space<vmem>>
          %dma_wait3A_1079 = arith.constant 0 : i32
          %dma_wait3A_1080 = arith.constant 0 : i32
          %dma_wait3A_1081 = tpu.memref_slice %arg18[%dma_wait3A_1079, %dma_wait3A_1080] : memref<10240x128xf32, #tpu.memory_space<vmem_shared>> -> memref<10240x128xf32, #tpu.memory_space<vmem_shared>>
          tpu.wait_indirect_dma semaphore(%arg33 : memref<!tpu.dma_semaphore, #tpu.memory_space<semaphore_mem>>) src(%arg16 : memref<32x128xf32, #tpu.memory_space<vmem>>) dst(%dma_wait3A_1081 : memref<10240x128xf32, #tpu.memory_space<vmem_shared>>)
        } else {
        }
        %dma_start3A_395 = arith.constant 14 : i32
        %dma_start3A_396 = arith.constant 0 : i32
        %dma_start3A_397 = tpu.memref_slice %arg6[%dma_start3A_395, %dma_start3A_396] : memref<16x32xi32, #tpu.memory_space<vmem>> -> memref<1x32xi32, #tpu.memory_space<vmem>>
        %dma_start3A_398 = tpu.memref_squeeze %dma_start3A_397 : memref<1x32xi32, #tpu.memory_space<vmem>> -> memref<32xi32, #tpu.memory_space<vmem>>
        %dma_start3A_399 = arith.constant 0 : i32
        %dma_start3A_400 = arith.constant 0 : i32
        %dma_start3A_401 = tpu.memref_slice %arg2[%dma_start3A_399, %dma_start3A_400] : memref<10240x128xf32, #tpu.memory_space<hbm>> -> memref<10240x128xf32, #tpu.memory_space<hbm>>
        tpu.enqueue_indirect_dma source(%dma_start3A_401 : memref<10240x128xf32, #tpu.memory_space<hbm>>) target(%arg16 : memref<32x128xf32, #tpu.memory_space<vmem>>) offsets(%dma_start3A_398 : memref<32xi32, #tpu.memory_space<vmem>>) semaphore(%arg25 : memref<!tpu.dma_semaphore, #tpu.memory_space<semaphore_mem>>)
        %mul3A_402 = arith.constant 16 : i32
        %mul3A_403 = arith.muli %add3A_156, %mul3A_402 : i32
        %add3A_404 = arith.constant 8 : i32
        %add3A_405 = arith.addi %mul3A_403, %add3A_404 : i32
        %dma_wait3A_406 = arith.constant 8 : i32
        %dma_wait3A_407 = arith.constant 0 : i32
        %dma_wait3A_408 = tpu.memref_slice %arg6[%dma_wait3A_406, %dma_wait3A_407] : memref<16x32xi32, #tpu.memory_space<vmem>> -> memref<1x32xi32, #tpu.memory_space<vmem>>
        %dma_wait3A_409 = tpu.memref_squeeze %dma_wait3A_408 : memref<1x32xi32, #tpu.memory_space<vmem>> -> memref<32xi32, #tpu.memory_space<vmem>>
        %dma_wait3A_410 = arith.constant 0 : i32
        %dma_wait3A_411 = arith.constant 0 : i32
        %dma_wait3A_412 = tpu.memref_slice %arg2[%dma_wait3A_410, %dma_wait3A_411] : memref<10240x128xf32, #tpu.memory_space<hbm>> -> memref<10240x128xf32, #tpu.memory_space<hbm>>
        tpu.wait_indirect_dma semaphore(%arg19 : memref<!tpu.dma_semaphore, #tpu.memory_space<semaphore_mem>>) src(%dma_wait3A_412 : memref<10240x128xf32, #tpu.memory_space<hbm>>) dst(%arg10 : memref<32x128xf32, #tpu.memory_space<vmem>>)
        %dma_start3A_413 = arith.constant 8 : i32
        %dma_start3A_414 = arith.constant 0 : i32
        %dma_start3A_415 = tpu.memref_slice %arg7[%dma_start3A_413, %dma_start3A_414] : memref<16x32xi32, #tpu.memory_space<vmem>> -> memref<1x32xi32, #tpu.memory_space<vmem>>
        %dma_start3A_416 = tpu.memref_squeeze %dma_start3A_415 : memref<1x32xi32, #tpu.memory_space<vmem>> -> memref<32xi32, #tpu.memory_space<vmem>>
        %dma_start3A_417 = arith.constant 0 : i32
        %dma_start3A_418 = arith.constant 0 : i32
        %dma_start3A_419 = tpu.memref_slice %arg18[%dma_start3A_417, %dma_start3A_418] : memref<10240x128xf32, #tpu.memory_space<vmem_shared>> -> memref<10240x128xf32, #tpu.memory_space<vmem_shared>>
        tpu.enqueue_indirect_dma source(%arg10 : memref<32x128xf32, #tpu.memory_space<vmem>>) target(%dma_start3A_419 : memref<10240x128xf32, #tpu.memory_space<vmem_shared>>) offsets(%dma_start3A_416 : memref<32xi32, #tpu.memory_space<vmem>>) semaphore(%arg27 : memref<!tpu.dma_semaphore, #tpu.memory_space<semaphore_mem>>) {add = true}
        %ge3A_420 = arith.constant 1 : i32
        %ge3A_421 = arith.cmpi sge, %add3A_405, %ge3A_420 : i32
        %convert_element_type3A_422 = arith.extui %ge3A_421 : i1 to i32
        %cond3A_423 = arith.constant 0 : i32
        %cond3A_424 = arith.cmpi ne, %convert_element_type3A_422, %cond3A_423 : i32
        scf.if %cond3A_424 {
          %dma_wait3A_1075 = arith.constant 7 : i32
          %dma_wait3A_1076 = arith.constant 0 : i32
          %dma_wait3A_1077 = tpu.memref_slice %arg7[%dma_wait3A_1075, %dma_wait3A_1076] : memref<16x32xi32, #tpu.memory_space<vmem>> -> memref<1x32xi32, #tpu.memory_space<vmem>>
          %dma_wait3A_1078 = tpu.memref_squeeze %dma_wait3A_1077 : memref<1x32xi32, #tpu.memory_space<vmem>> -> memref<32xi32, #tpu.memory_space<vmem>>
          %dma_wait3A_1079 = arith.constant 0 : i32
          %dma_wait3A_1080 = arith.constant 0 : i32
          %dma_wait3A_1081 = tpu.memref_slice %arg18[%dma_wait3A_1079, %dma_wait3A_1080] : memref<10240x128xf32, #tpu.memory_space<vmem_shared>> -> memref<10240x128xf32, #tpu.memory_space<vmem_shared>>
          tpu.wait_indirect_dma semaphore(%arg34 : memref<!tpu.dma_semaphore, #tpu.memory_space<semaphore_mem>>) src(%arg17 : memref<32x128xf32, #tpu.memory_space<vmem>>) dst(%dma_wait3A_1081 : memref<10240x128xf32, #tpu.memory_space<vmem_shared>>)
        } else {
        }
        %dma_start3A_425 = arith.constant 15 : i32
        %dma_start3A_426 = arith.constant 0 : i32
        %dma_start3A_427 = tpu.memref_slice %arg6[%dma_start3A_425, %dma_start3A_426] : memref<16x32xi32, #tpu.memory_space<vmem>> -> memref<1x32xi32, #tpu.memory_space<vmem>>
        %dma_start3A_428 = tpu.memref_squeeze %dma_start3A_427 : memref<1x32xi32, #tpu.memory_space<vmem>> -> memref<32xi32, #tpu.memory_space<vmem>>
        %dma_start3A_429 = arith.constant 0 : i32
        %dma_start3A_430 = arith.constant 0 : i32
        %dma_start3A_431 = tpu.memref_slice %arg2[%dma_start3A_429, %dma_start3A_430] : memref<10240x128xf32, #tpu.memory_space<hbm>> -> memref<10240x128xf32, #tpu.memory_space<hbm>>
        tpu.enqueue_indirect_dma source(%dma_start3A_431 : memref<10240x128xf32, #tpu.memory_space<hbm>>) target(%arg17 : memref<32x128xf32, #tpu.memory_space<vmem>>) offsets(%dma_start3A_428 : memref<32xi32, #tpu.memory_space<vmem>>) semaphore(%arg26 : memref<!tpu.dma_semaphore, #tpu.memory_space<semaphore_mem>>)
        %mul3A_432 = arith.constant 16 : i32
        %mul3A_433 = arith.muli %add3A_156, %mul3A_432 : i32
        %add3A_434 = arith.constant 9 : i32
        %add3A_435 = arith.addi %mul3A_433, %add3A_434 : i32
        %dma_wait3A_436 = arith.constant 9 : i32
        %dma_wait3A_437 = arith.constant 0 : i32
        %dma_wait3A_438 = tpu.memref_slice %arg6[%dma_wait3A_436, %dma_wait3A_437] : memref<16x32xi32, #tpu.memory_space<vmem>> -> memref<1x32xi32, #tpu.memory_space<vmem>>
        %dma_wait3A_439 = tpu.memref_squeeze %dma_wait3A_438 : memref<1x32xi32, #tpu.memory_space<vmem>> -> memref<32xi32, #tpu.memory_space<vmem>>
        %dma_wait3A_440 = arith.constant 0 : i32
        %dma_wait3A_441 = arith.constant 0 : i32
        %dma_wait3A_442 = tpu.memref_slice %arg2[%dma_wait3A_440, %dma_wait3A_441] : memref<10240x128xf32, #tpu.memory_space<hbm>> -> memref<10240x128xf32, #tpu.memory_space<hbm>>
        tpu.wait_indirect_dma semaphore(%arg20 : memref<!tpu.dma_semaphore, #tpu.memory_space<semaphore_mem>>) src(%dma_wait3A_442 : memref<10240x128xf32, #tpu.memory_space<hbm>>) dst(%arg11 : memref<32x128xf32, #tpu.memory_space<vmem>>)
        %dma_start3A_443 = arith.constant 9 : i32
        %dma_start3A_444 = arith.constant 0 : i32
        %dma_start3A_445 = tpu.memref_slice %arg7[%dma_start3A_443, %dma_start3A_444] : memref<16x32xi32, #tpu.memory_space<vmem>> -> memref<1x32xi32, #tpu.memory_space<vmem>>
        %dma_start3A_446 = tpu.memref_squeeze %dma_start3A_445 : memref<1x32xi32, #tpu.memory_space<vmem>> -> memref<32xi32, #tpu.memory_space<vmem>>
        %dma_start3A_447 = arith.constant 0 : i32
        %dma_start3A_448 = arith.constant 0 : i32
        %dma_start3A_449 = tpu.memref_slice %arg18[%dma_start3A_447, %dma_start3A_448] : memref<10240x128xf32, #tpu.memory_space<vmem_shared>> -> memref<10240x128xf32, #tpu.memory_space<vmem_shared>>
        tpu.enqueue_indirect_dma source(%arg11 : memref<32x128xf32, #tpu.memory_space<vmem>>) target(%dma_start3A_449 : memref<10240x128xf32, #tpu.memory_space<vmem_shared>>) offsets(%dma_start3A_446 : memref<32xi32, #tpu.memory_space<vmem>>) semaphore(%arg28 : memref<!tpu.dma_semaphore, #tpu.memory_space<semaphore_mem>>) {add = true}
        %add3A_450 = arith.constant 1 : i32
        %add3A_451 = arith.addi %add3A_156, %add3A_450 : i32
        %lt3A_452 = arith.constant 20 : i32
        %lt3A_453 = arith.cmpi slt, %add3A_451, %lt3A_452 : i32
        %convert_element_type3A_454 = arith.extui %lt3A_453 : i1 to i32
        %cond3A_455 = arith.constant 0 : i32
        %cond3A_456 = arith.cmpi ne, %convert_element_type3A_454, %cond3A_455 : i32
        scf.if %cond3A_456 {
          %add3A_1075 = arith.constant 1 : i32
          %add3A_1076 = arith.addi %add3A_156, %add3A_1075 : i32
          %mul3A_1077 = arith.constant 16 : i32
          %mul3A_1078 = arith.muli %add3A_1076, %mul3A_1077 : i32
          %add3A_1079 = arith.addi %mul3A_21, %mul3A_1078 : i32
          %dma_wait3A_1080 = arith.constant 0 : i32
          %dma_wait3A_1081 = tpu.memref_slice %arg3[%add3A_1079, %dma_wait3A_1080] : memref<10240x32xi32, #tpu.memory_space<hbm>> -> memref<16x32xi32, #tpu.memory_space<hbm>>
          %dma_wait3A_1082 = arith.constant 0 : i32
          %dma_wait3A_1083 = tpu.memref_slice %arg3[%add3A_1079, %dma_wait3A_1082] : memref<10240x32xi32, #tpu.memory_space<hbm>> -> memref<16x32xi32, #tpu.memory_space<hbm>>
          tpu.wait_dma2 semaphore(%arg35 : memref<!tpu.dma_semaphore, #tpu.memory_space<semaphore_mem>>) src(%dma_wait3A_1083 : memref<16x32xi32, #tpu.memory_space<hbm>>) dst(%arg8 : memref<16x32xi32, #tpu.memory_space<vmem>>)
          %dma_wait3A_1084 = arith.constant 0 : i32
          %dma_wait3A_1085 = tpu.memref_slice %arg4[%add3A_1079, %dma_wait3A_1084] : memref<10240x32xi32, #tpu.memory_space<hbm>> -> memref<16x32xi32, #tpu.memory_space<hbm>>
          %dma_wait3A_1086 = arith.constant 0 : i32
          %dma_wait3A_1087 = tpu.memref_slice %arg4[%add3A_1079, %dma_wait3A_1086] : memref<10240x32xi32, #tpu.memory_space<hbm>> -> memref<16x32xi32, #tpu.memory_space<hbm>>
          tpu.wait_dma2 semaphore(%arg35 : memref<!tpu.dma_semaphore, #tpu.memory_space<semaphore_mem>>) src(%dma_wait3A_1087 : memref<16x32xi32, #tpu.memory_space<hbm>>) dst(%arg9 : memref<16x32xi32, #tpu.memory_space<vmem>>)
        } else {
        }
        %add3A_457 = arith.constant 1 : i32
        %add3A_458 = arith.addi %add3A_156, %add3A_457 : i32
        %lt3A_459 = arith.constant 20 : i32
        %lt3A_460 = arith.cmpi slt, %add3A_458, %lt3A_459 : i32
        %convert_element_type3A_461 = arith.extui %lt3A_460 : i1 to i32
        %cond3A_462 = arith.constant 0 : i32
        %cond3A_463 = arith.cmpi ne, %convert_element_type3A_461, %cond3A_462 : i32
        scf.if %cond3A_463 {
          %dma_wait3A_1075 = arith.constant 0 : i32
          %dma_wait3A_1076 = arith.constant 0 : i32
          %dma_wait3A_1077 = tpu.memref_slice %arg7[%dma_wait3A_1075, %dma_wait3A_1076] : memref<16x32xi32, #tpu.memory_space<vmem>> -> memref<1x32xi32, #tpu.memory_space<vmem>>
          %dma_wait3A_1078 = tpu.memref_squeeze %dma_wait3A_1077 : memref<1x32xi32, #tpu.memory_space<vmem>> -> memref<32xi32, #tpu.memory_space<vmem>>
          %dma_wait3A_1079 = arith.constant 0 : i32
          %dma_wait3A_1080 = arith.constant 0 : i32
          %dma_wait3A_1081 = tpu.memref_slice %arg18[%dma_wait3A_1079, %dma_wait3A_1080] : memref<10240x128xf32, #tpu.memory_space<vmem_shared>> -> memref<10240x128xf32, #tpu.memory_space<vmem_shared>>
          tpu.wait_indirect_dma semaphore(%arg27 : memref<!tpu.dma_semaphore, #tpu.memory_space<semaphore_mem>>) src(%arg10 : memref<32x128xf32, #tpu.memory_space<vmem>>) dst(%dma_wait3A_1081 : memref<10240x128xf32, #tpu.memory_space<vmem_shared>>)
          %dma_start3A_1082 = arith.constant 0 : i32
          %dma_start3A_1083 = arith.constant 0 : i32
          %dma_start3A_1084 = tpu.memref_slice %arg8[%dma_start3A_1082, %dma_start3A_1083] : memref<16x32xi32, #tpu.memory_space<vmem>> -> memref<1x32xi32, #tpu.memory_space<vmem>>
          %dma_start3A_1085 = tpu.memref_squeeze %dma_start3A_1084 : memref<1x32xi32, #tpu.memory_space<vmem>> -> memref<32xi32, #tpu.memory_space<vmem>>
          %dma_start3A_1086 = arith.constant 0 : i32
          %dma_start3A_1087 = arith.constant 0 : i32
          %dma_start3A_1088 = tpu.memref_slice %arg2[%dma_start3A_1086, %dma_start3A_1087] : memref<10240x128xf32, #tpu.memory_space<hbm>> -> memref<10240x128xf32, #tpu.memory_space<hbm>>
          tpu.enqueue_indirect_dma source(%dma_start3A_1088 : memref<10240x128xf32, #tpu.memory_space<hbm>>) target(%arg10 : memref<32x128xf32, #tpu.memory_space<vmem>>) offsets(%dma_start3A_1085 : memref<32xi32, #tpu.memory_space<vmem>>) semaphore(%arg19 : memref<!tpu.dma_semaphore, #tpu.memory_space<semaphore_mem>>)
        } else {
        }
        %mul3A_464 = arith.constant 16 : i32
        %mul3A_465 = arith.muli %add3A_156, %mul3A_464 : i32
        %add3A_466 = arith.constant 10 : i32
        %add3A_467 = arith.addi %mul3A_465, %add3A_466 : i32
        %dma_wait3A_468 = arith.constant 10 : i32
        %dma_wait3A_469 = arith.constant 0 : i32
        %dma_wait3A_470 = tpu.memref_slice %arg6[%dma_wait3A_468, %dma_wait3A_469] : memref<16x32xi32, #tpu.memory_space<vmem>> -> memref<1x32xi32, #tpu.memory_space<vmem>>
        %dma_wait3A_471 = tpu.memref_squeeze %dma_wait3A_470 : memref<1x32xi32, #tpu.memory_space<vmem>> -> memref<32xi32, #tpu.memory_space<vmem>>
        %dma_wait3A_472 = arith.constant 0 : i32
        %dma_wait3A_473 = arith.constant 0 : i32
        %dma_wait3A_474 = tpu.memref_slice %arg2[%dma_wait3A_472, %dma_wait3A_473] : memref<10240x128xf32, #tpu.memory_space<hbm>> -> memref<10240x128xf32, #tpu.memory_space<hbm>>
        tpu.wait_indirect_dma semaphore(%arg21 : memref<!tpu.dma_semaphore, #tpu.memory_space<semaphore_mem>>) src(%dma_wait3A_474 : memref<10240x128xf32, #tpu.memory_space<hbm>>) dst(%arg12 : memref<32x128xf32, #tpu.memory_space<vmem>>)
        %dma_start3A_475 = arith.constant 10 : i32
        %dma_start3A_476 = arith.constant 0 : i32
        %dma_start3A_477 = tpu.memref_slice %arg7[%dma_start3A_475, %dma_start3A_476] : memref<16x32xi32, #tpu.memory_space<vmem>> -> memref<1x32xi32, #tpu.memory_space<vmem>>
        %dma_start3A_478 = tpu.memref_squeeze %dma_start3A_477 : memref<1x32xi32, #tpu.memory_space<vmem>> -> memref<32xi32, #tpu.memory_space<vmem>>
        %dma_start3A_479 = arith.constant 0 : i32
        %dma_start3A_480 = arith.constant 0 : i32
        %dma_start3A_481 = tpu.memref_slice %arg18[%dma_start3A_479, %dma_start3A_480] : memref<10240x128xf32, #tpu.memory_space<vmem_shared>> -> memref<10240x128xf32, #tpu.memory_space<vmem_shared>>
        tpu.enqueue_indirect_dma source(%arg12 : memref<32x128xf32, #tpu.memory_space<vmem>>) target(%dma_start3A_481 : memref<10240x128xf32, #tpu.memory_space<vmem_shared>>) offsets(%dma_start3A_478 : memref<32xi32, #tpu.memory_space<vmem>>) semaphore(%arg29 : memref<!tpu.dma_semaphore, #tpu.memory_space<semaphore_mem>>) {add = true}
        %add3A_482 = arith.constant 1 : i32
        %add3A_483 = arith.addi %add3A_156, %add3A_482 : i32
        %lt3A_484 = arith.constant 20 : i32
        %lt3A_485 = arith.cmpi slt, %add3A_483, %lt3A_484 : i32
        %convert_element_type3A_486 = arith.extui %lt3A_485 : i1 to i32
        %cond3A_487 = arith.constant 0 : i32
        %cond3A_488 = arith.cmpi ne, %convert_element_type3A_486, %cond3A_487 : i32
        scf.if %cond3A_488 {
          %dma_wait3A_1075 = arith.constant 1 : i32
          %dma_wait3A_1076 = arith.constant 0 : i32
          %dma_wait3A_1077 = tpu.memref_slice %arg7[%dma_wait3A_1075, %dma_wait3A_1076] : memref<16x32xi32, #tpu.memory_space<vmem>> -> memref<1x32xi32, #tpu.memory_space<vmem>>
          %dma_wait3A_1078 = tpu.memref_squeeze %dma_wait3A_1077 : memref<1x32xi32, #tpu.memory_space<vmem>> -> memref<32xi32, #tpu.memory_space<vmem>>
          %dma_wait3A_1079 = arith.constant 0 : i32
          %dma_wait3A_1080 = arith.constant 0 : i32
          %dma_wait3A_1081 = tpu.memref_slice %arg18[%dma_wait3A_1079, %dma_wait3A_1080] : memref<10240x128xf32, #tpu.memory_space<vmem_shared>> -> memref<10240x128xf32, #tpu.memory_space<vmem_shared>>
          tpu.wait_indirect_dma semaphore(%arg28 : memref<!tpu.dma_semaphore, #tpu.memory_space<semaphore_mem>>) src(%arg11 : memref<32x128xf32, #tpu.memory_space<vmem>>) dst(%dma_wait3A_1081 : memref<10240x128xf32, #tpu.memory_space<vmem_shared>>)
          %dma_start3A_1082 = arith.constant 1 : i32
          %dma_start3A_1083 = arith.constant 0 : i32
          %dma_start3A_1084 = tpu.memref_slice %arg8[%dma_start3A_1082, %dma_start3A_1083] : memref<16x32xi32, #tpu.memory_space<vmem>> -> memref<1x32xi32, #tpu.memory_space<vmem>>
          %dma_start3A_1085 = tpu.memref_squeeze %dma_start3A_1084 : memref<1x32xi32, #tpu.memory_space<vmem>> -> memref<32xi32, #tpu.memory_space<vmem>>
          %dma_start3A_1086 = arith.constant 0 : i32
          %dma_start3A_1087 = arith.constant 0 : i32
          %dma_start3A_1088 = tpu.memref_slice %arg2[%dma_start3A_1086, %dma_start3A_1087] : memref<10240x128xf32, #tpu.memory_space<hbm>> -> memref<10240x128xf32, #tpu.memory_space<hbm>>
          tpu.enqueue_indirect_dma source(%dma_start3A_1088 : memref<10240x128xf32, #tpu.memory_space<hbm>>) target(%arg11 : memref<32x128xf32, #tpu.memory_space<vmem>>) offsets(%dma_start3A_1085 : memref<32xi32, #tpu.memory_space<vmem>>) semaphore(%arg20 : memref<!tpu.dma_semaphore, #tpu.memory_space<semaphore_mem>>)
        } else {
        }
        %mul3A_489 = arith.constant 16 : i32
        %mul3A_490 = arith.muli %add3A_156, %mul3A_489 : i32
        %add3A_491 = arith.constant 11 : i32
        %add3A_492 = arith.addi %mul3A_490, %add3A_491 : i32
        %dma_wait3A_493 = arith.constant 11 : i32
        %dma_wait3A_494 = arith.constant 0 : i32
        %dma_wait3A_495 = tpu.memref_slice %arg6[%dma_wait3A_493, %dma_wait3A_494] : memref<16x32xi32, #tpu.memory_space<vmem>> -> memref<1x32xi32, #tpu.memory_space<vmem>>
        %dma_wait3A_496 = tpu.memref_squeeze %dma_wait3A_495 : memref<1x32xi32, #tpu.memory_space<vmem>> -> memref<32xi32, #tpu.memory_space<vmem>>
        %dma_wait3A_497 = arith.constant 0 : i32
        %dma_wait3A_498 = arith.constant 0 : i32
        %dma_wait3A_499 = tpu.memref_slice %arg2[%dma_wait3A_497, %dma_wait3A_498] : memref<10240x128xf32, #tpu.memory_space<hbm>> -> memref<10240x128xf32, #tpu.memory_space<hbm>>
        tpu.wait_indirect_dma semaphore(%arg22 : memref<!tpu.dma_semaphore, #tpu.memory_space<semaphore_mem>>) src(%dma_wait3A_499 : memref<10240x128xf32, #tpu.memory_space<hbm>>) dst(%arg13 : memref<32x128xf32, #tpu.memory_space<vmem>>)
        %dma_start3A_500 = arith.constant 11 : i32
        %dma_start3A_501 = arith.constant 0 : i32
        %dma_start3A_502 = tpu.memref_slice %arg7[%dma_start3A_500, %dma_start3A_501] : memref<16x32xi32, #tpu.memory_space<vmem>> -> memref<1x32xi32, #tpu.memory_space<vmem>>
        %dma_start3A_503 = tpu.memref_squeeze %dma_start3A_502 : memref<1x32xi32, #tpu.memory_space<vmem>> -> memref<32xi32, #tpu.memory_space<vmem>>
        %dma_start3A_504 = arith.constant 0 : i32
        %dma_start3A_505 = arith.constant 0 : i32
        %dma_start3A_506 = tpu.memref_slice %arg18[%dma_start3A_504, %dma_start3A_505] : memref<10240x128xf32, #tpu.memory_space<vmem_shared>> -> memref<10240x128xf32, #tpu.memory_space<vmem_shared>>
        tpu.enqueue_indirect_dma source(%arg13 : memref<32x128xf32, #tpu.memory_space<vmem>>) target(%dma_start3A_506 : memref<10240x128xf32, #tpu.memory_space<vmem_shared>>) offsets(%dma_start3A_503 : memref<32xi32, #tpu.memory_space<vmem>>) semaphore(%arg30 : memref<!tpu.dma_semaphore, #tpu.memory_space<semaphore_mem>>) {add = true}
        %add3A_507 = arith.constant 1 : i32
        %add3A_508 = arith.addi %add3A_156, %add3A_507 : i32
        %lt3A_509 = arith.constant 20 : i32
        %lt3A_510 = arith.cmpi slt, %add3A_508, %lt3A_509 : i32
        %convert_element_type3A_511 = arith.extui %lt3A_510 : i1 to i32
        %cond3A_512 = arith.constant 0 : i32
        %cond3A_513 = arith.cmpi ne, %convert_element_type3A_511, %cond3A_512 : i32
        scf.if %cond3A_513 {
          %dma_wait3A_1075 = arith.constant 2 : i32
          %dma_wait3A_1076 = arith.constant 0 : i32
          %dma_wait3A_1077 = tpu.memref_slice %arg7[%dma_wait3A_1075, %dma_wait3A_1076] : memref<16x32xi32, #tpu.memory_space<vmem>> -> memref<1x32xi32, #tpu.memory_space<vmem>>
          %dma_wait3A_1078 = tpu.memref_squeeze %dma_wait3A_1077 : memref<1x32xi32, #tpu.memory_space<vmem>> -> memref<32xi32, #tpu.memory_space<vmem>>
          %dma_wait3A_1079 = arith.constant 0 : i32
          %dma_wait3A_1080 = arith.constant 0 : i32
          %dma_wait3A_1081 = tpu.memref_slice %arg18[%dma_wait3A_1079, %dma_wait3A_1080] : memref<10240x128xf32, #tpu.memory_space<vmem_shared>> -> memref<10240x128xf32, #tpu.memory_space<vmem_shared>>
          tpu.wait_indirect_dma semaphore(%arg29 : memref<!tpu.dma_semaphore, #tpu.memory_space<semaphore_mem>>) src(%arg12 : memref<32x128xf32, #tpu.memory_space<vmem>>) dst(%dma_wait3A_1081 : memref<10240x128xf32, #tpu.memory_space<vmem_shared>>)
          %dma_start3A_1082 = arith.constant 2 : i32
          %dma_start3A_1083 = arith.constant 0 : i32
          %dma_start3A_1084 = tpu.memref_slice %arg8[%dma_start3A_1082, %dma_start3A_1083] : memref<16x32xi32, #tpu.memory_space<vmem>> -> memref<1x32xi32, #tpu.memory_space<vmem>>
          %dma_start3A_1085 = tpu.memref_squeeze %dma_start3A_1084 : memref<1x32xi32, #tpu.memory_space<vmem>> -> memref<32xi32, #tpu.memory_space<vmem>>
          %dma_start3A_1086 = arith.constant 0 : i32
          %dma_start3A_1087 = arith.constant 0 : i32
          %dma_start3A_1088 = tpu.memref_slice %arg2[%dma_start3A_1086, %dma_start3A_1087] : memref<10240x128xf32, #tpu.memory_space<hbm>> -> memref<10240x128xf32, #tpu.memory_space<hbm>>
          tpu.enqueue_indirect_dma source(%dma_start3A_1088 : memref<10240x128xf32, #tpu.memory_space<hbm>>) target(%arg12 : memref<32x128xf32, #tpu.memory_space<vmem>>) offsets(%dma_start3A_1085 : memref<32xi32, #tpu.memory_space<vmem>>) semaphore(%arg21 : memref<!tpu.dma_semaphore, #tpu.memory_space<semaphore_mem>>)
        } else {
        }
        %mul3A_514 = arith.constant 16 : i32
        %mul3A_515 = arith.muli %add3A_156, %mul3A_514 : i32
        %add3A_516 = arith.constant 12 : i32
        %add3A_517 = arith.addi %mul3A_515, %add3A_516 : i32
        %dma_wait3A_518 = arith.constant 12 : i32
        %dma_wait3A_519 = arith.constant 0 : i32
        %dma_wait3A_520 = tpu.memref_slice %arg6[%dma_wait3A_518, %dma_wait3A_519] : memref<16x32xi32, #tpu.memory_space<vmem>> -> memref<1x32xi32, #tpu.memory_space<vmem>>
        %dma_wait3A_521 = tpu.memref_squeeze %dma_wait3A_520 : memref<1x32xi32, #tpu.memory_space<vmem>> -> memref<32xi32, #tpu.memory_space<vmem>>
        %dma_wait3A_522 = arith.constant 0 : i32
        %dma_wait3A_523 = arith.constant 0 : i32
        %dma_wait3A_524 = tpu.memref_slice %arg2[%dma_wait3A_522, %dma_wait3A_523] : memref<10240x128xf32, #tpu.memory_space<hbm>> -> memref<10240x128xf32, #tpu.memory_space<hbm>>
        tpu.wait_indirect_dma semaphore(%arg23 : memref<!tpu.dma_semaphore, #tpu.memory_space<semaphore_mem>>) src(%dma_wait3A_524 : memref<10240x128xf32, #tpu.memory_space<hbm>>) dst(%arg14 : memref<32x128xf32, #tpu.memory_space<vmem>>)
        %dma_start3A_525 = arith.constant 12 : i32
        %dma_start3A_526 = arith.constant 0 : i32
        %dma_start3A_527 = tpu.memref_slice %arg7[%dma_start3A_525, %dma_start3A_526] : memref<16x32xi32, #tpu.memory_space<vmem>> -> memref<1x32xi32, #tpu.memory_space<vmem>>
        %dma_start3A_528 = tpu.memref_squeeze %dma_start3A_527 : memref<1x32xi32, #tpu.memory_space<vmem>> -> memref<32xi32, #tpu.memory_space<vmem>>
        %dma_start3A_529 = arith.constant 0 : i32
        %dma_start3A_530 = arith.constant 0 : i32
        %dma_start3A_531 = tpu.memref_slice %arg18[%dma_start3A_529, %dma_start3A_530] : memref<10240x128xf32, #tpu.memory_space<vmem_shared>> -> memref<10240x128xf32, #tpu.memory_space<vmem_shared>>
        tpu.enqueue_indirect_dma source(%arg14 : memref<32x128xf32, #tpu.memory_space<vmem>>) target(%dma_start3A_531 : memref<10240x128xf32, #tpu.memory_space<vmem_shared>>) offsets(%dma_start3A_528 : memref<32xi32, #tpu.memory_space<vmem>>) semaphore(%arg31 : memref<!tpu.dma_semaphore, #tpu.memory_space<semaphore_mem>>) {add = true}
        %add3A_532 = arith.constant 1 : i32
        %add3A_533 = arith.addi %add3A_156, %add3A_532 : i32
        %lt3A_534 = arith.constant 20 : i32
        %lt3A_535 = arith.cmpi slt, %add3A_533, %lt3A_534 : i32
        %convert_element_type3A_536 = arith.extui %lt3A_535 : i1 to i32
        %cond3A_537 = arith.constant 0 : i32
        %cond3A_538 = arith.cmpi ne, %convert_element_type3A_536, %cond3A_537 : i32
        scf.if %cond3A_538 {
          %dma_wait3A_1075 = arith.constant 3 : i32
          %dma_wait3A_1076 = arith.constant 0 : i32
          %dma_wait3A_1077 = tpu.memref_slice %arg7[%dma_wait3A_1075, %dma_wait3A_1076] : memref<16x32xi32, #tpu.memory_space<vmem>> -> memref<1x32xi32, #tpu.memory_space<vmem>>
          %dma_wait3A_1078 = tpu.memref_squeeze %dma_wait3A_1077 : memref<1x32xi32, #tpu.memory_space<vmem>> -> memref<32xi32, #tpu.memory_space<vmem>>
          %dma_wait3A_1079 = arith.constant 0 : i32
          %dma_wait3A_1080 = arith.constant 0 : i32
          %dma_wait3A_1081 = tpu.memref_slice %arg18[%dma_wait3A_1079, %dma_wait3A_1080] : memref<10240x128xf32, #tpu.memory_space<vmem_shared>> -> memref<10240x128xf32, #tpu.memory_space<vmem_shared>>
          tpu.wait_indirect_dma semaphore(%arg30 : memref<!tpu.dma_semaphore, #tpu.memory_space<semaphore_mem>>) src(%arg13 : memref<32x128xf32, #tpu.memory_space<vmem>>) dst(%dma_wait3A_1081 : memref<10240x128xf32, #tpu.memory_space<vmem_shared>>)
          %dma_start3A_1082 = arith.constant 3 : i32
          %dma_start3A_1083 = arith.constant 0 : i32
          %dma_start3A_1084 = tpu.memref_slice %arg8[%dma_start3A_1082, %dma_start3A_1083] : memref<16x32xi32, #tpu.memory_space<vmem>> -> memref<1x32xi32, #tpu.memory_space<vmem>>
          %dma_start3A_1085 = tpu.memref_squeeze %dma_start3A_1084 : memref<1x32xi32, #tpu.memory_space<vmem>> -> memref<32xi32, #tpu.memory_space<vmem>>
          %dma_start3A_1086 = arith.constant 0 : i32
          %dma_start3A_1087 = arith.constant 0 : i32
          %dma_start3A_1088 = tpu.memref_slice %arg2[%dma_start3A_1086, %dma_start3A_1087] : memref<10240x128xf32, #tpu.memory_space<hbm>> -> memref<10240x128xf32, #tpu.memory_space<hbm>>
          tpu.enqueue_indirect_dma source(%dma_start3A_1088 : memref<10240x128xf32, #tpu.memory_space<hbm>>) target(%arg13 : memref<32x128xf32, #tpu.memory_space<vmem>>) offsets(%dma_start3A_1085 : memref<32xi32, #tpu.memory_space<vmem>>) semaphore(%arg22 : memref<!tpu.dma_semaphore, #tpu.memory_space<semaphore_mem>>)
        } else {
        }
        %mul3A_539 = arith.constant 16 : i32
        %mul3A_540 = arith.muli %add3A_156, %mul3A_539 : i32
        %add3A_541 = arith.constant 13 : i32
        %add3A_542 = arith.addi %mul3A_540, %add3A_541 : i32
        %dma_wait3A_543 = arith.constant 13 : i32
        %dma_wait3A_544 = arith.constant 0 : i32
        %dma_wait3A_545 = tpu.memref_slice %arg6[%dma_wait3A_543, %dma_wait3A_544] : memref<16x32xi32, #tpu.memory_space<vmem>> -> memref<1x32xi32, #tpu.memory_space<vmem>>
        %dma_wait3A_546 = tpu.memref_squeeze %dma_wait3A_545 : memref<1x32xi32, #tpu.memory_space<vmem>> -> memref<32xi32, #tpu.memory_space<vmem>>
        %dma_wait3A_547 = arith.constant 0 : i32
        %dma_wait3A_548 = arith.constant 0 : i32
        %dma_wait3A_549 = tpu.memref_slice %arg2[%dma_wait3A_547, %dma_wait3A_548] : memref<10240x128xf32, #tpu.memory_space<hbm>> -> memref<10240x128xf32, #tpu.memory_space<hbm>>
        tpu.wait_indirect_dma semaphore(%arg24 : memref<!tpu.dma_semaphore, #tpu.memory_space<semaphore_mem>>) src(%dma_wait3A_549 : memref<10240x128xf32, #tpu.memory_space<hbm>>) dst(%arg15 : memref<32x128xf32, #tpu.memory_space<vmem>>)
        %dma_start3A_550 = arith.constant 13 : i32
        %dma_start3A_551 = arith.constant 0 : i32
        %dma_start3A_552 = tpu.memref_slice %arg7[%dma_start3A_550, %dma_start3A_551] : memref<16x32xi32, #tpu.memory_space<vmem>> -> memref<1x32xi32, #tpu.memory_space<vmem>>
        %dma_start3A_553 = tpu.memref_squeeze %dma_start3A_552 : memref<1x32xi32, #tpu.memory_space<vmem>> -> memref<32xi32, #tpu.memory_space<vmem>>
        %dma_start3A_554 = arith.constant 0 : i32
        %dma_start3A_555 = arith.constant 0 : i32
        %dma_start3A_556 = tpu.memref_slice %arg18[%dma_start3A_554, %dma_start3A_555] : memref<10240x128xf32, #tpu.memory_space<vmem_shared>> -> memref<10240x128xf32, #tpu.memory_space<vmem_shared>>
        tpu.enqueue_indirect_dma source(%arg15 : memref<32x128xf32, #tpu.memory_space<vmem>>) target(%dma_start3A_556 : memref<10240x128xf32, #tpu.memory_space<vmem_shared>>) offsets(%dma_start3A_553 : memref<32xi32, #tpu.memory_space<vmem>>) semaphore(%arg32 : memref<!tpu.dma_semaphore, #tpu.memory_space<semaphore_mem>>) {add = true}
        %add3A_557 = arith.constant 1 : i32
        %add3A_558 = arith.addi %add3A_156, %add3A_557 : i32
        %lt3A_559 = arith.constant 20 : i32
        %lt3A_560 = arith.cmpi slt, %add3A_558, %lt3A_559 : i32
        %convert_element_type3A_561 = arith.extui %lt3A_560 : i1 to i32
        %cond3A_562 = arith.constant 0 : i32
        %cond3A_563 = arith.cmpi ne, %convert_element_type3A_561, %cond3A_562 : i32
        scf.if %cond3A_563 {
          %dma_wait3A_1075 = arith.constant 4 : i32
          %dma_wait3A_1076 = arith.constant 0 : i32
          %dma_wait3A_1077 = tpu.memref_slice %arg7[%dma_wait3A_1075, %dma_wait3A_1076] : memref<16x32xi32, #tpu.memory_space<vmem>> -> memref<1x32xi32, #tpu.memory_space<vmem>>
          %dma_wait3A_1078 = tpu.memref_squeeze %dma_wait3A_1077 : memref<1x32xi32, #tpu.memory_space<vmem>> -> memref<32xi32, #tpu.memory_space<vmem>>
          %dma_wait3A_1079 = arith.constant 0 : i32
          %dma_wait3A_1080 = arith.constant 0 : i32
          %dma_wait3A_1081 = tpu.memref_slice %arg18[%dma_wait3A_1079, %dma_wait3A_1080] : memref<10240x128xf32, #tpu.memory_space<vmem_shared>> -> memref<10240x128xf32, #tpu.memory_space<vmem_shared>>
          tpu.wait_indirect_dma semaphore(%arg31 : memref<!tpu.dma_semaphore, #tpu.memory_space<semaphore_mem>>) src(%arg14 : memref<32x128xf32, #tpu.memory_space<vmem>>) dst(%dma_wait3A_1081 : memref<10240x128xf32, #tpu.memory_space<vmem_shared>>)
          %dma_start3A_1082 = arith.constant 4 : i32
          %dma_start3A_1083 = arith.constant 0 : i32
          %dma_start3A_1084 = tpu.memref_slice %arg8[%dma_start3A_1082, %dma_start3A_1083] : memref<16x32xi32, #tpu.memory_space<vmem>> -> memref<1x32xi32, #tpu.memory_space<vmem>>
          %dma_start3A_1085 = tpu.memref_squeeze %dma_start3A_1084 : memref<1x32xi32, #tpu.memory_space<vmem>> -> memref<32xi32, #tpu.memory_space<vmem>>
          %dma_start3A_1086 = arith.constant 0 : i32
          %dma_start3A_1087 = arith.constant 0 : i32
          %dma_start3A_1088 = tpu.memref_slice %arg2[%dma_start3A_1086, %dma_start3A_1087] : memref<10240x128xf32, #tpu.memory_space<hbm>> -> memref<10240x128xf32, #tpu.memory_space<hbm>>
          tpu.enqueue_indirect_dma source(%dma_start3A_1088 : memref<10240x128xf32, #tpu.memory_space<hbm>>) target(%arg14 : memref<32x128xf32, #tpu.memory_space<vmem>>) offsets(%dma_start3A_1085 : memref<32xi32, #tpu.memory_space<vmem>>) semaphore(%arg23 : memref<!tpu.dma_semaphore, #tpu.memory_space<semaphore_mem>>)
        } else {
        }
        %mul3A_564 = arith.constant 16 : i32
        %mul3A_565 = arith.muli %add3A_156, %mul3A_564 : i32
        %add3A_566 = arith.constant 14 : i32
        %add3A_567 = arith.addi %mul3A_565, %add3A_566 : i32
        %dma_wait3A_568 = arith.constant 14 : i32
        %dma_wait3A_569 = arith.constant 0 : i32
        %dma_wait3A_570 = tpu.memref_slice %arg6[%dma_wait3A_568, %dma_wait3A_569] : memref<16x32xi32, #tpu.memory_space<vmem>> -> memref<1x32xi32, #tpu.memory_space<vmem>>
        %dma_wait3A_571 = tpu.memref_squeeze %dma_wait3A_570 : memref<1x32xi32, #tpu.memory_space<vmem>> -> memref<32xi32, #tpu.memory_space<vmem>>
        %dma_wait3A_572 = arith.constant 0 : i32
        %dma_wait3A_573 = arith.constant 0 : i32
        %dma_wait3A_574 = tpu.memref_slice %arg2[%dma_wait3A_572, %dma_wait3A_573] : memref<10240x128xf32, #tpu.memory_space<hbm>> -> memref<10240x128xf32, #tpu.memory_space<hbm>>
        tpu.wait_indirect_dma semaphore(%arg25 : memref<!tpu.dma_semaphore, #tpu.memory_space<semaphore_mem>>) src(%dma_wait3A_574 : memref<10240x128xf32, #tpu.memory_space<hbm>>) dst(%arg16 : memref<32x128xf32, #tpu.memory_space<vmem>>)
        %dma_start3A_575 = arith.constant 14 : i32
        %dma_start3A_576 = arith.constant 0 : i32
        %dma_start3A_577 = tpu.memref_slice %arg7[%dma_start3A_575, %dma_start3A_576] : memref<16x32xi32, #tpu.memory_space<vmem>> -> memref<1x32xi32, #tpu.memory_space<vmem>>
        %dma_start3A_578 = tpu.memref_squeeze %dma_start3A_577 : memref<1x32xi32, #tpu.memory_space<vmem>> -> memref<32xi32, #tpu.memory_space<vmem>>
        %dma_start3A_579 = arith.constant 0 : i32
        %dma_start3A_580 = arith.constant 0 : i32
        %dma_start3A_581 = tpu.memref_slice %arg18[%dma_start3A_579, %dma_start3A_580] : memref<10240x128xf32, #tpu.memory_space<vmem_shared>> -> memref<10240x128xf32, #tpu.memory_space<vmem_shared>>
        tpu.enqueue_indirect_dma source(%arg16 : memref<32x128xf32, #tpu.memory_space<vmem>>) target(%dma_start3A_581 : memref<10240x128xf32, #tpu.memory_space<vmem_shared>>) offsets(%dma_start3A_578 : memref<32xi32, #tpu.memory_space<vmem>>) semaphore(%arg33 : memref<!tpu.dma_semaphore, #tpu.memory_space<semaphore_mem>>) {add = true}
        %add3A_582 = arith.constant 1 : i32
        %add3A_583 = arith.addi %add3A_156, %add3A_582 : i32
        %lt3A_584 = arith.constant 20 : i32
        %lt3A_585 = arith.cmpi slt, %add3A_583, %lt3A_584 : i32
        %convert_element_type3A_586 = arith.extui %lt3A_585 : i1 to i32
        %cond3A_587 = arith.constant 0 : i32
        %cond3A_588 = arith.cmpi ne, %convert_element_type3A_586, %cond3A_587 : i32
        scf.if %cond3A_588 {
          %dma_wait3A_1075 = arith.constant 5 : i32
          %dma_wait3A_1076 = arith.constant 0 : i32
          %dma_wait3A_1077 = tpu.memref_slice %arg7[%dma_wait3A_1075, %dma_wait3A_1076] : memref<16x32xi32, #tpu.memory_space<vmem>> -> memref<1x32xi32, #tpu.memory_space<vmem>>
          %dma_wait3A_1078 = tpu.memref_squeeze %dma_wait3A_1077 : memref<1x32xi32, #tpu.memory_space<vmem>> -> memref<32xi32, #tpu.memory_space<vmem>>
          %dma_wait3A_1079 = arith.constant 0 : i32
          %dma_wait3A_1080 = arith.constant 0 : i32
          %dma_wait3A_1081 = tpu.memref_slice %arg18[%dma_wait3A_1079, %dma_wait3A_1080] : memref<10240x128xf32, #tpu.memory_space<vmem_shared>> -> memref<10240x128xf32, #tpu.memory_space<vmem_shared>>
          tpu.wait_indirect_dma semaphore(%arg32 : memref<!tpu.dma_semaphore, #tpu.memory_space<semaphore_mem>>) src(%arg15 : memref<32x128xf32, #tpu.memory_space<vmem>>) dst(%dma_wait3A_1081 : memref<10240x128xf32, #tpu.memory_space<vmem_shared>>)
          %dma_start3A_1082 = arith.constant 5 : i32
          %dma_start3A_1083 = arith.constant 0 : i32
          %dma_start3A_1084 = tpu.memref_slice %arg8[%dma_start3A_1082, %dma_start3A_1083] : memref<16x32xi32, #tpu.memory_space<vmem>> -> memref<1x32xi32, #tpu.memory_space<vmem>>
          %dma_start3A_1085 = tpu.memref_squeeze %dma_start3A_1084 : memref<1x32xi32, #tpu.memory_space<vmem>> -> memref<32xi32, #tpu.memory_space<vmem>>
          %dma_start3A_1086 = arith.constant 0 : i32
          %dma_start3A_1087 = arith.constant 0 : i32
          %dma_start3A_1088 = tpu.memref_slice %arg2[%dma_start3A_1086, %dma_start3A_1087] : memref<10240x128xf32, #tpu.memory_space<hbm>> -> memref<10240x128xf32, #tpu.memory_space<hbm>>
          tpu.enqueue_indirect_dma source(%dma_start3A_1088 : memref<10240x128xf32, #tpu.memory_space<hbm>>) target(%arg15 : memref<32x128xf32, #tpu.memory_space<vmem>>) offsets(%dma_start3A_1085 : memref<32xi32, #tpu.memory_space<vmem>>) semaphore(%arg24 : memref<!tpu.dma_semaphore, #tpu.memory_space<semaphore_mem>>)
        } else {
        }
        %mul3A_589 = arith.constant 16 : i32
        %mul3A_590 = arith.muli %add3A_156, %mul3A_589 : i32
        %add3A_591 = arith.constant 15 : i32
        %add3A_592 = arith.addi %mul3A_590, %add3A_591 : i32
        %dma_wait3A_593 = arith.constant 15 : i32
        %dma_wait3A_594 = arith.constant 0 : i32
        %dma_wait3A_595 = tpu.memref_slice %arg6[%dma_wait3A_593, %dma_wait3A_594] : memref<16x32xi32, #tpu.memory_space<vmem>> -> memref<1x32xi32, #tpu.memory_space<vmem>>
        %dma_wait3A_596 = tpu.memref_squeeze %dma_wait3A_595 : memref<1x32xi32, #tpu.memory_space<vmem>> -> memref<32xi32, #tpu.memory_space<vmem>>
        %dma_wait3A_597 = arith.constant 0 : i32
        %dma_wait3A_598 = arith.constant 0 : i32
        %dma_wait3A_599 = tpu.memref_slice %arg2[%dma_wait3A_597, %dma_wait3A_598] : memref<10240x128xf32, #tpu.memory_space<hbm>> -> memref<10240x128xf32, #tpu.memory_space<hbm>>
        tpu.wait_indirect_dma semaphore(%arg26 : memref<!tpu.dma_semaphore, #tpu.memory_space<semaphore_mem>>) src(%dma_wait3A_599 : memref<10240x128xf32, #tpu.memory_space<hbm>>) dst(%arg17 : memref<32x128xf32, #tpu.memory_space<vmem>>)
        %dma_start3A_600 = arith.constant 15 : i32
        %dma_start3A_601 = arith.constant 0 : i32
        %dma_start3A_602 = tpu.memref_slice %arg7[%dma_start3A_600, %dma_start3A_601] : memref<16x32xi32, #tpu.memory_space<vmem>> -> memref<1x32xi32, #tpu.memory_space<vmem>>
        %dma_start3A_603 = tpu.memref_squeeze %dma_start3A_602 : memref<1x32xi32, #tpu.memory_space<vmem>> -> memref<32xi32, #tpu.memory_space<vmem>>
        %dma_start3A_604 = arith.constant 0 : i32
        %dma_start3A_605 = arith.constant 0 : i32
        %dma_start3A_606 = tpu.memref_slice %arg18[%dma_start3A_604, %dma_start3A_605] : memref<10240x128xf32, #tpu.memory_space<vmem_shared>> -> memref<10240x128xf32, #tpu.memory_space<vmem_shared>>
        tpu.enqueue_indirect_dma source(%arg17 : memref<32x128xf32, #tpu.memory_space<vmem>>) target(%dma_start3A_606 : memref<10240x128xf32, #tpu.memory_space<vmem_shared>>) offsets(%dma_start3A_603 : memref<32xi32, #tpu.memory_space<vmem>>) semaphore(%arg34 : memref<!tpu.dma_semaphore, #tpu.memory_space<semaphore_mem>>) {add = true}
        %add3A_607 = arith.constant 1 : i32
        %add3A_608 = arith.addi %add3A_156, %add3A_607 : i32
        %lt3A_609 = arith.constant 20 : i32
        %lt3A_610 = arith.cmpi slt, %add3A_608, %lt3A_609 : i32
        %convert_element_type3A_611 = arith.extui %lt3A_610 : i1 to i32
        %cond3A_612 = arith.constant 0 : i32
        %cond3A_613 = arith.cmpi ne, %convert_element_type3A_611, %cond3A_612 : i32
        scf.if %cond3A_613 {
          %dma_wait3A_1075 = arith.constant 6 : i32
          %dma_wait3A_1076 = arith.constant 0 : i32
          %dma_wait3A_1077 = tpu.memref_slice %arg7[%dma_wait3A_1075, %dma_wait3A_1076] : memref<16x32xi32, #tpu.memory_space<vmem>> -> memref<1x32xi32, #tpu.memory_space<vmem>>
          %dma_wait3A_1078 = tpu.memref_squeeze %dma_wait3A_1077 : memref<1x32xi32, #tpu.memory_space<vmem>> -> memref<32xi32, #tpu.memory_space<vmem>>
          %dma_wait3A_1079 = arith.constant 0 : i32
          %dma_wait3A_1080 = arith.constant 0 : i32
          %dma_wait3A_1081 = tpu.memref_slice %arg18[%dma_wait3A_1079, %dma_wait3A_1080] : memref<10240x128xf32, #tpu.memory_space<vmem_shared>> -> memref<10240x128xf32, #tpu.memory_space<vmem_shared>>
          tpu.wait_indirect_dma semaphore(%arg33 : memref<!tpu.dma_semaphore, #tpu.memory_space<semaphore_mem>>) src(%arg16 : memref<32x128xf32, #tpu.memory_space<vmem>>) dst(%dma_wait3A_1081 : memref<10240x128xf32, #tpu.memory_space<vmem_shared>>)
          %dma_start3A_1082 = arith.constant 6 : i32
          %dma_start3A_1083 = arith.constant 0 : i32
          %dma_start3A_1084 = tpu.memref_slice %arg8[%dma_start3A_1082, %dma_start3A_1083] : memref<16x32xi32, #tpu.memory_space<vmem>> -> memref<1x32xi32, #tpu.memory_space<vmem>>
          %dma_start3A_1085 = tpu.memref_squeeze %dma_start3A_1084 : memref<1x32xi32, #tpu.memory_space<vmem>> -> memref<32xi32, #tpu.memory_space<vmem>>
          %dma_start3A_1086 = arith.constant 0 : i32
          %dma_start3A_1087 = arith.constant 0 : i32
          %dma_start3A_1088 = tpu.memref_slice %arg2[%dma_start3A_1086, %dma_start3A_1087] : memref<10240x128xf32, #tpu.memory_space<hbm>> -> memref<10240x128xf32, #tpu.memory_space<hbm>>
          tpu.enqueue_indirect_dma source(%dma_start3A_1088 : memref<10240x128xf32, #tpu.memory_space<hbm>>) target(%arg16 : memref<32x128xf32, #tpu.memory_space<vmem>>) offsets(%dma_start3A_1085 : memref<32xi32, #tpu.memory_space<vmem>>) semaphore(%arg25 : memref<!tpu.dma_semaphore, #tpu.memory_space<semaphore_mem>>)
        } else {
        }
        %add3A_614 = arith.constant 1 : i32
        %add3A_615 = arith.addi %add3A_154, %add3A_614 : i32
        %mul3A_616 = arith.constant 16 : i32
        %mul3A_617 = arith.muli %add3A_615, %mul3A_616 : i32
        %add3A_618 = arith.constant 0 : i32
        %add3A_619 = arith.addi %mul3A_617, %add3A_618 : i32
        %add3A_620 = arith.constant 1 : i32
        %add3A_621 = arith.addi %add3A_615, %add3A_620 : i32
        %lt3A_622 = arith.constant 20 : i32
        %lt3A_623 = arith.cmpi slt, %add3A_621, %lt3A_622 : i32
        %convert_element_type3A_624 = arith.extui %lt3A_623 : i1 to i32
        %cond3A_625 = arith.constant 0 : i32
        %cond3A_626 = arith.cmpi ne, %convert_element_type3A_624, %cond3A_625 : i32
        scf.if %cond3A_626 {
          %add3A_1075 = arith.constant 1 : i32
          %add3A_1076 = arith.addi %add3A_615, %add3A_1075 : i32
          %mul3A_1077 = arith.constant 16 : i32
          %mul3A_1078 = arith.muli %add3A_1076, %mul3A_1077 : i32
          %add3A_1079 = arith.addi %mul3A_21, %mul3A_1078 : i32
          %dma_start3A_1080 = arith.constant 0 : i32
          %dma_start3A_1081 = tpu.memref_slice %arg3[%add3A_1079, %dma_start3A_1080] : memref<10240x32xi32, #tpu.memory_space<hbm>> -> memref<16x32xi32, #tpu.memory_space<hbm>>
          %dma_start3A_1082 = arith.constant 0 : i32
          %dma_start3A_1083 = tpu.memref_slice %arg3[%add3A_1079, %dma_start3A_1082] : memref<10240x32xi32, #tpu.memory_space<hbm>> -> memref<16x32xi32, #tpu.memory_space<hbm>>
          tpu.enqueue_dma source(%dma_start3A_1083 : memref<16x32xi32, #tpu.memory_space<hbm>>) target(%arg6 : memref<16x32xi32, #tpu.memory_space<vmem>>) target_semaphore(%arg35 : memref<!tpu.dma_semaphore, #tpu.memory_space<semaphore_mem>>)
          %dma_start3A_1084 = arith.constant 0 : i32
          %dma_start3A_1085 = tpu.memref_slice %arg4[%add3A_1079, %dma_start3A_1084] : memref<10240x32xi32, #tpu.memory_space<hbm>> -> memref<16x32xi32, #tpu.memory_space<hbm>>
          %dma_start3A_1086 = arith.constant 0 : i32
          %dma_start3A_1087 = tpu.memref_slice %arg4[%add3A_1079, %dma_start3A_1086] : memref<10240x32xi32, #tpu.memory_space<hbm>> -> memref<16x32xi32, #tpu.memory_space<hbm>>
          tpu.enqueue_dma source(%dma_start3A_1087 : memref<16x32xi32, #tpu.memory_space<hbm>>) target(%arg7 : memref<16x32xi32, #tpu.memory_space<vmem>>) target_semaphore(%arg35 : memref<!tpu.dma_semaphore, #tpu.memory_space<semaphore_mem>>)
        } else {
        }
        %dma_wait3A_627 = arith.constant 0 : i32
        %dma_wait3A_628 = arith.constant 0 : i32
        %dma_wait3A_629 = tpu.memref_slice %arg8[%dma_wait3A_627, %dma_wait3A_628] : memref<16x32xi32, #tpu.memory_space<vmem>> -> memref<1x32xi32, #tpu.memory_space<vmem>>
        %dma_wait3A_630 = tpu.memref_squeeze %dma_wait3A_629 : memref<1x32xi32, #tpu.memory_space<vmem>> -> memref<32xi32, #tpu.memory_space<vmem>>
        %dma_wait3A_631 = arith.constant 0 : i32
        %dma_wait3A_632 = arith.constant 0 : i32
        %dma_wait3A_633 = tpu.memref_slice %arg2[%dma_wait3A_631, %dma_wait3A_632] : memref<10240x128xf32, #tpu.memory_space<hbm>> -> memref<10240x128xf32, #tpu.memory_space<hbm>>
        tpu.wait_indirect_dma semaphore(%arg19 : memref<!tpu.dma_semaphore, #tpu.memory_space<semaphore_mem>>) src(%dma_wait3A_633 : memref<10240x128xf32, #tpu.memory_space<hbm>>) dst(%arg10 : memref<32x128xf32, #tpu.memory_space<vmem>>)
        %dma_start3A_634 = arith.constant 0 : i32
        %dma_start3A_635 = arith.constant 0 : i32
        %dma_start3A_636 = tpu.memref_slice %arg9[%dma_start3A_634, %dma_start3A_635] : memref<16x32xi32, #tpu.memory_space<vmem>> -> memref<1x32xi32, #tpu.memory_space<vmem>>
        %dma_start3A_637 = tpu.memref_squeeze %dma_start3A_636 : memref<1x32xi32, #tpu.memory_space<vmem>> -> memref<32xi32, #tpu.memory_space<vmem>>
        %dma_start3A_638 = arith.constant 0 : i32
        %dma_start3A_639 = arith.constant 0 : i32
        %dma_start3A_640 = tpu.memref_slice %arg18[%dma_start3A_638, %dma_start3A_639] : memref<10240x128xf32, #tpu.memory_space<vmem_shared>> -> memref<10240x128xf32, #tpu.memory_space<vmem_shared>>
        tpu.enqueue_indirect_dma source(%arg10 : memref<32x128xf32, #tpu.memory_space<vmem>>) target(%dma_start3A_640 : memref<10240x128xf32, #tpu.memory_space<vmem_shared>>) offsets(%dma_start3A_637 : memref<32xi32, #tpu.memory_space<vmem>>) semaphore(%arg27 : memref<!tpu.dma_semaphore, #tpu.memory_space<semaphore_mem>>) {add = true}
        %ge3A_641 = arith.constant 1 : i32
        %ge3A_642 = arith.cmpi sge, %add3A_619, %ge3A_641 : i32
        %convert_element_type3A_643 = arith.extui %ge3A_642 : i1 to i32
        %cond3A_644 = arith.constant 0 : i32
        %cond3A_645 = arith.cmpi ne, %convert_element_type3A_643, %cond3A_644 : i32
        scf.if %cond3A_645 {
          %dma_wait3A_1075 = arith.constant 7 : i32
          %dma_wait3A_1076 = arith.constant 0 : i32
          %dma_wait3A_1077 = tpu.memref_slice %arg9[%dma_wait3A_1075, %dma_wait3A_1076] : memref<16x32xi32, #tpu.memory_space<vmem>> -> memref<1x32xi32, #tpu.memory_space<vmem>>
          %dma_wait3A_1078 = tpu.memref_squeeze %dma_wait3A_1077 : memref<1x32xi32, #tpu.memory_space<vmem>> -> memref<32xi32, #tpu.memory_space<vmem>>
          %dma_wait3A_1079 = arith.constant 0 : i32
          %dma_wait3A_1080 = arith.constant 0 : i32
          %dma_wait3A_1081 = tpu.memref_slice %arg18[%dma_wait3A_1079, %dma_wait3A_1080] : memref<10240x128xf32, #tpu.memory_space<vmem_shared>> -> memref<10240x128xf32, #tpu.memory_space<vmem_shared>>
          tpu.wait_indirect_dma semaphore(%arg34 : memref<!tpu.dma_semaphore, #tpu.memory_space<semaphore_mem>>) src(%arg17 : memref<32x128xf32, #tpu.memory_space<vmem>>) dst(%dma_wait3A_1081 : memref<10240x128xf32, #tpu.memory_space<vmem_shared>>)
        } else {
        }
        %dma_start3A_646 = arith.constant 7 : i32
        %dma_start3A_647 = arith.constant 0 : i32
        %dma_start3A_648 = tpu.memref_slice %arg8[%dma_start3A_646, %dma_start3A_647] : memref<16x32xi32, #tpu.memory_space<vmem>> -> memref<1x32xi32, #tpu.memory_space<vmem>>
        %dma_start3A_649 = tpu.memref_squeeze %dma_start3A_648 : memref<1x32xi32, #tpu.memory_space<vmem>> -> memref<32xi32, #tpu.memory_space<vmem>>
        %dma_start3A_650 = arith.constant 0 : i32
        %dma_start3A_651 = arith.constant 0 : i32
        %dma_start3A_652 = tpu.memref_slice %arg2[%dma_start3A_650, %dma_start3A_651] : memref<10240x128xf32, #tpu.memory_space<hbm>> -> memref<10240x128xf32, #tpu.memory_space<hbm>>
        tpu.enqueue_indirect_dma source(%dma_start3A_652 : memref<10240x128xf32, #tpu.memory_space<hbm>>) target(%arg17 : memref<32x128xf32, #tpu.memory_space<vmem>>) offsets(%dma_start3A_649 : memref<32xi32, #tpu.memory_space<vmem>>) semaphore(%arg26 : memref<!tpu.dma_semaphore, #tpu.memory_space<semaphore_mem>>)
        %mul3A_653 = arith.constant 16 : i32
        %mul3A_654 = arith.muli %add3A_615, %mul3A_653 : i32
        %add3A_655 = arith.constant 1 : i32
        %add3A_656 = arith.addi %mul3A_654, %add3A_655 : i32
        %dma_wait3A_657 = arith.constant 1 : i32
        %dma_wait3A_658 = arith.constant 0 : i32
        %dma_wait3A_659 = tpu.memref_slice %arg8[%dma_wait3A_657, %dma_wait3A_658] : memref<16x32xi32, #tpu.memory_space<vmem>> -> memref<1x32xi32, #tpu.memory_space<vmem>>
        %dma_wait3A_660 = tpu.memref_squeeze %dma_wait3A_659 : memref<1x32xi32, #tpu.memory_space<vmem>> -> memref<32xi32, #tpu.memory_space<vmem>>
        %dma_wait3A_661 = arith.constant 0 : i32
        %dma_wait3A_662 = arith.constant 0 : i32
        %dma_wait3A_663 = tpu.memref_slice %arg2[%dma_wait3A_661, %dma_wait3A_662] : memref<10240x128xf32, #tpu.memory_space<hbm>> -> memref<10240x128xf32, #tpu.memory_space<hbm>>
        tpu.wait_indirect_dma semaphore(%arg20 : memref<!tpu.dma_semaphore, #tpu.memory_space<semaphore_mem>>) src(%dma_wait3A_663 : memref<10240x128xf32, #tpu.memory_space<hbm>>) dst(%arg11 : memref<32x128xf32, #tpu.memory_space<vmem>>)
        %dma_start3A_664 = arith.constant 1 : i32
        %dma_start3A_665 = arith.constant 0 : i32
        %dma_start3A_666 = tpu.memref_slice %arg9[%dma_start3A_664, %dma_start3A_665] : memref<16x32xi32, #tpu.memory_space<vmem>> -> memref<1x32xi32, #tpu.memory_space<vmem>>
        %dma_start3A_667 = tpu.memref_squeeze %dma_start3A_666 : memref<1x32xi32, #tpu.memory_space<vmem>> -> memref<32xi32, #tpu.memory_space<vmem>>
        %dma_start3A_668 = arith.constant 0 : i32
        %dma_start3A_669 = arith.constant 0 : i32
        %dma_start3A_670 = tpu.memref_slice %arg18[%dma_start3A_668, %dma_start3A_669] : memref<10240x128xf32, #tpu.memory_space<vmem_shared>> -> memref<10240x128xf32, #tpu.memory_space<vmem_shared>>
        tpu.enqueue_indirect_dma source(%arg11 : memref<32x128xf32, #tpu.memory_space<vmem>>) target(%dma_start3A_670 : memref<10240x128xf32, #tpu.memory_space<vmem_shared>>) offsets(%dma_start3A_667 : memref<32xi32, #tpu.memory_space<vmem>>) semaphore(%arg28 : memref<!tpu.dma_semaphore, #tpu.memory_space<semaphore_mem>>) {add = true}
        %ge3A_671 = arith.constant 1 : i32
        %ge3A_672 = arith.cmpi sge, %add3A_656, %ge3A_671 : i32
        %convert_element_type3A_673 = arith.extui %ge3A_672 : i1 to i32
        %cond3A_674 = arith.constant 0 : i32
        %cond3A_675 = arith.cmpi ne, %convert_element_type3A_673, %cond3A_674 : i32
        scf.if %cond3A_675 {
          %dma_wait3A_1075 = arith.constant 0 : i32
          %dma_wait3A_1076 = arith.constant 0 : i32
          %dma_wait3A_1077 = tpu.memref_slice %arg9[%dma_wait3A_1075, %dma_wait3A_1076] : memref<16x32xi32, #tpu.memory_space<vmem>> -> memref<1x32xi32, #tpu.memory_space<vmem>>
          %dma_wait3A_1078 = tpu.memref_squeeze %dma_wait3A_1077 : memref<1x32xi32, #tpu.memory_space<vmem>> -> memref<32xi32, #tpu.memory_space<vmem>>
          %dma_wait3A_1079 = arith.constant 0 : i32
          %dma_wait3A_1080 = arith.constant 0 : i32
          %dma_wait3A_1081 = tpu.memref_slice %arg18[%dma_wait3A_1079, %dma_wait3A_1080] : memref<10240x128xf32, #tpu.memory_space<vmem_shared>> -> memref<10240x128xf32, #tpu.memory_space<vmem_shared>>
          tpu.wait_indirect_dma semaphore(%arg27 : memref<!tpu.dma_semaphore, #tpu.memory_space<semaphore_mem>>) src(%arg10 : memref<32x128xf32, #tpu.memory_space<vmem>>) dst(%dma_wait3A_1081 : memref<10240x128xf32, #tpu.memory_space<vmem_shared>>)
        } else {
        }
        %dma_start3A_676 = arith.constant 8 : i32
        %dma_start3A_677 = arith.constant 0 : i32
        %dma_start3A_678 = tpu.memref_slice %arg8[%dma_start3A_676, %dma_start3A_677] : memref<16x32xi32, #tpu.memory_space<vmem>> -> memref<1x32xi32, #tpu.memory_space<vmem>>
        %dma_start3A_679 = tpu.memref_squeeze %dma_start3A_678 : memref<1x32xi32, #tpu.memory_space<vmem>> -> memref<32xi32, #tpu.memory_space<vmem>>
        %dma_start3A_680 = arith.constant 0 : i32
        %dma_start3A_681 = arith.constant 0 : i32
        %dma_start3A_682 = tpu.memref_slice %arg2[%dma_start3A_680, %dma_start3A_681] : memref<10240x128xf32, #tpu.memory_space<hbm>> -> memref<10240x128xf32, #tpu.memory_space<hbm>>
        tpu.enqueue_indirect_dma source(%dma_start3A_682 : memref<10240x128xf32, #tpu.memory_space<hbm>>) target(%arg10 : memref<32x128xf32, #tpu.memory_space<vmem>>) offsets(%dma_start3A_679 : memref<32xi32, #tpu.memory_space<vmem>>) semaphore(%arg19 : memref<!tpu.dma_semaphore, #tpu.memory_space<semaphore_mem>>)
        %mul3A_683 = arith.constant 16 : i32
        %mul3A_684 = arith.muli %add3A_615, %mul3A_683 : i32
        %add3A_685 = arith.constant 2 : i32
        %add3A_686 = arith.addi %mul3A_684, %add3A_685 : i32
        %dma_wait3A_687 = arith.constant 2 : i32
        %dma_wait3A_688 = arith.constant 0 : i32
        %dma_wait3A_689 = tpu.memref_slice %arg8[%dma_wait3A_687, %dma_wait3A_688] : memref<16x32xi32, #tpu.memory_space<vmem>> -> memref<1x32xi32, #tpu.memory_space<vmem>>
        %dma_wait3A_690 = tpu.memref_squeeze %dma_wait3A_689 : memref<1x32xi32, #tpu.memory_space<vmem>> -> memref<32xi32, #tpu.memory_space<vmem>>
        %dma_wait3A_691 = arith.constant 0 : i32
        %dma_wait3A_692 = arith.constant 0 : i32
        %dma_wait3A_693 = tpu.memref_slice %arg2[%dma_wait3A_691, %dma_wait3A_692] : memref<10240x128xf32, #tpu.memory_space<hbm>> -> memref<10240x128xf32, #tpu.memory_space<hbm>>
        tpu.wait_indirect_dma semaphore(%arg21 : memref<!tpu.dma_semaphore, #tpu.memory_space<semaphore_mem>>) src(%dma_wait3A_693 : memref<10240x128xf32, #tpu.memory_space<hbm>>) dst(%arg12 : memref<32x128xf32, #tpu.memory_space<vmem>>)
        %dma_start3A_694 = arith.constant 2 : i32
        %dma_start3A_695 = arith.constant 0 : i32
        %dma_start3A_696 = tpu.memref_slice %arg9[%dma_start3A_694, %dma_start3A_695] : memref<16x32xi32, #tpu.memory_space<vmem>> -> memref<1x32xi32, #tpu.memory_space<vmem>>
        %dma_start3A_697 = tpu.memref_squeeze %dma_start3A_696 : memref<1x32xi32, #tpu.memory_space<vmem>> -> memref<32xi32, #tpu.memory_space<vmem>>
        %dma_start3A_698 = arith.constant 0 : i32
        %dma_start3A_699 = arith.constant 0 : i32
        %dma_start3A_700 = tpu.memref_slice %arg18[%dma_start3A_698, %dma_start3A_699] : memref<10240x128xf32, #tpu.memory_space<vmem_shared>> -> memref<10240x128xf32, #tpu.memory_space<vmem_shared>>
        tpu.enqueue_indirect_dma source(%arg12 : memref<32x128xf32, #tpu.memory_space<vmem>>) target(%dma_start3A_700 : memref<10240x128xf32, #tpu.memory_space<vmem_shared>>) offsets(%dma_start3A_697 : memref<32xi32, #tpu.memory_space<vmem>>) semaphore(%arg29 : memref<!tpu.dma_semaphore, #tpu.memory_space<semaphore_mem>>) {add = true}
        %ge3A_701 = arith.constant 1 : i32
        %ge3A_702 = arith.cmpi sge, %add3A_686, %ge3A_701 : i32
        %convert_element_type3A_703 = arith.extui %ge3A_702 : i1 to i32
        %cond3A_704 = arith.constant 0 : i32
        %cond3A_705 = arith.cmpi ne, %convert_element_type3A_703, %cond3A_704 : i32
        scf.if %cond3A_705 {
          %dma_wait3A_1075 = arith.constant 1 : i32
          %dma_wait3A_1076 = arith.constant 0 : i32
          %dma_wait3A_1077 = tpu.memref_slice %arg9[%dma_wait3A_1075, %dma_wait3A_1076] : memref<16x32xi32, #tpu.memory_space<vmem>> -> memref<1x32xi32, #tpu.memory_space<vmem>>
          %dma_wait3A_1078 = tpu.memref_squeeze %dma_wait3A_1077 : memref<1x32xi32, #tpu.memory_space<vmem>> -> memref<32xi32, #tpu.memory_space<vmem>>
          %dma_wait3A_1079 = arith.constant 0 : i32
          %dma_wait3A_1080 = arith.constant 0 : i32
          %dma_wait3A_1081 = tpu.memref_slice %arg18[%dma_wait3A_1079, %dma_wait3A_1080] : memref<10240x128xf32, #tpu.memory_space<vmem_shared>> -> memref<10240x128xf32, #tpu.memory_space<vmem_shared>>
          tpu.wait_indirect_dma semaphore(%arg28 : memref<!tpu.dma_semaphore, #tpu.memory_space<semaphore_mem>>) src(%arg11 : memref<32x128xf32, #tpu.memory_space<vmem>>) dst(%dma_wait3A_1081 : memref<10240x128xf32, #tpu.memory_space<vmem_shared>>)
        } else {
        }
        %dma_start3A_706 = arith.constant 9 : i32
        %dma_start3A_707 = arith.constant 0 : i32
        %dma_start3A_708 = tpu.memref_slice %arg8[%dma_start3A_706, %dma_start3A_707] : memref<16x32xi32, #tpu.memory_space<vmem>> -> memref<1x32xi32, #tpu.memory_space<vmem>>
        %dma_start3A_709 = tpu.memref_squeeze %dma_start3A_708 : memref<1x32xi32, #tpu.memory_space<vmem>> -> memref<32xi32, #tpu.memory_space<vmem>>
        %dma_start3A_710 = arith.constant 0 : i32
        %dma_start3A_711 = arith.constant 0 : i32
        %dma_start3A_712 = tpu.memref_slice %arg2[%dma_start3A_710, %dma_start3A_711] : memref<10240x128xf32, #tpu.memory_space<hbm>> -> memref<10240x128xf32, #tpu.memory_space<hbm>>
        tpu.enqueue_indirect_dma source(%dma_start3A_712 : memref<10240x128xf32, #tpu.memory_space<hbm>>) target(%arg11 : memref<32x128xf32, #tpu.memory_space<vmem>>) offsets(%dma_start3A_709 : memref<32xi32, #tpu.memory_space<vmem>>) semaphore(%arg20 : memref<!tpu.dma_semaphore, #tpu.memory_space<semaphore_mem>>)
        %mul3A_713 = arith.constant 16 : i32
        %mul3A_714 = arith.muli %add3A_615, %mul3A_713 : i32
        %add3A_715 = arith.constant 3 : i32
        %add3A_716 = arith.addi %mul3A_714, %add3A_715 : i32
        %dma_wait3A_717 = arith.constant 3 : i32
        %dma_wait3A_718 = arith.constant 0 : i32
        %dma_wait3A_719 = tpu.memref_slice %arg8[%dma_wait3A_717, %dma_wait3A_718] : memref<16x32xi32, #tpu.memory_space<vmem>> -> memref<1x32xi32, #tpu.memory_space<vmem>>
        %dma_wait3A_720 = tpu.memref_squeeze %dma_wait3A_719 : memref<1x32xi32, #tpu.memory_space<vmem>> -> memref<32xi32, #tpu.memory_space<vmem>>
        %dma_wait3A_721 = arith.constant 0 : i32
        %dma_wait3A_722 = arith.constant 0 : i32
        %dma_wait3A_723 = tpu.memref_slice %arg2[%dma_wait3A_721, %dma_wait3A_722] : memref<10240x128xf32, #tpu.memory_space<hbm>> -> memref<10240x128xf32, #tpu.memory_space<hbm>>
        tpu.wait_indirect_dma semaphore(%arg22 : memref<!tpu.dma_semaphore, #tpu.memory_space<semaphore_mem>>) src(%dma_wait3A_723 : memref<10240x128xf32, #tpu.memory_space<hbm>>) dst(%arg13 : memref<32x128xf32, #tpu.memory_space<vmem>>)
        %dma_start3A_724 = arith.constant 3 : i32
        %dma_start3A_725 = arith.constant 0 : i32
        %dma_start3A_726 = tpu.memref_slice %arg9[%dma_start3A_724, %dma_start3A_725] : memref<16x32xi32, #tpu.memory_space<vmem>> -> memref<1x32xi32, #tpu.memory_space<vmem>>
        %dma_start3A_727 = tpu.memref_squeeze %dma_start3A_726 : memref<1x32xi32, #tpu.memory_space<vmem>> -> memref<32xi32, #tpu.memory_space<vmem>>
        %dma_start3A_728 = arith.constant 0 : i32
        %dma_start3A_729 = arith.constant 0 : i32
        %dma_start3A_730 = tpu.memref_slice %arg18[%dma_start3A_728, %dma_start3A_729] : memref<10240x128xf32, #tpu.memory_space<vmem_shared>> -> memref<10240x128xf32, #tpu.memory_space<vmem_shared>>
        tpu.enqueue_indirect_dma source(%arg13 : memref<32x128xf32, #tpu.memory_space<vmem>>) target(%dma_start3A_730 : memref<10240x128xf32, #tpu.memory_space<vmem_shared>>) offsets(%dma_start3A_727 : memref<32xi32, #tpu.memory_space<vmem>>) semaphore(%arg30 : memref<!tpu.dma_semaphore, #tpu.memory_space<semaphore_mem>>) {add = true}
        %ge3A_731 = arith.constant 1 : i32
        %ge3A_732 = arith.cmpi sge, %add3A_716, %ge3A_731 : i32
        %convert_element_type3A_733 = arith.extui %ge3A_732 : i1 to i32
        %cond3A_734 = arith.constant 0 : i32
        %cond3A_735 = arith.cmpi ne, %convert_element_type3A_733, %cond3A_734 : i32
        scf.if %cond3A_735 {
          %dma_wait3A_1075 = arith.constant 2 : i32
          %dma_wait3A_1076 = arith.constant 0 : i32
          %dma_wait3A_1077 = tpu.memref_slice %arg9[%dma_wait3A_1075, %dma_wait3A_1076] : memref<16x32xi32, #tpu.memory_space<vmem>> -> memref<1x32xi32, #tpu.memory_space<vmem>>
          %dma_wait3A_1078 = tpu.memref_squeeze %dma_wait3A_1077 : memref<1x32xi32, #tpu.memory_space<vmem>> -> memref<32xi32, #tpu.memory_space<vmem>>
          %dma_wait3A_1079 = arith.constant 0 : i32
          %dma_wait3A_1080 = arith.constant 0 : i32
          %dma_wait3A_1081 = tpu.memref_slice %arg18[%dma_wait3A_1079, %dma_wait3A_1080] : memref<10240x128xf32, #tpu.memory_space<vmem_shared>> -> memref<10240x128xf32, #tpu.memory_space<vmem_shared>>
          tpu.wait_indirect_dma semaphore(%arg29 : memref<!tpu.dma_semaphore, #tpu.memory_space<semaphore_mem>>) src(%arg12 : memref<32x128xf32, #tpu.memory_space<vmem>>) dst(%dma_wait3A_1081 : memref<10240x128xf32, #tpu.memory_space<vmem_shared>>)
        } else {
        }
        %dma_start3A_736 = arith.constant 10 : i32
        %dma_start3A_737 = arith.constant 0 : i32
        %dma_start3A_738 = tpu.memref_slice %arg8[%dma_start3A_736, %dma_start3A_737] : memref<16x32xi32, #tpu.memory_space<vmem>> -> memref<1x32xi32, #tpu.memory_space<vmem>>
        %dma_start3A_739 = tpu.memref_squeeze %dma_start3A_738 : memref<1x32xi32, #tpu.memory_space<vmem>> -> memref<32xi32, #tpu.memory_space<vmem>>
        %dma_start3A_740 = arith.constant 0 : i32
        %dma_start3A_741 = arith.constant 0 : i32
        %dma_start3A_742 = tpu.memref_slice %arg2[%dma_start3A_740, %dma_start3A_741] : memref<10240x128xf32, #tpu.memory_space<hbm>> -> memref<10240x128xf32, #tpu.memory_space<hbm>>
        tpu.enqueue_indirect_dma source(%dma_start3A_742 : memref<10240x128xf32, #tpu.memory_space<hbm>>) target(%arg12 : memref<32x128xf32, #tpu.memory_space<vmem>>) offsets(%dma_start3A_739 : memref<32xi32, #tpu.memory_space<vmem>>) semaphore(%arg21 : memref<!tpu.dma_semaphore, #tpu.memory_space<semaphore_mem>>)
        %mul3A_743 = arith.constant 16 : i32
        %mul3A_744 = arith.muli %add3A_615, %mul3A_743 : i32
        %add3A_745 = arith.constant 4 : i32
        %add3A_746 = arith.addi %mul3A_744, %add3A_745 : i32
        %dma_wait3A_747 = arith.constant 4 : i32
        %dma_wait3A_748 = arith.constant 0 : i32
        %dma_wait3A_749 = tpu.memref_slice %arg8[%dma_wait3A_747, %dma_wait3A_748] : memref<16x32xi32, #tpu.memory_space<vmem>> -> memref<1x32xi32, #tpu.memory_space<vmem>>
        %dma_wait3A_750 = tpu.memref_squeeze %dma_wait3A_749 : memref<1x32xi32, #tpu.memory_space<vmem>> -> memref<32xi32, #tpu.memory_space<vmem>>
        %dma_wait3A_751 = arith.constant 0 : i32
        %dma_wait3A_752 = arith.constant 0 : i32
        %dma_wait3A_753 = tpu.memref_slice %arg2[%dma_wait3A_751, %dma_wait3A_752] : memref<10240x128xf32, #tpu.memory_space<hbm>> -> memref<10240x128xf32, #tpu.memory_space<hbm>>
        tpu.wait_indirect_dma semaphore(%arg23 : memref<!tpu.dma_semaphore, #tpu.memory_space<semaphore_mem>>) src(%dma_wait3A_753 : memref<10240x128xf32, #tpu.memory_space<hbm>>) dst(%arg14 : memref<32x128xf32, #tpu.memory_space<vmem>>)
        %dma_start3A_754 = arith.constant 4 : i32
        %dma_start3A_755 = arith.constant 0 : i32
        %dma_start3A_756 = tpu.memref_slice %arg9[%dma_start3A_754, %dma_start3A_755] : memref<16x32xi32, #tpu.memory_space<vmem>> -> memref<1x32xi32, #tpu.memory_space<vmem>>
        %dma_start3A_757 = tpu.memref_squeeze %dma_start3A_756 : memref<1x32xi32, #tpu.memory_space<vmem>> -> memref<32xi32, #tpu.memory_space<vmem>>
        %dma_start3A_758 = arith.constant 0 : i32
        %dma_start3A_759 = arith.constant 0 : i32
        %dma_start3A_760 = tpu.memref_slice %arg18[%dma_start3A_758, %dma_start3A_759] : memref<10240x128xf32, #tpu.memory_space<vmem_shared>> -> memref<10240x128xf32, #tpu.memory_space<vmem_shared>>
        tpu.enqueue_indirect_dma source(%arg14 : memref<32x128xf32, #tpu.memory_space<vmem>>) target(%dma_start3A_760 : memref<10240x128xf32, #tpu.memory_space<vmem_shared>>) offsets(%dma_start3A_757 : memref<32xi32, #tpu.memory_space<vmem>>) semaphore(%arg31 : memref<!tpu.dma_semaphore, #tpu.memory_space<semaphore_mem>>) {add = true}
        %ge3A_761 = arith.constant 1 : i32
        %ge3A_762 = arith.cmpi sge, %add3A_746, %ge3A_761 : i32
        %convert_element_type3A_763 = arith.extui %ge3A_762 : i1 to i32
        %cond3A_764 = arith.constant 0 : i32
        %cond3A_765 = arith.cmpi ne, %convert_element_type3A_763, %cond3A_764 : i32
        scf.if %cond3A_765 {
          %dma_wait3A_1075 = arith.constant 3 : i32
          %dma_wait3A_1076 = arith.constant 0 : i32
          %dma_wait3A_1077 = tpu.memref_slice %arg9[%dma_wait3A_1075, %dma_wait3A_1076] : memref<16x32xi32, #tpu.memory_space<vmem>> -> memref<1x32xi32, #tpu.memory_space<vmem>>
          %dma_wait3A_1078 = tpu.memref_squeeze %dma_wait3A_1077 : memref<1x32xi32, #tpu.memory_space<vmem>> -> memref<32xi32, #tpu.memory_space<vmem>>
          %dma_wait3A_1079 = arith.constant 0 : i32
          %dma_wait3A_1080 = arith.constant 0 : i32
          %dma_wait3A_1081 = tpu.memref_slice %arg18[%dma_wait3A_1079, %dma_wait3A_1080] : memref<10240x128xf32, #tpu.memory_space<vmem_shared>> -> memref<10240x128xf32, #tpu.memory_space<vmem_shared>>
          tpu.wait_indirect_dma semaphore(%arg30 : memref<!tpu.dma_semaphore, #tpu.memory_space<semaphore_mem>>) src(%arg13 : memref<32x128xf32, #tpu.memory_space<vmem>>) dst(%dma_wait3A_1081 : memref<10240x128xf32, #tpu.memory_space<vmem_shared>>)
        } else {
        }
        %dma_start3A_766 = arith.constant 11 : i32
        %dma_start3A_767 = arith.constant 0 : i32
        %dma_start3A_768 = tpu.memref_slice %arg8[%dma_start3A_766, %dma_start3A_767] : memref<16x32xi32, #tpu.memory_space<vmem>> -> memref<1x32xi32, #tpu.memory_space<vmem>>
        %dma_start3A_769 = tpu.memref_squeeze %dma_start3A_768 : memref<1x32xi32, #tpu.memory_space<vmem>> -> memref<32xi32, #tpu.memory_space<vmem>>
        %dma_start3A_770 = arith.constant 0 : i32
        %dma_start3A_771 = arith.constant 0 : i32
        %dma_start3A_772 = tpu.memref_slice %arg2[%dma_start3A_770, %dma_start3A_771] : memref<10240x128xf32, #tpu.memory_space<hbm>> -> memref<10240x128xf32, #tpu.memory_space<hbm>>
        tpu.enqueue_indirect_dma source(%dma_start3A_772 : memref<10240x128xf32, #tpu.memory_space<hbm>>) target(%arg13 : memref<32x128xf32, #tpu.memory_space<vmem>>) offsets(%dma_start3A_769 : memref<32xi32, #tpu.memory_space<vmem>>) semaphore(%arg22 : memref<!tpu.dma_semaphore, #tpu.memory_space<semaphore_mem>>)
        %mul3A_773 = arith.constant 16 : i32
        %mul3A_774 = arith.muli %add3A_615, %mul3A_773 : i32
        %add3A_775 = arith.constant 5 : i32
        %add3A_776 = arith.addi %mul3A_774, %add3A_775 : i32
        %dma_wait3A_777 = arith.constant 5 : i32
        %dma_wait3A_778 = arith.constant 0 : i32
        %dma_wait3A_779 = tpu.memref_slice %arg8[%dma_wait3A_777, %dma_wait3A_778] : memref<16x32xi32, #tpu.memory_space<vmem>> -> memref<1x32xi32, #tpu.memory_space<vmem>>
        %dma_wait3A_780 = tpu.memref_squeeze %dma_wait3A_779 : memref<1x32xi32, #tpu.memory_space<vmem>> -> memref<32xi32, #tpu.memory_space<vmem>>
        %dma_wait3A_781 = arith.constant 0 : i32
        %dma_wait3A_782 = arith.constant 0 : i32
        %dma_wait3A_783 = tpu.memref_slice %arg2[%dma_wait3A_781, %dma_wait3A_782] : memref<10240x128xf32, #tpu.memory_space<hbm>> -> memref<10240x128xf32, #tpu.memory_space<hbm>>
        tpu.wait_indirect_dma semaphore(%arg24 : memref<!tpu.dma_semaphore, #tpu.memory_space<semaphore_mem>>) src(%dma_wait3A_783 : memref<10240x128xf32, #tpu.memory_space<hbm>>) dst(%arg15 : memref<32x128xf32, #tpu.memory_space<vmem>>)
        %dma_start3A_784 = arith.constant 5 : i32
        %dma_start3A_785 = arith.constant 0 : i32
        %dma_start3A_786 = tpu.memref_slice %arg9[%dma_start3A_784, %dma_start3A_785] : memref<16x32xi32, #tpu.memory_space<vmem>> -> memref<1x32xi32, #tpu.memory_space<vmem>>
        %dma_start3A_787 = tpu.memref_squeeze %dma_start3A_786 : memref<1x32xi32, #tpu.memory_space<vmem>> -> memref<32xi32, #tpu.memory_space<vmem>>
        %dma_start3A_788 = arith.constant 0 : i32
        %dma_start3A_789 = arith.constant 0 : i32
        %dma_start3A_790 = tpu.memref_slice %arg18[%dma_start3A_788, %dma_start3A_789] : memref<10240x128xf32, #tpu.memory_space<vmem_shared>> -> memref<10240x128xf32, #tpu.memory_space<vmem_shared>>
        tpu.enqueue_indirect_dma source(%arg15 : memref<32x128xf32, #tpu.memory_space<vmem>>) target(%dma_start3A_790 : memref<10240x128xf32, #tpu.memory_space<vmem_shared>>) offsets(%dma_start3A_787 : memref<32xi32, #tpu.memory_space<vmem>>) semaphore(%arg32 : memref<!tpu.dma_semaphore, #tpu.memory_space<semaphore_mem>>) {add = true}
        %ge3A_791 = arith.constant 1 : i32
        %ge3A_792 = arith.cmpi sge, %add3A_776, %ge3A_791 : i32
        %convert_element_type3A_793 = arith.extui %ge3A_792 : i1 to i32
        %cond3A_794 = arith.constant 0 : i32
        %cond3A_795 = arith.cmpi ne, %convert_element_type3A_793, %cond3A_794 : i32
        scf.if %cond3A_795 {
          %dma_wait3A_1075 = arith.constant 4 : i32
          %dma_wait3A_1076 = arith.constant 0 : i32
          %dma_wait3A_1077 = tpu.memref_slice %arg9[%dma_wait3A_1075, %dma_wait3A_1076] : memref<16x32xi32, #tpu.memory_space<vmem>> -> memref<1x32xi32, #tpu.memory_space<vmem>>
          %dma_wait3A_1078 = tpu.memref_squeeze %dma_wait3A_1077 : memref<1x32xi32, #tpu.memory_space<vmem>> -> memref<32xi32, #tpu.memory_space<vmem>>
          %dma_wait3A_1079 = arith.constant 0 : i32
          %dma_wait3A_1080 = arith.constant 0 : i32
          %dma_wait3A_1081 = tpu.memref_slice %arg18[%dma_wait3A_1079, %dma_wait3A_1080] : memref<10240x128xf32, #tpu.memory_space<vmem_shared>> -> memref<10240x128xf32, #tpu.memory_space<vmem_shared>>
          tpu.wait_indirect_dma semaphore(%arg31 : memref<!tpu.dma_semaphore, #tpu.memory_space<semaphore_mem>>) src(%arg14 : memref<32x128xf32, #tpu.memory_space<vmem>>) dst(%dma_wait3A_1081 : memref<10240x128xf32, #tpu.memory_space<vmem_shared>>)
        } else {
        }
        %dma_start3A_796 = arith.constant 12 : i32
        %dma_start3A_797 = arith.constant 0 : i32
        %dma_start3A_798 = tpu.memref_slice %arg8[%dma_start3A_796, %dma_start3A_797] : memref<16x32xi32, #tpu.memory_space<vmem>> -> memref<1x32xi32, #tpu.memory_space<vmem>>
        %dma_start3A_799 = tpu.memref_squeeze %dma_start3A_798 : memref<1x32xi32, #tpu.memory_space<vmem>> -> memref<32xi32, #tpu.memory_space<vmem>>
        %dma_start3A_800 = arith.constant 0 : i32
        %dma_start3A_801 = arith.constant 0 : i32
        %dma_start3A_802 = tpu.memref_slice %arg2[%dma_start3A_800, %dma_start3A_801] : memref<10240x128xf32, #tpu.memory_space<hbm>> -> memref<10240x128xf32, #tpu.memory_space<hbm>>
        tpu.enqueue_indirect_dma source(%dma_start3A_802 : memref<10240x128xf32, #tpu.memory_space<hbm>>) target(%arg14 : memref<32x128xf32, #tpu.memory_space<vmem>>) offsets(%dma_start3A_799 : memref<32xi32, #tpu.memory_space<vmem>>) semaphore(%arg23 : memref<!tpu.dma_semaphore, #tpu.memory_space<semaphore_mem>>)
        %mul3A_803 = arith.constant 16 : i32
        %mul3A_804 = arith.muli %add3A_615, %mul3A_803 : i32
        %add3A_805 = arith.constant 6 : i32
        %add3A_806 = arith.addi %mul3A_804, %add3A_805 : i32
        %dma_wait3A_807 = arith.constant 6 : i32
        %dma_wait3A_808 = arith.constant 0 : i32
        %dma_wait3A_809 = tpu.memref_slice %arg8[%dma_wait3A_807, %dma_wait3A_808] : memref<16x32xi32, #tpu.memory_space<vmem>> -> memref<1x32xi32, #tpu.memory_space<vmem>>
        %dma_wait3A_810 = tpu.memref_squeeze %dma_wait3A_809 : memref<1x32xi32, #tpu.memory_space<vmem>> -> memref<32xi32, #tpu.memory_space<vmem>>
        %dma_wait3A_811 = arith.constant 0 : i32
        %dma_wait3A_812 = arith.constant 0 : i32
        %dma_wait3A_813 = tpu.memref_slice %arg2[%dma_wait3A_811, %dma_wait3A_812] : memref<10240x128xf32, #tpu.memory_space<hbm>> -> memref<10240x128xf32, #tpu.memory_space<hbm>>
        tpu.wait_indirect_dma semaphore(%arg25 : memref<!tpu.dma_semaphore, #tpu.memory_space<semaphore_mem>>) src(%dma_wait3A_813 : memref<10240x128xf32, #tpu.memory_space<hbm>>) dst(%arg16 : memref<32x128xf32, #tpu.memory_space<vmem>>)
        %dma_start3A_814 = arith.constant 6 : i32
        %dma_start3A_815 = arith.constant 0 : i32
        %dma_start3A_816 = tpu.memref_slice %arg9[%dma_start3A_814, %dma_start3A_815] : memref<16x32xi32, #tpu.memory_space<vmem>> -> memref<1x32xi32, #tpu.memory_space<vmem>>
        %dma_start3A_817 = tpu.memref_squeeze %dma_start3A_816 : memref<1x32xi32, #tpu.memory_space<vmem>> -> memref<32xi32, #tpu.memory_space<vmem>>
        %dma_start3A_818 = arith.constant 0 : i32
        %dma_start3A_819 = arith.constant 0 : i32
        %dma_start3A_820 = tpu.memref_slice %arg18[%dma_start3A_818, %dma_start3A_819] : memref<10240x128xf32, #tpu.memory_space<vmem_shared>> -> memref<10240x128xf32, #tpu.memory_space<vmem_shared>>
        tpu.enqueue_indirect_dma source(%arg16 : memref<32x128xf32, #tpu.memory_space<vmem>>) target(%dma_start3A_820 : memref<10240x128xf32, #tpu.memory_space<vmem_shared>>) offsets(%dma_start3A_817 : memref<32xi32, #tpu.memory_space<vmem>>) semaphore(%arg33 : memref<!tpu.dma_semaphore, #tpu.memory_space<semaphore_mem>>) {add = true}
        %ge3A_821 = arith.constant 1 : i32
        %ge3A_822 = arith.cmpi sge, %add3A_806, %ge3A_821 : i32
        %convert_element_type3A_823 = arith.extui %ge3A_822 : i1 to i32
        %cond3A_824 = arith.constant 0 : i32
        %cond3A_825 = arith.cmpi ne, %convert_element_type3A_823, %cond3A_824 : i32
        scf.if %cond3A_825 {
          %dma_wait3A_1075 = arith.constant 5 : i32
          %dma_wait3A_1076 = arith.constant 0 : i32
          %dma_wait3A_1077 = tpu.memref_slice %arg9[%dma_wait3A_1075, %dma_wait3A_1076] : memref<16x32xi32, #tpu.memory_space<vmem>> -> memref<1x32xi32, #tpu.memory_space<vmem>>
          %dma_wait3A_1078 = tpu.memref_squeeze %dma_wait3A_1077 : memref<1x32xi32, #tpu.memory_space<vmem>> -> memref<32xi32, #tpu.memory_space<vmem>>
          %dma_wait3A_1079 = arith.constant 0 : i32
          %dma_wait3A_1080 = arith.constant 0 : i32
          %dma_wait3A_1081 = tpu.memref_slice %arg18[%dma_wait3A_1079, %dma_wait3A_1080] : memref<10240x128xf32, #tpu.memory_space<vmem_shared>> -> memref<10240x128xf32, #tpu.memory_space<vmem_shared>>
          tpu.wait_indirect_dma semaphore(%arg32 : memref<!tpu.dma_semaphore, #tpu.memory_space<semaphore_mem>>) src(%arg15 : memref<32x128xf32, #tpu.memory_space<vmem>>) dst(%dma_wait3A_1081 : memref<10240x128xf32, #tpu.memory_space<vmem_shared>>)
        } else {
        }
        %dma_start3A_826 = arith.constant 13 : i32
        %dma_start3A_827 = arith.constant 0 : i32
        %dma_start3A_828 = tpu.memref_slice %arg8[%dma_start3A_826, %dma_start3A_827] : memref<16x32xi32, #tpu.memory_space<vmem>> -> memref<1x32xi32, #tpu.memory_space<vmem>>
        %dma_start3A_829 = tpu.memref_squeeze %dma_start3A_828 : memref<1x32xi32, #tpu.memory_space<vmem>> -> memref<32xi32, #tpu.memory_space<vmem>>
        %dma_start3A_830 = arith.constant 0 : i32
        %dma_start3A_831 = arith.constant 0 : i32
        %dma_start3A_832 = tpu.memref_slice %arg2[%dma_start3A_830, %dma_start3A_831] : memref<10240x128xf32, #tpu.memory_space<hbm>> -> memref<10240x128xf32, #tpu.memory_space<hbm>>
        tpu.enqueue_indirect_dma source(%dma_start3A_832 : memref<10240x128xf32, #tpu.memory_space<hbm>>) target(%arg15 : memref<32x128xf32, #tpu.memory_space<vmem>>) offsets(%dma_start3A_829 : memref<32xi32, #tpu.memory_space<vmem>>) semaphore(%arg24 : memref<!tpu.dma_semaphore, #tpu.memory_space<semaphore_mem>>)
        %mul3A_833 = arith.constant 16 : i32
        %mul3A_834 = arith.muli %add3A_615, %mul3A_833 : i32
        %add3A_835 = arith.constant 7 : i32
        %add3A_836 = arith.addi %mul3A_834, %add3A_835 : i32
        %dma_wait3A_837 = arith.constant 7 : i32
        %dma_wait3A_838 = arith.constant 0 : i32
        %dma_wait3A_839 = tpu.memref_slice %arg8[%dma_wait3A_837, %dma_wait3A_838] : memref<16x32xi32, #tpu.memory_space<vmem>> -> memref<1x32xi32, #tpu.memory_space<vmem>>
        %dma_wait3A_840 = tpu.memref_squeeze %dma_wait3A_839 : memref<1x32xi32, #tpu.memory_space<vmem>> -> memref<32xi32, #tpu.memory_space<vmem>>
        %dma_wait3A_841 = arith.constant 0 : i32
        %dma_wait3A_842 = arith.constant 0 : i32
        %dma_wait3A_843 = tpu.memref_slice %arg2[%dma_wait3A_841, %dma_wait3A_842] : memref<10240x128xf32, #tpu.memory_space<hbm>> -> memref<10240x128xf32, #tpu.memory_space<hbm>>
        tpu.wait_indirect_dma semaphore(%arg26 : memref<!tpu.dma_semaphore, #tpu.memory_space<semaphore_mem>>) src(%dma_wait3A_843 : memref<10240x128xf32, #tpu.memory_space<hbm>>) dst(%arg17 : memref<32x128xf32, #tpu.memory_space<vmem>>)
        %dma_start3A_844 = arith.constant 7 : i32
        %dma_start3A_845 = arith.constant 0 : i32
        %dma_start3A_846 = tpu.memref_slice %arg9[%dma_start3A_844, %dma_start3A_845] : memref<16x32xi32, #tpu.memory_space<vmem>> -> memref<1x32xi32, #tpu.memory_space<vmem>>
        %dma_start3A_847 = tpu.memref_squeeze %dma_start3A_846 : memref<1x32xi32, #tpu.memory_space<vmem>> -> memref<32xi32, #tpu.memory_space<vmem>>
        %dma_start3A_848 = arith.constant 0 : i32
        %dma_start3A_849 = arith.constant 0 : i32
        %dma_start3A_850 = tpu.memref_slice %arg18[%dma_start3A_848, %dma_start3A_849] : memref<10240x128xf32, #tpu.memory_space<vmem_shared>> -> memref<10240x128xf32, #tpu.memory_space<vmem_shared>>
        tpu.enqueue_indirect_dma source(%arg17 : memref<32x128xf32, #tpu.memory_space<vmem>>) target(%dma_start3A_850 : memref<10240x128xf32, #tpu.memory_space<vmem_shared>>) offsets(%dma_start3A_847 : memref<32xi32, #tpu.memory_space<vmem>>) semaphore(%arg34 : memref<!tpu.dma_semaphore, #tpu.memory_space<semaphore_mem>>) {add = true}
        %ge3A_851 = arith.constant 1 : i32
        %ge3A_852 = arith.cmpi sge, %add3A_836, %ge3A_851 : i32
        %convert_element_type3A_853 = arith.extui %ge3A_852 : i1 to i32
        %cond3A_854 = arith.constant 0 : i32
        %cond3A_855 = arith.cmpi ne, %convert_element_type3A_853, %cond3A_854 : i32
        scf.if %cond3A_855 {
          %dma_wait3A_1075 = arith.constant 6 : i32
          %dma_wait3A_1076 = arith.constant 0 : i32
          %dma_wait3A_1077 = tpu.memref_slice %arg9[%dma_wait3A_1075, %dma_wait3A_1076] : memref<16x32xi32, #tpu.memory_space<vmem>> -> memref<1x32xi32, #tpu.memory_space<vmem>>
          %dma_wait3A_1078 = tpu.memref_squeeze %dma_wait3A_1077 : memref<1x32xi32, #tpu.memory_space<vmem>> -> memref<32xi32, #tpu.memory_space<vmem>>
          %dma_wait3A_1079 = arith.constant 0 : i32
          %dma_wait3A_1080 = arith.constant 0 : i32
          %dma_wait3A_1081 = tpu.memref_slice %arg18[%dma_wait3A_1079, %dma_wait3A_1080] : memref<10240x128xf32, #tpu.memory_space<vmem_shared>> -> memref<10240x128xf32, #tpu.memory_space<vmem_shared>>
          tpu.wait_indirect_dma semaphore(%arg33 : memref<!tpu.dma_semaphore, #tpu.memory_space<semaphore_mem>>) src(%arg16 : memref<32x128xf32, #tpu.memory_space<vmem>>) dst(%dma_wait3A_1081 : memref<10240x128xf32, #tpu.memory_space<vmem_shared>>)
        } else {
        }
        %dma_start3A_856 = arith.constant 14 : i32
        %dma_start3A_857 = arith.constant 0 : i32
        %dma_start3A_858 = tpu.memref_slice %arg8[%dma_start3A_856, %dma_start3A_857] : memref<16x32xi32, #tpu.memory_space<vmem>> -> memref<1x32xi32, #tpu.memory_space<vmem>>
        %dma_start3A_859 = tpu.memref_squeeze %dma_start3A_858 : memref<1x32xi32, #tpu.memory_space<vmem>> -> memref<32xi32, #tpu.memory_space<vmem>>
        %dma_start3A_860 = arith.constant 0 : i32
        %dma_start3A_861 = arith.constant 0 : i32
        %dma_start3A_862 = tpu.memref_slice %arg2[%dma_start3A_860, %dma_start3A_861] : memref<10240x128xf32, #tpu.memory_space<hbm>> -> memref<10240x128xf32, #tpu.memory_space<hbm>>
        tpu.enqueue_indirect_dma source(%dma_start3A_862 : memref<10240x128xf32, #tpu.memory_space<hbm>>) target(%arg16 : memref<32x128xf32, #tpu.memory_space<vmem>>) offsets(%dma_start3A_859 : memref<32xi32, #tpu.memory_space<vmem>>) semaphore(%arg25 : memref<!tpu.dma_semaphore, #tpu.memory_space<semaphore_mem>>)
        %mul3A_863 = arith.constant 16 : i32
        %mul3A_864 = arith.muli %add3A_615, %mul3A_863 : i32
        %add3A_865 = arith.constant 8 : i32
        %add3A_866 = arith.addi %mul3A_864, %add3A_865 : i32
        %dma_wait3A_867 = arith.constant 8 : i32
        %dma_wait3A_868 = arith.constant 0 : i32
        %dma_wait3A_869 = tpu.memref_slice %arg8[%dma_wait3A_867, %dma_wait3A_868] : memref<16x32xi32, #tpu.memory_space<vmem>> -> memref<1x32xi32, #tpu.memory_space<vmem>>
        %dma_wait3A_870 = tpu.memref_squeeze %dma_wait3A_869 : memref<1x32xi32, #tpu.memory_space<vmem>> -> memref<32xi32, #tpu.memory_space<vmem>>
        %dma_wait3A_871 = arith.constant 0 : i32
        %dma_wait3A_872 = arith.constant 0 : i32
        %dma_wait3A_873 = tpu.memref_slice %arg2[%dma_wait3A_871, %dma_wait3A_872] : memref<10240x128xf32, #tpu.memory_space<hbm>> -> memref<10240x128xf32, #tpu.memory_space<hbm>>
        tpu.wait_indirect_dma semaphore(%arg19 : memref<!tpu.dma_semaphore, #tpu.memory_space<semaphore_mem>>) src(%dma_wait3A_873 : memref<10240x128xf32, #tpu.memory_space<hbm>>) dst(%arg10 : memref<32x128xf32, #tpu.memory_space<vmem>>)
        %dma_start3A_874 = arith.constant 8 : i32
        %dma_start3A_875 = arith.constant 0 : i32
        %dma_start3A_876 = tpu.memref_slice %arg9[%dma_start3A_874, %dma_start3A_875] : memref<16x32xi32, #tpu.memory_space<vmem>> -> memref<1x32xi32, #tpu.memory_space<vmem>>
        %dma_start3A_877 = tpu.memref_squeeze %dma_start3A_876 : memref<1x32xi32, #tpu.memory_space<vmem>> -> memref<32xi32, #tpu.memory_space<vmem>>
        %dma_start3A_878 = arith.constant 0 : i32
        %dma_start3A_879 = arith.constant 0 : i32
        %dma_start3A_880 = tpu.memref_slice %arg18[%dma_start3A_878, %dma_start3A_879] : memref<10240x128xf32, #tpu.memory_space<vmem_shared>> -> memref<10240x128xf32, #tpu.memory_space<vmem_shared>>
        tpu.enqueue_indirect_dma source(%arg10 : memref<32x128xf32, #tpu.memory_space<vmem>>) target(%dma_start3A_880 : memref<10240x128xf32, #tpu.memory_space<vmem_shared>>) offsets(%dma_start3A_877 : memref<32xi32, #tpu.memory_space<vmem>>) semaphore(%arg27 : memref<!tpu.dma_semaphore, #tpu.memory_space<semaphore_mem>>) {add = true}
        %ge3A_881 = arith.constant 1 : i32
        %ge3A_882 = arith.cmpi sge, %add3A_866, %ge3A_881 : i32
        %convert_element_type3A_883 = arith.extui %ge3A_882 : i1 to i32
        %cond3A_884 = arith.constant 0 : i32
        %cond3A_885 = arith.cmpi ne, %convert_element_type3A_883, %cond3A_884 : i32
        scf.if %cond3A_885 {
          %dma_wait3A_1075 = arith.constant 7 : i32
          %dma_wait3A_1076 = arith.constant 0 : i32
          %dma_wait3A_1077 = tpu.memref_slice %arg9[%dma_wait3A_1075, %dma_wait3A_1076] : memref<16x32xi32, #tpu.memory_space<vmem>> -> memref<1x32xi32, #tpu.memory_space<vmem>>
          %dma_wait3A_1078 = tpu.memref_squeeze %dma_wait3A_1077 : memref<1x32xi32, #tpu.memory_space<vmem>> -> memref<32xi32, #tpu.memory_space<vmem>>
          %dma_wait3A_1079 = arith.constant 0 : i32
          %dma_wait3A_1080 = arith.constant 0 : i32
          %dma_wait3A_1081 = tpu.memref_slice %arg18[%dma_wait3A_1079, %dma_wait3A_1080] : memref<10240x128xf32, #tpu.memory_space<vmem_shared>> -> memref<10240x128xf32, #tpu.memory_space<vmem_shared>>
          tpu.wait_indirect_dma semaphore(%arg34 : memref<!tpu.dma_semaphore, #tpu.memory_space<semaphore_mem>>) src(%arg17 : memref<32x128xf32, #tpu.memory_space<vmem>>) dst(%dma_wait3A_1081 : memref<10240x128xf32, #tpu.memory_space<vmem_shared>>)
        } else {
        }
        %dma_start3A_886 = arith.constant 15 : i32
        %dma_start3A_887 = arith.constant 0 : i32
        %dma_start3A_888 = tpu.memref_slice %arg8[%dma_start3A_886, %dma_start3A_887] : memref<16x32xi32, #tpu.memory_space<vmem>> -> memref<1x32xi32, #tpu.memory_space<vmem>>
        %dma_start3A_889 = tpu.memref_squeeze %dma_start3A_888 : memref<1x32xi32, #tpu.memory_space<vmem>> -> memref<32xi32, #tpu.memory_space<vmem>>
        %dma_start3A_890 = arith.constant 0 : i32
        %dma_start3A_891 = arith.constant 0 : i32
        %dma_start3A_892 = tpu.memref_slice %arg2[%dma_start3A_890, %dma_start3A_891] : memref<10240x128xf32, #tpu.memory_space<hbm>> -> memref<10240x128xf32, #tpu.memory_space<hbm>>
        tpu.enqueue_indirect_dma source(%dma_start3A_892 : memref<10240x128xf32, #tpu.memory_space<hbm>>) target(%arg17 : memref<32x128xf32, #tpu.memory_space<vmem>>) offsets(%dma_start3A_889 : memref<32xi32, #tpu.memory_space<vmem>>) semaphore(%arg26 : memref<!tpu.dma_semaphore, #tpu.memory_space<semaphore_mem>>)
        %mul3A_893 = arith.constant 16 : i32
        %mul3A_894 = arith.muli %add3A_615, %mul3A_893 : i32
        %add3A_895 = arith.constant 9 : i32
        %add3A_896 = arith.addi %mul3A_894, %add3A_895 : i32
        %dma_wait3A_897 = arith.constant 9 : i32
        %dma_wait3A_898 = arith.constant 0 : i32
        %dma_wait3A_899 = tpu.memref_slice %arg8[%dma_wait3A_897, %dma_wait3A_898] : memref<16x32xi32, #tpu.memory_space<vmem>> -> memref<1x32xi32, #tpu.memory_space<vmem>>
        %dma_wait3A_900 = tpu.memref_squeeze %dma_wait3A_899 : memref<1x32xi32, #tpu.memory_space<vmem>> -> memref<32xi32, #tpu.memory_space<vmem>>
        %dma_wait3A_901 = arith.constant 0 : i32
        %dma_wait3A_902 = arith.constant 0 : i32
        %dma_wait3A_903 = tpu.memref_slice %arg2[%dma_wait3A_901, %dma_wait3A_902] : memref<10240x128xf32, #tpu.memory_space<hbm>> -> memref<10240x128xf32, #tpu.memory_space<hbm>>
        tpu.wait_indirect_dma semaphore(%arg20 : memref<!tpu.dma_semaphore, #tpu.memory_space<semaphore_mem>>) src(%dma_wait3A_903 : memref<10240x128xf32, #tpu.memory_space<hbm>>) dst(%arg11 : memref<32x128xf32, #tpu.memory_space<vmem>>)
        %dma_start3A_904 = arith.constant 9 : i32
        %dma_start3A_905 = arith.constant 0 : i32
        %dma_start3A_906 = tpu.memref_slice %arg9[%dma_start3A_904, %dma_start3A_905] : memref<16x32xi32, #tpu.memory_space<vmem>> -> memref<1x32xi32, #tpu.memory_space<vmem>>
        %dma_start3A_907 = tpu.memref_squeeze %dma_start3A_906 : memref<1x32xi32, #tpu.memory_space<vmem>> -> memref<32xi32, #tpu.memory_space<vmem>>
        %dma_start3A_908 = arith.constant 0 : i32
        %dma_start3A_909 = arith.constant 0 : i32
        %dma_start3A_910 = tpu.memref_slice %arg18[%dma_start3A_908, %dma_start3A_909] : memref<10240x128xf32, #tpu.memory_space<vmem_shared>> -> memref<10240x128xf32, #tpu.memory_space<vmem_shared>>
        tpu.enqueue_indirect_dma source(%arg11 : memref<32x128xf32, #tpu.memory_space<vmem>>) target(%dma_start3A_910 : memref<10240x128xf32, #tpu.memory_space<vmem_shared>>) offsets(%dma_start3A_907 : memref<32xi32, #tpu.memory_space<vmem>>) semaphore(%arg28 : memref<!tpu.dma_semaphore, #tpu.memory_space<semaphore_mem>>) {add = true}
        %add3A_911 = arith.constant 1 : i32
        %add3A_912 = arith.addi %add3A_615, %add3A_911 : i32
        %lt3A_913 = arith.constant 20 : i32
        %lt3A_914 = arith.cmpi slt, %add3A_912, %lt3A_913 : i32
        %convert_element_type3A_915 = arith.extui %lt3A_914 : i1 to i32
        %cond3A_916 = arith.constant 0 : i32
        %cond3A_917 = arith.cmpi ne, %convert_element_type3A_915, %cond3A_916 : i32
        scf.if %cond3A_917 {
          %add3A_1075 = arith.constant 1 : i32
          %add3A_1076 = arith.addi %add3A_615, %add3A_1075 : i32
          %mul3A_1077 = arith.constant 16 : i32
          %mul3A_1078 = arith.muli %add3A_1076, %mul3A_1077 : i32
          %add3A_1079 = arith.addi %mul3A_21, %mul3A_1078 : i32
          %dma_wait3A_1080 = arith.constant 0 : i32
          %dma_wait3A_1081 = tpu.memref_slice %arg3[%add3A_1079, %dma_wait3A_1080] : memref<10240x32xi32, #tpu.memory_space<hbm>> -> memref<16x32xi32, #tpu.memory_space<hbm>>
          %dma_wait3A_1082 = arith.constant 0 : i32
          %dma_wait3A_1083 = tpu.memref_slice %arg3[%add3A_1079, %dma_wait3A_1082] : memref<10240x32xi32, #tpu.memory_space<hbm>> -> memref<16x32xi32, #tpu.memory_space<hbm>>
          tpu.wait_dma2 semaphore(%arg35 : memref<!tpu.dma_semaphore, #tpu.memory_space<semaphore_mem>>) src(%dma_wait3A_1083 : memref<16x32xi32, #tpu.memory_space<hbm>>) dst(%arg6 : memref<16x32xi32, #tpu.memory_space<vmem>>)
          %dma_wait3A_1084 = arith.constant 0 : i32
          %dma_wait3A_1085 = tpu.memref_slice %arg4[%add3A_1079, %dma_wait3A_1084] : memref<10240x32xi32, #tpu.memory_space<hbm>> -> memref<16x32xi32, #tpu.memory_space<hbm>>
          %dma_wait3A_1086 = arith.constant 0 : i32
          %dma_wait3A_1087 = tpu.memref_slice %arg4[%add3A_1079, %dma_wait3A_1086] : memref<10240x32xi32, #tpu.memory_space<hbm>> -> memref<16x32xi32, #tpu.memory_space<hbm>>
          tpu.wait_dma2 semaphore(%arg35 : memref<!tpu.dma_semaphore, #tpu.memory_space<semaphore_mem>>) src(%dma_wait3A_1087 : memref<16x32xi32, #tpu.memory_space<hbm>>) dst(%arg7 : memref<16x32xi32, #tpu.memory_space<vmem>>)
        } else {
        }
        %add3A_918 = arith.constant 1 : i32
        %add3A_919 = arith.addi %add3A_615, %add3A_918 : i32
        %lt3A_920 = arith.constant 20 : i32
        %lt3A_921 = arith.cmpi slt, %add3A_919, %lt3A_920 : i32
        %convert_element_type3A_922 = arith.extui %lt3A_921 : i1 to i32
        %cond3A_923 = arith.constant 0 : i32
        %cond3A_924 = arith.cmpi ne, %convert_element_type3A_922, %cond3A_923 : i32
        scf.if %cond3A_924 {
          %dma_wait3A_1075 = arith.constant 0 : i32
          %dma_wait3A_1076 = arith.constant 0 : i32
          %dma_wait3A_1077 = tpu.memref_slice %arg9[%dma_wait3A_1075, %dma_wait3A_1076] : memref<16x32xi32, #tpu.memory_space<vmem>> -> memref<1x32xi32, #tpu.memory_space<vmem>>
          %dma_wait3A_1078 = tpu.memref_squeeze %dma_wait3A_1077 : memref<1x32xi32, #tpu.memory_space<vmem>> -> memref<32xi32, #tpu.memory_space<vmem>>
          %dma_wait3A_1079 = arith.constant 0 : i32
          %dma_wait3A_1080 = arith.constant 0 : i32
          %dma_wait3A_1081 = tpu.memref_slice %arg18[%dma_wait3A_1079, %dma_wait3A_1080] : memref<10240x128xf32, #tpu.memory_space<vmem_shared>> -> memref<10240x128xf32, #tpu.memory_space<vmem_shared>>
          tpu.wait_indirect_dma semaphore(%arg27 : memref<!tpu.dma_semaphore, #tpu.memory_space<semaphore_mem>>) src(%arg10 : memref<32x128xf32, #tpu.memory_space<vmem>>) dst(%dma_wait3A_1081 : memref<10240x128xf32, #tpu.memory_space<vmem_shared>>)
          %dma_start3A_1082 = arith.constant 0 : i32
          %dma_start3A_1083 = arith.constant 0 : i32
          %dma_start3A_1084 = tpu.memref_slice %arg6[%dma_start3A_1082, %dma_start3A_1083] : memref<16x32xi32, #tpu.memory_space<vmem>> -> memref<1x32xi32, #tpu.memory_space<vmem>>
          %dma_start3A_1085 = tpu.memref_squeeze %dma_start3A_1084 : memref<1x32xi32, #tpu.memory_space<vmem>> -> memref<32xi32, #tpu.memory_space<vmem>>
          %dma_start3A_1086 = arith.constant 0 : i32
          %dma_start3A_1087 = arith.constant 0 : i32
          %dma_start3A_1088 = tpu.memref_slice %arg2[%dma_start3A_1086, %dma_start3A_1087] : memref<10240x128xf32, #tpu.memory_space<hbm>> -> memref<10240x128xf32, #tpu.memory_space<hbm>>
          tpu.enqueue_indirect_dma source(%dma_start3A_1088 : memref<10240x128xf32, #tpu.memory_space<hbm>>) target(%arg10 : memref<32x128xf32, #tpu.memory_space<vmem>>) offsets(%dma_start3A_1085 : memref<32xi32, #tpu.memory_space<vmem>>) semaphore(%arg19 : memref<!tpu.dma_semaphore, #tpu.memory_space<semaphore_mem>>)
        } else {
        }
        %mul3A_925 = arith.constant 16 : i32
        %mul3A_926 = arith.muli %add3A_615, %mul3A_925 : i32
        %add3A_927 = arith.constant 10 : i32
        %add3A_928 = arith.addi %mul3A_926, %add3A_927 : i32
        %dma_wait3A_929 = arith.constant 10 : i32
        %dma_wait3A_930 = arith.constant 0 : i32
        %dma_wait3A_931 = tpu.memref_slice %arg8[%dma_wait3A_929, %dma_wait3A_930] : memref<16x32xi32, #tpu.memory_space<vmem>> -> memref<1x32xi32, #tpu.memory_space<vmem>>
        %dma_wait3A_932 = tpu.memref_squeeze %dma_wait3A_931 : memref<1x32xi32, #tpu.memory_space<vmem>> -> memref<32xi32, #tpu.memory_space<vmem>>
        %dma_wait3A_933 = arith.constant 0 : i32
        %dma_wait3A_934 = arith.constant 0 : i32
        %dma_wait3A_935 = tpu.memref_slice %arg2[%dma_wait3A_933, %dma_wait3A_934] : memref<10240x128xf32, #tpu.memory_space<hbm>> -> memref<10240x128xf32, #tpu.memory_space<hbm>>
        tpu.wait_indirect_dma semaphore(%arg21 : memref<!tpu.dma_semaphore, #tpu.memory_space<semaphore_mem>>) src(%dma_wait3A_935 : memref<10240x128xf32, #tpu.memory_space<hbm>>) dst(%arg12 : memref<32x128xf32, #tpu.memory_space<vmem>>)
        %dma_start3A_936 = arith.constant 10 : i32
        %dma_start3A_937 = arith.constant 0 : i32
        %dma_start3A_938 = tpu.memref_slice %arg9[%dma_start3A_936, %dma_start3A_937] : memref<16x32xi32, #tpu.memory_space<vmem>> -> memref<1x32xi32, #tpu.memory_space<vmem>>
        %dma_start3A_939 = tpu.memref_squeeze %dma_start3A_938 : memref<1x32xi32, #tpu.memory_space<vmem>> -> memref<32xi32, #tpu.memory_space<vmem>>
        %dma_start3A_940 = arith.constant 0 : i32
        %dma_start3A_941 = arith.constant 0 : i32
        %dma_start3A_942 = tpu.memref_slice %arg18[%dma_start3A_940, %dma_start3A_941] : memref<10240x128xf32, #tpu.memory_space<vmem_shared>> -> memref<10240x128xf32, #tpu.memory_space<vmem_shared>>
        tpu.enqueue_indirect_dma source(%arg12 : memref<32x128xf32, #tpu.memory_space<vmem>>) target(%dma_start3A_942 : memref<10240x128xf32, #tpu.memory_space<vmem_shared>>) offsets(%dma_start3A_939 : memref<32xi32, #tpu.memory_space<vmem>>) semaphore(%arg29 : memref<!tpu.dma_semaphore, #tpu.memory_space<semaphore_mem>>) {add = true}
        %add3A_943 = arith.constant 1 : i32
        %add3A_944 = arith.addi %add3A_615, %add3A_943 : i32
        %lt3A_945 = arith.constant 20 : i32
        %lt3A_946 = arith.cmpi slt, %add3A_944, %lt3A_945 : i32
        %convert_element_type3A_947 = arith.extui %lt3A_946 : i1 to i32
        %cond3A_948 = arith.constant 0 : i32
        %cond3A_949 = arith.cmpi ne, %convert_element_type3A_947, %cond3A_948 : i32
        scf.if %cond3A_949 {
          %dma_wait3A_1075 = arith.constant 1 : i32
          %dma_wait3A_1076 = arith.constant 0 : i32
          %dma_wait3A_1077 = tpu.memref_slice %arg9[%dma_wait3A_1075, %dma_wait3A_1076] : memref<16x32xi32, #tpu.memory_space<vmem>> -> memref<1x32xi32, #tpu.memory_space<vmem>>
          %dma_wait3A_1078 = tpu.memref_squeeze %dma_wait3A_1077 : memref<1x32xi32, #tpu.memory_space<vmem>> -> memref<32xi32, #tpu.memory_space<vmem>>
          %dma_wait3A_1079 = arith.constant 0 : i32
          %dma_wait3A_1080 = arith.constant 0 : i32
          %dma_wait3A_1081 = tpu.memref_slice %arg18[%dma_wait3A_1079, %dma_wait3A_1080] : memref<10240x128xf32, #tpu.memory_space<vmem_shared>> -> memref<10240x128xf32, #tpu.memory_space<vmem_shared>>
          tpu.wait_indirect_dma semaphore(%arg28 : memref<!tpu.dma_semaphore, #tpu.memory_space<semaphore_mem>>) src(%arg11 : memref<32x128xf32, #tpu.memory_space<vmem>>) dst(%dma_wait3A_1081 : memref<10240x128xf32, #tpu.memory_space<vmem_shared>>)
          %dma_start3A_1082 = arith.constant 1 : i32
          %dma_start3A_1083 = arith.constant 0 : i32
          %dma_start3A_1084 = tpu.memref_slice %arg6[%dma_start3A_1082, %dma_start3A_1083] : memref<16x32xi32, #tpu.memory_space<vmem>> -> memref<1x32xi32, #tpu.memory_space<vmem>>
          %dma_start3A_1085 = tpu.memref_squeeze %dma_start3A_1084 : memref<1x32xi32, #tpu.memory_space<vmem>> -> memref<32xi32, #tpu.memory_space<vmem>>
          %dma_start3A_1086 = arith.constant 0 : i32
          %dma_start3A_1087 = arith.constant 0 : i32
          %dma_start3A_1088 = tpu.memref_slice %arg2[%dma_start3A_1086, %dma_start3A_1087] : memref<10240x128xf32, #tpu.memory_space<hbm>> -> memref<10240x128xf32, #tpu.memory_space<hbm>>
          tpu.enqueue_indirect_dma source(%dma_start3A_1088 : memref<10240x128xf32, #tpu.memory_space<hbm>>) target(%arg11 : memref<32x128xf32, #tpu.memory_space<vmem>>) offsets(%dma_start3A_1085 : memref<32xi32, #tpu.memory_space<vmem>>) semaphore(%arg20 : memref<!tpu.dma_semaphore, #tpu.memory_space<semaphore_mem>>)
        } else {
        }
        %mul3A_950 = arith.constant 16 : i32
        %mul3A_951 = arith.muli %add3A_615, %mul3A_950 : i32
        %add3A_952 = arith.constant 11 : i32
        %add3A_953 = arith.addi %mul3A_951, %add3A_952 : i32
        %dma_wait3A_954 = arith.constant 11 : i32
        %dma_wait3A_955 = arith.constant 0 : i32
        %dma_wait3A_956 = tpu.memref_slice %arg8[%dma_wait3A_954, %dma_wait3A_955] : memref<16x32xi32, #tpu.memory_space<vmem>> -> memref<1x32xi32, #tpu.memory_space<vmem>>
        %dma_wait3A_957 = tpu.memref_squeeze %dma_wait3A_956 : memref<1x32xi32, #tpu.memory_space<vmem>> -> memref<32xi32, #tpu.memory_space<vmem>>
        %dma_wait3A_958 = arith.constant 0 : i32
        %dma_wait3A_959 = arith.constant 0 : i32
        %dma_wait3A_960 = tpu.memref_slice %arg2[%dma_wait3A_958, %dma_wait3A_959] : memref<10240x128xf32, #tpu.memory_space<hbm>> -> memref<10240x128xf32, #tpu.memory_space<hbm>>
        tpu.wait_indirect_dma semaphore(%arg22 : memref<!tpu.dma_semaphore, #tpu.memory_space<semaphore_mem>>) src(%dma_wait3A_960 : memref<10240x128xf32, #tpu.memory_space<hbm>>) dst(%arg13 : memref<32x128xf32, #tpu.memory_space<vmem>>)
        %dma_start3A_961 = arith.constant 11 : i32
        %dma_start3A_962 = arith.constant 0 : i32
        %dma_start3A_963 = tpu.memref_slice %arg9[%dma_start3A_961, %dma_start3A_962] : memref<16x32xi32, #tpu.memory_space<vmem>> -> memref<1x32xi32, #tpu.memory_space<vmem>>
        %dma_start3A_964 = tpu.memref_squeeze %dma_start3A_963 : memref<1x32xi32, #tpu.memory_space<vmem>> -> memref<32xi32, #tpu.memory_space<vmem>>
        %dma_start3A_965 = arith.constant 0 : i32
        %dma_start3A_966 = arith.constant 0 : i32
        %dma_start3A_967 = tpu.memref_slice %arg18[%dma_start3A_965, %dma_start3A_966] : memref<10240x128xf32, #tpu.memory_space<vmem_shared>> -> memref<10240x128xf32, #tpu.memory_space<vmem_shared>>
        tpu.enqueue_indirect_dma source(%arg13 : memref<32x128xf32, #tpu.memory_space<vmem>>) target(%dma_start3A_967 : memref<10240x128xf32, #tpu.memory_space<vmem_shared>>) offsets(%dma_start3A_964 : memref<32xi32, #tpu.memory_space<vmem>>) semaphore(%arg30 : memref<!tpu.dma_semaphore, #tpu.memory_space<semaphore_mem>>) {add = true}
        %add3A_968 = arith.constant 1 : i32
        %add3A_969 = arith.addi %add3A_615, %add3A_968 : i32
        %lt3A_970 = arith.constant 20 : i32
        %lt3A_971 = arith.cmpi slt, %add3A_969, %lt3A_970 : i32
        %convert_element_type3A_972 = arith.extui %lt3A_971 : i1 to i32
        %cond3A_973 = arith.constant 0 : i32
        %cond3A_974 = arith.cmpi ne, %convert_element_type3A_972, %cond3A_973 : i32
        scf.if %cond3A_974 {
          %dma_wait3A_1075 = arith.constant 2 : i32
          %dma_wait3A_1076 = arith.constant 0 : i32
          %dma_wait3A_1077 = tpu.memref_slice %arg9[%dma_wait3A_1075, %dma_wait3A_1076] : memref<16x32xi32, #tpu.memory_space<vmem>> -> memref<1x32xi32, #tpu.memory_space<vmem>>
          %dma_wait3A_1078 = tpu.memref_squeeze %dma_wait3A_1077 : memref<1x32xi32, #tpu.memory_space<vmem>> -> memref<32xi32, #tpu.memory_space<vmem>>
          %dma_wait3A_1079 = arith.constant 0 : i32
          %dma_wait3A_1080 = arith.constant 0 : i32
          %dma_wait3A_1081 = tpu.memref_slice %arg18[%dma_wait3A_1079, %dma_wait3A_1080] : memref<10240x128xf32, #tpu.memory_space<vmem_shared>> -> memref<10240x128xf32, #tpu.memory_space<vmem_shared>>
          tpu.wait_indirect_dma semaphore(%arg29 : memref<!tpu.dma_semaphore, #tpu.memory_space<semaphore_mem>>) src(%arg12 : memref<32x128xf32, #tpu.memory_space<vmem>>) dst(%dma_wait3A_1081 : memref<10240x128xf32, #tpu.memory_space<vmem_shared>>)
          %dma_start3A_1082 = arith.constant 2 : i32
          %dma_start3A_1083 = arith.constant 0 : i32
          %dma_start3A_1084 = tpu.memref_slice %arg6[%dma_start3A_1082, %dma_start3A_1083] : memref<16x32xi32, #tpu.memory_space<vmem>> -> memref<1x32xi32, #tpu.memory_space<vmem>>
          %dma_start3A_1085 = tpu.memref_squeeze %dma_start3A_1084 : memref<1x32xi32, #tpu.memory_space<vmem>> -> memref<32xi32, #tpu.memory_space<vmem>>
          %dma_start3A_1086 = arith.constant 0 : i32
          %dma_start3A_1087 = arith.constant 0 : i32
          %dma_start3A_1088 = tpu.memref_slice %arg2[%dma_start3A_1086, %dma_start3A_1087] : memref<10240x128xf32, #tpu.memory_space<hbm>> -> memref<10240x128xf32, #tpu.memory_space<hbm>>
          tpu.enqueue_indirect_dma source(%dma_start3A_1088 : memref<10240x128xf32, #tpu.memory_space<hbm>>) target(%arg12 : memref<32x128xf32, #tpu.memory_space<vmem>>) offsets(%dma_start3A_1085 : memref<32xi32, #tpu.memory_space<vmem>>) semaphore(%arg21 : memref<!tpu.dma_semaphore, #tpu.memory_space<semaphore_mem>>)
        } else {
        }
        %mul3A_975 = arith.constant 16 : i32
        %mul3A_976 = arith.muli %add3A_615, %mul3A_975 : i32
        %add3A_977 = arith.constant 12 : i32
        %add3A_978 = arith.addi %mul3A_976, %add3A_977 : i32
        %dma_wait3A_979 = arith.constant 12 : i32
        %dma_wait3A_980 = arith.constant 0 : i32
        %dma_wait3A_981 = tpu.memref_slice %arg8[%dma_wait3A_979, %dma_wait3A_980] : memref<16x32xi32, #tpu.memory_space<vmem>> -> memref<1x32xi32, #tpu.memory_space<vmem>>
        %dma_wait3A_982 = tpu.memref_squeeze %dma_wait3A_981 : memref<1x32xi32, #tpu.memory_space<vmem>> -> memref<32xi32, #tpu.memory_space<vmem>>
        %dma_wait3A_983 = arith.constant 0 : i32
        %dma_wait3A_984 = arith.constant 0 : i32
        %dma_wait3A_985 = tpu.memref_slice %arg2[%dma_wait3A_983, %dma_wait3A_984] : memref<10240x128xf32, #tpu.memory_space<hbm>> -> memref<10240x128xf32, #tpu.memory_space<hbm>>
        tpu.wait_indirect_dma semaphore(%arg23 : memref<!tpu.dma_semaphore, #tpu.memory_space<semaphore_mem>>) src(%dma_wait3A_985 : memref<10240x128xf32, #tpu.memory_space<hbm>>) dst(%arg14 : memref<32x128xf32, #tpu.memory_space<vmem>>)
        %dma_start3A_986 = arith.constant 12 : i32
        %dma_start3A_987 = arith.constant 0 : i32
        %dma_start3A_988 = tpu.memref_slice %arg9[%dma_start3A_986, %dma_start3A_987] : memref<16x32xi32, #tpu.memory_space<vmem>> -> memref<1x32xi32, #tpu.memory_space<vmem>>
        %dma_start3A_989 = tpu.memref_squeeze %dma_start3A_988 : memref<1x32xi32, #tpu.memory_space<vmem>> -> memref<32xi32, #tpu.memory_space<vmem>>
        %dma_start3A_990 = arith.constant 0 : i32
        %dma_start3A_991 = arith.constant 0 : i32
        %dma_start3A_992 = tpu.memref_slice %arg18[%dma_start3A_990, %dma_start3A_991] : memref<10240x128xf32, #tpu.memory_space<vmem_shared>> -> memref<10240x128xf32, #tpu.memory_space<vmem_shared>>
        tpu.enqueue_indirect_dma source(%arg14 : memref<32x128xf32, #tpu.memory_space<vmem>>) target(%dma_start3A_992 : memref<10240x128xf32, #tpu.memory_space<vmem_shared>>) offsets(%dma_start3A_989 : memref<32xi32, #tpu.memory_space<vmem>>) semaphore(%arg31 : memref<!tpu.dma_semaphore, #tpu.memory_space<semaphore_mem>>) {add = true}
        %add3A_993 = arith.constant 1 : i32
        %add3A_994 = arith.addi %add3A_615, %add3A_993 : i32
        %lt3A_995 = arith.constant 20 : i32
        %lt3A_996 = arith.cmpi slt, %add3A_994, %lt3A_995 : i32
        %convert_element_type3A_997 = arith.extui %lt3A_996 : i1 to i32
        %cond3A_998 = arith.constant 0 : i32
        %cond3A_999 = arith.cmpi ne, %convert_element_type3A_997, %cond3A_998 : i32
        scf.if %cond3A_999 {
          %dma_wait3A_1075 = arith.constant 3 : i32
          %dma_wait3A_1076 = arith.constant 0 : i32
          %dma_wait3A_1077 = tpu.memref_slice %arg9[%dma_wait3A_1075, %dma_wait3A_1076] : memref<16x32xi32, #tpu.memory_space<vmem>> -> memref<1x32xi32, #tpu.memory_space<vmem>>
          %dma_wait3A_1078 = tpu.memref_squeeze %dma_wait3A_1077 : memref<1x32xi32, #tpu.memory_space<vmem>> -> memref<32xi32, #tpu.memory_space<vmem>>
          %dma_wait3A_1079 = arith.constant 0 : i32
          %dma_wait3A_1080 = arith.constant 0 : i32
          %dma_wait3A_1081 = tpu.memref_slice %arg18[%dma_wait3A_1079, %dma_wait3A_1080] : memref<10240x128xf32, #tpu.memory_space<vmem_shared>> -> memref<10240x128xf32, #tpu.memory_space<vmem_shared>>
          tpu.wait_indirect_dma semaphore(%arg30 : memref<!tpu.dma_semaphore, #tpu.memory_space<semaphore_mem>>) src(%arg13 : memref<32x128xf32, #tpu.memory_space<vmem>>) dst(%dma_wait3A_1081 : memref<10240x128xf32, #tpu.memory_space<vmem_shared>>)
          %dma_start3A_1082 = arith.constant 3 : i32
          %dma_start3A_1083 = arith.constant 0 : i32
          %dma_start3A_1084 = tpu.memref_slice %arg6[%dma_start3A_1082, %dma_start3A_1083] : memref<16x32xi32, #tpu.memory_space<vmem>> -> memref<1x32xi32, #tpu.memory_space<vmem>>
          %dma_start3A_1085 = tpu.memref_squeeze %dma_start3A_1084 : memref<1x32xi32, #tpu.memory_space<vmem>> -> memref<32xi32, #tpu.memory_space<vmem>>
          %dma_start3A_1086 = arith.constant 0 : i32
          %dma_start3A_1087 = arith.constant 0 : i32
          %dma_start3A_1088 = tpu.memref_slice %arg2[%dma_start3A_1086, %dma_start3A_1087] : memref<10240x128xf32, #tpu.memory_space<hbm>> -> memref<10240x128xf32, #tpu.memory_space<hbm>>
          tpu.enqueue_indirect_dma source(%dma_start3A_1088 : memref<10240x128xf32, #tpu.memory_space<hbm>>) target(%arg13 : memref<32x128xf32, #tpu.memory_space<vmem>>) offsets(%dma_start3A_1085 : memref<32xi32, #tpu.memory_space<vmem>>) semaphore(%arg22 : memref<!tpu.dma_semaphore, #tpu.memory_space<semaphore_mem>>)
        } else {
        }
        %mul3A_1000 = arith.constant 16 : i32
        %mul3A_1001 = arith.muli %add3A_615, %mul3A_1000 : i32
        %add3A_1002 = arith.constant 13 : i32
        %add3A_1003 = arith.addi %mul3A_1001, %add3A_1002 : i32
        %dma_wait3A_1004 = arith.constant 13 : i32
        %dma_wait3A_1005 = arith.constant 0 : i32
        %dma_wait3A_1006 = tpu.memref_slice %arg8[%dma_wait3A_1004, %dma_wait3A_1005] : memref<16x32xi32, #tpu.memory_space<vmem>> -> memref<1x32xi32, #tpu.memory_space<vmem>>
        %dma_wait3A_1007 = tpu.memref_squeeze %dma_wait3A_1006 : memref<1x32xi32, #tpu.memory_space<vmem>> -> memref<32xi32, #tpu.memory_space<vmem>>
        %dma_wait3A_1008 = arith.constant 0 : i32
        %dma_wait3A_1009 = arith.constant 0 : i32
        %dma_wait3A_1010 = tpu.memref_slice %arg2[%dma_wait3A_1008, %dma_wait3A_1009] : memref<10240x128xf32, #tpu.memory_space<hbm>> -> memref<10240x128xf32, #tpu.memory_space<hbm>>
        tpu.wait_indirect_dma semaphore(%arg24 : memref<!tpu.dma_semaphore, #tpu.memory_space<semaphore_mem>>) src(%dma_wait3A_1010 : memref<10240x128xf32, #tpu.memory_space<hbm>>) dst(%arg15 : memref<32x128xf32, #tpu.memory_space<vmem>>)
        %dma_start3A_1011 = arith.constant 13 : i32
        %dma_start3A_1012 = arith.constant 0 : i32
        %dma_start3A_1013 = tpu.memref_slice %arg9[%dma_start3A_1011, %dma_start3A_1012] : memref<16x32xi32, #tpu.memory_space<vmem>> -> memref<1x32xi32, #tpu.memory_space<vmem>>
        %dma_start3A_1014 = tpu.memref_squeeze %dma_start3A_1013 : memref<1x32xi32, #tpu.memory_space<vmem>> -> memref<32xi32, #tpu.memory_space<vmem>>
        %dma_start3A_1015 = arith.constant 0 : i32
        %dma_start3A_1016 = arith.constant 0 : i32
        %dma_start3A_1017 = tpu.memref_slice %arg18[%dma_start3A_1015, %dma_start3A_1016] : memref<10240x128xf32, #tpu.memory_space<vmem_shared>> -> memref<10240x128xf32, #tpu.memory_space<vmem_shared>>
        tpu.enqueue_indirect_dma source(%arg15 : memref<32x128xf32, #tpu.memory_space<vmem>>) target(%dma_start3A_1017 : memref<10240x128xf32, #tpu.memory_space<vmem_shared>>) offsets(%dma_start3A_1014 : memref<32xi32, #tpu.memory_space<vmem>>) semaphore(%arg32 : memref<!tpu.dma_semaphore, #tpu.memory_space<semaphore_mem>>) {add = true}
        %add3A_1018 = arith.constant 1 : i32
        %add3A_1019 = arith.addi %add3A_615, %add3A_1018 : i32
        %lt3A_1020 = arith.constant 20 : i32
        %lt3A_1021 = arith.cmpi slt, %add3A_1019, %lt3A_1020 : i32
        %convert_element_type3A_1022 = arith.extui %lt3A_1021 : i1 to i32
        %cond3A_1023 = arith.constant 0 : i32
        %cond3A_1024 = arith.cmpi ne, %convert_element_type3A_1022, %cond3A_1023 : i32
        scf.if %cond3A_1024 {
          %dma_wait3A_1075 = arith.constant 4 : i32
          %dma_wait3A_1076 = arith.constant 0 : i32
          %dma_wait3A_1077 = tpu.memref_slice %arg9[%dma_wait3A_1075, %dma_wait3A_1076] : memref<16x32xi32, #tpu.memory_space<vmem>> -> memref<1x32xi32, #tpu.memory_space<vmem>>
          %dma_wait3A_1078 = tpu.memref_squeeze %dma_wait3A_1077 : memref<1x32xi32, #tpu.memory_space<vmem>> -> memref<32xi32, #tpu.memory_space<vmem>>
          %dma_wait3A_1079 = arith.constant 0 : i32
          %dma_wait3A_1080 = arith.constant 0 : i32
          %dma_wait3A_1081 = tpu.memref_slice %arg18[%dma_wait3A_1079, %dma_wait3A_1080] : memref<10240x128xf32, #tpu.memory_space<vmem_shared>> -> memref<10240x128xf32, #tpu.memory_space<vmem_shared>>
          tpu.wait_indirect_dma semaphore(%arg31 : memref<!tpu.dma_semaphore, #tpu.memory_space<semaphore_mem>>) src(%arg14 : memref<32x128xf32, #tpu.memory_space<vmem>>) dst(%dma_wait3A_1081 : memref<10240x128xf32, #tpu.memory_space<vmem_shared>>)
          %dma_start3A_1082 = arith.constant 4 : i32
          %dma_start3A_1083 = arith.constant 0 : i32
          %dma_start3A_1084 = tpu.memref_slice %arg6[%dma_start3A_1082, %dma_start3A_1083] : memref<16x32xi32, #tpu.memory_space<vmem>> -> memref<1x32xi32, #tpu.memory_space<vmem>>
          %dma_start3A_1085 = tpu.memref_squeeze %dma_start3A_1084 : memref<1x32xi32, #tpu.memory_space<vmem>> -> memref<32xi32, #tpu.memory_space<vmem>>
          %dma_start3A_1086 = arith.constant 0 : i32
          %dma_start3A_1087 = arith.constant 0 : i32
          %dma_start3A_1088 = tpu.memref_slice %arg2[%dma_start3A_1086, %dma_start3A_1087] : memref<10240x128xf32, #tpu.memory_space<hbm>> -> memref<10240x128xf32, #tpu.memory_space<hbm>>
          tpu.enqueue_indirect_dma source(%dma_start3A_1088 : memref<10240x128xf32, #tpu.memory_space<hbm>>) target(%arg14 : memref<32x128xf32, #tpu.memory_space<vmem>>) offsets(%dma_start3A_1085 : memref<32xi32, #tpu.memory_space<vmem>>) semaphore(%arg23 : memref<!tpu.dma_semaphore, #tpu.memory_space<semaphore_mem>>)
        } else {
        }
        %mul3A_1025 = arith.constant 16 : i32
        %mul3A_1026 = arith.muli %add3A_615, %mul3A_1025 : i32
        %add3A_1027 = arith.constant 14 : i32
        %add3A_1028 = arith.addi %mul3A_1026, %add3A_1027 : i32
        %dma_wait3A_1029 = arith.constant 14 : i32
        %dma_wait3A_1030 = arith.constant 0 : i32
        %dma_wait3A_1031 = tpu.memref_slice %arg8[%dma_wait3A_1029, %dma_wait3A_1030] : memref<16x32xi32, #tpu.memory_space<vmem>> -> memref<1x32xi32, #tpu.memory_space<vmem>>
        %dma_wait3A_1032 = tpu.memref_squeeze %dma_wait3A_1031 : memref<1x32xi32, #tpu.memory_space<vmem>> -> memref<32xi32, #tpu.memory_space<vmem>>
        %dma_wait3A_1033 = arith.constant 0 : i32
        %dma_wait3A_1034 = arith.constant 0 : i32
        %dma_wait3A_1035 = tpu.memref_slice %arg2[%dma_wait3A_1033, %dma_wait3A_1034] : memref<10240x128xf32, #tpu.memory_space<hbm>> -> memref<10240x128xf32, #tpu.memory_space<hbm>>
        tpu.wait_indirect_dma semaphore(%arg25 : memref<!tpu.dma_semaphore, #tpu.memory_space<semaphore_mem>>) src(%dma_wait3A_1035 : memref<10240x128xf32, #tpu.memory_space<hbm>>) dst(%arg16 : memref<32x128xf32, #tpu.memory_space<vmem>>)
        %dma_start3A_1036 = arith.constant 14 : i32
        %dma_start3A_1037 = arith.constant 0 : i32
        %dma_start3A_1038 = tpu.memref_slice %arg9[%dma_start3A_1036, %dma_start3A_1037] : memref<16x32xi32, #tpu.memory_space<vmem>> -> memref<1x32xi32, #tpu.memory_space<vmem>>
        %dma_start3A_1039 = tpu.memref_squeeze %dma_start3A_1038 : memref<1x32xi32, #tpu.memory_space<vmem>> -> memref<32xi32, #tpu.memory_space<vmem>>
        %dma_start3A_1040 = arith.constant 0 : i32
        %dma_start3A_1041 = arith.constant 0 : i32
        %dma_start3A_1042 = tpu.memref_slice %arg18[%dma_start3A_1040, %dma_start3A_1041] : memref<10240x128xf32, #tpu.memory_space<vmem_shared>> -> memref<10240x128xf32, #tpu.memory_space<vmem_shared>>
        tpu.enqueue_indirect_dma source(%arg16 : memref<32x128xf32, #tpu.memory_space<vmem>>) target(%dma_start3A_1042 : memref<10240x128xf32, #tpu.memory_space<vmem_shared>>) offsets(%dma_start3A_1039 : memref<32xi32, #tpu.memory_space<vmem>>) semaphore(%arg33 : memref<!tpu.dma_semaphore, #tpu.memory_space<semaphore_mem>>) {add = true}
        %add3A_1043 = arith.constant 1 : i32
        %add3A_1044 = arith.addi %add3A_615, %add3A_1043 : i32
        %lt3A_1045 = arith.constant 20 : i32
        %lt3A_1046 = arith.cmpi slt, %add3A_1044, %lt3A_1045 : i32
        %convert_element_type3A_1047 = arith.extui %lt3A_1046 : i1 to i32
        %cond3A_1048 = arith.constant 0 : i32
        %cond3A_1049 = arith.cmpi ne, %convert_element_type3A_1047, %cond3A_1048 : i32
        scf.if %cond3A_1049 {
          %dma_wait3A_1075 = arith.constant 5 : i32
          %dma_wait3A_1076 = arith.constant 0 : i32
          %dma_wait3A_1077 = tpu.memref_slice %arg9[%dma_wait3A_1075, %dma_wait3A_1076] : memref<16x32xi32, #tpu.memory_space<vmem>> -> memref<1x32xi32, #tpu.memory_space<vmem>>
          %dma_wait3A_1078 = tpu.memref_squeeze %dma_wait3A_1077 : memref<1x32xi32, #tpu.memory_space<vmem>> -> memref<32xi32, #tpu.memory_space<vmem>>
          %dma_wait3A_1079 = arith.constant 0 : i32
          %dma_wait3A_1080 = arith.constant 0 : i32
          %dma_wait3A_1081 = tpu.memref_slice %arg18[%dma_wait3A_1079, %dma_wait3A_1080] : memref<10240x128xf32, #tpu.memory_space<vmem_shared>> -> memref<10240x128xf32, #tpu.memory_space<vmem_shared>>
          tpu.wait_indirect_dma semaphore(%arg32 : memref<!tpu.dma_semaphore, #tpu.memory_space<semaphore_mem>>) src(%arg15 : memref<32x128xf32, #tpu.memory_space<vmem>>) dst(%dma_wait3A_1081 : memref<10240x128xf32, #tpu.memory_space<vmem_shared>>)
          %dma_start3A_1082 = arith.constant 5 : i32
          %dma_start3A_1083 = arith.constant 0 : i32
          %dma_start3A_1084 = tpu.memref_slice %arg6[%dma_start3A_1082, %dma_start3A_1083] : memref<16x32xi32, #tpu.memory_space<vmem>> -> memref<1x32xi32, #tpu.memory_space<vmem>>
          %dma_start3A_1085 = tpu.memref_squeeze %dma_start3A_1084 : memref<1x32xi32, #tpu.memory_space<vmem>> -> memref<32xi32, #tpu.memory_space<vmem>>
          %dma_start3A_1086 = arith.constant 0 : i32
          %dma_start3A_1087 = arith.constant 0 : i32
          %dma_start3A_1088 = tpu.memref_slice %arg2[%dma_start3A_1086, %dma_start3A_1087] : memref<10240x128xf32, #tpu.memory_space<hbm>> -> memref<10240x128xf32, #tpu.memory_space<hbm>>
          tpu.enqueue_indirect_dma source(%dma_start3A_1088 : memref<10240x128xf32, #tpu.memory_space<hbm>>) target(%arg15 : memref<32x128xf32, #tpu.memory_space<vmem>>) offsets(%dma_start3A_1085 : memref<32xi32, #tpu.memory_space<vmem>>) semaphore(%arg24 : memref<!tpu.dma_semaphore, #tpu.memory_space<semaphore_mem>>)
        } else {
        }
        %mul3A_1050 = arith.constant 16 : i32
        %mul3A_1051 = arith.muli %add3A_615, %mul3A_1050 : i32
        %add3A_1052 = arith.constant 15 : i32
        %add3A_1053 = arith.addi %mul3A_1051, %add3A_1052 : i32
        %dma_wait3A_1054 = arith.constant 15 : i32
        %dma_wait3A_1055 = arith.constant 0 : i32
        %dma_wait3A_1056 = tpu.memref_slice %arg8[%dma_wait3A_1054, %dma_wait3A_1055] : memref<16x32xi32, #tpu.memory_space<vmem>> -> memref<1x32xi32, #tpu.memory_space<vmem>>
        %dma_wait3A_1057 = tpu.memref_squeeze %dma_wait3A_1056 : memref<1x32xi32, #tpu.memory_space<vmem>> -> memref<32xi32, #tpu.memory_space<vmem>>
        %dma_wait3A_1058 = arith.constant 0 : i32
        %dma_wait3A_1059 = arith.constant 0 : i32
        %dma_wait3A_1060 = tpu.memref_slice %arg2[%dma_wait3A_1058, %dma_wait3A_1059] : memref<10240x128xf32, #tpu.memory_space<hbm>> -> memref<10240x128xf32, #tpu.memory_space<hbm>>
        tpu.wait_indirect_dma semaphore(%arg26 : memref<!tpu.dma_semaphore, #tpu.memory_space<semaphore_mem>>) src(%dma_wait3A_1060 : memref<10240x128xf32, #tpu.memory_space<hbm>>) dst(%arg17 : memref<32x128xf32, #tpu.memory_space<vmem>>)
        %dma_start3A_1061 = arith.constant 15 : i32
        %dma_start3A_1062 = arith.constant 0 : i32
        %dma_start3A_1063 = tpu.memref_slice %arg9[%dma_start3A_1061, %dma_start3A_1062] : memref<16x32xi32, #tpu.memory_space<vmem>> -> memref<1x32xi32, #tpu.memory_space<vmem>>
        %dma_start3A_1064 = tpu.memref_squeeze %dma_start3A_1063 : memref<1x32xi32, #tpu.memory_space<vmem>> -> memref<32xi32, #tpu.memory_space<vmem>>
        %dma_start3A_1065 = arith.constant 0 : i32
        %dma_start3A_1066 = arith.constant 0 : i32
        %dma_start3A_1067 = tpu.memref_slice %arg18[%dma_start3A_1065, %dma_start3A_1066] : memref<10240x128xf32, #tpu.memory_space<vmem_shared>> -> memref<10240x128xf32, #tpu.memory_space<vmem_shared>>
        tpu.enqueue_indirect_dma source(%arg17 : memref<32x128xf32, #tpu.memory_space<vmem>>) target(%dma_start3A_1067 : memref<10240x128xf32, #tpu.memory_space<vmem_shared>>) offsets(%dma_start3A_1064 : memref<32xi32, #tpu.memory_space<vmem>>) semaphore(%arg34 : memref<!tpu.dma_semaphore, #tpu.memory_space<semaphore_mem>>) {add = true}
        %add3A_1068 = arith.constant 1 : i32
        %add3A_1069 = arith.addi %add3A_615, %add3A_1068 : i32
        %lt3A_1070 = arith.constant 20 : i32
        %lt3A_1071 = arith.cmpi slt, %add3A_1069, %lt3A_1070 : i32
        %convert_element_type3A_1072 = arith.extui %lt3A_1071 : i1 to i32
        %cond3A_1073 = arith.constant 0 : i32
        %cond3A_1074 = arith.cmpi ne, %convert_element_type3A_1072, %cond3A_1073 : i32
        scf.if %cond3A_1074 {
          %dma_wait3A_1075 = arith.constant 6 : i32
          %dma_wait3A_1076 = arith.constant 0 : i32
          %dma_wait3A_1077 = tpu.memref_slice %arg9[%dma_wait3A_1075, %dma_wait3A_1076] : memref<16x32xi32, #tpu.memory_space<vmem>> -> memref<1x32xi32, #tpu.memory_space<vmem>>
          %dma_wait3A_1078 = tpu.memref_squeeze %dma_wait3A_1077 : memref<1x32xi32, #tpu.memory_space<vmem>> -> memref<32xi32, #tpu.memory_space<vmem>>
          %dma_wait3A_1079 = arith.constant 0 : i32
          %dma_wait3A_1080 = arith.constant 0 : i32
          %dma_wait3A_1081 = tpu.memref_slice %arg18[%dma_wait3A_1079, %dma_wait3A_1080] : memref<10240x128xf32, #tpu.memory_space<vmem_shared>> -> memref<10240x128xf32, #tpu.memory_space<vmem_shared>>
          tpu.wait_indirect_dma semaphore(%arg33 : memref<!tpu.dma_semaphore, #tpu.memory_space<semaphore_mem>>) src(%arg16 : memref<32x128xf32, #tpu.memory_space<vmem>>) dst(%dma_wait3A_1081 : memref<10240x128xf32, #tpu.memory_space<vmem_shared>>)
          %dma_start3A_1082 = arith.constant 6 : i32
          %dma_start3A_1083 = arith.constant 0 : i32
          %dma_start3A_1084 = tpu.memref_slice %arg6[%dma_start3A_1082, %dma_start3A_1083] : memref<16x32xi32, #tpu.memory_space<vmem>> -> memref<1x32xi32, #tpu.memory_space<vmem>>
          %dma_start3A_1085 = tpu.memref_squeeze %dma_start3A_1084 : memref<1x32xi32, #tpu.memory_space<vmem>> -> memref<32xi32, #tpu.memory_space<vmem>>
          %dma_start3A_1086 = arith.constant 0 : i32
          %dma_start3A_1087 = arith.constant 0 : i32
          %dma_start3A_1088 = tpu.memref_slice %arg2[%dma_start3A_1086, %dma_start3A_1087] : memref<10240x128xf32, #tpu.memory_space<hbm>> -> memref<10240x128xf32, #tpu.memory_space<hbm>>
          tpu.enqueue_indirect_dma source(%dma_start3A_1088 : memref<10240x128xf32, #tpu.memory_space<hbm>>) target(%arg16 : memref<32x128xf32, #tpu.memory_space<vmem>>) offsets(%dma_start3A_1085 : memref<32xi32, #tpu.memory_space<vmem>>) semaphore(%arg25 : memref<!tpu.dma_semaphore, #tpu.memory_space<semaphore_mem>>)
        } else {
        }
      }
      %scan3A_93 = arith.constant 10 : i32
      %dma_wait3A_94 = arith.constant 0 : i32
      %dma_wait3A_95 = arith.constant 0 : i32
      %dma_wait3A_96 = tpu.memref_slice %arg6[%dma_wait3A_94, %dma_wait3A_95] : memref<16x32xi32, #tpu.memory_space<vmem>> -> memref<1x32xi32, #tpu.memory_space<vmem>>
      %dma_wait3A_97 = tpu.memref_squeeze %dma_wait3A_96 : memref<1x32xi32, #tpu.memory_space<vmem>> -> memref<32xi32, #tpu.memory_space<vmem>>
      %dma_wait3A_98 = arith.constant 0 : i32
      %dma_wait3A_99 = arith.constant 0 : i32
      %dma_wait3A_100 = tpu.memref_slice %arg18[%dma_wait3A_98, %dma_wait3A_99] : memref<10240x128xf32, #tpu.memory_space<vmem_shared>> -> memref<10240x128xf32, #tpu.memory_space<vmem_shared>>
      tpu.wait_indirect_dma semaphore(%arg27 : memref<!tpu.dma_semaphore, #tpu.memory_space<semaphore_mem>>) src(%arg10 : memref<32x128xf32, #tpu.memory_space<vmem>>) dst(%dma_wait3A_100 : memref<10240x128xf32, #tpu.memory_space<vmem_shared>>)
      %dma_wait3A_101 = arith.constant 0 : i32
      %dma_wait3A_102 = arith.constant 0 : i32
      %dma_wait3A_103 = tpu.memref_slice %arg6[%dma_wait3A_101, %dma_wait3A_102] : memref<16x32xi32, #tpu.memory_space<vmem>> -> memref<1x32xi32, #tpu.memory_space<vmem>>
      %dma_wait3A_104 = tpu.memref_squeeze %dma_wait3A_103 : memref<1x32xi32, #tpu.memory_space<vmem>> -> memref<32xi32, #tpu.memory_space<vmem>>
      %dma_wait3A_105 = arith.constant 0 : i32
      %dma_wait3A_106 = arith.constant 0 : i32
      %dma_wait3A_107 = tpu.memref_slice %arg18[%dma_wait3A_105, %dma_wait3A_106] : memref<10240x128xf32, #tpu.memory_space<vmem_shared>> -> memref<10240x128xf32, #tpu.memory_space<vmem_shared>>
      tpu.wait_indirect_dma semaphore(%arg28 : memref<!tpu.dma_semaphore, #tpu.memory_space<semaphore_mem>>) src(%arg11 : memref<32x128xf32, #tpu.memory_space<vmem>>) dst(%dma_wait3A_107 : memref<10240x128xf32, #tpu.memory_space<vmem_shared>>)
      %dma_wait3A_108 = arith.constant 0 : i32
      %dma_wait3A_109 = arith.constant 0 : i32
      %dma_wait3A_110 = tpu.memref_slice %arg6[%dma_wait3A_108, %dma_wait3A_109] : memref<16x32xi32, #tpu.memory_space<vmem>> -> memref<1x32xi32, #tpu.memory_space<vmem>>
      %dma_wait3A_111 = tpu.memref_squeeze %dma_wait3A_110 : memref<1x32xi32, #tpu.memory_space<vmem>> -> memref<32xi32, #tpu.memory_space<vmem>>
      %dma_wait3A_112 = arith.constant 0 : i32
      %dma_wait3A_113 = arith.constant 0 : i32
      %dma_wait3A_114 = tpu.memref_slice %arg18[%dma_wait3A_112, %dma_wait3A_113] : memref<10240x128xf32, #tpu.memory_space<vmem_shared>> -> memref<10240x128xf32, #tpu.memory_space<vmem_shared>>
      tpu.wait_indirect_dma semaphore(%arg29 : memref<!tpu.dma_semaphore, #tpu.memory_space<semaphore_mem>>) src(%arg12 : memref<32x128xf32, #tpu.memory_space<vmem>>) dst(%dma_wait3A_114 : memref<10240x128xf32, #tpu.memory_space<vmem_shared>>)
      %dma_wait3A_115 = arith.constant 0 : i32
      %dma_wait3A_116 = arith.constant 0 : i32
      %dma_wait3A_117 = tpu.memref_slice %arg6[%dma_wait3A_115, %dma_wait3A_116] : memref<16x32xi32, #tpu.memory_space<vmem>> -> memref<1x32xi32, #tpu.memory_space<vmem>>
      %dma_wait3A_118 = tpu.memref_squeeze %dma_wait3A_117 : memref<1x32xi32, #tpu.memory_space<vmem>> -> memref<32xi32, #tpu.memory_space<vmem>>
      %dma_wait3A_119 = arith.constant 0 : i32
      %dma_wait3A_120 = arith.constant 0 : i32
      %dma_wait3A_121 = tpu.memref_slice %arg18[%dma_wait3A_119, %dma_wait3A_120] : memref<10240x128xf32, #tpu.memory_space<vmem_shared>> -> memref<10240x128xf32, #tpu.memory_space<vmem_shared>>
      tpu.wait_indirect_dma semaphore(%arg30 : memref<!tpu.dma_semaphore, #tpu.memory_space<semaphore_mem>>) src(%arg13 : memref<32x128xf32, #tpu.memory_space<vmem>>) dst(%dma_wait3A_121 : memref<10240x128xf32, #tpu.memory_space<vmem_shared>>)
      %dma_wait3A_122 = arith.constant 0 : i32
      %dma_wait3A_123 = arith.constant 0 : i32
      %dma_wait3A_124 = tpu.memref_slice %arg6[%dma_wait3A_122, %dma_wait3A_123] : memref<16x32xi32, #tpu.memory_space<vmem>> -> memref<1x32xi32, #tpu.memory_space<vmem>>
      %dma_wait3A_125 = tpu.memref_squeeze %dma_wait3A_124 : memref<1x32xi32, #tpu.memory_space<vmem>> -> memref<32xi32, #tpu.memory_space<vmem>>
      %dma_wait3A_126 = arith.constant 0 : i32
      %dma_wait3A_127 = arith.constant 0 : i32
      %dma_wait3A_128 = tpu.memref_slice %arg18[%dma_wait3A_126, %dma_wait3A_127] : memref<10240x128xf32, #tpu.memory_space<vmem_shared>> -> memref<10240x128xf32, #tpu.memory_space<vmem_shared>>
      tpu.wait_indirect_dma semaphore(%arg31 : memref<!tpu.dma_semaphore, #tpu.memory_space<semaphore_mem>>) src(%arg14 : memref<32x128xf32, #tpu.memory_space<vmem>>) dst(%dma_wait3A_128 : memref<10240x128xf32, #tpu.memory_space<vmem_shared>>)
      %dma_wait3A_129 = arith.constant 0 : i32
      %dma_wait3A_130 = arith.constant 0 : i32
      %dma_wait3A_131 = tpu.memref_slice %arg6[%dma_wait3A_129, %dma_wait3A_130] : memref<16x32xi32, #tpu.memory_space<vmem>> -> memref<1x32xi32, #tpu.memory_space<vmem>>
      %dma_wait3A_132 = tpu.memref_squeeze %dma_wait3A_131 : memref<1x32xi32, #tpu.memory_space<vmem>> -> memref<32xi32, #tpu.memory_space<vmem>>
      %dma_wait3A_133 = arith.constant 0 : i32
      %dma_wait3A_134 = arith.constant 0 : i32
      %dma_wait3A_135 = tpu.memref_slice %arg18[%dma_wait3A_133, %dma_wait3A_134] : memref<10240x128xf32, #tpu.memory_space<vmem_shared>> -> memref<10240x128xf32, #tpu.memory_space<vmem_shared>>
      tpu.wait_indirect_dma semaphore(%arg32 : memref<!tpu.dma_semaphore, #tpu.memory_space<semaphore_mem>>) src(%arg15 : memref<32x128xf32, #tpu.memory_space<vmem>>) dst(%dma_wait3A_135 : memref<10240x128xf32, #tpu.memory_space<vmem_shared>>)
      %dma_wait3A_136 = arith.constant 0 : i32
      %dma_wait3A_137 = arith.constant 0 : i32
      %dma_wait3A_138 = tpu.memref_slice %arg6[%dma_wait3A_136, %dma_wait3A_137] : memref<16x32xi32, #tpu.memory_space<vmem>> -> memref<1x32xi32, #tpu.memory_space<vmem>>
      %dma_wait3A_139 = tpu.memref_squeeze %dma_wait3A_138 : memref<1x32xi32, #tpu.memory_space<vmem>> -> memref<32xi32, #tpu.memory_space<vmem>>
      %dma_wait3A_140 = arith.constant 0 : i32
      %dma_wait3A_141 = arith.constant 0 : i32
      %dma_wait3A_142 = tpu.memref_slice %arg18[%dma_wait3A_140, %dma_wait3A_141] : memref<10240x128xf32, #tpu.memory_space<vmem_shared>> -> memref<10240x128xf32, #tpu.memory_space<vmem_shared>>
      tpu.wait_indirect_dma semaphore(%arg33 : memref<!tpu.dma_semaphore, #tpu.memory_space<semaphore_mem>>) src(%arg16 : memref<32x128xf32, #tpu.memory_space<vmem>>) dst(%dma_wait3A_142 : memref<10240x128xf32, #tpu.memory_space<vmem_shared>>)
      %dma_wait3A_143 = arith.constant 0 : i32
      %dma_wait3A_144 = arith.constant 0 : i32
      %dma_wait3A_145 = tpu.memref_slice %arg6[%dma_wait3A_143, %dma_wait3A_144] : memref<16x32xi32, #tpu.memory_space<vmem>> -> memref<1x32xi32, #tpu.memory_space<vmem>>
      %dma_wait3A_146 = tpu.memref_squeeze %dma_wait3A_145 : memref<1x32xi32, #tpu.memory_space<vmem>> -> memref<32xi32, #tpu.memory_space<vmem>>
      %dma_wait3A_147 = arith.constant 0 : i32
      %dma_wait3A_148 = arith.constant 0 : i32
      %dma_wait3A_149 = tpu.memref_slice %arg18[%dma_wait3A_147, %dma_wait3A_148] : memref<10240x128xf32, #tpu.memory_space<vmem_shared>> -> memref<10240x128xf32, #tpu.memory_space<vmem_shared>>
      tpu.wait_indirect_dma semaphore(%arg34 : memref<!tpu.dma_semaphore, #tpu.memory_space<semaphore_mem>>) src(%arg17 : memref<32x128xf32, #tpu.memory_space<vmem>>) dst(%dma_wait3A_149 : memref<10240x128xf32, #tpu.memory_space<vmem_shared>>)
    } else {
    }
    %eq3A_11 = arith.constant 1 : i32
    %eq3A_12 = arith.cmpi eq, %arg0, %eq3A_11 : i32
    %convert_element_type3A_13 = arith.extui %eq3A_12 : i1 to i32
    %cond3A_14 = arith.constant 0 : i32
    %cond3A_15 = arith.cmpi ne, %convert_element_type3A_13, %cond3A_14 : i32
    scf.if %cond3A_15 {
      %mul3A_20 = arith.constant 320 : i32
      %mul3A_21 = arith.muli %arg1, %mul3A_20 : i32
      %add3A_22 = arith.constant 5120 : i32
      %add3A_23 = arith.addi %add3A_22, %mul3A_21 : i32
      %add3A_24 = arith.constant 0 : i32
      %add3A_25 = arith.addi %add3A_23, %add3A_24 : i32
      %dma_start3A = arith.constant 0 : i32
      %dma_start3A_26 = tpu.memref_slice %arg3[%add3A_25, %dma_start3A] : memref<10240x32xi32, #tpu.memory_space<hbm>> -> memref<16x32xi32, #tpu.memory_space<hbm>>
      %dma_start3A_27 = arith.constant 0 : i32
      %dma_start3A_28 = tpu.memref_slice %arg3[%add3A_25, %dma_start3A_27] : memref<10240x32xi32, #tpu.memory_space<hbm>> -> memref<16x32xi32, #tpu.memory_space<hbm>>
      tpu.enqueue_dma source(%dma_start3A_28 : memref<16x32xi32, #tpu.memory_space<hbm>>) target(%arg6 : memref<16x32xi32, #tpu.memory_space<vmem>>) target_semaphore(%arg35 : memref<!tpu.dma_semaphore, #tpu.memory_space<semaphore_mem>>)
      %dma_start3A_29 = arith.constant 0 : i32
      %dma_start3A_30 = tpu.memref_slice %arg4[%add3A_25, %dma_start3A_29] : memref<10240x32xi32, #tpu.memory_space<hbm>> -> memref<16x32xi32, #tpu.memory_space<hbm>>
      %dma_start3A_31 = arith.constant 0 : i32
      %dma_start3A_32 = tpu.memref_slice %arg4[%add3A_25, %dma_start3A_31] : memref<10240x32xi32, #tpu.memory_space<hbm>> -> memref<16x32xi32, #tpu.memory_space<hbm>>
      tpu.enqueue_dma source(%dma_start3A_32 : memref<16x32xi32, #tpu.memory_space<hbm>>) target(%arg7 : memref<16x32xi32, #tpu.memory_space<vmem>>) target_semaphore(%arg35 : memref<!tpu.dma_semaphore, #tpu.memory_space<semaphore_mem>>)
      %add3A_33 = arith.constant 0 : i32
      %add3A_34 = arith.addi %add3A_23, %add3A_33 : i32
      %dma_wait3A = arith.constant 0 : i32
      %dma_wait3A_35 = tpu.memref_slice %arg3[%add3A_34, %dma_wait3A] : memref<10240x32xi32, #tpu.memory_space<hbm>> -> memref<16x32xi32, #tpu.memory_space<hbm>>
      %dma_wait3A_36 = arith.constant 0 : i32
      %dma_wait3A_37 = tpu.memref_slice %arg3[%add3A_34, %dma_wait3A_36] : memref<10240x32xi32, #tpu.memory_space<hbm>> -> memref<16x32xi32, #tpu.memory_space<hbm>>
      tpu.wait_dma2 semaphore(%arg35 : memref<!tpu.dma_semaphore, #tpu.memory_space<semaphore_mem>>) src(%dma_wait3A_37 : memref<16x32xi32, #tpu.memory_space<hbm>>) dst(%arg6 : memref<16x32xi32, #tpu.memory_space<vmem>>)
      %dma_wait3A_38 = arith.constant 0 : i32
      %dma_wait3A_39 = tpu.memref_slice %arg4[%add3A_34, %dma_wait3A_38] : memref<10240x32xi32, #tpu.memory_space<hbm>> -> memref<16x32xi32, #tpu.memory_space<hbm>>
      %dma_wait3A_40 = arith.constant 0 : i32
      %dma_wait3A_41 = tpu.memref_slice %arg4[%add3A_34, %dma_wait3A_40] : memref<10240x32xi32, #tpu.memory_space<hbm>> -> memref<16x32xi32, #tpu.memory_space<hbm>>
      tpu.wait_dma2 semaphore(%arg35 : memref<!tpu.dma_semaphore, #tpu.memory_space<semaphore_mem>>) src(%dma_wait3A_41 : memref<16x32xi32, #tpu.memory_space<hbm>>) dst(%arg7 : memref<16x32xi32, #tpu.memory_space<vmem>>)
      %dma_start3A_42 = arith.constant 0 : i32
      %dma_start3A_43 = arith.constant 0 : i32
      %dma_start3A_44 = tpu.memref_slice %arg6[%dma_start3A_42, %dma_start3A_43] : memref<16x32xi32, #tpu.memory_space<vmem>> -> memref<1x32xi32, #tpu.memory_space<vmem>>
      %dma_start3A_45 = tpu.memref_squeeze %dma_start3A_44 : memref<1x32xi32, #tpu.memory_space<vmem>> -> memref<32xi32, #tpu.memory_space<vmem>>
      %dma_start3A_46 = arith.constant 0 : i32
      %dma_start3A_47 = arith.constant 0 : i32
      %dma_start3A_48 = tpu.memref_slice %arg2[%dma_start3A_46, %dma_start3A_47] : memref<10240x128xf32, #tpu.memory_space<hbm>> -> memref<10240x128xf32, #tpu.memory_space<hbm>>
      tpu.enqueue_indirect_dma source(%dma_start3A_48 : memref<10240x128xf32, #tpu.memory_space<hbm>>) target(%arg10 : memref<32x128xf32, #tpu.memory_space<vmem>>) offsets(%dma_start3A_45 : memref<32xi32, #tpu.memory_space<vmem>>) semaphore(%arg19 : memref<!tpu.dma_semaphore, #tpu.memory_space<semaphore_mem>>)
      %dma_start3A_49 = arith.constant 1 : i32
      %dma_start3A_50 = arith.constant 0 : i32
      %dma_start3A_51 = tpu.memref_slice %arg6[%dma_start3A_49, %dma_start3A_50] : memref<16x32xi32, #tpu.memory_space<vmem>> -> memref<1x32xi32, #tpu.memory_space<vmem>>
      %dma_start3A_52 = tpu.memref_squeeze %dma_start3A_51 : memref<1x32xi32, #tpu.memory_space<vmem>> -> memref<32xi32, #tpu.memory_space<vmem>>
      %dma_start3A_53 = arith.constant 0 : i32
      %dma_start3A_54 = arith.constant 0 : i32
      %dma_start3A_55 = tpu.memref_slice %arg2[%dma_start3A_53, %dma_start3A_54] : memref<10240x128xf32, #tpu.memory_space<hbm>> -> memref<10240x128xf32, #tpu.memory_space<hbm>>
      tpu.enqueue_indirect_dma source(%dma_start3A_55 : memref<10240x128xf32, #tpu.memory_space<hbm>>) target(%arg11 : memref<32x128xf32, #tpu.memory_space<vmem>>) offsets(%dma_start3A_52 : memref<32xi32, #tpu.memory_space<vmem>>) semaphore(%arg20 : memref<!tpu.dma_semaphore, #tpu.memory_space<semaphore_mem>>)
      %dma_start3A_56 = arith.constant 2 : i32
      %dma_start3A_57 = arith.constant 0 : i32
      %dma_start3A_58 = tpu.memref_slice %arg6[%dma_start3A_56, %dma_start3A_57] : memref<16x32xi32, #tpu.memory_space<vmem>> -> memref<1x32xi32, #tpu.memory_space<vmem>>
      %dma_start3A_59 = tpu.memref_squeeze %dma_start3A_58 : memref<1x32xi32, #tpu.memory_space<vmem>> -> memref<32xi32, #tpu.memory_space<vmem>>
      %dma_start3A_60 = arith.constant 0 : i32
      %dma_start3A_61 = arith.constant 0 : i32
      %dma_start3A_62 = tpu.memref_slice %arg2[%dma_start3A_60, %dma_start3A_61] : memref<10240x128xf32, #tpu.memory_space<hbm>> -> memref<10240x128xf32, #tpu.memory_space<hbm>>
      tpu.enqueue_indirect_dma source(%dma_start3A_62 : memref<10240x128xf32, #tpu.memory_space<hbm>>) target(%arg12 : memref<32x128xf32, #tpu.memory_space<vmem>>) offsets(%dma_start3A_59 : memref<32xi32, #tpu.memory_space<vmem>>) semaphore(%arg21 : memref<!tpu.dma_semaphore, #tpu.memory_space<semaphore_mem>>)
      %dma_start3A_63 = arith.constant 3 : i32
      %dma_start3A_64 = arith.constant 0 : i32
      %dma_start3A_65 = tpu.memref_slice %arg6[%dma_start3A_63, %dma_start3A_64] : memref<16x32xi32, #tpu.memory_space<vmem>> -> memref<1x32xi32, #tpu.memory_space<vmem>>
      %dma_start3A_66 = tpu.memref_squeeze %dma_start3A_65 : memref<1x32xi32, #tpu.memory_space<vmem>> -> memref<32xi32, #tpu.memory_space<vmem>>
      %dma_start3A_67 = arith.constant 0 : i32
      %dma_start3A_68 = arith.constant 0 : i32
      %dma_start3A_69 = tpu.memref_slice %arg2[%dma_start3A_67, %dma_start3A_68] : memref<10240x128xf32, #tpu.memory_space<hbm>> -> memref<10240x128xf32, #tpu.memory_space<hbm>>
      tpu.enqueue_indirect_dma source(%dma_start3A_69 : memref<10240x128xf32, #tpu.memory_space<hbm>>) target(%arg13 : memref<32x128xf32, #tpu.memory_space<vmem>>) offsets(%dma_start3A_66 : memref<32xi32, #tpu.memory_space<vmem>>) semaphore(%arg22 : memref<!tpu.dma_semaphore, #tpu.memory_space<semaphore_mem>>)
      %dma_start3A_70 = arith.constant 4 : i32
      %dma_start3A_71 = arith.constant 0 : i32
      %dma_start3A_72 = tpu.memref_slice %arg6[%dma_start3A_70, %dma_start3A_71] : memref<16x32xi32, #tpu.memory_space<vmem>> -> memref<1x32xi32, #tpu.memory_space<vmem>>
      %dma_start3A_73 = tpu.memref_squeeze %dma_start3A_72 : memref<1x32xi32, #tpu.memory_space<vmem>> -> memref<32xi32, #tpu.memory_space<vmem>>
      %dma_start3A_74 = arith.constant 0 : i32
      %dma_start3A_75 = arith.constant 0 : i32
      %dma_start3A_76 = tpu.memref_slice %arg2[%dma_start3A_74, %dma_start3A_75] : memref<10240x128xf32, #tpu.memory_space<hbm>> -> memref<10240x128xf32, #tpu.memory_space<hbm>>
      tpu.enqueue_indirect_dma source(%dma_start3A_76 : memref<10240x128xf32, #tpu.memory_space<hbm>>) target(%arg14 : memref<32x128xf32, #tpu.memory_space<vmem>>) offsets(%dma_start3A_73 : memref<32xi32, #tpu.memory_space<vmem>>) semaphore(%arg23 : memref<!tpu.dma_semaphore, #tpu.memory_space<semaphore_mem>>)
      %dma_start3A_77 = arith.constant 5 : i32
      %dma_start3A_78 = arith.constant 0 : i32
      %dma_start3A_79 = tpu.memref_slice %arg6[%dma_start3A_77, %dma_start3A_78] : memref<16x32xi32, #tpu.memory_space<vmem>> -> memref<1x32xi32, #tpu.memory_space<vmem>>
      %dma_start3A_80 = tpu.memref_squeeze %dma_start3A_79 : memref<1x32xi32, #tpu.memory_space<vmem>> -> memref<32xi32, #tpu.memory_space<vmem>>
      %dma_start3A_81 = arith.constant 0 : i32
      %dma_start3A_82 = arith.constant 0 : i32
      %dma_start3A_83 = tpu.memref_slice %arg2[%dma_start3A_81, %dma_start3A_82] : memref<10240x128xf32, #tpu.memory_space<hbm>> -> memref<10240x128xf32, #tpu.memory_space<hbm>>
      tpu.enqueue_indirect_dma source(%dma_start3A_83 : memref<10240x128xf32, #tpu.memory_space<hbm>>) target(%arg15 : memref<32x128xf32, #tpu.memory_space<vmem>>) offsets(%dma_start3A_80 : memref<32xi32, #tpu.memory_space<vmem>>) semaphore(%arg24 : memref<!tpu.dma_semaphore, #tpu.memory_space<semaphore_mem>>)
      %dma_start3A_84 = arith.constant 6 : i32
      %dma_start3A_85 = arith.constant 0 : i32
      %dma_start3A_86 = tpu.memref_slice %arg6[%dma_start3A_84, %dma_start3A_85] : memref<16x32xi32, #tpu.memory_space<vmem>> -> memref<1x32xi32, #tpu.memory_space<vmem>>
      %dma_start3A_87 = tpu.memref_squeeze %dma_start3A_86 : memref<1x32xi32, #tpu.memory_space<vmem>> -> memref<32xi32, #tpu.memory_space<vmem>>
      %dma_start3A_88 = arith.constant 0 : i32
      %dma_start3A_89 = arith.constant 0 : i32
      %dma_start3A_90 = tpu.memref_slice %arg2[%dma_start3A_88, %dma_start3A_89] : memref<10240x128xf32, #tpu.memory_space<hbm>> -> memref<10240x128xf32, #tpu.memory_space<hbm>>
      tpu.enqueue_indirect_dma source(%dma_start3A_90 : memref<10240x128xf32, #tpu.memory_space<hbm>>) target(%arg16 : memref<32x128xf32, #tpu.memory_space<vmem>>) offsets(%dma_start3A_87 : memref<32xi32, #tpu.memory_space<vmem>>) semaphore(%arg25 : memref<!tpu.dma_semaphore, #tpu.memory_space<semaphore_mem>>)
      %scan3A_91 = arith.constant 0 : i32
      %scan3A_92 = arith.constant 10 : i32
      %scan3A_93 = arith.addi %scan3A_91, %scan3A_92 : i32
      %scan3A_94 = arith.constant 1 : i32
      scf.for %scan3A_152 = %scan3A_91 to %scan3A_93 step %scan3A_94  : i32 {
        %mul3A_153 = arith.constant 2 : i32
        %mul3A_154 = arith.muli %scan3A_152, %mul3A_153 : i32
        %add3A_155 = arith.constant 0 : i32
        %add3A_156 = arith.addi %add3A_155, %mul3A_154 : i32
        %add3A_157 = arith.constant 0 : i32
        %add3A_158 = arith.addi %add3A_156, %add3A_157 : i32
        %mul3A_159 = arith.constant 16 : i32
        %mul3A_160 = arith.muli %add3A_158, %mul3A_159 : i32
        %add3A_161 = arith.constant 0 : i32
        %add3A_162 = arith.addi %mul3A_160, %add3A_161 : i32
        %add3A_163 = arith.constant 1 : i32
        %add3A_164 = arith.addi %add3A_158, %add3A_163 : i32
        %lt3A = arith.constant 20 : i32
        %lt3A_165 = arith.cmpi slt, %add3A_164, %lt3A : i32
        %convert_element_type3A_166 = arith.extui %lt3A_165 : i1 to i32
        %cond3A_167 = arith.constant 0 : i32
        %cond3A_168 = arith.cmpi ne, %convert_element_type3A_166, %cond3A_167 : i32
        scf.if %cond3A_168 {
          %add3A_1077 = arith.constant 1 : i32
          %add3A_1078 = arith.addi %add3A_158, %add3A_1077 : i32
          %mul3A_1079 = arith.constant 16 : i32
          %mul3A_1080 = arith.muli %add3A_1078, %mul3A_1079 : i32
          %add3A_1081 = arith.addi %add3A_23, %mul3A_1080 : i32
          %dma_start3A_1082 = arith.constant 0 : i32
          %dma_start3A_1083 = tpu.memref_slice %arg3[%add3A_1081, %dma_start3A_1082] : memref<10240x32xi32, #tpu.memory_space<hbm>> -> memref<16x32xi32, #tpu.memory_space<hbm>>
          %dma_start3A_1084 = arith.constant 0 : i32
          %dma_start3A_1085 = tpu.memref_slice %arg3[%add3A_1081, %dma_start3A_1084] : memref<10240x32xi32, #tpu.memory_space<hbm>> -> memref<16x32xi32, #tpu.memory_space<hbm>>
          tpu.enqueue_dma source(%dma_start3A_1085 : memref<16x32xi32, #tpu.memory_space<hbm>>) target(%arg8 : memref<16x32xi32, #tpu.memory_space<vmem>>) target_semaphore(%arg35 : memref<!tpu.dma_semaphore, #tpu.memory_space<semaphore_mem>>)
          %dma_start3A_1086 = arith.constant 0 : i32
          %dma_start3A_1087 = tpu.memref_slice %arg4[%add3A_1081, %dma_start3A_1086] : memref<10240x32xi32, #tpu.memory_space<hbm>> -> memref<16x32xi32, #tpu.memory_space<hbm>>
          %dma_start3A_1088 = arith.constant 0 : i32
          %dma_start3A_1089 = tpu.memref_slice %arg4[%add3A_1081, %dma_start3A_1088] : memref<10240x32xi32, #tpu.memory_space<hbm>> -> memref<16x32xi32, #tpu.memory_space<hbm>>
          tpu.enqueue_dma source(%dma_start3A_1089 : memref<16x32xi32, #tpu.memory_space<hbm>>) target(%arg9 : memref<16x32xi32, #tpu.memory_space<vmem>>) target_semaphore(%arg35 : memref<!tpu.dma_semaphore, #tpu.memory_space<semaphore_mem>>)
        } else {
        }
        %dma_wait3A_169 = arith.constant 0 : i32
        %dma_wait3A_170 = arith.constant 0 : i32
        %dma_wait3A_171 = tpu.memref_slice %arg6[%dma_wait3A_169, %dma_wait3A_170] : memref<16x32xi32, #tpu.memory_space<vmem>> -> memref<1x32xi32, #tpu.memory_space<vmem>>
        %dma_wait3A_172 = tpu.memref_squeeze %dma_wait3A_171 : memref<1x32xi32, #tpu.memory_space<vmem>> -> memref<32xi32, #tpu.memory_space<vmem>>
        %dma_wait3A_173 = arith.constant 0 : i32
        %dma_wait3A_174 = arith.constant 0 : i32
        %dma_wait3A_175 = tpu.memref_slice %arg2[%dma_wait3A_173, %dma_wait3A_174] : memref<10240x128xf32, #tpu.memory_space<hbm>> -> memref<10240x128xf32, #tpu.memory_space<hbm>>
        tpu.wait_indirect_dma semaphore(%arg19 : memref<!tpu.dma_semaphore, #tpu.memory_space<semaphore_mem>>) src(%dma_wait3A_175 : memref<10240x128xf32, #tpu.memory_space<hbm>>) dst(%arg10 : memref<32x128xf32, #tpu.memory_space<vmem>>)
        %dma_start3A_176 = arith.constant 0 : i32
        %dma_start3A_177 = arith.constant 0 : i32
        %dma_start3A_178 = tpu.memref_slice %arg7[%dma_start3A_176, %dma_start3A_177] : memref<16x32xi32, #tpu.memory_space<vmem>> -> memref<1x32xi32, #tpu.memory_space<vmem>>
        %dma_start3A_179 = tpu.memref_squeeze %dma_start3A_178 : memref<1x32xi32, #tpu.memory_space<vmem>> -> memref<32xi32, #tpu.memory_space<vmem>>
        %dma_start3A_180 = arith.constant 0 : i32
        %dma_start3A_181 = arith.constant 0 : i32
        %dma_start3A_182 = tpu.memref_slice %arg18[%dma_start3A_180, %dma_start3A_181] : memref<10240x128xf32, #tpu.memory_space<vmem_shared>> -> memref<10240x128xf32, #tpu.memory_space<vmem_shared>>
        tpu.enqueue_indirect_dma source(%arg10 : memref<32x128xf32, #tpu.memory_space<vmem>>) target(%dma_start3A_182 : memref<10240x128xf32, #tpu.memory_space<vmem_shared>>) offsets(%dma_start3A_179 : memref<32xi32, #tpu.memory_space<vmem>>) semaphore(%arg27 : memref<!tpu.dma_semaphore, #tpu.memory_space<semaphore_mem>>) {add = true}
        %ge3A = arith.constant 1 : i32
        %ge3A_183 = arith.cmpi sge, %add3A_162, %ge3A : i32
        %convert_element_type3A_184 = arith.extui %ge3A_183 : i1 to i32
        %cond3A_185 = arith.constant 0 : i32
        %cond3A_186 = arith.cmpi ne, %convert_element_type3A_184, %cond3A_185 : i32
        scf.if %cond3A_186 {
          %dma_wait3A_1077 = arith.constant 7 : i32
          %dma_wait3A_1078 = arith.constant 0 : i32
          %dma_wait3A_1079 = tpu.memref_slice %arg7[%dma_wait3A_1077, %dma_wait3A_1078] : memref<16x32xi32, #tpu.memory_space<vmem>> -> memref<1x32xi32, #tpu.memory_space<vmem>>
          %dma_wait3A_1080 = tpu.memref_squeeze %dma_wait3A_1079 : memref<1x32xi32, #tpu.memory_space<vmem>> -> memref<32xi32, #tpu.memory_space<vmem>>
          %dma_wait3A_1081 = arith.constant 0 : i32
          %dma_wait3A_1082 = arith.constant 0 : i32
          %dma_wait3A_1083 = tpu.memref_slice %arg18[%dma_wait3A_1081, %dma_wait3A_1082] : memref<10240x128xf32, #tpu.memory_space<vmem_shared>> -> memref<10240x128xf32, #tpu.memory_space<vmem_shared>>
          tpu.wait_indirect_dma semaphore(%arg34 : memref<!tpu.dma_semaphore, #tpu.memory_space<semaphore_mem>>) src(%arg17 : memref<32x128xf32, #tpu.memory_space<vmem>>) dst(%dma_wait3A_1083 : memref<10240x128xf32, #tpu.memory_space<vmem_shared>>)
        } else {
        }
        %dma_start3A_187 = arith.constant 7 : i32
        %dma_start3A_188 = arith.constant 0 : i32
        %dma_start3A_189 = tpu.memref_slice %arg6[%dma_start3A_187, %dma_start3A_188] : memref<16x32xi32, #tpu.memory_space<vmem>> -> memref<1x32xi32, #tpu.memory_space<vmem>>
        %dma_start3A_190 = tpu.memref_squeeze %dma_start3A_189 : memref<1x32xi32, #tpu.memory_space<vmem>> -> memref<32xi32, #tpu.memory_space<vmem>>
        %dma_start3A_191 = arith.constant 0 : i32
        %dma_start3A_192 = arith.constant 0 : i32
        %dma_start3A_193 = tpu.memref_slice %arg2[%dma_start3A_191, %dma_start3A_192] : memref<10240x128xf32, #tpu.memory_space<hbm>> -> memref<10240x128xf32, #tpu.memory_space<hbm>>
        tpu.enqueue_indirect_dma source(%dma_start3A_193 : memref<10240x128xf32, #tpu.memory_space<hbm>>) target(%arg17 : memref<32x128xf32, #tpu.memory_space<vmem>>) offsets(%dma_start3A_190 : memref<32xi32, #tpu.memory_space<vmem>>) semaphore(%arg26 : memref<!tpu.dma_semaphore, #tpu.memory_space<semaphore_mem>>)
        %mul3A_194 = arith.constant 16 : i32
        %mul3A_195 = arith.muli %add3A_158, %mul3A_194 : i32
        %add3A_196 = arith.constant 1 : i32
        %add3A_197 = arith.addi %mul3A_195, %add3A_196 : i32
        %dma_wait3A_198 = arith.constant 1 : i32
        %dma_wait3A_199 = arith.constant 0 : i32
        %dma_wait3A_200 = tpu.memref_slice %arg6[%dma_wait3A_198, %dma_wait3A_199] : memref<16x32xi32, #tpu.memory_space<vmem>> -> memref<1x32xi32, #tpu.memory_space<vmem>>
        %dma_wait3A_201 = tpu.memref_squeeze %dma_wait3A_200 : memref<1x32xi32, #tpu.memory_space<vmem>> -> memref<32xi32, #tpu.memory_space<vmem>>
        %dma_wait3A_202 = arith.constant 0 : i32
        %dma_wait3A_203 = arith.constant 0 : i32
        %dma_wait3A_204 = tpu.memref_slice %arg2[%dma_wait3A_202, %dma_wait3A_203] : memref<10240x128xf32, #tpu.memory_space<hbm>> -> memref<10240x128xf32, #tpu.memory_space<hbm>>
        tpu.wait_indirect_dma semaphore(%arg20 : memref<!tpu.dma_semaphore, #tpu.memory_space<semaphore_mem>>) src(%dma_wait3A_204 : memref<10240x128xf32, #tpu.memory_space<hbm>>) dst(%arg11 : memref<32x128xf32, #tpu.memory_space<vmem>>)
        %dma_start3A_205 = arith.constant 1 : i32
        %dma_start3A_206 = arith.constant 0 : i32
        %dma_start3A_207 = tpu.memref_slice %arg7[%dma_start3A_205, %dma_start3A_206] : memref<16x32xi32, #tpu.memory_space<vmem>> -> memref<1x32xi32, #tpu.memory_space<vmem>>
        %dma_start3A_208 = tpu.memref_squeeze %dma_start3A_207 : memref<1x32xi32, #tpu.memory_space<vmem>> -> memref<32xi32, #tpu.memory_space<vmem>>
        %dma_start3A_209 = arith.constant 0 : i32
        %dma_start3A_210 = arith.constant 0 : i32
        %dma_start3A_211 = tpu.memref_slice %arg18[%dma_start3A_209, %dma_start3A_210] : memref<10240x128xf32, #tpu.memory_space<vmem_shared>> -> memref<10240x128xf32, #tpu.memory_space<vmem_shared>>
        tpu.enqueue_indirect_dma source(%arg11 : memref<32x128xf32, #tpu.memory_space<vmem>>) target(%dma_start3A_211 : memref<10240x128xf32, #tpu.memory_space<vmem_shared>>) offsets(%dma_start3A_208 : memref<32xi32, #tpu.memory_space<vmem>>) semaphore(%arg28 : memref<!tpu.dma_semaphore, #tpu.memory_space<semaphore_mem>>) {add = true}
        %ge3A_212 = arith.constant 1 : i32
        %ge3A_213 = arith.cmpi sge, %add3A_197, %ge3A_212 : i32
        %convert_element_type3A_214 = arith.extui %ge3A_213 : i1 to i32
        %cond3A_215 = arith.constant 0 : i32
        %cond3A_216 = arith.cmpi ne, %convert_element_type3A_214, %cond3A_215 : i32
        scf.if %cond3A_216 {
          %dma_wait3A_1077 = arith.constant 0 : i32
          %dma_wait3A_1078 = arith.constant 0 : i32
          %dma_wait3A_1079 = tpu.memref_slice %arg7[%dma_wait3A_1077, %dma_wait3A_1078] : memref<16x32xi32, #tpu.memory_space<vmem>> -> memref<1x32xi32, #tpu.memory_space<vmem>>
          %dma_wait3A_1080 = tpu.memref_squeeze %dma_wait3A_1079 : memref<1x32xi32, #tpu.memory_space<vmem>> -> memref<32xi32, #tpu.memory_space<vmem>>
          %dma_wait3A_1081 = arith.constant 0 : i32
          %dma_wait3A_1082 = arith.constant 0 : i32
          %dma_wait3A_1083 = tpu.memref_slice %arg18[%dma_wait3A_1081, %dma_wait3A_1082] : memref<10240x128xf32, #tpu.memory_space<vmem_shared>> -> memref<10240x128xf32, #tpu.memory_space<vmem_shared>>
          tpu.wait_indirect_dma semaphore(%arg27 : memref<!tpu.dma_semaphore, #tpu.memory_space<semaphore_mem>>) src(%arg10 : memref<32x128xf32, #tpu.memory_space<vmem>>) dst(%dma_wait3A_1083 : memref<10240x128xf32, #tpu.memory_space<vmem_shared>>)
        } else {
        }
        %dma_start3A_217 = arith.constant 8 : i32
        %dma_start3A_218 = arith.constant 0 : i32
        %dma_start3A_219 = tpu.memref_slice %arg6[%dma_start3A_217, %dma_start3A_218] : memref<16x32xi32, #tpu.memory_space<vmem>> -> memref<1x32xi32, #tpu.memory_space<vmem>>
        %dma_start3A_220 = tpu.memref_squeeze %dma_start3A_219 : memref<1x32xi32, #tpu.memory_space<vmem>> -> memref<32xi32, #tpu.memory_space<vmem>>
        %dma_start3A_221 = arith.constant 0 : i32
        %dma_start3A_222 = arith.constant 0 : i32
        %dma_start3A_223 = tpu.memref_slice %arg2[%dma_start3A_221, %dma_start3A_222] : memref<10240x128xf32, #tpu.memory_space<hbm>> -> memref<10240x128xf32, #tpu.memory_space<hbm>>
        tpu.enqueue_indirect_dma source(%dma_start3A_223 : memref<10240x128xf32, #tpu.memory_space<hbm>>) target(%arg10 : memref<32x128xf32, #tpu.memory_space<vmem>>) offsets(%dma_start3A_220 : memref<32xi32, #tpu.memory_space<vmem>>) semaphore(%arg19 : memref<!tpu.dma_semaphore, #tpu.memory_space<semaphore_mem>>)
        %mul3A_224 = arith.constant 16 : i32
        %mul3A_225 = arith.muli %add3A_158, %mul3A_224 : i32
        %add3A_226 = arith.constant 2 : i32
        %add3A_227 = arith.addi %mul3A_225, %add3A_226 : i32
        %dma_wait3A_228 = arith.constant 2 : i32
        %dma_wait3A_229 = arith.constant 0 : i32
        %dma_wait3A_230 = tpu.memref_slice %arg6[%dma_wait3A_228, %dma_wait3A_229] : memref<16x32xi32, #tpu.memory_space<vmem>> -> memref<1x32xi32, #tpu.memory_space<vmem>>
        %dma_wait3A_231 = tpu.memref_squeeze %dma_wait3A_230 : memref<1x32xi32, #tpu.memory_space<vmem>> -> memref<32xi32, #tpu.memory_space<vmem>>
        %dma_wait3A_232 = arith.constant 0 : i32
        %dma_wait3A_233 = arith.constant 0 : i32
        %dma_wait3A_234 = tpu.memref_slice %arg2[%dma_wait3A_232, %dma_wait3A_233] : memref<10240x128xf32, #tpu.memory_space<hbm>> -> memref<10240x128xf32, #tpu.memory_space<hbm>>
        tpu.wait_indirect_dma semaphore(%arg21 : memref<!tpu.dma_semaphore, #tpu.memory_space<semaphore_mem>>) src(%dma_wait3A_234 : memref<10240x128xf32, #tpu.memory_space<hbm>>) dst(%arg12 : memref<32x128xf32, #tpu.memory_space<vmem>>)
        %dma_start3A_235 = arith.constant 2 : i32
        %dma_start3A_236 = arith.constant 0 : i32
        %dma_start3A_237 = tpu.memref_slice %arg7[%dma_start3A_235, %dma_start3A_236] : memref<16x32xi32, #tpu.memory_space<vmem>> -> memref<1x32xi32, #tpu.memory_space<vmem>>
        %dma_start3A_238 = tpu.memref_squeeze %dma_start3A_237 : memref<1x32xi32, #tpu.memory_space<vmem>> -> memref<32xi32, #tpu.memory_space<vmem>>
        %dma_start3A_239 = arith.constant 0 : i32
        %dma_start3A_240 = arith.constant 0 : i32
        %dma_start3A_241 = tpu.memref_slice %arg18[%dma_start3A_239, %dma_start3A_240] : memref<10240x128xf32, #tpu.memory_space<vmem_shared>> -> memref<10240x128xf32, #tpu.memory_space<vmem_shared>>
        tpu.enqueue_indirect_dma source(%arg12 : memref<32x128xf32, #tpu.memory_space<vmem>>) target(%dma_start3A_241 : memref<10240x128xf32, #tpu.memory_space<vmem_shared>>) offsets(%dma_start3A_238 : memref<32xi32, #tpu.memory_space<vmem>>) semaphore(%arg29 : memref<!tpu.dma_semaphore, #tpu.memory_space<semaphore_mem>>) {add = true}
        %ge3A_242 = arith.constant 1 : i32
        %ge3A_243 = arith.cmpi sge, %add3A_227, %ge3A_242 : i32
        %convert_element_type3A_244 = arith.extui %ge3A_243 : i1 to i32
        %cond3A_245 = arith.constant 0 : i32
        %cond3A_246 = arith.cmpi ne, %convert_element_type3A_244, %cond3A_245 : i32
        scf.if %cond3A_246 {
          %dma_wait3A_1077 = arith.constant 1 : i32
          %dma_wait3A_1078 = arith.constant 0 : i32
          %dma_wait3A_1079 = tpu.memref_slice %arg7[%dma_wait3A_1077, %dma_wait3A_1078] : memref<16x32xi32, #tpu.memory_space<vmem>> -> memref<1x32xi32, #tpu.memory_space<vmem>>
          %dma_wait3A_1080 = tpu.memref_squeeze %dma_wait3A_1079 : memref<1x32xi32, #tpu.memory_space<vmem>> -> memref<32xi32, #tpu.memory_space<vmem>>
          %dma_wait3A_1081 = arith.constant 0 : i32
          %dma_wait3A_1082 = arith.constant 0 : i32
          %dma_wait3A_1083 = tpu.memref_slice %arg18[%dma_wait3A_1081, %dma_wait3A_1082] : memref<10240x128xf32, #tpu.memory_space<vmem_shared>> -> memref<10240x128xf32, #tpu.memory_space<vmem_shared>>
          tpu.wait_indirect_dma semaphore(%arg28 : memref<!tpu.dma_semaphore, #tpu.memory_space<semaphore_mem>>) src(%arg11 : memref<32x128xf32, #tpu.memory_space<vmem>>) dst(%dma_wait3A_1083 : memref<10240x128xf32, #tpu.memory_space<vmem_shared>>)
        } else {
        }
        %dma_start3A_247 = arith.constant 9 : i32
        %dma_start3A_248 = arith.constant 0 : i32
        %dma_start3A_249 = tpu.memref_slice %arg6[%dma_start3A_247, %dma_start3A_248] : memref<16x32xi32, #tpu.memory_space<vmem>> -> memref<1x32xi32, #tpu.memory_space<vmem>>
        %dma_start3A_250 = tpu.memref_squeeze %dma_start3A_249 : memref<1x32xi32, #tpu.memory_space<vmem>> -> memref<32xi32, #tpu.memory_space<vmem>>
        %dma_start3A_251 = arith.constant 0 : i32
        %dma_start3A_252 = arith.constant 0 : i32
        %dma_start3A_253 = tpu.memref_slice %arg2[%dma_start3A_251, %dma_start3A_252] : memref<10240x128xf32, #tpu.memory_space<hbm>> -> memref<10240x128xf32, #tpu.memory_space<hbm>>
        tpu.enqueue_indirect_dma source(%dma_start3A_253 : memref<10240x128xf32, #tpu.memory_space<hbm>>) target(%arg11 : memref<32x128xf32, #tpu.memory_space<vmem>>) offsets(%dma_start3A_250 : memref<32xi32, #tpu.memory_space<vmem>>) semaphore(%arg20 : memref<!tpu.dma_semaphore, #tpu.memory_space<semaphore_mem>>)
        %mul3A_254 = arith.constant 16 : i32
        %mul3A_255 = arith.muli %add3A_158, %mul3A_254 : i32
        %add3A_256 = arith.constant 3 : i32
        %add3A_257 = arith.addi %mul3A_255, %add3A_256 : i32
        %dma_wait3A_258 = arith.constant 3 : i32
        %dma_wait3A_259 = arith.constant 0 : i32
        %dma_wait3A_260 = tpu.memref_slice %arg6[%dma_wait3A_258, %dma_wait3A_259] : memref<16x32xi32, #tpu.memory_space<vmem>> -> memref<1x32xi32, #tpu.memory_space<vmem>>
        %dma_wait3A_261 = tpu.memref_squeeze %dma_wait3A_260 : memref<1x32xi32, #tpu.memory_space<vmem>> -> memref<32xi32, #tpu.memory_space<vmem>>
        %dma_wait3A_262 = arith.constant 0 : i32
        %dma_wait3A_263 = arith.constant 0 : i32
        %dma_wait3A_264 = tpu.memref_slice %arg2[%dma_wait3A_262, %dma_wait3A_263] : memref<10240x128xf32, #tpu.memory_space<hbm>> -> memref<10240x128xf32, #tpu.memory_space<hbm>>
        tpu.wait_indirect_dma semaphore(%arg22 : memref<!tpu.dma_semaphore, #tpu.memory_space<semaphore_mem>>) src(%dma_wait3A_264 : memref<10240x128xf32, #tpu.memory_space<hbm>>) dst(%arg13 : memref<32x128xf32, #tpu.memory_space<vmem>>)
        %dma_start3A_265 = arith.constant 3 : i32
        %dma_start3A_266 = arith.constant 0 : i32
        %dma_start3A_267 = tpu.memref_slice %arg7[%dma_start3A_265, %dma_start3A_266] : memref<16x32xi32, #tpu.memory_space<vmem>> -> memref<1x32xi32, #tpu.memory_space<vmem>>
        %dma_start3A_268 = tpu.memref_squeeze %dma_start3A_267 : memref<1x32xi32, #tpu.memory_space<vmem>> -> memref<32xi32, #tpu.memory_space<vmem>>
        %dma_start3A_269 = arith.constant 0 : i32
        %dma_start3A_270 = arith.constant 0 : i32
        %dma_start3A_271 = tpu.memref_slice %arg18[%dma_start3A_269, %dma_start3A_270] : memref<10240x128xf32, #tpu.memory_space<vmem_shared>> -> memref<10240x128xf32, #tpu.memory_space<vmem_shared>>
        tpu.enqueue_indirect_dma source(%arg13 : memref<32x128xf32, #tpu.memory_space<vmem>>) target(%dma_start3A_271 : memref<10240x128xf32, #tpu.memory_space<vmem_shared>>) offsets(%dma_start3A_268 : memref<32xi32, #tpu.memory_space<vmem>>) semaphore(%arg30 : memref<!tpu.dma_semaphore, #tpu.memory_space<semaphore_mem>>) {add = true}
        %ge3A_272 = arith.constant 1 : i32
        %ge3A_273 = arith.cmpi sge, %add3A_257, %ge3A_272 : i32
        %convert_element_type3A_274 = arith.extui %ge3A_273 : i1 to i32
        %cond3A_275 = arith.constant 0 : i32
        %cond3A_276 = arith.cmpi ne, %convert_element_type3A_274, %cond3A_275 : i32
        scf.if %cond3A_276 {
          %dma_wait3A_1077 = arith.constant 2 : i32
          %dma_wait3A_1078 = arith.constant 0 : i32
          %dma_wait3A_1079 = tpu.memref_slice %arg7[%dma_wait3A_1077, %dma_wait3A_1078] : memref<16x32xi32, #tpu.memory_space<vmem>> -> memref<1x32xi32, #tpu.memory_space<vmem>>
          %dma_wait3A_1080 = tpu.memref_squeeze %dma_wait3A_1079 : memref<1x32xi32, #tpu.memory_space<vmem>> -> memref<32xi32, #tpu.memory_space<vmem>>
          %dma_wait3A_1081 = arith.constant 0 : i32
          %dma_wait3A_1082 = arith.constant 0 : i32
          %dma_wait3A_1083 = tpu.memref_slice %arg18[%dma_wait3A_1081, %dma_wait3A_1082] : memref<10240x128xf32, #tpu.memory_space<vmem_shared>> -> memref<10240x128xf32, #tpu.memory_space<vmem_shared>>
          tpu.wait_indirect_dma semaphore(%arg29 : memref<!tpu.dma_semaphore, #tpu.memory_space<semaphore_mem>>) src(%arg12 : memref<32x128xf32, #tpu.memory_space<vmem>>) dst(%dma_wait3A_1083 : memref<10240x128xf32, #tpu.memory_space<vmem_shared>>)
        } else {
        }
        %dma_start3A_277 = arith.constant 10 : i32
        %dma_start3A_278 = arith.constant 0 : i32
        %dma_start3A_279 = tpu.memref_slice %arg6[%dma_start3A_277, %dma_start3A_278] : memref<16x32xi32, #tpu.memory_space<vmem>> -> memref<1x32xi32, #tpu.memory_space<vmem>>
        %dma_start3A_280 = tpu.memref_squeeze %dma_start3A_279 : memref<1x32xi32, #tpu.memory_space<vmem>> -> memref<32xi32, #tpu.memory_space<vmem>>
        %dma_start3A_281 = arith.constant 0 : i32
        %dma_start3A_282 = arith.constant 0 : i32
        %dma_start3A_283 = tpu.memref_slice %arg2[%dma_start3A_281, %dma_start3A_282] : memref<10240x128xf32, #tpu.memory_space<hbm>> -> memref<10240x128xf32, #tpu.memory_space<hbm>>
        tpu.enqueue_indirect_dma source(%dma_start3A_283 : memref<10240x128xf32, #tpu.memory_space<hbm>>) target(%arg12 : memref<32x128xf32, #tpu.memory_space<vmem>>) offsets(%dma_start3A_280 : memref<32xi32, #tpu.memory_space<vmem>>) semaphore(%arg21 : memref<!tpu.dma_semaphore, #tpu.memory_space<semaphore_mem>>)
        %mul3A_284 = arith.constant 16 : i32
        %mul3A_285 = arith.muli %add3A_158, %mul3A_284 : i32
        %add3A_286 = arith.constant 4 : i32
        %add3A_287 = arith.addi %mul3A_285, %add3A_286 : i32
        %dma_wait3A_288 = arith.constant 4 : i32
        %dma_wait3A_289 = arith.constant 0 : i32
        %dma_wait3A_290 = tpu.memref_slice %arg6[%dma_wait3A_288, %dma_wait3A_289] : memref<16x32xi32, #tpu.memory_space<vmem>> -> memref<1x32xi32, #tpu.memory_space<vmem>>
        %dma_wait3A_291 = tpu.memref_squeeze %dma_wait3A_290 : memref<1x32xi32, #tpu.memory_space<vmem>> -> memref<32xi32, #tpu.memory_space<vmem>>
        %dma_wait3A_292 = arith.constant 0 : i32
        %dma_wait3A_293 = arith.constant 0 : i32
        %dma_wait3A_294 = tpu.memref_slice %arg2[%dma_wait3A_292, %dma_wait3A_293] : memref<10240x128xf32, #tpu.memory_space<hbm>> -> memref<10240x128xf32, #tpu.memory_space<hbm>>
        tpu.wait_indirect_dma semaphore(%arg23 : memref<!tpu.dma_semaphore, #tpu.memory_space<semaphore_mem>>) src(%dma_wait3A_294 : memref<10240x128xf32, #tpu.memory_space<hbm>>) dst(%arg14 : memref<32x128xf32, #tpu.memory_space<vmem>>)
        %dma_start3A_295 = arith.constant 4 : i32
        %dma_start3A_296 = arith.constant 0 : i32
        %dma_start3A_297 = tpu.memref_slice %arg7[%dma_start3A_295, %dma_start3A_296] : memref<16x32xi32, #tpu.memory_space<vmem>> -> memref<1x32xi32, #tpu.memory_space<vmem>>
        %dma_start3A_298 = tpu.memref_squeeze %dma_start3A_297 : memref<1x32xi32, #tpu.memory_space<vmem>> -> memref<32xi32, #tpu.memory_space<vmem>>
        %dma_start3A_299 = arith.constant 0 : i32
        %dma_start3A_300 = arith.constant 0 : i32
        %dma_start3A_301 = tpu.memref_slice %arg18[%dma_start3A_299, %dma_start3A_300] : memref<10240x128xf32, #tpu.memory_space<vmem_shared>> -> memref<10240x128xf32, #tpu.memory_space<vmem_shared>>
        tpu.enqueue_indirect_dma source(%arg14 : memref<32x128xf32, #tpu.memory_space<vmem>>) target(%dma_start3A_301 : memref<10240x128xf32, #tpu.memory_space<vmem_shared>>) offsets(%dma_start3A_298 : memref<32xi32, #tpu.memory_space<vmem>>) semaphore(%arg31 : memref<!tpu.dma_semaphore, #tpu.memory_space<semaphore_mem>>) {add = true}
        %ge3A_302 = arith.constant 1 : i32
        %ge3A_303 = arith.cmpi sge, %add3A_287, %ge3A_302 : i32
        %convert_element_type3A_304 = arith.extui %ge3A_303 : i1 to i32
        %cond3A_305 = arith.constant 0 : i32
        %cond3A_306 = arith.cmpi ne, %convert_element_type3A_304, %cond3A_305 : i32
        scf.if %cond3A_306 {
          %dma_wait3A_1077 = arith.constant 3 : i32
          %dma_wait3A_1078 = arith.constant 0 : i32
          %dma_wait3A_1079 = tpu.memref_slice %arg7[%dma_wait3A_1077, %dma_wait3A_1078] : memref<16x32xi32, #tpu.memory_space<vmem>> -> memref<1x32xi32, #tpu.memory_space<vmem>>
          %dma_wait3A_1080 = tpu.memref_squeeze %dma_wait3A_1079 : memref<1x32xi32, #tpu.memory_space<vmem>> -> memref<32xi32, #tpu.memory_space<vmem>>
          %dma_wait3A_1081 = arith.constant 0 : i32
          %dma_wait3A_1082 = arith.constant 0 : i32
          %dma_wait3A_1083 = tpu.memref_slice %arg18[%dma_wait3A_1081, %dma_wait3A_1082] : memref<10240x128xf32, #tpu.memory_space<vmem_shared>> -> memref<10240x128xf32, #tpu.memory_space<vmem_shared>>
          tpu.wait_indirect_dma semaphore(%arg30 : memref<!tpu.dma_semaphore, #tpu.memory_space<semaphore_mem>>) src(%arg13 : memref<32x128xf32, #tpu.memory_space<vmem>>) dst(%dma_wait3A_1083 : memref<10240x128xf32, #tpu.memory_space<vmem_shared>>)
        } else {
        }
        %dma_start3A_307 = arith.constant 11 : i32
        %dma_start3A_308 = arith.constant 0 : i32
        %dma_start3A_309 = tpu.memref_slice %arg6[%dma_start3A_307, %dma_start3A_308] : memref<16x32xi32, #tpu.memory_space<vmem>> -> memref<1x32xi32, #tpu.memory_space<vmem>>
        %dma_start3A_310 = tpu.memref_squeeze %dma_start3A_309 : memref<1x32xi32, #tpu.memory_space<vmem>> -> memref<32xi32, #tpu.memory_space<vmem>>
        %dma_start3A_311 = arith.constant 0 : i32
        %dma_start3A_312 = arith.constant 0 : i32
        %dma_start3A_313 = tpu.memref_slice %arg2[%dma_start3A_311, %dma_start3A_312] : memref<10240x128xf32, #tpu.memory_space<hbm>> -> memref<10240x128xf32, #tpu.memory_space<hbm>>
        tpu.enqueue_indirect_dma source(%dma_start3A_313 : memref<10240x128xf32, #tpu.memory_space<hbm>>) target(%arg13 : memref<32x128xf32, #tpu.memory_space<vmem>>) offsets(%dma_start3A_310 : memref<32xi32, #tpu.memory_space<vmem>>) semaphore(%arg22 : memref<!tpu.dma_semaphore, #tpu.memory_space<semaphore_mem>>)
        %mul3A_314 = arith.constant 16 : i32
        %mul3A_315 = arith.muli %add3A_158, %mul3A_314 : i32
        %add3A_316 = arith.constant 5 : i32
        %add3A_317 = arith.addi %mul3A_315, %add3A_316 : i32
        %dma_wait3A_318 = arith.constant 5 : i32
        %dma_wait3A_319 = arith.constant 0 : i32
        %dma_wait3A_320 = tpu.memref_slice %arg6[%dma_wait3A_318, %dma_wait3A_319] : memref<16x32xi32, #tpu.memory_space<vmem>> -> memref<1x32xi32, #tpu.memory_space<vmem>>
        %dma_wait3A_321 = tpu.memref_squeeze %dma_wait3A_320 : memref<1x32xi32, #tpu.memory_space<vmem>> -> memref<32xi32, #tpu.memory_space<vmem>>
        %dma_wait3A_322 = arith.constant 0 : i32
        %dma_wait3A_323 = arith.constant 0 : i32
        %dma_wait3A_324 = tpu.memref_slice %arg2[%dma_wait3A_322, %dma_wait3A_323] : memref<10240x128xf32, #tpu.memory_space<hbm>> -> memref<10240x128xf32, #tpu.memory_space<hbm>>
        tpu.wait_indirect_dma semaphore(%arg24 : memref<!tpu.dma_semaphore, #tpu.memory_space<semaphore_mem>>) src(%dma_wait3A_324 : memref<10240x128xf32, #tpu.memory_space<hbm>>) dst(%arg15 : memref<32x128xf32, #tpu.memory_space<vmem>>)
        %dma_start3A_325 = arith.constant 5 : i32
        %dma_start3A_326 = arith.constant 0 : i32
        %dma_start3A_327 = tpu.memref_slice %arg7[%dma_start3A_325, %dma_start3A_326] : memref<16x32xi32, #tpu.memory_space<vmem>> -> memref<1x32xi32, #tpu.memory_space<vmem>>
        %dma_start3A_328 = tpu.memref_squeeze %dma_start3A_327 : memref<1x32xi32, #tpu.memory_space<vmem>> -> memref<32xi32, #tpu.memory_space<vmem>>
        %dma_start3A_329 = arith.constant 0 : i32
        %dma_start3A_330 = arith.constant 0 : i32
        %dma_start3A_331 = tpu.memref_slice %arg18[%dma_start3A_329, %dma_start3A_330] : memref<10240x128xf32, #tpu.memory_space<vmem_shared>> -> memref<10240x128xf32, #tpu.memory_space<vmem_shared>>
        tpu.enqueue_indirect_dma source(%arg15 : memref<32x128xf32, #tpu.memory_space<vmem>>) target(%dma_start3A_331 : memref<10240x128xf32, #tpu.memory_space<vmem_shared>>) offsets(%dma_start3A_328 : memref<32xi32, #tpu.memory_space<vmem>>) semaphore(%arg32 : memref<!tpu.dma_semaphore, #tpu.memory_space<semaphore_mem>>) {add = true}
        %ge3A_332 = arith.constant 1 : i32
        %ge3A_333 = arith.cmpi sge, %add3A_317, %ge3A_332 : i32
        %convert_element_type3A_334 = arith.extui %ge3A_333 : i1 to i32
        %cond3A_335 = arith.constant 0 : i32
        %cond3A_336 = arith.cmpi ne, %convert_element_type3A_334, %cond3A_335 : i32
        scf.if %cond3A_336 {
          %dma_wait3A_1077 = arith.constant 4 : i32
          %dma_wait3A_1078 = arith.constant 0 : i32
          %dma_wait3A_1079 = tpu.memref_slice %arg7[%dma_wait3A_1077, %dma_wait3A_1078] : memref<16x32xi32, #tpu.memory_space<vmem>> -> memref<1x32xi32, #tpu.memory_space<vmem>>
          %dma_wait3A_1080 = tpu.memref_squeeze %dma_wait3A_1079 : memref<1x32xi32, #tpu.memory_space<vmem>> -> memref<32xi32, #tpu.memory_space<vmem>>
          %dma_wait3A_1081 = arith.constant 0 : i32
          %dma_wait3A_1082 = arith.constant 0 : i32
          %dma_wait3A_1083 = tpu.memref_slice %arg18[%dma_wait3A_1081, %dma_wait3A_1082] : memref<10240x128xf32, #tpu.memory_space<vmem_shared>> -> memref<10240x128xf32, #tpu.memory_space<vmem_shared>>
          tpu.wait_indirect_dma semaphore(%arg31 : memref<!tpu.dma_semaphore, #tpu.memory_space<semaphore_mem>>) src(%arg14 : memref<32x128xf32, #tpu.memory_space<vmem>>) dst(%dma_wait3A_1083 : memref<10240x128xf32, #tpu.memory_space<vmem_shared>>)
        } else {
        }
        %dma_start3A_337 = arith.constant 12 : i32
        %dma_start3A_338 = arith.constant 0 : i32
        %dma_start3A_339 = tpu.memref_slice %arg6[%dma_start3A_337, %dma_start3A_338] : memref<16x32xi32, #tpu.memory_space<vmem>> -> memref<1x32xi32, #tpu.memory_space<vmem>>
        %dma_start3A_340 = tpu.memref_squeeze %dma_start3A_339 : memref<1x32xi32, #tpu.memory_space<vmem>> -> memref<32xi32, #tpu.memory_space<vmem>>
        %dma_start3A_341 = arith.constant 0 : i32
        %dma_start3A_342 = arith.constant 0 : i32
        %dma_start3A_343 = tpu.memref_slice %arg2[%dma_start3A_341, %dma_start3A_342] : memref<10240x128xf32, #tpu.memory_space<hbm>> -> memref<10240x128xf32, #tpu.memory_space<hbm>>
        tpu.enqueue_indirect_dma source(%dma_start3A_343 : memref<10240x128xf32, #tpu.memory_space<hbm>>) target(%arg14 : memref<32x128xf32, #tpu.memory_space<vmem>>) offsets(%dma_start3A_340 : memref<32xi32, #tpu.memory_space<vmem>>) semaphore(%arg23 : memref<!tpu.dma_semaphore, #tpu.memory_space<semaphore_mem>>)
        %mul3A_344 = arith.constant 16 : i32
        %mul3A_345 = arith.muli %add3A_158, %mul3A_344 : i32
        %add3A_346 = arith.constant 6 : i32
        %add3A_347 = arith.addi %mul3A_345, %add3A_346 : i32
        %dma_wait3A_348 = arith.constant 6 : i32
        %dma_wait3A_349 = arith.constant 0 : i32
        %dma_wait3A_350 = tpu.memref_slice %arg6[%dma_wait3A_348, %dma_wait3A_349] : memref<16x32xi32, #tpu.memory_space<vmem>> -> memref<1x32xi32, #tpu.memory_space<vmem>>
        %dma_wait3A_351 = tpu.memref_squeeze %dma_wait3A_350 : memref<1x32xi32, #tpu.memory_space<vmem>> -> memref<32xi32, #tpu.memory_space<vmem>>
        %dma_wait3A_352 = arith.constant 0 : i32
        %dma_wait3A_353 = arith.constant 0 : i32
        %dma_wait3A_354 = tpu.memref_slice %arg2[%dma_wait3A_352, %dma_wait3A_353] : memref<10240x128xf32, #tpu.memory_space<hbm>> -> memref<10240x128xf32, #tpu.memory_space<hbm>>
        tpu.wait_indirect_dma semaphore(%arg25 : memref<!tpu.dma_semaphore, #tpu.memory_space<semaphore_mem>>) src(%dma_wait3A_354 : memref<10240x128xf32, #tpu.memory_space<hbm>>) dst(%arg16 : memref<32x128xf32, #tpu.memory_space<vmem>>)
        %dma_start3A_355 = arith.constant 6 : i32
        %dma_start3A_356 = arith.constant 0 : i32
        %dma_start3A_357 = tpu.memref_slice %arg7[%dma_start3A_355, %dma_start3A_356] : memref<16x32xi32, #tpu.memory_space<vmem>> -> memref<1x32xi32, #tpu.memory_space<vmem>>
        %dma_start3A_358 = tpu.memref_squeeze %dma_start3A_357 : memref<1x32xi32, #tpu.memory_space<vmem>> -> memref<32xi32, #tpu.memory_space<vmem>>
        %dma_start3A_359 = arith.constant 0 : i32
        %dma_start3A_360 = arith.constant 0 : i32
        %dma_start3A_361 = tpu.memref_slice %arg18[%dma_start3A_359, %dma_start3A_360] : memref<10240x128xf32, #tpu.memory_space<vmem_shared>> -> memref<10240x128xf32, #tpu.memory_space<vmem_shared>>
        tpu.enqueue_indirect_dma source(%arg16 : memref<32x128xf32, #tpu.memory_space<vmem>>) target(%dma_start3A_361 : memref<10240x128xf32, #tpu.memory_space<vmem_shared>>) offsets(%dma_start3A_358 : memref<32xi32, #tpu.memory_space<vmem>>) semaphore(%arg33 : memref<!tpu.dma_semaphore, #tpu.memory_space<semaphore_mem>>) {add = true}
        %ge3A_362 = arith.constant 1 : i32
        %ge3A_363 = arith.cmpi sge, %add3A_347, %ge3A_362 : i32
        %convert_element_type3A_364 = arith.extui %ge3A_363 : i1 to i32
        %cond3A_365 = arith.constant 0 : i32
        %cond3A_366 = arith.cmpi ne, %convert_element_type3A_364, %cond3A_365 : i32
        scf.if %cond3A_366 {
          %dma_wait3A_1077 = arith.constant 5 : i32
          %dma_wait3A_1078 = arith.constant 0 : i32
          %dma_wait3A_1079 = tpu.memref_slice %arg7[%dma_wait3A_1077, %dma_wait3A_1078] : memref<16x32xi32, #tpu.memory_space<vmem>> -> memref<1x32xi32, #tpu.memory_space<vmem>>
          %dma_wait3A_1080 = tpu.memref_squeeze %dma_wait3A_1079 : memref<1x32xi32, #tpu.memory_space<vmem>> -> memref<32xi32, #tpu.memory_space<vmem>>
          %dma_wait3A_1081 = arith.constant 0 : i32
          %dma_wait3A_1082 = arith.constant 0 : i32
          %dma_wait3A_1083 = tpu.memref_slice %arg18[%dma_wait3A_1081, %dma_wait3A_1082] : memref<10240x128xf32, #tpu.memory_space<vmem_shared>> -> memref<10240x128xf32, #tpu.memory_space<vmem_shared>>
          tpu.wait_indirect_dma semaphore(%arg32 : memref<!tpu.dma_semaphore, #tpu.memory_space<semaphore_mem>>) src(%arg15 : memref<32x128xf32, #tpu.memory_space<vmem>>) dst(%dma_wait3A_1083 : memref<10240x128xf32, #tpu.memory_space<vmem_shared>>)
        } else {
        }
        %dma_start3A_367 = arith.constant 13 : i32
        %dma_start3A_368 = arith.constant 0 : i32
        %dma_start3A_369 = tpu.memref_slice %arg6[%dma_start3A_367, %dma_start3A_368] : memref<16x32xi32, #tpu.memory_space<vmem>> -> memref<1x32xi32, #tpu.memory_space<vmem>>
        %dma_start3A_370 = tpu.memref_squeeze %dma_start3A_369 : memref<1x32xi32, #tpu.memory_space<vmem>> -> memref<32xi32, #tpu.memory_space<vmem>>
        %dma_start3A_371 = arith.constant 0 : i32
        %dma_start3A_372 = arith.constant 0 : i32
        %dma_start3A_373 = tpu.memref_slice %arg2[%dma_start3A_371, %dma_start3A_372] : memref<10240x128xf32, #tpu.memory_space<hbm>> -> memref<10240x128xf32, #tpu.memory_space<hbm>>
        tpu.enqueue_indirect_dma source(%dma_start3A_373 : memref<10240x128xf32, #tpu.memory_space<hbm>>) target(%arg15 : memref<32x128xf32, #tpu.memory_space<vmem>>) offsets(%dma_start3A_370 : memref<32xi32, #tpu.memory_space<vmem>>) semaphore(%arg24 : memref<!tpu.dma_semaphore, #tpu.memory_space<semaphore_mem>>)
        %mul3A_374 = arith.constant 16 : i32
        %mul3A_375 = arith.muli %add3A_158, %mul3A_374 : i32
        %add3A_376 = arith.constant 7 : i32
        %add3A_377 = arith.addi %mul3A_375, %add3A_376 : i32
        %dma_wait3A_378 = arith.constant 7 : i32
        %dma_wait3A_379 = arith.constant 0 : i32
        %dma_wait3A_380 = tpu.memref_slice %arg6[%dma_wait3A_378, %dma_wait3A_379] : memref<16x32xi32, #tpu.memory_space<vmem>> -> memref<1x32xi32, #tpu.memory_space<vmem>>
        %dma_wait3A_381 = tpu.memref_squeeze %dma_wait3A_380 : memref<1x32xi32, #tpu.memory_space<vmem>> -> memref<32xi32, #tpu.memory_space<vmem>>
        %dma_wait3A_382 = arith.constant 0 : i32
        %dma_wait3A_383 = arith.constant 0 : i32
        %dma_wait3A_384 = tpu.memref_slice %arg2[%dma_wait3A_382, %dma_wait3A_383] : memref<10240x128xf32, #tpu.memory_space<hbm>> -> memref<10240x128xf32, #tpu.memory_space<hbm>>
        tpu.wait_indirect_dma semaphore(%arg26 : memref<!tpu.dma_semaphore, #tpu.memory_space<semaphore_mem>>) src(%dma_wait3A_384 : memref<10240x128xf32, #tpu.memory_space<hbm>>) dst(%arg17 : memref<32x128xf32, #tpu.memory_space<vmem>>)
        %dma_start3A_385 = arith.constant 7 : i32
        %dma_start3A_386 = arith.constant 0 : i32
        %dma_start3A_387 = tpu.memref_slice %arg7[%dma_start3A_385, %dma_start3A_386] : memref<16x32xi32, #tpu.memory_space<vmem>> -> memref<1x32xi32, #tpu.memory_space<vmem>>
        %dma_start3A_388 = tpu.memref_squeeze %dma_start3A_387 : memref<1x32xi32, #tpu.memory_space<vmem>> -> memref<32xi32, #tpu.memory_space<vmem>>
        %dma_start3A_389 = arith.constant 0 : i32
        %dma_start3A_390 = arith.constant 0 : i32
        %dma_start3A_391 = tpu.memref_slice %arg18[%dma_start3A_389, %dma_start3A_390] : memref<10240x128xf32, #tpu.memory_space<vmem_shared>> -> memref<10240x128xf32, #tpu.memory_space<vmem_shared>>
        tpu.enqueue_indirect_dma source(%arg17 : memref<32x128xf32, #tpu.memory_space<vmem>>) target(%dma_start3A_391 : memref<10240x128xf32, #tpu.memory_space<vmem_shared>>) offsets(%dma_start3A_388 : memref<32xi32, #tpu.memory_space<vmem>>) semaphore(%arg34 : memref<!tpu.dma_semaphore, #tpu.memory_space<semaphore_mem>>) {add = true}
        %ge3A_392 = arith.constant 1 : i32
        %ge3A_393 = arith.cmpi sge, %add3A_377, %ge3A_392 : i32
        %convert_element_type3A_394 = arith.extui %ge3A_393 : i1 to i32
        %cond3A_395 = arith.constant 0 : i32
        %cond3A_396 = arith.cmpi ne, %convert_element_type3A_394, %cond3A_395 : i32
        scf.if %cond3A_396 {
          %dma_wait3A_1077 = arith.constant 6 : i32
          %dma_wait3A_1078 = arith.constant 0 : i32
          %dma_wait3A_1079 = tpu.memref_slice %arg7[%dma_wait3A_1077, %dma_wait3A_1078] : memref<16x32xi32, #tpu.memory_space<vmem>> -> memref<1x32xi32, #tpu.memory_space<vmem>>
          %dma_wait3A_1080 = tpu.memref_squeeze %dma_wait3A_1079 : memref<1x32xi32, #tpu.memory_space<vmem>> -> memref<32xi32, #tpu.memory_space<vmem>>
          %dma_wait3A_1081 = arith.constant 0 : i32
          %dma_wait3A_1082 = arith.constant 0 : i32
          %dma_wait3A_1083 = tpu.memref_slice %arg18[%dma_wait3A_1081, %dma_wait3A_1082] : memref<10240x128xf32, #tpu.memory_space<vmem_shared>> -> memref<10240x128xf32, #tpu.memory_space<vmem_shared>>
          tpu.wait_indirect_dma semaphore(%arg33 : memref<!tpu.dma_semaphore, #tpu.memory_space<semaphore_mem>>) src(%arg16 : memref<32x128xf32, #tpu.memory_space<vmem>>) dst(%dma_wait3A_1083 : memref<10240x128xf32, #tpu.memory_space<vmem_shared>>)
        } else {
        }
        %dma_start3A_397 = arith.constant 14 : i32
        %dma_start3A_398 = arith.constant 0 : i32
        %dma_start3A_399 = tpu.memref_slice %arg6[%dma_start3A_397, %dma_start3A_398] : memref<16x32xi32, #tpu.memory_space<vmem>> -> memref<1x32xi32, #tpu.memory_space<vmem>>
        %dma_start3A_400 = tpu.memref_squeeze %dma_start3A_399 : memref<1x32xi32, #tpu.memory_space<vmem>> -> memref<32xi32, #tpu.memory_space<vmem>>
        %dma_start3A_401 = arith.constant 0 : i32
        %dma_start3A_402 = arith.constant 0 : i32
        %dma_start3A_403 = tpu.memref_slice %arg2[%dma_start3A_401, %dma_start3A_402] : memref<10240x128xf32, #tpu.memory_space<hbm>> -> memref<10240x128xf32, #tpu.memory_space<hbm>>
        tpu.enqueue_indirect_dma source(%dma_start3A_403 : memref<10240x128xf32, #tpu.memory_space<hbm>>) target(%arg16 : memref<32x128xf32, #tpu.memory_space<vmem>>) offsets(%dma_start3A_400 : memref<32xi32, #tpu.memory_space<vmem>>) semaphore(%arg25 : memref<!tpu.dma_semaphore, #tpu.memory_space<semaphore_mem>>)
        %mul3A_404 = arith.constant 16 : i32
        %mul3A_405 = arith.muli %add3A_158, %mul3A_404 : i32
        %add3A_406 = arith.constant 8 : i32
        %add3A_407 = arith.addi %mul3A_405, %add3A_406 : i32
        %dma_wait3A_408 = arith.constant 8 : i32
        %dma_wait3A_409 = arith.constant 0 : i32
        %dma_wait3A_410 = tpu.memref_slice %arg6[%dma_wait3A_408, %dma_wait3A_409] : memref<16x32xi32, #tpu.memory_space<vmem>> -> memref<1x32xi32, #tpu.memory_space<vmem>>
        %dma_wait3A_411 = tpu.memref_squeeze %dma_wait3A_410 : memref<1x32xi32, #tpu.memory_space<vmem>> -> memref<32xi32, #tpu.memory_space<vmem>>
        %dma_wait3A_412 = arith.constant 0 : i32
        %dma_wait3A_413 = arith.constant 0 : i32
        %dma_wait3A_414 = tpu.memref_slice %arg2[%dma_wait3A_412, %dma_wait3A_413] : memref<10240x128xf32, #tpu.memory_space<hbm>> -> memref<10240x128xf32, #tpu.memory_space<hbm>>
        tpu.wait_indirect_dma semaphore(%arg19 : memref<!tpu.dma_semaphore, #tpu.memory_space<semaphore_mem>>) src(%dma_wait3A_414 : memref<10240x128xf32, #tpu.memory_space<hbm>>) dst(%arg10 : memref<32x128xf32, #tpu.memory_space<vmem>>)
        %dma_start3A_415 = arith.constant 8 : i32
        %dma_start3A_416 = arith.constant 0 : i32
        %dma_start3A_417 = tpu.memref_slice %arg7[%dma_start3A_415, %dma_start3A_416] : memref<16x32xi32, #tpu.memory_space<vmem>> -> memref<1x32xi32, #tpu.memory_space<vmem>>
        %dma_start3A_418 = tpu.memref_squeeze %dma_start3A_417 : memref<1x32xi32, #tpu.memory_space<vmem>> -> memref<32xi32, #tpu.memory_space<vmem>>
        %dma_start3A_419 = arith.constant 0 : i32
        %dma_start3A_420 = arith.constant 0 : i32
        %dma_start3A_421 = tpu.memref_slice %arg18[%dma_start3A_419, %dma_start3A_420] : memref<10240x128xf32, #tpu.memory_space<vmem_shared>> -> memref<10240x128xf32, #tpu.memory_space<vmem_shared>>
        tpu.enqueue_indirect_dma source(%arg10 : memref<32x128xf32, #tpu.memory_space<vmem>>) target(%dma_start3A_421 : memref<10240x128xf32, #tpu.memory_space<vmem_shared>>) offsets(%dma_start3A_418 : memref<32xi32, #tpu.memory_space<vmem>>) semaphore(%arg27 : memref<!tpu.dma_semaphore, #tpu.memory_space<semaphore_mem>>) {add = true}
        %ge3A_422 = arith.constant 1 : i32
        %ge3A_423 = arith.cmpi sge, %add3A_407, %ge3A_422 : i32
        %convert_element_type3A_424 = arith.extui %ge3A_423 : i1 to i32
        %cond3A_425 = arith.constant 0 : i32
        %cond3A_426 = arith.cmpi ne, %convert_element_type3A_424, %cond3A_425 : i32
        scf.if %cond3A_426 {
          %dma_wait3A_1077 = arith.constant 7 : i32
          %dma_wait3A_1078 = arith.constant 0 : i32
          %dma_wait3A_1079 = tpu.memref_slice %arg7[%dma_wait3A_1077, %dma_wait3A_1078] : memref<16x32xi32, #tpu.memory_space<vmem>> -> memref<1x32xi32, #tpu.memory_space<vmem>>
          %dma_wait3A_1080 = tpu.memref_squeeze %dma_wait3A_1079 : memref<1x32xi32, #tpu.memory_space<vmem>> -> memref<32xi32, #tpu.memory_space<vmem>>
          %dma_wait3A_1081 = arith.constant 0 : i32
          %dma_wait3A_1082 = arith.constant 0 : i32
          %dma_wait3A_1083 = tpu.memref_slice %arg18[%dma_wait3A_1081, %dma_wait3A_1082] : memref<10240x128xf32, #tpu.memory_space<vmem_shared>> -> memref<10240x128xf32, #tpu.memory_space<vmem_shared>>
          tpu.wait_indirect_dma semaphore(%arg34 : memref<!tpu.dma_semaphore, #tpu.memory_space<semaphore_mem>>) src(%arg17 : memref<32x128xf32, #tpu.memory_space<vmem>>) dst(%dma_wait3A_1083 : memref<10240x128xf32, #tpu.memory_space<vmem_shared>>)
        } else {
        }
        %dma_start3A_427 = arith.constant 15 : i32
        %dma_start3A_428 = arith.constant 0 : i32
        %dma_start3A_429 = tpu.memref_slice %arg6[%dma_start3A_427, %dma_start3A_428] : memref<16x32xi32, #tpu.memory_space<vmem>> -> memref<1x32xi32, #tpu.memory_space<vmem>>
        %dma_start3A_430 = tpu.memref_squeeze %dma_start3A_429 : memref<1x32xi32, #tpu.memory_space<vmem>> -> memref<32xi32, #tpu.memory_space<vmem>>
        %dma_start3A_431 = arith.constant 0 : i32
        %dma_start3A_432 = arith.constant 0 : i32
        %dma_start3A_433 = tpu.memref_slice %arg2[%dma_start3A_431, %dma_start3A_432] : memref<10240x128xf32, #tpu.memory_space<hbm>> -> memref<10240x128xf32, #tpu.memory_space<hbm>>
        tpu.enqueue_indirect_dma source(%dma_start3A_433 : memref<10240x128xf32, #tpu.memory_space<hbm>>) target(%arg17 : memref<32x128xf32, #tpu.memory_space<vmem>>) offsets(%dma_start3A_430 : memref<32xi32, #tpu.memory_space<vmem>>) semaphore(%arg26 : memref<!tpu.dma_semaphore, #tpu.memory_space<semaphore_mem>>)
        %mul3A_434 = arith.constant 16 : i32
        %mul3A_435 = arith.muli %add3A_158, %mul3A_434 : i32
        %add3A_436 = arith.constant 9 : i32
        %add3A_437 = arith.addi %mul3A_435, %add3A_436 : i32
        %dma_wait3A_438 = arith.constant 9 : i32
        %dma_wait3A_439 = arith.constant 0 : i32
        %dma_wait3A_440 = tpu.memref_slice %arg6[%dma_wait3A_438, %dma_wait3A_439] : memref<16x32xi32, #tpu.memory_space<vmem>> -> memref<1x32xi32, #tpu.memory_space<vmem>>
        %dma_wait3A_441 = tpu.memref_squeeze %dma_wait3A_440 : memref<1x32xi32, #tpu.memory_space<vmem>> -> memref<32xi32, #tpu.memory_space<vmem>>
        %dma_wait3A_442 = arith.constant 0 : i32
        %dma_wait3A_443 = arith.constant 0 : i32
        %dma_wait3A_444 = tpu.memref_slice %arg2[%dma_wait3A_442, %dma_wait3A_443] : memref<10240x128xf32, #tpu.memory_space<hbm>> -> memref<10240x128xf32, #tpu.memory_space<hbm>>
        tpu.wait_indirect_dma semaphore(%arg20 : memref<!tpu.dma_semaphore, #tpu.memory_space<semaphore_mem>>) src(%dma_wait3A_444 : memref<10240x128xf32, #tpu.memory_space<hbm>>) dst(%arg11 : memref<32x128xf32, #tpu.memory_space<vmem>>)
        %dma_start3A_445 = arith.constant 9 : i32
        %dma_start3A_446 = arith.constant 0 : i32
        %dma_start3A_447 = tpu.memref_slice %arg7[%dma_start3A_445, %dma_start3A_446] : memref<16x32xi32, #tpu.memory_space<vmem>> -> memref<1x32xi32, #tpu.memory_space<vmem>>
        %dma_start3A_448 = tpu.memref_squeeze %dma_start3A_447 : memref<1x32xi32, #tpu.memory_space<vmem>> -> memref<32xi32, #tpu.memory_space<vmem>>
        %dma_start3A_449 = arith.constant 0 : i32
        %dma_start3A_450 = arith.constant 0 : i32
        %dma_start3A_451 = tpu.memref_slice %arg18[%dma_start3A_449, %dma_start3A_450] : memref<10240x128xf32, #tpu.memory_space<vmem_shared>> -> memref<10240x128xf32, #tpu.memory_space<vmem_shared>>
        tpu.enqueue_indirect_dma source(%arg11 : memref<32x128xf32, #tpu.memory_space<vmem>>) target(%dma_start3A_451 : memref<10240x128xf32, #tpu.memory_space<vmem_shared>>) offsets(%dma_start3A_448 : memref<32xi32, #tpu.memory_space<vmem>>) semaphore(%arg28 : memref<!tpu.dma_semaphore, #tpu.memory_space<semaphore_mem>>) {add = true}
        %add3A_452 = arith.constant 1 : i32
        %add3A_453 = arith.addi %add3A_158, %add3A_452 : i32
        %lt3A_454 = arith.constant 20 : i32
        %lt3A_455 = arith.cmpi slt, %add3A_453, %lt3A_454 : i32
        %convert_element_type3A_456 = arith.extui %lt3A_455 : i1 to i32
        %cond3A_457 = arith.constant 0 : i32
        %cond3A_458 = arith.cmpi ne, %convert_element_type3A_456, %cond3A_457 : i32
        scf.if %cond3A_458 {
          %add3A_1077 = arith.constant 1 : i32
          %add3A_1078 = arith.addi %add3A_158, %add3A_1077 : i32
          %mul3A_1079 = arith.constant 16 : i32
          %mul3A_1080 = arith.muli %add3A_1078, %mul3A_1079 : i32
          %add3A_1081 = arith.addi %add3A_23, %mul3A_1080 : i32
          %dma_wait3A_1082 = arith.constant 0 : i32
          %dma_wait3A_1083 = tpu.memref_slice %arg3[%add3A_1081, %dma_wait3A_1082] : memref<10240x32xi32, #tpu.memory_space<hbm>> -> memref<16x32xi32, #tpu.memory_space<hbm>>
          %dma_wait3A_1084 = arith.constant 0 : i32
          %dma_wait3A_1085 = tpu.memref_slice %arg3[%add3A_1081, %dma_wait3A_1084] : memref<10240x32xi32, #tpu.memory_space<hbm>> -> memref<16x32xi32, #tpu.memory_space<hbm>>
          tpu.wait_dma2 semaphore(%arg35 : memref<!tpu.dma_semaphore, #tpu.memory_space<semaphore_mem>>) src(%dma_wait3A_1085 : memref<16x32xi32, #tpu.memory_space<hbm>>) dst(%arg8 : memref<16x32xi32, #tpu.memory_space<vmem>>)
          %dma_wait3A_1086 = arith.constant 0 : i32
          %dma_wait3A_1087 = tpu.memref_slice %arg4[%add3A_1081, %dma_wait3A_1086] : memref<10240x32xi32, #tpu.memory_space<hbm>> -> memref<16x32xi32, #tpu.memory_space<hbm>>
          %dma_wait3A_1088 = arith.constant 0 : i32
          %dma_wait3A_1089 = tpu.memref_slice %arg4[%add3A_1081, %dma_wait3A_1088] : memref<10240x32xi32, #tpu.memory_space<hbm>> -> memref<16x32xi32, #tpu.memory_space<hbm>>
          tpu.wait_dma2 semaphore(%arg35 : memref<!tpu.dma_semaphore, #tpu.memory_space<semaphore_mem>>) src(%dma_wait3A_1089 : memref<16x32xi32, #tpu.memory_space<hbm>>) dst(%arg9 : memref<16x32xi32, #tpu.memory_space<vmem>>)
        } else {
        }
        %add3A_459 = arith.constant 1 : i32
        %add3A_460 = arith.addi %add3A_158, %add3A_459 : i32
        %lt3A_461 = arith.constant 20 : i32
        %lt3A_462 = arith.cmpi slt, %add3A_460, %lt3A_461 : i32
        %convert_element_type3A_463 = arith.extui %lt3A_462 : i1 to i32
        %cond3A_464 = arith.constant 0 : i32
        %cond3A_465 = arith.cmpi ne, %convert_element_type3A_463, %cond3A_464 : i32
        scf.if %cond3A_465 {
          %dma_wait3A_1077 = arith.constant 0 : i32
          %dma_wait3A_1078 = arith.constant 0 : i32
          %dma_wait3A_1079 = tpu.memref_slice %arg7[%dma_wait3A_1077, %dma_wait3A_1078] : memref<16x32xi32, #tpu.memory_space<vmem>> -> memref<1x32xi32, #tpu.memory_space<vmem>>
          %dma_wait3A_1080 = tpu.memref_squeeze %dma_wait3A_1079 : memref<1x32xi32, #tpu.memory_space<vmem>> -> memref<32xi32, #tpu.memory_space<vmem>>
          %dma_wait3A_1081 = arith.constant 0 : i32
          %dma_wait3A_1082 = arith.constant 0 : i32
          %dma_wait3A_1083 = tpu.memref_slice %arg18[%dma_wait3A_1081, %dma_wait3A_1082] : memref<10240x128xf32, #tpu.memory_space<vmem_shared>> -> memref<10240x128xf32, #tpu.memory_space<vmem_shared>>
          tpu.wait_indirect_dma semaphore(%arg27 : memref<!tpu.dma_semaphore, #tpu.memory_space<semaphore_mem>>) src(%arg10 : memref<32x128xf32, #tpu.memory_space<vmem>>) dst(%dma_wait3A_1083 : memref<10240x128xf32, #tpu.memory_space<vmem_shared>>)
          %dma_start3A_1084 = arith.constant 0 : i32
          %dma_start3A_1085 = arith.constant 0 : i32
          %dma_start3A_1086 = tpu.memref_slice %arg8[%dma_start3A_1084, %dma_start3A_1085] : memref<16x32xi32, #tpu.memory_space<vmem>> -> memref<1x32xi32, #tpu.memory_space<vmem>>
          %dma_start3A_1087 = tpu.memref_squeeze %dma_start3A_1086 : memref<1x32xi32, #tpu.memory_space<vmem>> -> memref<32xi32, #tpu.memory_space<vmem>>
          %dma_start3A_1088 = arith.constant 0 : i32
          %dma_start3A_1089 = arith.constant 0 : i32
          %dma_start3A_1090 = tpu.memref_slice %arg2[%dma_start3A_1088, %dma_start3A_1089] : memref<10240x128xf32, #tpu.memory_space<hbm>> -> memref<10240x128xf32, #tpu.memory_space<hbm>>
          tpu.enqueue_indirect_dma source(%dma_start3A_1090 : memref<10240x128xf32, #tpu.memory_space<hbm>>) target(%arg10 : memref<32x128xf32, #tpu.memory_space<vmem>>) offsets(%dma_start3A_1087 : memref<32xi32, #tpu.memory_space<vmem>>) semaphore(%arg19 : memref<!tpu.dma_semaphore, #tpu.memory_space<semaphore_mem>>)
        } else {
        }
        %mul3A_466 = arith.constant 16 : i32
        %mul3A_467 = arith.muli %add3A_158, %mul3A_466 : i32
        %add3A_468 = arith.constant 10 : i32
        %add3A_469 = arith.addi %mul3A_467, %add3A_468 : i32
        %dma_wait3A_470 = arith.constant 10 : i32
        %dma_wait3A_471 = arith.constant 0 : i32
        %dma_wait3A_472 = tpu.memref_slice %arg6[%dma_wait3A_470, %dma_wait3A_471] : memref<16x32xi32, #tpu.memory_space<vmem>> -> memref<1x32xi32, #tpu.memory_space<vmem>>
        %dma_wait3A_473 = tpu.memref_squeeze %dma_wait3A_472 : memref<1x32xi32, #tpu.memory_space<vmem>> -> memref<32xi32, #tpu.memory_space<vmem>>
        %dma_wait3A_474 = arith.constant 0 : i32
        %dma_wait3A_475 = arith.constant 0 : i32
        %dma_wait3A_476 = tpu.memref_slice %arg2[%dma_wait3A_474, %dma_wait3A_475] : memref<10240x128xf32, #tpu.memory_space<hbm>> -> memref<10240x128xf32, #tpu.memory_space<hbm>>
        tpu.wait_indirect_dma semaphore(%arg21 : memref<!tpu.dma_semaphore, #tpu.memory_space<semaphore_mem>>) src(%dma_wait3A_476 : memref<10240x128xf32, #tpu.memory_space<hbm>>) dst(%arg12 : memref<32x128xf32, #tpu.memory_space<vmem>>)
        %dma_start3A_477 = arith.constant 10 : i32
        %dma_start3A_478 = arith.constant 0 : i32
        %dma_start3A_479 = tpu.memref_slice %arg7[%dma_start3A_477, %dma_start3A_478] : memref<16x32xi32, #tpu.memory_space<vmem>> -> memref<1x32xi32, #tpu.memory_space<vmem>>
        %dma_start3A_480 = tpu.memref_squeeze %dma_start3A_479 : memref<1x32xi32, #tpu.memory_space<vmem>> -> memref<32xi32, #tpu.memory_space<vmem>>
        %dma_start3A_481 = arith.constant 0 : i32
        %dma_start3A_482 = arith.constant 0 : i32
        %dma_start3A_483 = tpu.memref_slice %arg18[%dma_start3A_481, %dma_start3A_482] : memref<10240x128xf32, #tpu.memory_space<vmem_shared>> -> memref<10240x128xf32, #tpu.memory_space<vmem_shared>>
        tpu.enqueue_indirect_dma source(%arg12 : memref<32x128xf32, #tpu.memory_space<vmem>>) target(%dma_start3A_483 : memref<10240x128xf32, #tpu.memory_space<vmem_shared>>) offsets(%dma_start3A_480 : memref<32xi32, #tpu.memory_space<vmem>>) semaphore(%arg29 : memref<!tpu.dma_semaphore, #tpu.memory_space<semaphore_mem>>) {add = true}
        %add3A_484 = arith.constant 1 : i32
        %add3A_485 = arith.addi %add3A_158, %add3A_484 : i32
        %lt3A_486 = arith.constant 20 : i32
        %lt3A_487 = arith.cmpi slt, %add3A_485, %lt3A_486 : i32
        %convert_element_type3A_488 = arith.extui %lt3A_487 : i1 to i32
        %cond3A_489 = arith.constant 0 : i32
        %cond3A_490 = arith.cmpi ne, %convert_element_type3A_488, %cond3A_489 : i32
        scf.if %cond3A_490 {
          %dma_wait3A_1077 = arith.constant 1 : i32
          %dma_wait3A_1078 = arith.constant 0 : i32
          %dma_wait3A_1079 = tpu.memref_slice %arg7[%dma_wait3A_1077, %dma_wait3A_1078] : memref<16x32xi32, #tpu.memory_space<vmem>> -> memref<1x32xi32, #tpu.memory_space<vmem>>
          %dma_wait3A_1080 = tpu.memref_squeeze %dma_wait3A_1079 : memref<1x32xi32, #tpu.memory_space<vmem>> -> memref<32xi32, #tpu.memory_space<vmem>>
          %dma_wait3A_1081 = arith.constant 0 : i32
          %dma_wait3A_1082 = arith.constant 0 : i32
          %dma_wait3A_1083 = tpu.memref_slice %arg18[%dma_wait3A_1081, %dma_wait3A_1082] : memref<10240x128xf32, #tpu.memory_space<vmem_shared>> -> memref<10240x128xf32, #tpu.memory_space<vmem_shared>>
          tpu.wait_indirect_dma semaphore(%arg28 : memref<!tpu.dma_semaphore, #tpu.memory_space<semaphore_mem>>) src(%arg11 : memref<32x128xf32, #tpu.memory_space<vmem>>) dst(%dma_wait3A_1083 : memref<10240x128xf32, #tpu.memory_space<vmem_shared>>)
          %dma_start3A_1084 = arith.constant 1 : i32
          %dma_start3A_1085 = arith.constant 0 : i32
          %dma_start3A_1086 = tpu.memref_slice %arg8[%dma_start3A_1084, %dma_start3A_1085] : memref<16x32xi32, #tpu.memory_space<vmem>> -> memref<1x32xi32, #tpu.memory_space<vmem>>
          %dma_start3A_1087 = tpu.memref_squeeze %dma_start3A_1086 : memref<1x32xi32, #tpu.memory_space<vmem>> -> memref<32xi32, #tpu.memory_space<vmem>>
          %dma_start3A_1088 = arith.constant 0 : i32
          %dma_start3A_1089 = arith.constant 0 : i32
          %dma_start3A_1090 = tpu.memref_slice %arg2[%dma_start3A_1088, %dma_start3A_1089] : memref<10240x128xf32, #tpu.memory_space<hbm>> -> memref<10240x128xf32, #tpu.memory_space<hbm>>
          tpu.enqueue_indirect_dma source(%dma_start3A_1090 : memref<10240x128xf32, #tpu.memory_space<hbm>>) target(%arg11 : memref<32x128xf32, #tpu.memory_space<vmem>>) offsets(%dma_start3A_1087 : memref<32xi32, #tpu.memory_space<vmem>>) semaphore(%arg20 : memref<!tpu.dma_semaphore, #tpu.memory_space<semaphore_mem>>)
        } else {
        }
        %mul3A_491 = arith.constant 16 : i32
        %mul3A_492 = arith.muli %add3A_158, %mul3A_491 : i32
        %add3A_493 = arith.constant 11 : i32
        %add3A_494 = arith.addi %mul3A_492, %add3A_493 : i32
        %dma_wait3A_495 = arith.constant 11 : i32
        %dma_wait3A_496 = arith.constant 0 : i32
        %dma_wait3A_497 = tpu.memref_slice %arg6[%dma_wait3A_495, %dma_wait3A_496] : memref<16x32xi32, #tpu.memory_space<vmem>> -> memref<1x32xi32, #tpu.memory_space<vmem>>
        %dma_wait3A_498 = tpu.memref_squeeze %dma_wait3A_497 : memref<1x32xi32, #tpu.memory_space<vmem>> -> memref<32xi32, #tpu.memory_space<vmem>>
        %dma_wait3A_499 = arith.constant 0 : i32
        %dma_wait3A_500 = arith.constant 0 : i32
        %dma_wait3A_501 = tpu.memref_slice %arg2[%dma_wait3A_499, %dma_wait3A_500] : memref<10240x128xf32, #tpu.memory_space<hbm>> -> memref<10240x128xf32, #tpu.memory_space<hbm>>
        tpu.wait_indirect_dma semaphore(%arg22 : memref<!tpu.dma_semaphore, #tpu.memory_space<semaphore_mem>>) src(%dma_wait3A_501 : memref<10240x128xf32, #tpu.memory_space<hbm>>) dst(%arg13 : memref<32x128xf32, #tpu.memory_space<vmem>>)
        %dma_start3A_502 = arith.constant 11 : i32
        %dma_start3A_503 = arith.constant 0 : i32
        %dma_start3A_504 = tpu.memref_slice %arg7[%dma_start3A_502, %dma_start3A_503] : memref<16x32xi32, #tpu.memory_space<vmem>> -> memref<1x32xi32, #tpu.memory_space<vmem>>
        %dma_start3A_505 = tpu.memref_squeeze %dma_start3A_504 : memref<1x32xi32, #tpu.memory_space<vmem>> -> memref<32xi32, #tpu.memory_space<vmem>>
        %dma_start3A_506 = arith.constant 0 : i32
        %dma_start3A_507 = arith.constant 0 : i32
        %dma_start3A_508 = tpu.memref_slice %arg18[%dma_start3A_506, %dma_start3A_507] : memref<10240x128xf32, #tpu.memory_space<vmem_shared>> -> memref<10240x128xf32, #tpu.memory_space<vmem_shared>>
        tpu.enqueue_indirect_dma source(%arg13 : memref<32x128xf32, #tpu.memory_space<vmem>>) target(%dma_start3A_508 : memref<10240x128xf32, #tpu.memory_space<vmem_shared>>) offsets(%dma_start3A_505 : memref<32xi32, #tpu.memory_space<vmem>>) semaphore(%arg30 : memref<!tpu.dma_semaphore, #tpu.memory_space<semaphore_mem>>) {add = true}
        %add3A_509 = arith.constant 1 : i32
        %add3A_510 = arith.addi %add3A_158, %add3A_509 : i32
        %lt3A_511 = arith.constant 20 : i32
        %lt3A_512 = arith.cmpi slt, %add3A_510, %lt3A_511 : i32
        %convert_element_type3A_513 = arith.extui %lt3A_512 : i1 to i32
        %cond3A_514 = arith.constant 0 : i32
        %cond3A_515 = arith.cmpi ne, %convert_element_type3A_513, %cond3A_514 : i32
        scf.if %cond3A_515 {
          %dma_wait3A_1077 = arith.constant 2 : i32
          %dma_wait3A_1078 = arith.constant 0 : i32
          %dma_wait3A_1079 = tpu.memref_slice %arg7[%dma_wait3A_1077, %dma_wait3A_1078] : memref<16x32xi32, #tpu.memory_space<vmem>> -> memref<1x32xi32, #tpu.memory_space<vmem>>
          %dma_wait3A_1080 = tpu.memref_squeeze %dma_wait3A_1079 : memref<1x32xi32, #tpu.memory_space<vmem>> -> memref<32xi32, #tpu.memory_space<vmem>>
          %dma_wait3A_1081 = arith.constant 0 : i32
          %dma_wait3A_1082 = arith.constant 0 : i32
          %dma_wait3A_1083 = tpu.memref_slice %arg18[%dma_wait3A_1081, %dma_wait3A_1082] : memref<10240x128xf32, #tpu.memory_space<vmem_shared>> -> memref<10240x128xf32, #tpu.memory_space<vmem_shared>>
          tpu.wait_indirect_dma semaphore(%arg29 : memref<!tpu.dma_semaphore, #tpu.memory_space<semaphore_mem>>) src(%arg12 : memref<32x128xf32, #tpu.memory_space<vmem>>) dst(%dma_wait3A_1083 : memref<10240x128xf32, #tpu.memory_space<vmem_shared>>)
          %dma_start3A_1084 = arith.constant 2 : i32
          %dma_start3A_1085 = arith.constant 0 : i32
          %dma_start3A_1086 = tpu.memref_slice %arg8[%dma_start3A_1084, %dma_start3A_1085] : memref<16x32xi32, #tpu.memory_space<vmem>> -> memref<1x32xi32, #tpu.memory_space<vmem>>
          %dma_start3A_1087 = tpu.memref_squeeze %dma_start3A_1086 : memref<1x32xi32, #tpu.memory_space<vmem>> -> memref<32xi32, #tpu.memory_space<vmem>>
          %dma_start3A_1088 = arith.constant 0 : i32
          %dma_start3A_1089 = arith.constant 0 : i32
          %dma_start3A_1090 = tpu.memref_slice %arg2[%dma_start3A_1088, %dma_start3A_1089] : memref<10240x128xf32, #tpu.memory_space<hbm>> -> memref<10240x128xf32, #tpu.memory_space<hbm>>
          tpu.enqueue_indirect_dma source(%dma_start3A_1090 : memref<10240x128xf32, #tpu.memory_space<hbm>>) target(%arg12 : memref<32x128xf32, #tpu.memory_space<vmem>>) offsets(%dma_start3A_1087 : memref<32xi32, #tpu.memory_space<vmem>>) semaphore(%arg21 : memref<!tpu.dma_semaphore, #tpu.memory_space<semaphore_mem>>)
        } else {
        }
        %mul3A_516 = arith.constant 16 : i32
        %mul3A_517 = arith.muli %add3A_158, %mul3A_516 : i32
        %add3A_518 = arith.constant 12 : i32
        %add3A_519 = arith.addi %mul3A_517, %add3A_518 : i32
        %dma_wait3A_520 = arith.constant 12 : i32
        %dma_wait3A_521 = arith.constant 0 : i32
        %dma_wait3A_522 = tpu.memref_slice %arg6[%dma_wait3A_520, %dma_wait3A_521] : memref<16x32xi32, #tpu.memory_space<vmem>> -> memref<1x32xi32, #tpu.memory_space<vmem>>
        %dma_wait3A_523 = tpu.memref_squeeze %dma_wait3A_522 : memref<1x32xi32, #tpu.memory_space<vmem>> -> memref<32xi32, #tpu.memory_space<vmem>>
        %dma_wait3A_524 = arith.constant 0 : i32
        %dma_wait3A_525 = arith.constant 0 : i32
        %dma_wait3A_526 = tpu.memref_slice %arg2[%dma_wait3A_524, %dma_wait3A_525] : memref<10240x128xf32, #tpu.memory_space<hbm>> -> memref<10240x128xf32, #tpu.memory_space<hbm>>
        tpu.wait_indirect_dma semaphore(%arg23 : memref<!tpu.dma_semaphore, #tpu.memory_space<semaphore_mem>>) src(%dma_wait3A_526 : memref<10240x128xf32, #tpu.memory_space<hbm>>) dst(%arg14 : memref<32x128xf32, #tpu.memory_space<vmem>>)
        %dma_start3A_527 = arith.constant 12 : i32
        %dma_start3A_528 = arith.constant 0 : i32
        %dma_start3A_529 = tpu.memref_slice %arg7[%dma_start3A_527, %dma_start3A_528] : memref<16x32xi32, #tpu.memory_space<vmem>> -> memref<1x32xi32, #tpu.memory_space<vmem>>
        %dma_start3A_530 = tpu.memref_squeeze %dma_start3A_529 : memref<1x32xi32, #tpu.memory_space<vmem>> -> memref<32xi32, #tpu.memory_space<vmem>>
        %dma_start3A_531 = arith.constant 0 : i32
        %dma_start3A_532 = arith.constant 0 : i32
        %dma_start3A_533 = tpu.memref_slice %arg18[%dma_start3A_531, %dma_start3A_532] : memref<10240x128xf32, #tpu.memory_space<vmem_shared>> -> memref<10240x128xf32, #tpu.memory_space<vmem_shared>>
        tpu.enqueue_indirect_dma source(%arg14 : memref<32x128xf32, #tpu.memory_space<vmem>>) target(%dma_start3A_533 : memref<10240x128xf32, #tpu.memory_space<vmem_shared>>) offsets(%dma_start3A_530 : memref<32xi32, #tpu.memory_space<vmem>>) semaphore(%arg31 : memref<!tpu.dma_semaphore, #tpu.memory_space<semaphore_mem>>) {add = true}
        %add3A_534 = arith.constant 1 : i32
        %add3A_535 = arith.addi %add3A_158, %add3A_534 : i32
        %lt3A_536 = arith.constant 20 : i32
        %lt3A_537 = arith.cmpi slt, %add3A_535, %lt3A_536 : i32
        %convert_element_type3A_538 = arith.extui %lt3A_537 : i1 to i32
        %cond3A_539 = arith.constant 0 : i32
        %cond3A_540 = arith.cmpi ne, %convert_element_type3A_538, %cond3A_539 : i32
        scf.if %cond3A_540 {
          %dma_wait3A_1077 = arith.constant 3 : i32
          %dma_wait3A_1078 = arith.constant 0 : i32
          %dma_wait3A_1079 = tpu.memref_slice %arg7[%dma_wait3A_1077, %dma_wait3A_1078] : memref<16x32xi32, #tpu.memory_space<vmem>> -> memref<1x32xi32, #tpu.memory_space<vmem>>
          %dma_wait3A_1080 = tpu.memref_squeeze %dma_wait3A_1079 : memref<1x32xi32, #tpu.memory_space<vmem>> -> memref<32xi32, #tpu.memory_space<vmem>>
          %dma_wait3A_1081 = arith.constant 0 : i32
          %dma_wait3A_1082 = arith.constant 0 : i32
          %dma_wait3A_1083 = tpu.memref_slice %arg18[%dma_wait3A_1081, %dma_wait3A_1082] : memref<10240x128xf32, #tpu.memory_space<vmem_shared>> -> memref<10240x128xf32, #tpu.memory_space<vmem_shared>>
          tpu.wait_indirect_dma semaphore(%arg30 : memref<!tpu.dma_semaphore, #tpu.memory_space<semaphore_mem>>) src(%arg13 : memref<32x128xf32, #tpu.memory_space<vmem>>) dst(%dma_wait3A_1083 : memref<10240x128xf32, #tpu.memory_space<vmem_shared>>)
          %dma_start3A_1084 = arith.constant 3 : i32
          %dma_start3A_1085 = arith.constant 0 : i32
          %dma_start3A_1086 = tpu.memref_slice %arg8[%dma_start3A_1084, %dma_start3A_1085] : memref<16x32xi32, #tpu.memory_space<vmem>> -> memref<1x32xi32, #tpu.memory_space<vmem>>
          %dma_start3A_1087 = tpu.memref_squeeze %dma_start3A_1086 : memref<1x32xi32, #tpu.memory_space<vmem>> -> memref<32xi32, #tpu.memory_space<vmem>>
          %dma_start3A_1088 = arith.constant 0 : i32
          %dma_start3A_1089 = arith.constant 0 : i32
          %dma_start3A_1090 = tpu.memref_slice %arg2[%dma_start3A_1088, %dma_start3A_1089] : memref<10240x128xf32, #tpu.memory_space<hbm>> -> memref<10240x128xf32, #tpu.memory_space<hbm>>
          tpu.enqueue_indirect_dma source(%dma_start3A_1090 : memref<10240x128xf32, #tpu.memory_space<hbm>>) target(%arg13 : memref<32x128xf32, #tpu.memory_space<vmem>>) offsets(%dma_start3A_1087 : memref<32xi32, #tpu.memory_space<vmem>>) semaphore(%arg22 : memref<!tpu.dma_semaphore, #tpu.memory_space<semaphore_mem>>)
        } else {
        }
        %mul3A_541 = arith.constant 16 : i32
        %mul3A_542 = arith.muli %add3A_158, %mul3A_541 : i32
        %add3A_543 = arith.constant 13 : i32
        %add3A_544 = arith.addi %mul3A_542, %add3A_543 : i32
        %dma_wait3A_545 = arith.constant 13 : i32
        %dma_wait3A_546 = arith.constant 0 : i32
        %dma_wait3A_547 = tpu.memref_slice %arg6[%dma_wait3A_545, %dma_wait3A_546] : memref<16x32xi32, #tpu.memory_space<vmem>> -> memref<1x32xi32, #tpu.memory_space<vmem>>
        %dma_wait3A_548 = tpu.memref_squeeze %dma_wait3A_547 : memref<1x32xi32, #tpu.memory_space<vmem>> -> memref<32xi32, #tpu.memory_space<vmem>>
        %dma_wait3A_549 = arith.constant 0 : i32
        %dma_wait3A_550 = arith.constant 0 : i32
        %dma_wait3A_551 = tpu.memref_slice %arg2[%dma_wait3A_549, %dma_wait3A_550] : memref<10240x128xf32, #tpu.memory_space<hbm>> -> memref<10240x128xf32, #tpu.memory_space<hbm>>
        tpu.wait_indirect_dma semaphore(%arg24 : memref<!tpu.dma_semaphore, #tpu.memory_space<semaphore_mem>>) src(%dma_wait3A_551 : memref<10240x128xf32, #tpu.memory_space<hbm>>) dst(%arg15 : memref<32x128xf32, #tpu.memory_space<vmem>>)
        %dma_start3A_552 = arith.constant 13 : i32
        %dma_start3A_553 = arith.constant 0 : i32
        %dma_start3A_554 = tpu.memref_slice %arg7[%dma_start3A_552, %dma_start3A_553] : memref<16x32xi32, #tpu.memory_space<vmem>> -> memref<1x32xi32, #tpu.memory_space<vmem>>
        %dma_start3A_555 = tpu.memref_squeeze %dma_start3A_554 : memref<1x32xi32, #tpu.memory_space<vmem>> -> memref<32xi32, #tpu.memory_space<vmem>>
        %dma_start3A_556 = arith.constant 0 : i32
        %dma_start3A_557 = arith.constant 0 : i32
        %dma_start3A_558 = tpu.memref_slice %arg18[%dma_start3A_556, %dma_start3A_557] : memref<10240x128xf32, #tpu.memory_space<vmem_shared>> -> memref<10240x128xf32, #tpu.memory_space<vmem_shared>>
        tpu.enqueue_indirect_dma source(%arg15 : memref<32x128xf32, #tpu.memory_space<vmem>>) target(%dma_start3A_558 : memref<10240x128xf32, #tpu.memory_space<vmem_shared>>) offsets(%dma_start3A_555 : memref<32xi32, #tpu.memory_space<vmem>>) semaphore(%arg32 : memref<!tpu.dma_semaphore, #tpu.memory_space<semaphore_mem>>) {add = true}
        %add3A_559 = arith.constant 1 : i32
        %add3A_560 = arith.addi %add3A_158, %add3A_559 : i32
        %lt3A_561 = arith.constant 20 : i32
        %lt3A_562 = arith.cmpi slt, %add3A_560, %lt3A_561 : i32
        %convert_element_type3A_563 = arith.extui %lt3A_562 : i1 to i32
        %cond3A_564 = arith.constant 0 : i32
        %cond3A_565 = arith.cmpi ne, %convert_element_type3A_563, %cond3A_564 : i32
        scf.if %cond3A_565 {
          %dma_wait3A_1077 = arith.constant 4 : i32
          %dma_wait3A_1078 = arith.constant 0 : i32
          %dma_wait3A_1079 = tpu.memref_slice %arg7[%dma_wait3A_1077, %dma_wait3A_1078] : memref<16x32xi32, #tpu.memory_space<vmem>> -> memref<1x32xi32, #tpu.memory_space<vmem>>
          %dma_wait3A_1080 = tpu.memref_squeeze %dma_wait3A_1079 : memref<1x32xi32, #tpu.memory_space<vmem>> -> memref<32xi32, #tpu.memory_space<vmem>>
          %dma_wait3A_1081 = arith.constant 0 : i32
          %dma_wait3A_1082 = arith.constant 0 : i32
          %dma_wait3A_1083 = tpu.memref_slice %arg18[%dma_wait3A_1081, %dma_wait3A_1082] : memref<10240x128xf32, #tpu.memory_space<vmem_shared>> -> memref<10240x128xf32, #tpu.memory_space<vmem_shared>>
          tpu.wait_indirect_dma semaphore(%arg31 : memref<!tpu.dma_semaphore, #tpu.memory_space<semaphore_mem>>) src(%arg14 : memref<32x128xf32, #tpu.memory_space<vmem>>) dst(%dma_wait3A_1083 : memref<10240x128xf32, #tpu.memory_space<vmem_shared>>)
          %dma_start3A_1084 = arith.constant 4 : i32
          %dma_start3A_1085 = arith.constant 0 : i32
          %dma_start3A_1086 = tpu.memref_slice %arg8[%dma_start3A_1084, %dma_start3A_1085] : memref<16x32xi32, #tpu.memory_space<vmem>> -> memref<1x32xi32, #tpu.memory_space<vmem>>
          %dma_start3A_1087 = tpu.memref_squeeze %dma_start3A_1086 : memref<1x32xi32, #tpu.memory_space<vmem>> -> memref<32xi32, #tpu.memory_space<vmem>>
          %dma_start3A_1088 = arith.constant 0 : i32
          %dma_start3A_1089 = arith.constant 0 : i32
          %dma_start3A_1090 = tpu.memref_slice %arg2[%dma_start3A_1088, %dma_start3A_1089] : memref<10240x128xf32, #tpu.memory_space<hbm>> -> memref<10240x128xf32, #tpu.memory_space<hbm>>
          tpu.enqueue_indirect_dma source(%dma_start3A_1090 : memref<10240x128xf32, #tpu.memory_space<hbm>>) target(%arg14 : memref<32x128xf32, #tpu.memory_space<vmem>>) offsets(%dma_start3A_1087 : memref<32xi32, #tpu.memory_space<vmem>>) semaphore(%arg23 : memref<!tpu.dma_semaphore, #tpu.memory_space<semaphore_mem>>)
        } else {
        }
        %mul3A_566 = arith.constant 16 : i32
        %mul3A_567 = arith.muli %add3A_158, %mul3A_566 : i32
        %add3A_568 = arith.constant 14 : i32
        %add3A_569 = arith.addi %mul3A_567, %add3A_568 : i32
        %dma_wait3A_570 = arith.constant 14 : i32
        %dma_wait3A_571 = arith.constant 0 : i32
        %dma_wait3A_572 = tpu.memref_slice %arg6[%dma_wait3A_570, %dma_wait3A_571] : memref<16x32xi32, #tpu.memory_space<vmem>> -> memref<1x32xi32, #tpu.memory_space<vmem>>
        %dma_wait3A_573 = tpu.memref_squeeze %dma_wait3A_572 : memref<1x32xi32, #tpu.memory_space<vmem>> -> memref<32xi32, #tpu.memory_space<vmem>>
        %dma_wait3A_574 = arith.constant 0 : i32
        %dma_wait3A_575 = arith.constant 0 : i32
        %dma_wait3A_576 = tpu.memref_slice %arg2[%dma_wait3A_574, %dma_wait3A_575] : memref<10240x128xf32, #tpu.memory_space<hbm>> -> memref<10240x128xf32, #tpu.memory_space<hbm>>
        tpu.wait_indirect_dma semaphore(%arg25 : memref<!tpu.dma_semaphore, #tpu.memory_space<semaphore_mem>>) src(%dma_wait3A_576 : memref<10240x128xf32, #tpu.memory_space<hbm>>) dst(%arg16 : memref<32x128xf32, #tpu.memory_space<vmem>>)
        %dma_start3A_577 = arith.constant 14 : i32
        %dma_start3A_578 = arith.constant 0 : i32
        %dma_start3A_579 = tpu.memref_slice %arg7[%dma_start3A_577, %dma_start3A_578] : memref<16x32xi32, #tpu.memory_space<vmem>> -> memref<1x32xi32, #tpu.memory_space<vmem>>
        %dma_start3A_580 = tpu.memref_squeeze %dma_start3A_579 : memref<1x32xi32, #tpu.memory_space<vmem>> -> memref<32xi32, #tpu.memory_space<vmem>>
        %dma_start3A_581 = arith.constant 0 : i32
        %dma_start3A_582 = arith.constant 0 : i32
        %dma_start3A_583 = tpu.memref_slice %arg18[%dma_start3A_581, %dma_start3A_582] : memref<10240x128xf32, #tpu.memory_space<vmem_shared>> -> memref<10240x128xf32, #tpu.memory_space<vmem_shared>>
        tpu.enqueue_indirect_dma source(%arg16 : memref<32x128xf32, #tpu.memory_space<vmem>>) target(%dma_start3A_583 : memref<10240x128xf32, #tpu.memory_space<vmem_shared>>) offsets(%dma_start3A_580 : memref<32xi32, #tpu.memory_space<vmem>>) semaphore(%arg33 : memref<!tpu.dma_semaphore, #tpu.memory_space<semaphore_mem>>) {add = true}
        %add3A_584 = arith.constant 1 : i32
        %add3A_585 = arith.addi %add3A_158, %add3A_584 : i32
        %lt3A_586 = arith.constant 20 : i32
        %lt3A_587 = arith.cmpi slt, %add3A_585, %lt3A_586 : i32
        %convert_element_type3A_588 = arith.extui %lt3A_587 : i1 to i32
        %cond3A_589 = arith.constant 0 : i32
        %cond3A_590 = arith.cmpi ne, %convert_element_type3A_588, %cond3A_589 : i32
        scf.if %cond3A_590 {
          %dma_wait3A_1077 = arith.constant 5 : i32
          %dma_wait3A_1078 = arith.constant 0 : i32
          %dma_wait3A_1079 = tpu.memref_slice %arg7[%dma_wait3A_1077, %dma_wait3A_1078] : memref<16x32xi32, #tpu.memory_space<vmem>> -> memref<1x32xi32, #tpu.memory_space<vmem>>
          %dma_wait3A_1080 = tpu.memref_squeeze %dma_wait3A_1079 : memref<1x32xi32, #tpu.memory_space<vmem>> -> memref<32xi32, #tpu.memory_space<vmem>>
          %dma_wait3A_1081 = arith.constant 0 : i32
          %dma_wait3A_1082 = arith.constant 0 : i32
          %dma_wait3A_1083 = tpu.memref_slice %arg18[%dma_wait3A_1081, %dma_wait3A_1082] : memref<10240x128xf32, #tpu.memory_space<vmem_shared>> -> memref<10240x128xf32, #tpu.memory_space<vmem_shared>>
          tpu.wait_indirect_dma semaphore(%arg32 : memref<!tpu.dma_semaphore, #tpu.memory_space<semaphore_mem>>) src(%arg15 : memref<32x128xf32, #tpu.memory_space<vmem>>) dst(%dma_wait3A_1083 : memref<10240x128xf32, #tpu.memory_space<vmem_shared>>)
          %dma_start3A_1084 = arith.constant 5 : i32
          %dma_start3A_1085 = arith.constant 0 : i32
          %dma_start3A_1086 = tpu.memref_slice %arg8[%dma_start3A_1084, %dma_start3A_1085] : memref<16x32xi32, #tpu.memory_space<vmem>> -> memref<1x32xi32, #tpu.memory_space<vmem>>
          %dma_start3A_1087 = tpu.memref_squeeze %dma_start3A_1086 : memref<1x32xi32, #tpu.memory_space<vmem>> -> memref<32xi32, #tpu.memory_space<vmem>>
          %dma_start3A_1088 = arith.constant 0 : i32
          %dma_start3A_1089 = arith.constant 0 : i32
          %dma_start3A_1090 = tpu.memref_slice %arg2[%dma_start3A_1088, %dma_start3A_1089] : memref<10240x128xf32, #tpu.memory_space<hbm>> -> memref<10240x128xf32, #tpu.memory_space<hbm>>
          tpu.enqueue_indirect_dma source(%dma_start3A_1090 : memref<10240x128xf32, #tpu.memory_space<hbm>>) target(%arg15 : memref<32x128xf32, #tpu.memory_space<vmem>>) offsets(%dma_start3A_1087 : memref<32xi32, #tpu.memory_space<vmem>>) semaphore(%arg24 : memref<!tpu.dma_semaphore, #tpu.memory_space<semaphore_mem>>)
        } else {
        }
        %mul3A_591 = arith.constant 16 : i32
        %mul3A_592 = arith.muli %add3A_158, %mul3A_591 : i32
        %add3A_593 = arith.constant 15 : i32
        %add3A_594 = arith.addi %mul3A_592, %add3A_593 : i32
        %dma_wait3A_595 = arith.constant 15 : i32
        %dma_wait3A_596 = arith.constant 0 : i32
        %dma_wait3A_597 = tpu.memref_slice %arg6[%dma_wait3A_595, %dma_wait3A_596] : memref<16x32xi32, #tpu.memory_space<vmem>> -> memref<1x32xi32, #tpu.memory_space<vmem>>
        %dma_wait3A_598 = tpu.memref_squeeze %dma_wait3A_597 : memref<1x32xi32, #tpu.memory_space<vmem>> -> memref<32xi32, #tpu.memory_space<vmem>>
        %dma_wait3A_599 = arith.constant 0 : i32
        %dma_wait3A_600 = arith.constant 0 : i32
        %dma_wait3A_601 = tpu.memref_slice %arg2[%dma_wait3A_599, %dma_wait3A_600] : memref<10240x128xf32, #tpu.memory_space<hbm>> -> memref<10240x128xf32, #tpu.memory_space<hbm>>
        tpu.wait_indirect_dma semaphore(%arg26 : memref<!tpu.dma_semaphore, #tpu.memory_space<semaphore_mem>>) src(%dma_wait3A_601 : memref<10240x128xf32, #tpu.memory_space<hbm>>) dst(%arg17 : memref<32x128xf32, #tpu.memory_space<vmem>>)
        %dma_start3A_602 = arith.constant 15 : i32
        %dma_start3A_603 = arith.constant 0 : i32
        %dma_start3A_604 = tpu.memref_slice %arg7[%dma_start3A_602, %dma_start3A_603] : memref<16x32xi32, #tpu.memory_space<vmem>> -> memref<1x32xi32, #tpu.memory_space<vmem>>
        %dma_start3A_605 = tpu.memref_squeeze %dma_start3A_604 : memref<1x32xi32, #tpu.memory_space<vmem>> -> memref<32xi32, #tpu.memory_space<vmem>>
        %dma_start3A_606 = arith.constant 0 : i32
        %dma_start3A_607 = arith.constant 0 : i32
        %dma_start3A_608 = tpu.memref_slice %arg18[%dma_start3A_606, %dma_start3A_607] : memref<10240x128xf32, #tpu.memory_space<vmem_shared>> -> memref<10240x128xf32, #tpu.memory_space<vmem_shared>>
        tpu.enqueue_indirect_dma source(%arg17 : memref<32x128xf32, #tpu.memory_space<vmem>>) target(%dma_start3A_608 : memref<10240x128xf32, #tpu.memory_space<vmem_shared>>) offsets(%dma_start3A_605 : memref<32xi32, #tpu.memory_space<vmem>>) semaphore(%arg34 : memref<!tpu.dma_semaphore, #tpu.memory_space<semaphore_mem>>) {add = true}
        %add3A_609 = arith.constant 1 : i32
        %add3A_610 = arith.addi %add3A_158, %add3A_609 : i32
        %lt3A_611 = arith.constant 20 : i32
        %lt3A_612 = arith.cmpi slt, %add3A_610, %lt3A_611 : i32
        %convert_element_type3A_613 = arith.extui %lt3A_612 : i1 to i32
        %cond3A_614 = arith.constant 0 : i32
        %cond3A_615 = arith.cmpi ne, %convert_element_type3A_613, %cond3A_614 : i32
        scf.if %cond3A_615 {
          %dma_wait3A_1077 = arith.constant 6 : i32
          %dma_wait3A_1078 = arith.constant 0 : i32
          %dma_wait3A_1079 = tpu.memref_slice %arg7[%dma_wait3A_1077, %dma_wait3A_1078] : memref<16x32xi32, #tpu.memory_space<vmem>> -> memref<1x32xi32, #tpu.memory_space<vmem>>
          %dma_wait3A_1080 = tpu.memref_squeeze %dma_wait3A_1079 : memref<1x32xi32, #tpu.memory_space<vmem>> -> memref<32xi32, #tpu.memory_space<vmem>>
          %dma_wait3A_1081 = arith.constant 0 : i32
          %dma_wait3A_1082 = arith.constant 0 : i32
          %dma_wait3A_1083 = tpu.memref_slice %arg18[%dma_wait3A_1081, %dma_wait3A_1082] : memref<10240x128xf32, #tpu.memory_space<vmem_shared>> -> memref<10240x128xf32, #tpu.memory_space<vmem_shared>>
          tpu.wait_indirect_dma semaphore(%arg33 : memref<!tpu.dma_semaphore, #tpu.memory_space<semaphore_mem>>) src(%arg16 : memref<32x128xf32, #tpu.memory_space<vmem>>) dst(%dma_wait3A_1083 : memref<10240x128xf32, #tpu.memory_space<vmem_shared>>)
          %dma_start3A_1084 = arith.constant 6 : i32
          %dma_start3A_1085 = arith.constant 0 : i32
          %dma_start3A_1086 = tpu.memref_slice %arg8[%dma_start3A_1084, %dma_start3A_1085] : memref<16x32xi32, #tpu.memory_space<vmem>> -> memref<1x32xi32, #tpu.memory_space<vmem>>
          %dma_start3A_1087 = tpu.memref_squeeze %dma_start3A_1086 : memref<1x32xi32, #tpu.memory_space<vmem>> -> memref<32xi32, #tpu.memory_space<vmem>>
          %dma_start3A_1088 = arith.constant 0 : i32
          %dma_start3A_1089 = arith.constant 0 : i32
          %dma_start3A_1090 = tpu.memref_slice %arg2[%dma_start3A_1088, %dma_start3A_1089] : memref<10240x128xf32, #tpu.memory_space<hbm>> -> memref<10240x128xf32, #tpu.memory_space<hbm>>
          tpu.enqueue_indirect_dma source(%dma_start3A_1090 : memref<10240x128xf32, #tpu.memory_space<hbm>>) target(%arg16 : memref<32x128xf32, #tpu.memory_space<vmem>>) offsets(%dma_start3A_1087 : memref<32xi32, #tpu.memory_space<vmem>>) semaphore(%arg25 : memref<!tpu.dma_semaphore, #tpu.memory_space<semaphore_mem>>)
        } else {
        }
        %add3A_616 = arith.constant 1 : i32
        %add3A_617 = arith.addi %add3A_156, %add3A_616 : i32
        %mul3A_618 = arith.constant 16 : i32
        %mul3A_619 = arith.muli %add3A_617, %mul3A_618 : i32
        %add3A_620 = arith.constant 0 : i32
        %add3A_621 = arith.addi %mul3A_619, %add3A_620 : i32
        %add3A_622 = arith.constant 1 : i32
        %add3A_623 = arith.addi %add3A_617, %add3A_622 : i32
        %lt3A_624 = arith.constant 20 : i32
        %lt3A_625 = arith.cmpi slt, %add3A_623, %lt3A_624 : i32
        %convert_element_type3A_626 = arith.extui %lt3A_625 : i1 to i32
        %cond3A_627 = arith.constant 0 : i32
        %cond3A_628 = arith.cmpi ne, %convert_element_type3A_626, %cond3A_627 : i32
        scf.if %cond3A_628 {
          %add3A_1077 = arith.constant 1 : i32
          %add3A_1078 = arith.addi %add3A_617, %add3A_1077 : i32
          %mul3A_1079 = arith.constant 16 : i32
          %mul3A_1080 = arith.muli %add3A_1078, %mul3A_1079 : i32
          %add3A_1081 = arith.addi %add3A_23, %mul3A_1080 : i32
          %dma_start3A_1082 = arith.constant 0 : i32
          %dma_start3A_1083 = tpu.memref_slice %arg3[%add3A_1081, %dma_start3A_1082] : memref<10240x32xi32, #tpu.memory_space<hbm>> -> memref<16x32xi32, #tpu.memory_space<hbm>>
          %dma_start3A_1084 = arith.constant 0 : i32
          %dma_start3A_1085 = tpu.memref_slice %arg3[%add3A_1081, %dma_start3A_1084] : memref<10240x32xi32, #tpu.memory_space<hbm>> -> memref<16x32xi32, #tpu.memory_space<hbm>>
          tpu.enqueue_dma source(%dma_start3A_1085 : memref<16x32xi32, #tpu.memory_space<hbm>>) target(%arg6 : memref<16x32xi32, #tpu.memory_space<vmem>>) target_semaphore(%arg35 : memref<!tpu.dma_semaphore, #tpu.memory_space<semaphore_mem>>)
          %dma_start3A_1086 = arith.constant 0 : i32
          %dma_start3A_1087 = tpu.memref_slice %arg4[%add3A_1081, %dma_start3A_1086] : memref<10240x32xi32, #tpu.memory_space<hbm>> -> memref<16x32xi32, #tpu.memory_space<hbm>>
          %dma_start3A_1088 = arith.constant 0 : i32
          %dma_start3A_1089 = tpu.memref_slice %arg4[%add3A_1081, %dma_start3A_1088] : memref<10240x32xi32, #tpu.memory_space<hbm>> -> memref<16x32xi32, #tpu.memory_space<hbm>>
          tpu.enqueue_dma source(%dma_start3A_1089 : memref<16x32xi32, #tpu.memory_space<hbm>>) target(%arg7 : memref<16x32xi32, #tpu.memory_space<vmem>>) target_semaphore(%arg35 : memref<!tpu.dma_semaphore, #tpu.memory_space<semaphore_mem>>)
        } else {
        }
        %dma_wait3A_629 = arith.constant 0 : i32
        %dma_wait3A_630 = arith.constant 0 : i32
        %dma_wait3A_631 = tpu.memref_slice %arg8[%dma_wait3A_629, %dma_wait3A_630] : memref<16x32xi32, #tpu.memory_space<vmem>> -> memref<1x32xi32, #tpu.memory_space<vmem>>
        %dma_wait3A_632 = tpu.memref_squeeze %dma_wait3A_631 : memref<1x32xi32, #tpu.memory_space<vmem>> -> memref<32xi32, #tpu.memory_space<vmem>>
        %dma_wait3A_633 = arith.constant 0 : i32
        %dma_wait3A_634 = arith.constant 0 : i32
        %dma_wait3A_635 = tpu.memref_slice %arg2[%dma_wait3A_633, %dma_wait3A_634] : memref<10240x128xf32, #tpu.memory_space<hbm>> -> memref<10240x128xf32, #tpu.memory_space<hbm>>
        tpu.wait_indirect_dma semaphore(%arg19 : memref<!tpu.dma_semaphore, #tpu.memory_space<semaphore_mem>>) src(%dma_wait3A_635 : memref<10240x128xf32, #tpu.memory_space<hbm>>) dst(%arg10 : memref<32x128xf32, #tpu.memory_space<vmem>>)
        %dma_start3A_636 = arith.constant 0 : i32
        %dma_start3A_637 = arith.constant 0 : i32
        %dma_start3A_638 = tpu.memref_slice %arg9[%dma_start3A_636, %dma_start3A_637] : memref<16x32xi32, #tpu.memory_space<vmem>> -> memref<1x32xi32, #tpu.memory_space<vmem>>
        %dma_start3A_639 = tpu.memref_squeeze %dma_start3A_638 : memref<1x32xi32, #tpu.memory_space<vmem>> -> memref<32xi32, #tpu.memory_space<vmem>>
        %dma_start3A_640 = arith.constant 0 : i32
        %dma_start3A_641 = arith.constant 0 : i32
        %dma_start3A_642 = tpu.memref_slice %arg18[%dma_start3A_640, %dma_start3A_641] : memref<10240x128xf32, #tpu.memory_space<vmem_shared>> -> memref<10240x128xf32, #tpu.memory_space<vmem_shared>>
        tpu.enqueue_indirect_dma source(%arg10 : memref<32x128xf32, #tpu.memory_space<vmem>>) target(%dma_start3A_642 : memref<10240x128xf32, #tpu.memory_space<vmem_shared>>) offsets(%dma_start3A_639 : memref<32xi32, #tpu.memory_space<vmem>>) semaphore(%arg27 : memref<!tpu.dma_semaphore, #tpu.memory_space<semaphore_mem>>) {add = true}
        %ge3A_643 = arith.constant 1 : i32
        %ge3A_644 = arith.cmpi sge, %add3A_621, %ge3A_643 : i32
        %convert_element_type3A_645 = arith.extui %ge3A_644 : i1 to i32
        %cond3A_646 = arith.constant 0 : i32
        %cond3A_647 = arith.cmpi ne, %convert_element_type3A_645, %cond3A_646 : i32
        scf.if %cond3A_647 {
          %dma_wait3A_1077 = arith.constant 7 : i32
          %dma_wait3A_1078 = arith.constant 0 : i32
          %dma_wait3A_1079 = tpu.memref_slice %arg9[%dma_wait3A_1077, %dma_wait3A_1078] : memref<16x32xi32, #tpu.memory_space<vmem>> -> memref<1x32xi32, #tpu.memory_space<vmem>>
          %dma_wait3A_1080 = tpu.memref_squeeze %dma_wait3A_1079 : memref<1x32xi32, #tpu.memory_space<vmem>> -> memref<32xi32, #tpu.memory_space<vmem>>
          %dma_wait3A_1081 = arith.constant 0 : i32
          %dma_wait3A_1082 = arith.constant 0 : i32
          %dma_wait3A_1083 = tpu.memref_slice %arg18[%dma_wait3A_1081, %dma_wait3A_1082] : memref<10240x128xf32, #tpu.memory_space<vmem_shared>> -> memref<10240x128xf32, #tpu.memory_space<vmem_shared>>
          tpu.wait_indirect_dma semaphore(%arg34 : memref<!tpu.dma_semaphore, #tpu.memory_space<semaphore_mem>>) src(%arg17 : memref<32x128xf32, #tpu.memory_space<vmem>>) dst(%dma_wait3A_1083 : memref<10240x128xf32, #tpu.memory_space<vmem_shared>>)
        } else {
        }
        %dma_start3A_648 = arith.constant 7 : i32
        %dma_start3A_649 = arith.constant 0 : i32
        %dma_start3A_650 = tpu.memref_slice %arg8[%dma_start3A_648, %dma_start3A_649] : memref<16x32xi32, #tpu.memory_space<vmem>> -> memref<1x32xi32, #tpu.memory_space<vmem>>
        %dma_start3A_651 = tpu.memref_squeeze %dma_start3A_650 : memref<1x32xi32, #tpu.memory_space<vmem>> -> memref<32xi32, #tpu.memory_space<vmem>>
        %dma_start3A_652 = arith.constant 0 : i32
        %dma_start3A_653 = arith.constant 0 : i32
        %dma_start3A_654 = tpu.memref_slice %arg2[%dma_start3A_652, %dma_start3A_653] : memref<10240x128xf32, #tpu.memory_space<hbm>> -> memref<10240x128xf32, #tpu.memory_space<hbm>>
        tpu.enqueue_indirect_dma source(%dma_start3A_654 : memref<10240x128xf32, #tpu.memory_space<hbm>>) target(%arg17 : memref<32x128xf32, #tpu.memory_space<vmem>>) offsets(%dma_start3A_651 : memref<32xi32, #tpu.memory_space<vmem>>) semaphore(%arg26 : memref<!tpu.dma_semaphore, #tpu.memory_space<semaphore_mem>>)
        %mul3A_655 = arith.constant 16 : i32
        %mul3A_656 = arith.muli %add3A_617, %mul3A_655 : i32
        %add3A_657 = arith.constant 1 : i32
        %add3A_658 = arith.addi %mul3A_656, %add3A_657 : i32
        %dma_wait3A_659 = arith.constant 1 : i32
        %dma_wait3A_660 = arith.constant 0 : i32
        %dma_wait3A_661 = tpu.memref_slice %arg8[%dma_wait3A_659, %dma_wait3A_660] : memref<16x32xi32, #tpu.memory_space<vmem>> -> memref<1x32xi32, #tpu.memory_space<vmem>>
        %dma_wait3A_662 = tpu.memref_squeeze %dma_wait3A_661 : memref<1x32xi32, #tpu.memory_space<vmem>> -> memref<32xi32, #tpu.memory_space<vmem>>
        %dma_wait3A_663 = arith.constant 0 : i32
        %dma_wait3A_664 = arith.constant 0 : i32
        %dma_wait3A_665 = tpu.memref_slice %arg2[%dma_wait3A_663, %dma_wait3A_664] : memref<10240x128xf32, #tpu.memory_space<hbm>> -> memref<10240x128xf32, #tpu.memory_space<hbm>>
        tpu.wait_indirect_dma semaphore(%arg20 : memref<!tpu.dma_semaphore, #tpu.memory_space<semaphore_mem>>) src(%dma_wait3A_665 : memref<10240x128xf32, #tpu.memory_space<hbm>>) dst(%arg11 : memref<32x128xf32, #tpu.memory_space<vmem>>)
        %dma_start3A_666 = arith.constant 1 : i32
        %dma_start3A_667 = arith.constant 0 : i32
        %dma_start3A_668 = tpu.memref_slice %arg9[%dma_start3A_666, %dma_start3A_667] : memref<16x32xi32, #tpu.memory_space<vmem>> -> memref<1x32xi32, #tpu.memory_space<vmem>>
        %dma_start3A_669 = tpu.memref_squeeze %dma_start3A_668 : memref<1x32xi32, #tpu.memory_space<vmem>> -> memref<32xi32, #tpu.memory_space<vmem>>
        %dma_start3A_670 = arith.constant 0 : i32
        %dma_start3A_671 = arith.constant 0 : i32
        %dma_start3A_672 = tpu.memref_slice %arg18[%dma_start3A_670, %dma_start3A_671] : memref<10240x128xf32, #tpu.memory_space<vmem_shared>> -> memref<10240x128xf32, #tpu.memory_space<vmem_shared>>
        tpu.enqueue_indirect_dma source(%arg11 : memref<32x128xf32, #tpu.memory_space<vmem>>) target(%dma_start3A_672 : memref<10240x128xf32, #tpu.memory_space<vmem_shared>>) offsets(%dma_start3A_669 : memref<32xi32, #tpu.memory_space<vmem>>) semaphore(%arg28 : memref<!tpu.dma_semaphore, #tpu.memory_space<semaphore_mem>>) {add = true}
        %ge3A_673 = arith.constant 1 : i32
        %ge3A_674 = arith.cmpi sge, %add3A_658, %ge3A_673 : i32
        %convert_element_type3A_675 = arith.extui %ge3A_674 : i1 to i32
        %cond3A_676 = arith.constant 0 : i32
        %cond3A_677 = arith.cmpi ne, %convert_element_type3A_675, %cond3A_676 : i32
        scf.if %cond3A_677 {
          %dma_wait3A_1077 = arith.constant 0 : i32
          %dma_wait3A_1078 = arith.constant 0 : i32
          %dma_wait3A_1079 = tpu.memref_slice %arg9[%dma_wait3A_1077, %dma_wait3A_1078] : memref<16x32xi32, #tpu.memory_space<vmem>> -> memref<1x32xi32, #tpu.memory_space<vmem>>
          %dma_wait3A_1080 = tpu.memref_squeeze %dma_wait3A_1079 : memref<1x32xi32, #tpu.memory_space<vmem>> -> memref<32xi32, #tpu.memory_space<vmem>>
          %dma_wait3A_1081 = arith.constant 0 : i32
          %dma_wait3A_1082 = arith.constant 0 : i32
          %dma_wait3A_1083 = tpu.memref_slice %arg18[%dma_wait3A_1081, %dma_wait3A_1082] : memref<10240x128xf32, #tpu.memory_space<vmem_shared>> -> memref<10240x128xf32, #tpu.memory_space<vmem_shared>>
          tpu.wait_indirect_dma semaphore(%arg27 : memref<!tpu.dma_semaphore, #tpu.memory_space<semaphore_mem>>) src(%arg10 : memref<32x128xf32, #tpu.memory_space<vmem>>) dst(%dma_wait3A_1083 : memref<10240x128xf32, #tpu.memory_space<vmem_shared>>)
        } else {
        }
        %dma_start3A_678 = arith.constant 8 : i32
        %dma_start3A_679 = arith.constant 0 : i32
        %dma_start3A_680 = tpu.memref_slice %arg8[%dma_start3A_678, %dma_start3A_679] : memref<16x32xi32, #tpu.memory_space<vmem>> -> memref<1x32xi32, #tpu.memory_space<vmem>>
        %dma_start3A_681 = tpu.memref_squeeze %dma_start3A_680 : memref<1x32xi32, #tpu.memory_space<vmem>> -> memref<32xi32, #tpu.memory_space<vmem>>
        %dma_start3A_682 = arith.constant 0 : i32
        %dma_start3A_683 = arith.constant 0 : i32
        %dma_start3A_684 = tpu.memref_slice %arg2[%dma_start3A_682, %dma_start3A_683] : memref<10240x128xf32, #tpu.memory_space<hbm>> -> memref<10240x128xf32, #tpu.memory_space<hbm>>
        tpu.enqueue_indirect_dma source(%dma_start3A_684 : memref<10240x128xf32, #tpu.memory_space<hbm>>) target(%arg10 : memref<32x128xf32, #tpu.memory_space<vmem>>) offsets(%dma_start3A_681 : memref<32xi32, #tpu.memory_space<vmem>>) semaphore(%arg19 : memref<!tpu.dma_semaphore, #tpu.memory_space<semaphore_mem>>)
        %mul3A_685 = arith.constant 16 : i32
        %mul3A_686 = arith.muli %add3A_617, %mul3A_685 : i32
        %add3A_687 = arith.constant 2 : i32
        %add3A_688 = arith.addi %mul3A_686, %add3A_687 : i32
        %dma_wait3A_689 = arith.constant 2 : i32
        %dma_wait3A_690 = arith.constant 0 : i32
        %dma_wait3A_691 = tpu.memref_slice %arg8[%dma_wait3A_689, %dma_wait3A_690] : memref<16x32xi32, #tpu.memory_space<vmem>> -> memref<1x32xi32, #tpu.memory_space<vmem>>
        %dma_wait3A_692 = tpu.memref_squeeze %dma_wait3A_691 : memref<1x32xi32, #tpu.memory_space<vmem>> -> memref<32xi32, #tpu.memory_space<vmem>>
        %dma_wait3A_693 = arith.constant 0 : i32
        %dma_wait3A_694 = arith.constant 0 : i32
        %dma_wait3A_695 = tpu.memref_slice %arg2[%dma_wait3A_693, %dma_wait3A_694] : memref<10240x128xf32, #tpu.memory_space<hbm>> -> memref<10240x128xf32, #tpu.memory_space<hbm>>
        tpu.wait_indirect_dma semaphore(%arg21 : memref<!tpu.dma_semaphore, #tpu.memory_space<semaphore_mem>>) src(%dma_wait3A_695 : memref<10240x128xf32, #tpu.memory_space<hbm>>) dst(%arg12 : memref<32x128xf32, #tpu.memory_space<vmem>>)
        %dma_start3A_696 = arith.constant 2 : i32
        %dma_start3A_697 = arith.constant 0 : i32
        %dma_start3A_698 = tpu.memref_slice %arg9[%dma_start3A_696, %dma_start3A_697] : memref<16x32xi32, #tpu.memory_space<vmem>> -> memref<1x32xi32, #tpu.memory_space<vmem>>
        %dma_start3A_699 = tpu.memref_squeeze %dma_start3A_698 : memref<1x32xi32, #tpu.memory_space<vmem>> -> memref<32xi32, #tpu.memory_space<vmem>>
        %dma_start3A_700 = arith.constant 0 : i32
        %dma_start3A_701 = arith.constant 0 : i32
        %dma_start3A_702 = tpu.memref_slice %arg18[%dma_start3A_700, %dma_start3A_701] : memref<10240x128xf32, #tpu.memory_space<vmem_shared>> -> memref<10240x128xf32, #tpu.memory_space<vmem_shared>>
        tpu.enqueue_indirect_dma source(%arg12 : memref<32x128xf32, #tpu.memory_space<vmem>>) target(%dma_start3A_702 : memref<10240x128xf32, #tpu.memory_space<vmem_shared>>) offsets(%dma_start3A_699 : memref<32xi32, #tpu.memory_space<vmem>>) semaphore(%arg29 : memref<!tpu.dma_semaphore, #tpu.memory_space<semaphore_mem>>) {add = true}
        %ge3A_703 = arith.constant 1 : i32
        %ge3A_704 = arith.cmpi sge, %add3A_688, %ge3A_703 : i32
        %convert_element_type3A_705 = arith.extui %ge3A_704 : i1 to i32
        %cond3A_706 = arith.constant 0 : i32
        %cond3A_707 = arith.cmpi ne, %convert_element_type3A_705, %cond3A_706 : i32
        scf.if %cond3A_707 {
          %dma_wait3A_1077 = arith.constant 1 : i32
          %dma_wait3A_1078 = arith.constant 0 : i32
          %dma_wait3A_1079 = tpu.memref_slice %arg9[%dma_wait3A_1077, %dma_wait3A_1078] : memref<16x32xi32, #tpu.memory_space<vmem>> -> memref<1x32xi32, #tpu.memory_space<vmem>>
          %dma_wait3A_1080 = tpu.memref_squeeze %dma_wait3A_1079 : memref<1x32xi32, #tpu.memory_space<vmem>> -> memref<32xi32, #tpu.memory_space<vmem>>
          %dma_wait3A_1081 = arith.constant 0 : i32
          %dma_wait3A_1082 = arith.constant 0 : i32
          %dma_wait3A_1083 = tpu.memref_slice %arg18[%dma_wait3A_1081, %dma_wait3A_1082] : memref<10240x128xf32, #tpu.memory_space<vmem_shared>> -> memref<10240x128xf32, #tpu.memory_space<vmem_shared>>
          tpu.wait_indirect_dma semaphore(%arg28 : memref<!tpu.dma_semaphore, #tpu.memory_space<semaphore_mem>>) src(%arg11 : memref<32x128xf32, #tpu.memory_space<vmem>>) dst(%dma_wait3A_1083 : memref<10240x128xf32, #tpu.memory_space<vmem_shared>>)
        } else {
        }
        %dma_start3A_708 = arith.constant 9 : i32
        %dma_start3A_709 = arith.constant 0 : i32
        %dma_start3A_710 = tpu.memref_slice %arg8[%dma_start3A_708, %dma_start3A_709] : memref<16x32xi32, #tpu.memory_space<vmem>> -> memref<1x32xi32, #tpu.memory_space<vmem>>
        %dma_start3A_711 = tpu.memref_squeeze %dma_start3A_710 : memref<1x32xi32, #tpu.memory_space<vmem>> -> memref<32xi32, #tpu.memory_space<vmem>>
        %dma_start3A_712 = arith.constant 0 : i32
        %dma_start3A_713 = arith.constant 0 : i32
        %dma_start3A_714 = tpu.memref_slice %arg2[%dma_start3A_712, %dma_start3A_713] : memref<10240x128xf32, #tpu.memory_space<hbm>> -> memref<10240x128xf32, #tpu.memory_space<hbm>>
        tpu.enqueue_indirect_dma source(%dma_start3A_714 : memref<10240x128xf32, #tpu.memory_space<hbm>>) target(%arg11 : memref<32x128xf32, #tpu.memory_space<vmem>>) offsets(%dma_start3A_711 : memref<32xi32, #tpu.memory_space<vmem>>) semaphore(%arg20 : memref<!tpu.dma_semaphore, #tpu.memory_space<semaphore_mem>>)
        %mul3A_715 = arith.constant 16 : i32
        %mul3A_716 = arith.muli %add3A_617, %mul3A_715 : i32
        %add3A_717 = arith.constant 3 : i32
        %add3A_718 = arith.addi %mul3A_716, %add3A_717 : i32
        %dma_wait3A_719 = arith.constant 3 : i32
        %dma_wait3A_720 = arith.constant 0 : i32
        %dma_wait3A_721 = tpu.memref_slice %arg8[%dma_wait3A_719, %dma_wait3A_720] : memref<16x32xi32, #tpu.memory_space<vmem>> -> memref<1x32xi32, #tpu.memory_space<vmem>>
        %dma_wait3A_722 = tpu.memref_squeeze %dma_wait3A_721 : memref<1x32xi32, #tpu.memory_space<vmem>> -> memref<32xi32, #tpu.memory_space<vmem>>
        %dma_wait3A_723 = arith.constant 0 : i32
        %dma_wait3A_724 = arith.constant 0 : i32
        %dma_wait3A_725 = tpu.memref_slice %arg2[%dma_wait3A_723, %dma_wait3A_724] : memref<10240x128xf32, #tpu.memory_space<hbm>> -> memref<10240x128xf32, #tpu.memory_space<hbm>>
        tpu.wait_indirect_dma semaphore(%arg22 : memref<!tpu.dma_semaphore, #tpu.memory_space<semaphore_mem>>) src(%dma_wait3A_725 : memref<10240x128xf32, #tpu.memory_space<hbm>>) dst(%arg13 : memref<32x128xf32, #tpu.memory_space<vmem>>)
        %dma_start3A_726 = arith.constant 3 : i32
        %dma_start3A_727 = arith.constant 0 : i32
        %dma_start3A_728 = tpu.memref_slice %arg9[%dma_start3A_726, %dma_start3A_727] : memref<16x32xi32, #tpu.memory_space<vmem>> -> memref<1x32xi32, #tpu.memory_space<vmem>>
        %dma_start3A_729 = tpu.memref_squeeze %dma_start3A_728 : memref<1x32xi32, #tpu.memory_space<vmem>> -> memref<32xi32, #tpu.memory_space<vmem>>
        %dma_start3A_730 = arith.constant 0 : i32
        %dma_start3A_731 = arith.constant 0 : i32
        %dma_start3A_732 = tpu.memref_slice %arg18[%dma_start3A_730, %dma_start3A_731] : memref<10240x128xf32, #tpu.memory_space<vmem_shared>> -> memref<10240x128xf32, #tpu.memory_space<vmem_shared>>
        tpu.enqueue_indirect_dma source(%arg13 : memref<32x128xf32, #tpu.memory_space<vmem>>) target(%dma_start3A_732 : memref<10240x128xf32, #tpu.memory_space<vmem_shared>>) offsets(%dma_start3A_729 : memref<32xi32, #tpu.memory_space<vmem>>) semaphore(%arg30 : memref<!tpu.dma_semaphore, #tpu.memory_space<semaphore_mem>>) {add = true}
        %ge3A_733 = arith.constant 1 : i32
        %ge3A_734 = arith.cmpi sge, %add3A_718, %ge3A_733 : i32
        %convert_element_type3A_735 = arith.extui %ge3A_734 : i1 to i32
        %cond3A_736 = arith.constant 0 : i32
        %cond3A_737 = arith.cmpi ne, %convert_element_type3A_735, %cond3A_736 : i32
        scf.if %cond3A_737 {
          %dma_wait3A_1077 = arith.constant 2 : i32
          %dma_wait3A_1078 = arith.constant 0 : i32
          %dma_wait3A_1079 = tpu.memref_slice %arg9[%dma_wait3A_1077, %dma_wait3A_1078] : memref<16x32xi32, #tpu.memory_space<vmem>> -> memref<1x32xi32, #tpu.memory_space<vmem>>
          %dma_wait3A_1080 = tpu.memref_squeeze %dma_wait3A_1079 : memref<1x32xi32, #tpu.memory_space<vmem>> -> memref<32xi32, #tpu.memory_space<vmem>>
          %dma_wait3A_1081 = arith.constant 0 : i32
          %dma_wait3A_1082 = arith.constant 0 : i32
          %dma_wait3A_1083 = tpu.memref_slice %arg18[%dma_wait3A_1081, %dma_wait3A_1082] : memref<10240x128xf32, #tpu.memory_space<vmem_shared>> -> memref<10240x128xf32, #tpu.memory_space<vmem_shared>>
          tpu.wait_indirect_dma semaphore(%arg29 : memref<!tpu.dma_semaphore, #tpu.memory_space<semaphore_mem>>) src(%arg12 : memref<32x128xf32, #tpu.memory_space<vmem>>) dst(%dma_wait3A_1083 : memref<10240x128xf32, #tpu.memory_space<vmem_shared>>)
        } else {
        }
        %dma_start3A_738 = arith.constant 10 : i32
        %dma_start3A_739 = arith.constant 0 : i32
        %dma_start3A_740 = tpu.memref_slice %arg8[%dma_start3A_738, %dma_start3A_739] : memref<16x32xi32, #tpu.memory_space<vmem>> -> memref<1x32xi32, #tpu.memory_space<vmem>>
        %dma_start3A_741 = tpu.memref_squeeze %dma_start3A_740 : memref<1x32xi32, #tpu.memory_space<vmem>> -> memref<32xi32, #tpu.memory_space<vmem>>
        %dma_start3A_742 = arith.constant 0 : i32
        %dma_start3A_743 = arith.constant 0 : i32
        %dma_start3A_744 = tpu.memref_slice %arg2[%dma_start3A_742, %dma_start3A_743] : memref<10240x128xf32, #tpu.memory_space<hbm>> -> memref<10240x128xf32, #tpu.memory_space<hbm>>
        tpu.enqueue_indirect_dma source(%dma_start3A_744 : memref<10240x128xf32, #tpu.memory_space<hbm>>) target(%arg12 : memref<32x128xf32, #tpu.memory_space<vmem>>) offsets(%dma_start3A_741 : memref<32xi32, #tpu.memory_space<vmem>>) semaphore(%arg21 : memref<!tpu.dma_semaphore, #tpu.memory_space<semaphore_mem>>)
        %mul3A_745 = arith.constant 16 : i32
        %mul3A_746 = arith.muli %add3A_617, %mul3A_745 : i32
        %add3A_747 = arith.constant 4 : i32
        %add3A_748 = arith.addi %mul3A_746, %add3A_747 : i32
        %dma_wait3A_749 = arith.constant 4 : i32
        %dma_wait3A_750 = arith.constant 0 : i32
        %dma_wait3A_751 = tpu.memref_slice %arg8[%dma_wait3A_749, %dma_wait3A_750] : memref<16x32xi32, #tpu.memory_space<vmem>> -> memref<1x32xi32, #tpu.memory_space<vmem>>
        %dma_wait3A_752 = tpu.memref_squeeze %dma_wait3A_751 : memref<1x32xi32, #tpu.memory_space<vmem>> -> memref<32xi32, #tpu.memory_space<vmem>>
        %dma_wait3A_753 = arith.constant 0 : i32
        %dma_wait3A_754 = arith.constant 0 : i32
        %dma_wait3A_755 = tpu.memref_slice %arg2[%dma_wait3A_753, %dma_wait3A_754] : memref<10240x128xf32, #tpu.memory_space<hbm>> -> memref<10240x128xf32, #tpu.memory_space<hbm>>
        tpu.wait_indirect_dma semaphore(%arg23 : memref<!tpu.dma_semaphore, #tpu.memory_space<semaphore_mem>>) src(%dma_wait3A_755 : memref<10240x128xf32, #tpu.memory_space<hbm>>) dst(%arg14 : memref<32x128xf32, #tpu.memory_space<vmem>>)
        %dma_start3A_756 = arith.constant 4 : i32
        %dma_start3A_757 = arith.constant 0 : i32
        %dma_start3A_758 = tpu.memref_slice %arg9[%dma_start3A_756, %dma_start3A_757] : memref<16x32xi32, #tpu.memory_space<vmem>> -> memref<1x32xi32, #tpu.memory_space<vmem>>
        %dma_start3A_759 = tpu.memref_squeeze %dma_start3A_758 : memref<1x32xi32, #tpu.memory_space<vmem>> -> memref<32xi32, #tpu.memory_space<vmem>>
        %dma_start3A_760 = arith.constant 0 : i32
        %dma_start3A_761 = arith.constant 0 : i32
        %dma_start3A_762 = tpu.memref_slice %arg18[%dma_start3A_760, %dma_start3A_761] : memref<10240x128xf32, #tpu.memory_space<vmem_shared>> -> memref<10240x128xf32, #tpu.memory_space<vmem_shared>>
        tpu.enqueue_indirect_dma source(%arg14 : memref<32x128xf32, #tpu.memory_space<vmem>>) target(%dma_start3A_762 : memref<10240x128xf32, #tpu.memory_space<vmem_shared>>) offsets(%dma_start3A_759 : memref<32xi32, #tpu.memory_space<vmem>>) semaphore(%arg31 : memref<!tpu.dma_semaphore, #tpu.memory_space<semaphore_mem>>) {add = true}
        %ge3A_763 = arith.constant 1 : i32
        %ge3A_764 = arith.cmpi sge, %add3A_748, %ge3A_763 : i32
        %convert_element_type3A_765 = arith.extui %ge3A_764 : i1 to i32
        %cond3A_766 = arith.constant 0 : i32
        %cond3A_767 = arith.cmpi ne, %convert_element_type3A_765, %cond3A_766 : i32
        scf.if %cond3A_767 {
          %dma_wait3A_1077 = arith.constant 3 : i32
          %dma_wait3A_1078 = arith.constant 0 : i32
          %dma_wait3A_1079 = tpu.memref_slice %arg9[%dma_wait3A_1077, %dma_wait3A_1078] : memref<16x32xi32, #tpu.memory_space<vmem>> -> memref<1x32xi32, #tpu.memory_space<vmem>>
          %dma_wait3A_1080 = tpu.memref_squeeze %dma_wait3A_1079 : memref<1x32xi32, #tpu.memory_space<vmem>> -> memref<32xi32, #tpu.memory_space<vmem>>
          %dma_wait3A_1081 = arith.constant 0 : i32
          %dma_wait3A_1082 = arith.constant 0 : i32
          %dma_wait3A_1083 = tpu.memref_slice %arg18[%dma_wait3A_1081, %dma_wait3A_1082] : memref<10240x128xf32, #tpu.memory_space<vmem_shared>> -> memref<10240x128xf32, #tpu.memory_space<vmem_shared>>
          tpu.wait_indirect_dma semaphore(%arg30 : memref<!tpu.dma_semaphore, #tpu.memory_space<semaphore_mem>>) src(%arg13 : memref<32x128xf32, #tpu.memory_space<vmem>>) dst(%dma_wait3A_1083 : memref<10240x128xf32, #tpu.memory_space<vmem_shared>>)
        } else {
        }
        %dma_start3A_768 = arith.constant 11 : i32
        %dma_start3A_769 = arith.constant 0 : i32
        %dma_start3A_770 = tpu.memref_slice %arg8[%dma_start3A_768, %dma_start3A_769] : memref<16x32xi32, #tpu.memory_space<vmem>> -> memref<1x32xi32, #tpu.memory_space<vmem>>
        %dma_start3A_771 = tpu.memref_squeeze %dma_start3A_770 : memref<1x32xi32, #tpu.memory_space<vmem>> -> memref<32xi32, #tpu.memory_space<vmem>>
        %dma_start3A_772 = arith.constant 0 : i32
        %dma_start3A_773 = arith.constant 0 : i32
        %dma_start3A_774 = tpu.memref_slice %arg2[%dma_start3A_772, %dma_start3A_773] : memref<10240x128xf32, #tpu.memory_space<hbm>> -> memref<10240x128xf32, #tpu.memory_space<hbm>>
        tpu.enqueue_indirect_dma source(%dma_start3A_774 : memref<10240x128xf32, #tpu.memory_space<hbm>>) target(%arg13 : memref<32x128xf32, #tpu.memory_space<vmem>>) offsets(%dma_start3A_771 : memref<32xi32, #tpu.memory_space<vmem>>) semaphore(%arg22 : memref<!tpu.dma_semaphore, #tpu.memory_space<semaphore_mem>>)
        %mul3A_775 = arith.constant 16 : i32
        %mul3A_776 = arith.muli %add3A_617, %mul3A_775 : i32
        %add3A_777 = arith.constant 5 : i32
        %add3A_778 = arith.addi %mul3A_776, %add3A_777 : i32
        %dma_wait3A_779 = arith.constant 5 : i32
        %dma_wait3A_780 = arith.constant 0 : i32
        %dma_wait3A_781 = tpu.memref_slice %arg8[%dma_wait3A_779, %dma_wait3A_780] : memref<16x32xi32, #tpu.memory_space<vmem>> -> memref<1x32xi32, #tpu.memory_space<vmem>>
        %dma_wait3A_782 = tpu.memref_squeeze %dma_wait3A_781 : memref<1x32xi32, #tpu.memory_space<vmem>> -> memref<32xi32, #tpu.memory_space<vmem>>
        %dma_wait3A_783 = arith.constant 0 : i32
        %dma_wait3A_784 = arith.constant 0 : i32
        %dma_wait3A_785 = tpu.memref_slice %arg2[%dma_wait3A_783, %dma_wait3A_784] : memref<10240x128xf32, #tpu.memory_space<hbm>> -> memref<10240x128xf32, #tpu.memory_space<hbm>>
        tpu.wait_indirect_dma semaphore(%arg24 : memref<!tpu.dma_semaphore, #tpu.memory_space<semaphore_mem>>) src(%dma_wait3A_785 : memref<10240x128xf32, #tpu.memory_space<hbm>>) dst(%arg15 : memref<32x128xf32, #tpu.memory_space<vmem>>)
        %dma_start3A_786 = arith.constant 5 : i32
        %dma_start3A_787 = arith.constant 0 : i32
        %dma_start3A_788 = tpu.memref_slice %arg9[%dma_start3A_786, %dma_start3A_787] : memref<16x32xi32, #tpu.memory_space<vmem>> -> memref<1x32xi32, #tpu.memory_space<vmem>>
        %dma_start3A_789 = tpu.memref_squeeze %dma_start3A_788 : memref<1x32xi32, #tpu.memory_space<vmem>> -> memref<32xi32, #tpu.memory_space<vmem>>
        %dma_start3A_790 = arith.constant 0 : i32
        %dma_start3A_791 = arith.constant 0 : i32
        %dma_start3A_792 = tpu.memref_slice %arg18[%dma_start3A_790, %dma_start3A_791] : memref<10240x128xf32, #tpu.memory_space<vmem_shared>> -> memref<10240x128xf32, #tpu.memory_space<vmem_shared>>
        tpu.enqueue_indirect_dma source(%arg15 : memref<32x128xf32, #tpu.memory_space<vmem>>) target(%dma_start3A_792 : memref<10240x128xf32, #tpu.memory_space<vmem_shared>>) offsets(%dma_start3A_789 : memref<32xi32, #tpu.memory_space<vmem>>) semaphore(%arg32 : memref<!tpu.dma_semaphore, #tpu.memory_space<semaphore_mem>>) {add = true}
        %ge3A_793 = arith.constant 1 : i32
        %ge3A_794 = arith.cmpi sge, %add3A_778, %ge3A_793 : i32
        %convert_element_type3A_795 = arith.extui %ge3A_794 : i1 to i32
        %cond3A_796 = arith.constant 0 : i32
        %cond3A_797 = arith.cmpi ne, %convert_element_type3A_795, %cond3A_796 : i32
        scf.if %cond3A_797 {
          %dma_wait3A_1077 = arith.constant 4 : i32
          %dma_wait3A_1078 = arith.constant 0 : i32
          %dma_wait3A_1079 = tpu.memref_slice %arg9[%dma_wait3A_1077, %dma_wait3A_1078] : memref<16x32xi32, #tpu.memory_space<vmem>> -> memref<1x32xi32, #tpu.memory_space<vmem>>
          %dma_wait3A_1080 = tpu.memref_squeeze %dma_wait3A_1079 : memref<1x32xi32, #tpu.memory_space<vmem>> -> memref<32xi32, #tpu.memory_space<vmem>>
          %dma_wait3A_1081 = arith.constant 0 : i32
          %dma_wait3A_1082 = arith.constant 0 : i32
          %dma_wait3A_1083 = tpu.memref_slice %arg18[%dma_wait3A_1081, %dma_wait3A_1082] : memref<10240x128xf32, #tpu.memory_space<vmem_shared>> -> memref<10240x128xf32, #tpu.memory_space<vmem_shared>>
          tpu.wait_indirect_dma semaphore(%arg31 : memref<!tpu.dma_semaphore, #tpu.memory_space<semaphore_mem>>) src(%arg14 : memref<32x128xf32, #tpu.memory_space<vmem>>) dst(%dma_wait3A_1083 : memref<10240x128xf32, #tpu.memory_space<vmem_shared>>)
        } else {
        }
        %dma_start3A_798 = arith.constant 12 : i32
        %dma_start3A_799 = arith.constant 0 : i32
        %dma_start3A_800 = tpu.memref_slice %arg8[%dma_start3A_798, %dma_start3A_799] : memref<16x32xi32, #tpu.memory_space<vmem>> -> memref<1x32xi32, #tpu.memory_space<vmem>>
        %dma_start3A_801 = tpu.memref_squeeze %dma_start3A_800 : memref<1x32xi32, #tpu.memory_space<vmem>> -> memref<32xi32, #tpu.memory_space<vmem>>
        %dma_start3A_802 = arith.constant 0 : i32
        %dma_start3A_803 = arith.constant 0 : i32
        %dma_start3A_804 = tpu.memref_slice %arg2[%dma_start3A_802, %dma_start3A_803] : memref<10240x128xf32, #tpu.memory_space<hbm>> -> memref<10240x128xf32, #tpu.memory_space<hbm>>
        tpu.enqueue_indirect_dma source(%dma_start3A_804 : memref<10240x128xf32, #tpu.memory_space<hbm>>) target(%arg14 : memref<32x128xf32, #tpu.memory_space<vmem>>) offsets(%dma_start3A_801 : memref<32xi32, #tpu.memory_space<vmem>>) semaphore(%arg23 : memref<!tpu.dma_semaphore, #tpu.memory_space<semaphore_mem>>)
        %mul3A_805 = arith.constant 16 : i32
        %mul3A_806 = arith.muli %add3A_617, %mul3A_805 : i32
        %add3A_807 = arith.constant 6 : i32
        %add3A_808 = arith.addi %mul3A_806, %add3A_807 : i32
        %dma_wait3A_809 = arith.constant 6 : i32
        %dma_wait3A_810 = arith.constant 0 : i32
        %dma_wait3A_811 = tpu.memref_slice %arg8[%dma_wait3A_809, %dma_wait3A_810] : memref<16x32xi32, #tpu.memory_space<vmem>> -> memref<1x32xi32, #tpu.memory_space<vmem>>
        %dma_wait3A_812 = tpu.memref_squeeze %dma_wait3A_811 : memref<1x32xi32, #tpu.memory_space<vmem>> -> memref<32xi32, #tpu.memory_space<vmem>>
        %dma_wait3A_813 = arith.constant 0 : i32
        %dma_wait3A_814 = arith.constant 0 : i32
        %dma_wait3A_815 = tpu.memref_slice %arg2[%dma_wait3A_813, %dma_wait3A_814] : memref<10240x128xf32, #tpu.memory_space<hbm>> -> memref<10240x128xf32, #tpu.memory_space<hbm>>
        tpu.wait_indirect_dma semaphore(%arg25 : memref<!tpu.dma_semaphore, #tpu.memory_space<semaphore_mem>>) src(%dma_wait3A_815 : memref<10240x128xf32, #tpu.memory_space<hbm>>) dst(%arg16 : memref<32x128xf32, #tpu.memory_space<vmem>>)
        %dma_start3A_816 = arith.constant 6 : i32
        %dma_start3A_817 = arith.constant 0 : i32
        %dma_start3A_818 = tpu.memref_slice %arg9[%dma_start3A_816, %dma_start3A_817] : memref<16x32xi32, #tpu.memory_space<vmem>> -> memref<1x32xi32, #tpu.memory_space<vmem>>
        %dma_start3A_819 = tpu.memref_squeeze %dma_start3A_818 : memref<1x32xi32, #tpu.memory_space<vmem>> -> memref<32xi32, #tpu.memory_space<vmem>>
        %dma_start3A_820 = arith.constant 0 : i32
        %dma_start3A_821 = arith.constant 0 : i32
        %dma_start3A_822 = tpu.memref_slice %arg18[%dma_start3A_820, %dma_start3A_821] : memref<10240x128xf32, #tpu.memory_space<vmem_shared>> -> memref<10240x128xf32, #tpu.memory_space<vmem_shared>>
        tpu.enqueue_indirect_dma source(%arg16 : memref<32x128xf32, #tpu.memory_space<vmem>>) target(%dma_start3A_822 : memref<10240x128xf32, #tpu.memory_space<vmem_shared>>) offsets(%dma_start3A_819 : memref<32xi32, #tpu.memory_space<vmem>>) semaphore(%arg33 : memref<!tpu.dma_semaphore, #tpu.memory_space<semaphore_mem>>) {add = true}
        %ge3A_823 = arith.constant 1 : i32
        %ge3A_824 = arith.cmpi sge, %add3A_808, %ge3A_823 : i32
        %convert_element_type3A_825 = arith.extui %ge3A_824 : i1 to i32
        %cond3A_826 = arith.constant 0 : i32
        %cond3A_827 = arith.cmpi ne, %convert_element_type3A_825, %cond3A_826 : i32
        scf.if %cond3A_827 {
          %dma_wait3A_1077 = arith.constant 5 : i32
          %dma_wait3A_1078 = arith.constant 0 : i32
          %dma_wait3A_1079 = tpu.memref_slice %arg9[%dma_wait3A_1077, %dma_wait3A_1078] : memref<16x32xi32, #tpu.memory_space<vmem>> -> memref<1x32xi32, #tpu.memory_space<vmem>>
          %dma_wait3A_1080 = tpu.memref_squeeze %dma_wait3A_1079 : memref<1x32xi32, #tpu.memory_space<vmem>> -> memref<32xi32, #tpu.memory_space<vmem>>
          %dma_wait3A_1081 = arith.constant 0 : i32
          %dma_wait3A_1082 = arith.constant 0 : i32
          %dma_wait3A_1083 = tpu.memref_slice %arg18[%dma_wait3A_1081, %dma_wait3A_1082] : memref<10240x128xf32, #tpu.memory_space<vmem_shared>> -> memref<10240x128xf32, #tpu.memory_space<vmem_shared>>
          tpu.wait_indirect_dma semaphore(%arg32 : memref<!tpu.dma_semaphore, #tpu.memory_space<semaphore_mem>>) src(%arg15 : memref<32x128xf32, #tpu.memory_space<vmem>>) dst(%dma_wait3A_1083 : memref<10240x128xf32, #tpu.memory_space<vmem_shared>>)
        } else {
        }
        %dma_start3A_828 = arith.constant 13 : i32
        %dma_start3A_829 = arith.constant 0 : i32
        %dma_start3A_830 = tpu.memref_slice %arg8[%dma_start3A_828, %dma_start3A_829] : memref<16x32xi32, #tpu.memory_space<vmem>> -> memref<1x32xi32, #tpu.memory_space<vmem>>
        %dma_start3A_831 = tpu.memref_squeeze %dma_start3A_830 : memref<1x32xi32, #tpu.memory_space<vmem>> -> memref<32xi32, #tpu.memory_space<vmem>>
        %dma_start3A_832 = arith.constant 0 : i32
        %dma_start3A_833 = arith.constant 0 : i32
        %dma_start3A_834 = tpu.memref_slice %arg2[%dma_start3A_832, %dma_start3A_833] : memref<10240x128xf32, #tpu.memory_space<hbm>> -> memref<10240x128xf32, #tpu.memory_space<hbm>>
        tpu.enqueue_indirect_dma source(%dma_start3A_834 : memref<10240x128xf32, #tpu.memory_space<hbm>>) target(%arg15 : memref<32x128xf32, #tpu.memory_space<vmem>>) offsets(%dma_start3A_831 : memref<32xi32, #tpu.memory_space<vmem>>) semaphore(%arg24 : memref<!tpu.dma_semaphore, #tpu.memory_space<semaphore_mem>>)
        %mul3A_835 = arith.constant 16 : i32
        %mul3A_836 = arith.muli %add3A_617, %mul3A_835 : i32
        %add3A_837 = arith.constant 7 : i32
        %add3A_838 = arith.addi %mul3A_836, %add3A_837 : i32
        %dma_wait3A_839 = arith.constant 7 : i32
        %dma_wait3A_840 = arith.constant 0 : i32
        %dma_wait3A_841 = tpu.memref_slice %arg8[%dma_wait3A_839, %dma_wait3A_840] : memref<16x32xi32, #tpu.memory_space<vmem>> -> memref<1x32xi32, #tpu.memory_space<vmem>>
        %dma_wait3A_842 = tpu.memref_squeeze %dma_wait3A_841 : memref<1x32xi32, #tpu.memory_space<vmem>> -> memref<32xi32, #tpu.memory_space<vmem>>
        %dma_wait3A_843 = arith.constant 0 : i32
        %dma_wait3A_844 = arith.constant 0 : i32
        %dma_wait3A_845 = tpu.memref_slice %arg2[%dma_wait3A_843, %dma_wait3A_844] : memref<10240x128xf32, #tpu.memory_space<hbm>> -> memref<10240x128xf32, #tpu.memory_space<hbm>>
        tpu.wait_indirect_dma semaphore(%arg26 : memref<!tpu.dma_semaphore, #tpu.memory_space<semaphore_mem>>) src(%dma_wait3A_845 : memref<10240x128xf32, #tpu.memory_space<hbm>>) dst(%arg17 : memref<32x128xf32, #tpu.memory_space<vmem>>)
        %dma_start3A_846 = arith.constant 7 : i32
        %dma_start3A_847 = arith.constant 0 : i32
        %dma_start3A_848 = tpu.memref_slice %arg9[%dma_start3A_846, %dma_start3A_847] : memref<16x32xi32, #tpu.memory_space<vmem>> -> memref<1x32xi32, #tpu.memory_space<vmem>>
        %dma_start3A_849 = tpu.memref_squeeze %dma_start3A_848 : memref<1x32xi32, #tpu.memory_space<vmem>> -> memref<32xi32, #tpu.memory_space<vmem>>
        %dma_start3A_850 = arith.constant 0 : i32
        %dma_start3A_851 = arith.constant 0 : i32
        %dma_start3A_852 = tpu.memref_slice %arg18[%dma_start3A_850, %dma_start3A_851] : memref<10240x128xf32, #tpu.memory_space<vmem_shared>> -> memref<10240x128xf32, #tpu.memory_space<vmem_shared>>
        tpu.enqueue_indirect_dma source(%arg17 : memref<32x128xf32, #tpu.memory_space<vmem>>) target(%dma_start3A_852 : memref<10240x128xf32, #tpu.memory_space<vmem_shared>>) offsets(%dma_start3A_849 : memref<32xi32, #tpu.memory_space<vmem>>) semaphore(%arg34 : memref<!tpu.dma_semaphore, #tpu.memory_space<semaphore_mem>>) {add = true}
        %ge3A_853 = arith.constant 1 : i32
        %ge3A_854 = arith.cmpi sge, %add3A_838, %ge3A_853 : i32
        %convert_element_type3A_855 = arith.extui %ge3A_854 : i1 to i32
        %cond3A_856 = arith.constant 0 : i32
        %cond3A_857 = arith.cmpi ne, %convert_element_type3A_855, %cond3A_856 : i32
        scf.if %cond3A_857 {
          %dma_wait3A_1077 = arith.constant 6 : i32
          %dma_wait3A_1078 = arith.constant 0 : i32
          %dma_wait3A_1079 = tpu.memref_slice %arg9[%dma_wait3A_1077, %dma_wait3A_1078] : memref<16x32xi32, #tpu.memory_space<vmem>> -> memref<1x32xi32, #tpu.memory_space<vmem>>
          %dma_wait3A_1080 = tpu.memref_squeeze %dma_wait3A_1079 : memref<1x32xi32, #tpu.memory_space<vmem>> -> memref<32xi32, #tpu.memory_space<vmem>>
          %dma_wait3A_1081 = arith.constant 0 : i32
          %dma_wait3A_1082 = arith.constant 0 : i32
          %dma_wait3A_1083 = tpu.memref_slice %arg18[%dma_wait3A_1081, %dma_wait3A_1082] : memref<10240x128xf32, #tpu.memory_space<vmem_shared>> -> memref<10240x128xf32, #tpu.memory_space<vmem_shared>>
          tpu.wait_indirect_dma semaphore(%arg33 : memref<!tpu.dma_semaphore, #tpu.memory_space<semaphore_mem>>) src(%arg16 : memref<32x128xf32, #tpu.memory_space<vmem>>) dst(%dma_wait3A_1083 : memref<10240x128xf32, #tpu.memory_space<vmem_shared>>)
        } else {
        }
        %dma_start3A_858 = arith.constant 14 : i32
        %dma_start3A_859 = arith.constant 0 : i32
        %dma_start3A_860 = tpu.memref_slice %arg8[%dma_start3A_858, %dma_start3A_859] : memref<16x32xi32, #tpu.memory_space<vmem>> -> memref<1x32xi32, #tpu.memory_space<vmem>>
        %dma_start3A_861 = tpu.memref_squeeze %dma_start3A_860 : memref<1x32xi32, #tpu.memory_space<vmem>> -> memref<32xi32, #tpu.memory_space<vmem>>
        %dma_start3A_862 = arith.constant 0 : i32
        %dma_start3A_863 = arith.constant 0 : i32
        %dma_start3A_864 = tpu.memref_slice %arg2[%dma_start3A_862, %dma_start3A_863] : memref<10240x128xf32, #tpu.memory_space<hbm>> -> memref<10240x128xf32, #tpu.memory_space<hbm>>
        tpu.enqueue_indirect_dma source(%dma_start3A_864 : memref<10240x128xf32, #tpu.memory_space<hbm>>) target(%arg16 : memref<32x128xf32, #tpu.memory_space<vmem>>) offsets(%dma_start3A_861 : memref<32xi32, #tpu.memory_space<vmem>>) semaphore(%arg25 : memref<!tpu.dma_semaphore, #tpu.memory_space<semaphore_mem>>)
        %mul3A_865 = arith.constant 16 : i32
        %mul3A_866 = arith.muli %add3A_617, %mul3A_865 : i32
        %add3A_867 = arith.constant 8 : i32
        %add3A_868 = arith.addi %mul3A_866, %add3A_867 : i32
        %dma_wait3A_869 = arith.constant 8 : i32
        %dma_wait3A_870 = arith.constant 0 : i32
        %dma_wait3A_871 = tpu.memref_slice %arg8[%dma_wait3A_869, %dma_wait3A_870] : memref<16x32xi32, #tpu.memory_space<vmem>> -> memref<1x32xi32, #tpu.memory_space<vmem>>
        %dma_wait3A_872 = tpu.memref_squeeze %dma_wait3A_871 : memref<1x32xi32, #tpu.memory_space<vmem>> -> memref<32xi32, #tpu.memory_space<vmem>>
        %dma_wait3A_873 = arith.constant 0 : i32
        %dma_wait3A_874 = arith.constant 0 : i32
        %dma_wait3A_875 = tpu.memref_slice %arg2[%dma_wait3A_873, %dma_wait3A_874] : memref<10240x128xf32, #tpu.memory_space<hbm>> -> memref<10240x128xf32, #tpu.memory_space<hbm>>
        tpu.wait_indirect_dma semaphore(%arg19 : memref<!tpu.dma_semaphore, #tpu.memory_space<semaphore_mem>>) src(%dma_wait3A_875 : memref<10240x128xf32, #tpu.memory_space<hbm>>) dst(%arg10 : memref<32x128xf32, #tpu.memory_space<vmem>>)
        %dma_start3A_876 = arith.constant 8 : i32
        %dma_start3A_877 = arith.constant 0 : i32
        %dma_start3A_878 = tpu.memref_slice %arg9[%dma_start3A_876, %dma_start3A_877] : memref<16x32xi32, #tpu.memory_space<vmem>> -> memref<1x32xi32, #tpu.memory_space<vmem>>
        %dma_start3A_879 = tpu.memref_squeeze %dma_start3A_878 : memref<1x32xi32, #tpu.memory_space<vmem>> -> memref<32xi32, #tpu.memory_space<vmem>>
        %dma_start3A_880 = arith.constant 0 : i32
        %dma_start3A_881 = arith.constant 0 : i32
        %dma_start3A_882 = tpu.memref_slice %arg18[%dma_start3A_880, %dma_start3A_881] : memref<10240x128xf32, #tpu.memory_space<vmem_shared>> -> memref<10240x128xf32, #tpu.memory_space<vmem_shared>>
        tpu.enqueue_indirect_dma source(%arg10 : memref<32x128xf32, #tpu.memory_space<vmem>>) target(%dma_start3A_882 : memref<10240x128xf32, #tpu.memory_space<vmem_shared>>) offsets(%dma_start3A_879 : memref<32xi32, #tpu.memory_space<vmem>>) semaphore(%arg27 : memref<!tpu.dma_semaphore, #tpu.memory_space<semaphore_mem>>) {add = true}
        %ge3A_883 = arith.constant 1 : i32
        %ge3A_884 = arith.cmpi sge, %add3A_868, %ge3A_883 : i32
        %convert_element_type3A_885 = arith.extui %ge3A_884 : i1 to i32
        %cond3A_886 = arith.constant 0 : i32
        %cond3A_887 = arith.cmpi ne, %convert_element_type3A_885, %cond3A_886 : i32
        scf.if %cond3A_887 {
          %dma_wait3A_1077 = arith.constant 7 : i32
          %dma_wait3A_1078 = arith.constant 0 : i32
          %dma_wait3A_1079 = tpu.memref_slice %arg9[%dma_wait3A_1077, %dma_wait3A_1078] : memref<16x32xi32, #tpu.memory_space<vmem>> -> memref<1x32xi32, #tpu.memory_space<vmem>>
          %dma_wait3A_1080 = tpu.memref_squeeze %dma_wait3A_1079 : memref<1x32xi32, #tpu.memory_space<vmem>> -> memref<32xi32, #tpu.memory_space<vmem>>
          %dma_wait3A_1081 = arith.constant 0 : i32
          %dma_wait3A_1082 = arith.constant 0 : i32
          %dma_wait3A_1083 = tpu.memref_slice %arg18[%dma_wait3A_1081, %dma_wait3A_1082] : memref<10240x128xf32, #tpu.memory_space<vmem_shared>> -> memref<10240x128xf32, #tpu.memory_space<vmem_shared>>
          tpu.wait_indirect_dma semaphore(%arg34 : memref<!tpu.dma_semaphore, #tpu.memory_space<semaphore_mem>>) src(%arg17 : memref<32x128xf32, #tpu.memory_space<vmem>>) dst(%dma_wait3A_1083 : memref<10240x128xf32, #tpu.memory_space<vmem_shared>>)
        } else {
        }
        %dma_start3A_888 = arith.constant 15 : i32
        %dma_start3A_889 = arith.constant 0 : i32
        %dma_start3A_890 = tpu.memref_slice %arg8[%dma_start3A_888, %dma_start3A_889] : memref<16x32xi32, #tpu.memory_space<vmem>> -> memref<1x32xi32, #tpu.memory_space<vmem>>
        %dma_start3A_891 = tpu.memref_squeeze %dma_start3A_890 : memref<1x32xi32, #tpu.memory_space<vmem>> -> memref<32xi32, #tpu.memory_space<vmem>>
        %dma_start3A_892 = arith.constant 0 : i32
        %dma_start3A_893 = arith.constant 0 : i32
        %dma_start3A_894 = tpu.memref_slice %arg2[%dma_start3A_892, %dma_start3A_893] : memref<10240x128xf32, #tpu.memory_space<hbm>> -> memref<10240x128xf32, #tpu.memory_space<hbm>>
        tpu.enqueue_indirect_dma source(%dma_start3A_894 : memref<10240x128xf32, #tpu.memory_space<hbm>>) target(%arg17 : memref<32x128xf32, #tpu.memory_space<vmem>>) offsets(%dma_start3A_891 : memref<32xi32, #tpu.memory_space<vmem>>) semaphore(%arg26 : memref<!tpu.dma_semaphore, #tpu.memory_space<semaphore_mem>>)
        %mul3A_895 = arith.constant 16 : i32
        %mul3A_896 = arith.muli %add3A_617, %mul3A_895 : i32
        %add3A_897 = arith.constant 9 : i32
        %add3A_898 = arith.addi %mul3A_896, %add3A_897 : i32
        %dma_wait3A_899 = arith.constant 9 : i32
        %dma_wait3A_900 = arith.constant 0 : i32
        %dma_wait3A_901 = tpu.memref_slice %arg8[%dma_wait3A_899, %dma_wait3A_900] : memref<16x32xi32, #tpu.memory_space<vmem>> -> memref<1x32xi32, #tpu.memory_space<vmem>>
        %dma_wait3A_902 = tpu.memref_squeeze %dma_wait3A_901 : memref<1x32xi32, #tpu.memory_space<vmem>> -> memref<32xi32, #tpu.memory_space<vmem>>
        %dma_wait3A_903 = arith.constant 0 : i32
        %dma_wait3A_904 = arith.constant 0 : i32
        %dma_wait3A_905 = tpu.memref_slice %arg2[%dma_wait3A_903, %dma_wait3A_904] : memref<10240x128xf32, #tpu.memory_space<hbm>> -> memref<10240x128xf32, #tpu.memory_space<hbm>>
        tpu.wait_indirect_dma semaphore(%arg20 : memref<!tpu.dma_semaphore, #tpu.memory_space<semaphore_mem>>) src(%dma_wait3A_905 : memref<10240x128xf32, #tpu.memory_space<hbm>>) dst(%arg11 : memref<32x128xf32, #tpu.memory_space<vmem>>)
        %dma_start3A_906 = arith.constant 9 : i32
        %dma_start3A_907 = arith.constant 0 : i32
        %dma_start3A_908 = tpu.memref_slice %arg9[%dma_start3A_906, %dma_start3A_907] : memref<16x32xi32, #tpu.memory_space<vmem>> -> memref<1x32xi32, #tpu.memory_space<vmem>>
        %dma_start3A_909 = tpu.memref_squeeze %dma_start3A_908 : memref<1x32xi32, #tpu.memory_space<vmem>> -> memref<32xi32, #tpu.memory_space<vmem>>
        %dma_start3A_910 = arith.constant 0 : i32
        %dma_start3A_911 = arith.constant 0 : i32
        %dma_start3A_912 = tpu.memref_slice %arg18[%dma_start3A_910, %dma_start3A_911] : memref<10240x128xf32, #tpu.memory_space<vmem_shared>> -> memref<10240x128xf32, #tpu.memory_space<vmem_shared>>
        tpu.enqueue_indirect_dma source(%arg11 : memref<32x128xf32, #tpu.memory_space<vmem>>) target(%dma_start3A_912 : memref<10240x128xf32, #tpu.memory_space<vmem_shared>>) offsets(%dma_start3A_909 : memref<32xi32, #tpu.memory_space<vmem>>) semaphore(%arg28 : memref<!tpu.dma_semaphore, #tpu.memory_space<semaphore_mem>>) {add = true}
        %add3A_913 = arith.constant 1 : i32
        %add3A_914 = arith.addi %add3A_617, %add3A_913 : i32
        %lt3A_915 = arith.constant 20 : i32
        %lt3A_916 = arith.cmpi slt, %add3A_914, %lt3A_915 : i32
        %convert_element_type3A_917 = arith.extui %lt3A_916 : i1 to i32
        %cond3A_918 = arith.constant 0 : i32
        %cond3A_919 = arith.cmpi ne, %convert_element_type3A_917, %cond3A_918 : i32
        scf.if %cond3A_919 {
          %add3A_1077 = arith.constant 1 : i32
          %add3A_1078 = arith.addi %add3A_617, %add3A_1077 : i32
          %mul3A_1079 = arith.constant 16 : i32
          %mul3A_1080 = arith.muli %add3A_1078, %mul3A_1079 : i32
          %add3A_1081 = arith.addi %add3A_23, %mul3A_1080 : i32
          %dma_wait3A_1082 = arith.constant 0 : i32
          %dma_wait3A_1083 = tpu.memref_slice %arg3[%add3A_1081, %dma_wait3A_1082] : memref<10240x32xi32, #tpu.memory_space<hbm>> -> memref<16x32xi32, #tpu.memory_space<hbm>>
          %dma_wait3A_1084 = arith.constant 0 : i32
          %dma_wait3A_1085 = tpu.memref_slice %arg3[%add3A_1081, %dma_wait3A_1084] : memref<10240x32xi32, #tpu.memory_space<hbm>> -> memref<16x32xi32, #tpu.memory_space<hbm>>
          tpu.wait_dma2 semaphore(%arg35 : memref<!tpu.dma_semaphore, #tpu.memory_space<semaphore_mem>>) src(%dma_wait3A_1085 : memref<16x32xi32, #tpu.memory_space<hbm>>) dst(%arg6 : memref<16x32xi32, #tpu.memory_space<vmem>>)
          %dma_wait3A_1086 = arith.constant 0 : i32
          %dma_wait3A_1087 = tpu.memref_slice %arg4[%add3A_1081, %dma_wait3A_1086] : memref<10240x32xi32, #tpu.memory_space<hbm>> -> memref<16x32xi32, #tpu.memory_space<hbm>>
          %dma_wait3A_1088 = arith.constant 0 : i32
          %dma_wait3A_1089 = tpu.memref_slice %arg4[%add3A_1081, %dma_wait3A_1088] : memref<10240x32xi32, #tpu.memory_space<hbm>> -> memref<16x32xi32, #tpu.memory_space<hbm>>
          tpu.wait_dma2 semaphore(%arg35 : memref<!tpu.dma_semaphore, #tpu.memory_space<semaphore_mem>>) src(%dma_wait3A_1089 : memref<16x32xi32, #tpu.memory_space<hbm>>) dst(%arg7 : memref<16x32xi32, #tpu.memory_space<vmem>>)
        } else {
        }
        %add3A_920 = arith.constant 1 : i32
        %add3A_921 = arith.addi %add3A_617, %add3A_920 : i32
        %lt3A_922 = arith.constant 20 : i32
        %lt3A_923 = arith.cmpi slt, %add3A_921, %lt3A_922 : i32
        %convert_element_type3A_924 = arith.extui %lt3A_923 : i1 to i32
        %cond3A_925 = arith.constant 0 : i32
        %cond3A_926 = arith.cmpi ne, %convert_element_type3A_924, %cond3A_925 : i32
        scf.if %cond3A_926 {
          %dma_wait3A_1077 = arith.constant 0 : i32
          %dma_wait3A_1078 = arith.constant 0 : i32
          %dma_wait3A_1079 = tpu.memref_slice %arg9[%dma_wait3A_1077, %dma_wait3A_1078] : memref<16x32xi32, #tpu.memory_space<vmem>> -> memref<1x32xi32, #tpu.memory_space<vmem>>
          %dma_wait3A_1080 = tpu.memref_squeeze %dma_wait3A_1079 : memref<1x32xi32, #tpu.memory_space<vmem>> -> memref<32xi32, #tpu.memory_space<vmem>>
          %dma_wait3A_1081 = arith.constant 0 : i32
          %dma_wait3A_1082 = arith.constant 0 : i32
          %dma_wait3A_1083 = tpu.memref_slice %arg18[%dma_wait3A_1081, %dma_wait3A_1082] : memref<10240x128xf32, #tpu.memory_space<vmem_shared>> -> memref<10240x128xf32, #tpu.memory_space<vmem_shared>>
          tpu.wait_indirect_dma semaphore(%arg27 : memref<!tpu.dma_semaphore, #tpu.memory_space<semaphore_mem>>) src(%arg10 : memref<32x128xf32, #tpu.memory_space<vmem>>) dst(%dma_wait3A_1083 : memref<10240x128xf32, #tpu.memory_space<vmem_shared>>)
          %dma_start3A_1084 = arith.constant 0 : i32
          %dma_start3A_1085 = arith.constant 0 : i32
          %dma_start3A_1086 = tpu.memref_slice %arg6[%dma_start3A_1084, %dma_start3A_1085] : memref<16x32xi32, #tpu.memory_space<vmem>> -> memref<1x32xi32, #tpu.memory_space<vmem>>
          %dma_start3A_1087 = tpu.memref_squeeze %dma_start3A_1086 : memref<1x32xi32, #tpu.memory_space<vmem>> -> memref<32xi32, #tpu.memory_space<vmem>>
          %dma_start3A_1088 = arith.constant 0 : i32
          %dma_start3A_1089 = arith.constant 0 : i32
          %dma_start3A_1090 = tpu.memref_slice %arg2[%dma_start3A_1088, %dma_start3A_1089] : memref<10240x128xf32, #tpu.memory_space<hbm>> -> memref<10240x128xf32, #tpu.memory_space<hbm>>
          tpu.enqueue_indirect_dma source(%dma_start3A_1090 : memref<10240x128xf32, #tpu.memory_space<hbm>>) target(%arg10 : memref<32x128xf32, #tpu.memory_space<vmem>>) offsets(%dma_start3A_1087 : memref<32xi32, #tpu.memory_space<vmem>>) semaphore(%arg19 : memref<!tpu.dma_semaphore, #tpu.memory_space<semaphore_mem>>)
        } else {
        }
        %mul3A_927 = arith.constant 16 : i32
        %mul3A_928 = arith.muli %add3A_617, %mul3A_927 : i32
        %add3A_929 = arith.constant 10 : i32
        %add3A_930 = arith.addi %mul3A_928, %add3A_929 : i32
        %dma_wait3A_931 = arith.constant 10 : i32
        %dma_wait3A_932 = arith.constant 0 : i32
        %dma_wait3A_933 = tpu.memref_slice %arg8[%dma_wait3A_931, %dma_wait3A_932] : memref<16x32xi32, #tpu.memory_space<vmem>> -> memref<1x32xi32, #tpu.memory_space<vmem>>
        %dma_wait3A_934 = tpu.memref_squeeze %dma_wait3A_933 : memref<1x32xi32, #tpu.memory_space<vmem>> -> memref<32xi32, #tpu.memory_space<vmem>>
        %dma_wait3A_935 = arith.constant 0 : i32
        %dma_wait3A_936 = arith.constant 0 : i32
        %dma_wait3A_937 = tpu.memref_slice %arg2[%dma_wait3A_935, %dma_wait3A_936] : memref<10240x128xf32, #tpu.memory_space<hbm>> -> memref<10240x128xf32, #tpu.memory_space<hbm>>
        tpu.wait_indirect_dma semaphore(%arg21 : memref<!tpu.dma_semaphore, #tpu.memory_space<semaphore_mem>>) src(%dma_wait3A_937 : memref<10240x128xf32, #tpu.memory_space<hbm>>) dst(%arg12 : memref<32x128xf32, #tpu.memory_space<vmem>>)
        %dma_start3A_938 = arith.constant 10 : i32
        %dma_start3A_939 = arith.constant 0 : i32
        %dma_start3A_940 = tpu.memref_slice %arg9[%dma_start3A_938, %dma_start3A_939] : memref<16x32xi32, #tpu.memory_space<vmem>> -> memref<1x32xi32, #tpu.memory_space<vmem>>
        %dma_start3A_941 = tpu.memref_squeeze %dma_start3A_940 : memref<1x32xi32, #tpu.memory_space<vmem>> -> memref<32xi32, #tpu.memory_space<vmem>>
        %dma_start3A_942 = arith.constant 0 : i32
        %dma_start3A_943 = arith.constant 0 : i32
        %dma_start3A_944 = tpu.memref_slice %arg18[%dma_start3A_942, %dma_start3A_943] : memref<10240x128xf32, #tpu.memory_space<vmem_shared>> -> memref<10240x128xf32, #tpu.memory_space<vmem_shared>>
        tpu.enqueue_indirect_dma source(%arg12 : memref<32x128xf32, #tpu.memory_space<vmem>>) target(%dma_start3A_944 : memref<10240x128xf32, #tpu.memory_space<vmem_shared>>) offsets(%dma_start3A_941 : memref<32xi32, #tpu.memory_space<vmem>>) semaphore(%arg29 : memref<!tpu.dma_semaphore, #tpu.memory_space<semaphore_mem>>) {add = true}
        %add3A_945 = arith.constant 1 : i32
        %add3A_946 = arith.addi %add3A_617, %add3A_945 : i32
        %lt3A_947 = arith.constant 20 : i32
        %lt3A_948 = arith.cmpi slt, %add3A_946, %lt3A_947 : i32
        %convert_element_type3A_949 = arith.extui %lt3A_948 : i1 to i32
        %cond3A_950 = arith.constant 0 : i32
        %cond3A_951 = arith.cmpi ne, %convert_element_type3A_949, %cond3A_950 : i32
        scf.if %cond3A_951 {
          %dma_wait3A_1077 = arith.constant 1 : i32
          %dma_wait3A_1078 = arith.constant 0 : i32
          %dma_wait3A_1079 = tpu.memref_slice %arg9[%dma_wait3A_1077, %dma_wait3A_1078] : memref<16x32xi32, #tpu.memory_space<vmem>> -> memref<1x32xi32, #tpu.memory_space<vmem>>
          %dma_wait3A_1080 = tpu.memref_squeeze %dma_wait3A_1079 : memref<1x32xi32, #tpu.memory_space<vmem>> -> memref<32xi32, #tpu.memory_space<vmem>>
          %dma_wait3A_1081 = arith.constant 0 : i32
          %dma_wait3A_1082 = arith.constant 0 : i32
          %dma_wait3A_1083 = tpu.memref_slice %arg18[%dma_wait3A_1081, %dma_wait3A_1082] : memref<10240x128xf32, #tpu.memory_space<vmem_shared>> -> memref<10240x128xf32, #tpu.memory_space<vmem_shared>>
          tpu.wait_indirect_dma semaphore(%arg28 : memref<!tpu.dma_semaphore, #tpu.memory_space<semaphore_mem>>) src(%arg11 : memref<32x128xf32, #tpu.memory_space<vmem>>) dst(%dma_wait3A_1083 : memref<10240x128xf32, #tpu.memory_space<vmem_shared>>)
          %dma_start3A_1084 = arith.constant 1 : i32
          %dma_start3A_1085 = arith.constant 0 : i32
          %dma_start3A_1086 = tpu.memref_slice %arg6[%dma_start3A_1084, %dma_start3A_1085] : memref<16x32xi32, #tpu.memory_space<vmem>> -> memref<1x32xi32, #tpu.memory_space<vmem>>
          %dma_start3A_1087 = tpu.memref_squeeze %dma_start3A_1086 : memref<1x32xi32, #tpu.memory_space<vmem>> -> memref<32xi32, #tpu.memory_space<vmem>>
          %dma_start3A_1088 = arith.constant 0 : i32
          %dma_start3A_1089 = arith.constant 0 : i32
          %dma_start3A_1090 = tpu.memref_slice %arg2[%dma_start3A_1088, %dma_start3A_1089] : memref<10240x128xf32, #tpu.memory_space<hbm>> -> memref<10240x128xf32, #tpu.memory_space<hbm>>
          tpu.enqueue_indirect_dma source(%dma_start3A_1090 : memref<10240x128xf32, #tpu.memory_space<hbm>>) target(%arg11 : memref<32x128xf32, #tpu.memory_space<vmem>>) offsets(%dma_start3A_1087 : memref<32xi32, #tpu.memory_space<vmem>>) semaphore(%arg20 : memref<!tpu.dma_semaphore, #tpu.memory_space<semaphore_mem>>)
        } else {
        }
        %mul3A_952 = arith.constant 16 : i32
        %mul3A_953 = arith.muli %add3A_617, %mul3A_952 : i32
        %add3A_954 = arith.constant 11 : i32
        %add3A_955 = arith.addi %mul3A_953, %add3A_954 : i32
        %dma_wait3A_956 = arith.constant 11 : i32
        %dma_wait3A_957 = arith.constant 0 : i32
        %dma_wait3A_958 = tpu.memref_slice %arg8[%dma_wait3A_956, %dma_wait3A_957] : memref<16x32xi32, #tpu.memory_space<vmem>> -> memref<1x32xi32, #tpu.memory_space<vmem>>
        %dma_wait3A_959 = tpu.memref_squeeze %dma_wait3A_958 : memref<1x32xi32, #tpu.memory_space<vmem>> -> memref<32xi32, #tpu.memory_space<vmem>>
        %dma_wait3A_960 = arith.constant 0 : i32
        %dma_wait3A_961 = arith.constant 0 : i32
        %dma_wait3A_962 = tpu.memref_slice %arg2[%dma_wait3A_960, %dma_wait3A_961] : memref<10240x128xf32, #tpu.memory_space<hbm>> -> memref<10240x128xf32, #tpu.memory_space<hbm>>
        tpu.wait_indirect_dma semaphore(%arg22 : memref<!tpu.dma_semaphore, #tpu.memory_space<semaphore_mem>>) src(%dma_wait3A_962 : memref<10240x128xf32, #tpu.memory_space<hbm>>) dst(%arg13 : memref<32x128xf32, #tpu.memory_space<vmem>>)
        %dma_start3A_963 = arith.constant 11 : i32
        %dma_start3A_964 = arith.constant 0 : i32
        %dma_start3A_965 = tpu.memref_slice %arg9[%dma_start3A_963, %dma_start3A_964] : memref<16x32xi32, #tpu.memory_space<vmem>> -> memref<1x32xi32, #tpu.memory_space<vmem>>
        %dma_start3A_966 = tpu.memref_squeeze %dma_start3A_965 : memref<1x32xi32, #tpu.memory_space<vmem>> -> memref<32xi32, #tpu.memory_space<vmem>>
        %dma_start3A_967 = arith.constant 0 : i32
        %dma_start3A_968 = arith.constant 0 : i32
        %dma_start3A_969 = tpu.memref_slice %arg18[%dma_start3A_967, %dma_start3A_968] : memref<10240x128xf32, #tpu.memory_space<vmem_shared>> -> memref<10240x128xf32, #tpu.memory_space<vmem_shared>>
        tpu.enqueue_indirect_dma source(%arg13 : memref<32x128xf32, #tpu.memory_space<vmem>>) target(%dma_start3A_969 : memref<10240x128xf32, #tpu.memory_space<vmem_shared>>) offsets(%dma_start3A_966 : memref<32xi32, #tpu.memory_space<vmem>>) semaphore(%arg30 : memref<!tpu.dma_semaphore, #tpu.memory_space<semaphore_mem>>) {add = true}
        %add3A_970 = arith.constant 1 : i32
        %add3A_971 = arith.addi %add3A_617, %add3A_970 : i32
        %lt3A_972 = arith.constant 20 : i32
        %lt3A_973 = arith.cmpi slt, %add3A_971, %lt3A_972 : i32
        %convert_element_type3A_974 = arith.extui %lt3A_973 : i1 to i32
        %cond3A_975 = arith.constant 0 : i32
        %cond3A_976 = arith.cmpi ne, %convert_element_type3A_974, %cond3A_975 : i32
        scf.if %cond3A_976 {
          %dma_wait3A_1077 = arith.constant 2 : i32
          %dma_wait3A_1078 = arith.constant 0 : i32
          %dma_wait3A_1079 = tpu.memref_slice %arg9[%dma_wait3A_1077, %dma_wait3A_1078] : memref<16x32xi32, #tpu.memory_space<vmem>> -> memref<1x32xi32, #tpu.memory_space<vmem>>
          %dma_wait3A_1080 = tpu.memref_squeeze %dma_wait3A_1079 : memref<1x32xi32, #tpu.memory_space<vmem>> -> memref<32xi32, #tpu.memory_space<vmem>>
          %dma_wait3A_1081 = arith.constant 0 : i32
          %dma_wait3A_1082 = arith.constant 0 : i32
          %dma_wait3A_1083 = tpu.memref_slice %arg18[%dma_wait3A_1081, %dma_wait3A_1082] : memref<10240x128xf32, #tpu.memory_space<vmem_shared>> -> memref<10240x128xf32, #tpu.memory_space<vmem_shared>>
          tpu.wait_indirect_dma semaphore(%arg29 : memref<!tpu.dma_semaphore, #tpu.memory_space<semaphore_mem>>) src(%arg12 : memref<32x128xf32, #tpu.memory_space<vmem>>) dst(%dma_wait3A_1083 : memref<10240x128xf32, #tpu.memory_space<vmem_shared>>)
          %dma_start3A_1084 = arith.constant 2 : i32
          %dma_start3A_1085 = arith.constant 0 : i32
          %dma_start3A_1086 = tpu.memref_slice %arg6[%dma_start3A_1084, %dma_start3A_1085] : memref<16x32xi32, #tpu.memory_space<vmem>> -> memref<1x32xi32, #tpu.memory_space<vmem>>
          %dma_start3A_1087 = tpu.memref_squeeze %dma_start3A_1086 : memref<1x32xi32, #tpu.memory_space<vmem>> -> memref<32xi32, #tpu.memory_space<vmem>>
          %dma_start3A_1088 = arith.constant 0 : i32
          %dma_start3A_1089 = arith.constant 0 : i32
          %dma_start3A_1090 = tpu.memref_slice %arg2[%dma_start3A_1088, %dma_start3A_1089] : memref<10240x128xf32, #tpu.memory_space<hbm>> -> memref<10240x128xf32, #tpu.memory_space<hbm>>
          tpu.enqueue_indirect_dma source(%dma_start3A_1090 : memref<10240x128xf32, #tpu.memory_space<hbm>>) target(%arg12 : memref<32x128xf32, #tpu.memory_space<vmem>>) offsets(%dma_start3A_1087 : memref<32xi32, #tpu.memory_space<vmem>>) semaphore(%arg21 : memref<!tpu.dma_semaphore, #tpu.memory_space<semaphore_mem>>)
        } else {
        }
        %mul3A_977 = arith.constant 16 : i32
        %mul3A_978 = arith.muli %add3A_617, %mul3A_977 : i32
        %add3A_979 = arith.constant 12 : i32
        %add3A_980 = arith.addi %mul3A_978, %add3A_979 : i32
        %dma_wait3A_981 = arith.constant 12 : i32
        %dma_wait3A_982 = arith.constant 0 : i32
        %dma_wait3A_983 = tpu.memref_slice %arg8[%dma_wait3A_981, %dma_wait3A_982] : memref<16x32xi32, #tpu.memory_space<vmem>> -> memref<1x32xi32, #tpu.memory_space<vmem>>
        %dma_wait3A_984 = tpu.memref_squeeze %dma_wait3A_983 : memref<1x32xi32, #tpu.memory_space<vmem>> -> memref<32xi32, #tpu.memory_space<vmem>>
        %dma_wait3A_985 = arith.constant 0 : i32
        %dma_wait3A_986 = arith.constant 0 : i32
        %dma_wait3A_987 = tpu.memref_slice %arg2[%dma_wait3A_985, %dma_wait3A_986] : memref<10240x128xf32, #tpu.memory_space<hbm>> -> memref<10240x128xf32, #tpu.memory_space<hbm>>
        tpu.wait_indirect_dma semaphore(%arg23 : memref<!tpu.dma_semaphore, #tpu.memory_space<semaphore_mem>>) src(%dma_wait3A_987 : memref<10240x128xf32, #tpu.memory_space<hbm>>) dst(%arg14 : memref<32x128xf32, #tpu.memory_space<vmem>>)
        %dma_start3A_988 = arith.constant 12 : i32
        %dma_start3A_989 = arith.constant 0 : i32
        %dma_start3A_990 = tpu.memref_slice %arg9[%dma_start3A_988, %dma_start3A_989] : memref<16x32xi32, #tpu.memory_space<vmem>> -> memref<1x32xi32, #tpu.memory_space<vmem>>
        %dma_start3A_991 = tpu.memref_squeeze %dma_start3A_990 : memref<1x32xi32, #tpu.memory_space<vmem>> -> memref<32xi32, #tpu.memory_space<vmem>>
        %dma_start3A_992 = arith.constant 0 : i32
        %dma_start3A_993 = arith.constant 0 : i32
        %dma_start3A_994 = tpu.memref_slice %arg18[%dma_start3A_992, %dma_start3A_993] : memref<10240x128xf32, #tpu.memory_space<vmem_shared>> -> memref<10240x128xf32, #tpu.memory_space<vmem_shared>>
        tpu.enqueue_indirect_dma source(%arg14 : memref<32x128xf32, #tpu.memory_space<vmem>>) target(%dma_start3A_994 : memref<10240x128xf32, #tpu.memory_space<vmem_shared>>) offsets(%dma_start3A_991 : memref<32xi32, #tpu.memory_space<vmem>>) semaphore(%arg31 : memref<!tpu.dma_semaphore, #tpu.memory_space<semaphore_mem>>) {add = true}
        %add3A_995 = arith.constant 1 : i32
        %add3A_996 = arith.addi %add3A_617, %add3A_995 : i32
        %lt3A_997 = arith.constant 20 : i32
        %lt3A_998 = arith.cmpi slt, %add3A_996, %lt3A_997 : i32
        %convert_element_type3A_999 = arith.extui %lt3A_998 : i1 to i32
        %cond3A_1000 = arith.constant 0 : i32
        %cond3A_1001 = arith.cmpi ne, %convert_element_type3A_999, %cond3A_1000 : i32
        scf.if %cond3A_1001 {
          %dma_wait3A_1077 = arith.constant 3 : i32
          %dma_wait3A_1078 = arith.constant 0 : i32
          %dma_wait3A_1079 = tpu.memref_slice %arg9[%dma_wait3A_1077, %dma_wait3A_1078] : memref<16x32xi32, #tpu.memory_space<vmem>> -> memref<1x32xi32, #tpu.memory_space<vmem>>
          %dma_wait3A_1080 = tpu.memref_squeeze %dma_wait3A_1079 : memref<1x32xi32, #tpu.memory_space<vmem>> -> memref<32xi32, #tpu.memory_space<vmem>>
          %dma_wait3A_1081 = arith.constant 0 : i32
          %dma_wait3A_1082 = arith.constant 0 : i32
          %dma_wait3A_1083 = tpu.memref_slice %arg18[%dma_wait3A_1081, %dma_wait3A_1082] : memref<10240x128xf32, #tpu.memory_space<vmem_shared>> -> memref<10240x128xf32, #tpu.memory_space<vmem_shared>>
          tpu.wait_indirect_dma semaphore(%arg30 : memref<!tpu.dma_semaphore, #tpu.memory_space<semaphore_mem>>) src(%arg13 : memref<32x128xf32, #tpu.memory_space<vmem>>) dst(%dma_wait3A_1083 : memref<10240x128xf32, #tpu.memory_space<vmem_shared>>)
          %dma_start3A_1084 = arith.constant 3 : i32
          %dma_start3A_1085 = arith.constant 0 : i32
          %dma_start3A_1086 = tpu.memref_slice %arg6[%dma_start3A_1084, %dma_start3A_1085] : memref<16x32xi32, #tpu.memory_space<vmem>> -> memref<1x32xi32, #tpu.memory_space<vmem>>
          %dma_start3A_1087 = tpu.memref_squeeze %dma_start3A_1086 : memref<1x32xi32, #tpu.memory_space<vmem>> -> memref<32xi32, #tpu.memory_space<vmem>>
          %dma_start3A_1088 = arith.constant 0 : i32
          %dma_start3A_1089 = arith.constant 0 : i32
          %dma_start3A_1090 = tpu.memref_slice %arg2[%dma_start3A_1088, %dma_start3A_1089] : memref<10240x128xf32, #tpu.memory_space<hbm>> -> memref<10240x128xf32, #tpu.memory_space<hbm>>
          tpu.enqueue_indirect_dma source(%dma_start3A_1090 : memref<10240x128xf32, #tpu.memory_space<hbm>>) target(%arg13 : memref<32x128xf32, #tpu.memory_space<vmem>>) offsets(%dma_start3A_1087 : memref<32xi32, #tpu.memory_space<vmem>>) semaphore(%arg22 : memref<!tpu.dma_semaphore, #tpu.memory_space<semaphore_mem>>)
        } else {
        }
        %mul3A_1002 = arith.constant 16 : i32
        %mul3A_1003 = arith.muli %add3A_617, %mul3A_1002 : i32
        %add3A_1004 = arith.constant 13 : i32
        %add3A_1005 = arith.addi %mul3A_1003, %add3A_1004 : i32
        %dma_wait3A_1006 = arith.constant 13 : i32
        %dma_wait3A_1007 = arith.constant 0 : i32
        %dma_wait3A_1008 = tpu.memref_slice %arg8[%dma_wait3A_1006, %dma_wait3A_1007] : memref<16x32xi32, #tpu.memory_space<vmem>> -> memref<1x32xi32, #tpu.memory_space<vmem>>
        %dma_wait3A_1009 = tpu.memref_squeeze %dma_wait3A_1008 : memref<1x32xi32, #tpu.memory_space<vmem>> -> memref<32xi32, #tpu.memory_space<vmem>>
        %dma_wait3A_1010 = arith.constant 0 : i32
        %dma_wait3A_1011 = arith.constant 0 : i32
        %dma_wait3A_1012 = tpu.memref_slice %arg2[%dma_wait3A_1010, %dma_wait3A_1011] : memref<10240x128xf32, #tpu.memory_space<hbm>> -> memref<10240x128xf32, #tpu.memory_space<hbm>>
        tpu.wait_indirect_dma semaphore(%arg24 : memref<!tpu.dma_semaphore, #tpu.memory_space<semaphore_mem>>) src(%dma_wait3A_1012 : memref<10240x128xf32, #tpu.memory_space<hbm>>) dst(%arg15 : memref<32x128xf32, #tpu.memory_space<vmem>>)
        %dma_start3A_1013 = arith.constant 13 : i32
        %dma_start3A_1014 = arith.constant 0 : i32
        %dma_start3A_1015 = tpu.memref_slice %arg9[%dma_start3A_1013, %dma_start3A_1014] : memref<16x32xi32, #tpu.memory_space<vmem>> -> memref<1x32xi32, #tpu.memory_space<vmem>>
        %dma_start3A_1016 = tpu.memref_squeeze %dma_start3A_1015 : memref<1x32xi32, #tpu.memory_space<vmem>> -> memref<32xi32, #tpu.memory_space<vmem>>
        %dma_start3A_1017 = arith.constant 0 : i32
        %dma_start3A_1018 = arith.constant 0 : i32
        %dma_start3A_1019 = tpu.memref_slice %arg18[%dma_start3A_1017, %dma_start3A_1018] : memref<10240x128xf32, #tpu.memory_space<vmem_shared>> -> memref<10240x128xf32, #tpu.memory_space<vmem_shared>>
        tpu.enqueue_indirect_dma source(%arg15 : memref<32x128xf32, #tpu.memory_space<vmem>>) target(%dma_start3A_1019 : memref<10240x128xf32, #tpu.memory_space<vmem_shared>>) offsets(%dma_start3A_1016 : memref<32xi32, #tpu.memory_space<vmem>>) semaphore(%arg32 : memref<!tpu.dma_semaphore, #tpu.memory_space<semaphore_mem>>) {add = true}
        %add3A_1020 = arith.constant 1 : i32
        %add3A_1021 = arith.addi %add3A_617, %add3A_1020 : i32
        %lt3A_1022 = arith.constant 20 : i32
        %lt3A_1023 = arith.cmpi slt, %add3A_1021, %lt3A_1022 : i32
        %convert_element_type3A_1024 = arith.extui %lt3A_1023 : i1 to i32
        %cond3A_1025 = arith.constant 0 : i32
        %cond3A_1026 = arith.cmpi ne, %convert_element_type3A_1024, %cond3A_1025 : i32
        scf.if %cond3A_1026 {
          %dma_wait3A_1077 = arith.constant 4 : i32
          %dma_wait3A_1078 = arith.constant 0 : i32
          %dma_wait3A_1079 = tpu.memref_slice %arg9[%dma_wait3A_1077, %dma_wait3A_1078] : memref<16x32xi32, #tpu.memory_space<vmem>> -> memref<1x32xi32, #tpu.memory_space<vmem>>
          %dma_wait3A_1080 = tpu.memref_squeeze %dma_wait3A_1079 : memref<1x32xi32, #tpu.memory_space<vmem>> -> memref<32xi32, #tpu.memory_space<vmem>>
          %dma_wait3A_1081 = arith.constant 0 : i32
          %dma_wait3A_1082 = arith.constant 0 : i32
          %dma_wait3A_1083 = tpu.memref_slice %arg18[%dma_wait3A_1081, %dma_wait3A_1082] : memref<10240x128xf32, #tpu.memory_space<vmem_shared>> -> memref<10240x128xf32, #tpu.memory_space<vmem_shared>>
          tpu.wait_indirect_dma semaphore(%arg31 : memref<!tpu.dma_semaphore, #tpu.memory_space<semaphore_mem>>) src(%arg14 : memref<32x128xf32, #tpu.memory_space<vmem>>) dst(%dma_wait3A_1083 : memref<10240x128xf32, #tpu.memory_space<vmem_shared>>)
          %dma_start3A_1084 = arith.constant 4 : i32
          %dma_start3A_1085 = arith.constant 0 : i32
          %dma_start3A_1086 = tpu.memref_slice %arg6[%dma_start3A_1084, %dma_start3A_1085] : memref<16x32xi32, #tpu.memory_space<vmem>> -> memref<1x32xi32, #tpu.memory_space<vmem>>
          %dma_start3A_1087 = tpu.memref_squeeze %dma_start3A_1086 : memref<1x32xi32, #tpu.memory_space<vmem>> -> memref<32xi32, #tpu.memory_space<vmem>>
          %dma_start3A_1088 = arith.constant 0 : i32
          %dma_start3A_1089 = arith.constant 0 : i32
          %dma_start3A_1090 = tpu.memref_slice %arg2[%dma_start3A_1088, %dma_start3A_1089] : memref<10240x128xf32, #tpu.memory_space<hbm>> -> memref<10240x128xf32, #tpu.memory_space<hbm>>
          tpu.enqueue_indirect_dma source(%dma_start3A_1090 : memref<10240x128xf32, #tpu.memory_space<hbm>>) target(%arg14 : memref<32x128xf32, #tpu.memory_space<vmem>>) offsets(%dma_start3A_1087 : memref<32xi32, #tpu.memory_space<vmem>>) semaphore(%arg23 : memref<!tpu.dma_semaphore, #tpu.memory_space<semaphore_mem>>)
        } else {
        }
        %mul3A_1027 = arith.constant 16 : i32
        %mul3A_1028 = arith.muli %add3A_617, %mul3A_1027 : i32
        %add3A_1029 = arith.constant 14 : i32
        %add3A_1030 = arith.addi %mul3A_1028, %add3A_1029 : i32
        %dma_wait3A_1031 = arith.constant 14 : i32
        %dma_wait3A_1032 = arith.constant 0 : i32
        %dma_wait3A_1033 = tpu.memref_slice %arg8[%dma_wait3A_1031, %dma_wait3A_1032] : memref<16x32xi32, #tpu.memory_space<vmem>> -> memref<1x32xi32, #tpu.memory_space<vmem>>
        %dma_wait3A_1034 = tpu.memref_squeeze %dma_wait3A_1033 : memref<1x32xi32, #tpu.memory_space<vmem>> -> memref<32xi32, #tpu.memory_space<vmem>>
        %dma_wait3A_1035 = arith.constant 0 : i32
        %dma_wait3A_1036 = arith.constant 0 : i32
        %dma_wait3A_1037 = tpu.memref_slice %arg2[%dma_wait3A_1035, %dma_wait3A_1036] : memref<10240x128xf32, #tpu.memory_space<hbm>> -> memref<10240x128xf32, #tpu.memory_space<hbm>>
        tpu.wait_indirect_dma semaphore(%arg25 : memref<!tpu.dma_semaphore, #tpu.memory_space<semaphore_mem>>) src(%dma_wait3A_1037 : memref<10240x128xf32, #tpu.memory_space<hbm>>) dst(%arg16 : memref<32x128xf32, #tpu.memory_space<vmem>>)
        %dma_start3A_1038 = arith.constant 14 : i32
        %dma_start3A_1039 = arith.constant 0 : i32
        %dma_start3A_1040 = tpu.memref_slice %arg9[%dma_start3A_1038, %dma_start3A_1039] : memref<16x32xi32, #tpu.memory_space<vmem>> -> memref<1x32xi32, #tpu.memory_space<vmem>>
        %dma_start3A_1041 = tpu.memref_squeeze %dma_start3A_1040 : memref<1x32xi32, #tpu.memory_space<vmem>> -> memref<32xi32, #tpu.memory_space<vmem>>
        %dma_start3A_1042 = arith.constant 0 : i32
        %dma_start3A_1043 = arith.constant 0 : i32
        %dma_start3A_1044 = tpu.memref_slice %arg18[%dma_start3A_1042, %dma_start3A_1043] : memref<10240x128xf32, #tpu.memory_space<vmem_shared>> -> memref<10240x128xf32, #tpu.memory_space<vmem_shared>>
        tpu.enqueue_indirect_dma source(%arg16 : memref<32x128xf32, #tpu.memory_space<vmem>>) target(%dma_start3A_1044 : memref<10240x128xf32, #tpu.memory_space<vmem_shared>>) offsets(%dma_start3A_1041 : memref<32xi32, #tpu.memory_space<vmem>>) semaphore(%arg33 : memref<!tpu.dma_semaphore, #tpu.memory_space<semaphore_mem>>) {add = true}
        %add3A_1045 = arith.constant 1 : i32
        %add3A_1046 = arith.addi %add3A_617, %add3A_1045 : i32
        %lt3A_1047 = arith.constant 20 : i32
        %lt3A_1048 = arith.cmpi slt, %add3A_1046, %lt3A_1047 : i32
        %convert_element_type3A_1049 = arith.extui %lt3A_1048 : i1 to i32
        %cond3A_1050 = arith.constant 0 : i32
        %cond3A_1051 = arith.cmpi ne, %convert_element_type3A_1049, %cond3A_1050 : i32
        scf.if %cond3A_1051 {
          %dma_wait3A_1077 = arith.constant 5 : i32
          %dma_wait3A_1078 = arith.constant 0 : i32
          %dma_wait3A_1079 = tpu.memref_slice %arg9[%dma_wait3A_1077, %dma_wait3A_1078] : memref<16x32xi32, #tpu.memory_space<vmem>> -> memref<1x32xi32, #tpu.memory_space<vmem>>
          %dma_wait3A_1080 = tpu.memref_squeeze %dma_wait3A_1079 : memref<1x32xi32, #tpu.memory_space<vmem>> -> memref<32xi32, #tpu.memory_space<vmem>>
          %dma_wait3A_1081 = arith.constant 0 : i32
          %dma_wait3A_1082 = arith.constant 0 : i32
          %dma_wait3A_1083 = tpu.memref_slice %arg18[%dma_wait3A_1081, %dma_wait3A_1082] : memref<10240x128xf32, #tpu.memory_space<vmem_shared>> -> memref<10240x128xf32, #tpu.memory_space<vmem_shared>>
          tpu.wait_indirect_dma semaphore(%arg32 : memref<!tpu.dma_semaphore, #tpu.memory_space<semaphore_mem>>) src(%arg15 : memref<32x128xf32, #tpu.memory_space<vmem>>) dst(%dma_wait3A_1083 : memref<10240x128xf32, #tpu.memory_space<vmem_shared>>)
          %dma_start3A_1084 = arith.constant 5 : i32
          %dma_start3A_1085 = arith.constant 0 : i32
          %dma_start3A_1086 = tpu.memref_slice %arg6[%dma_start3A_1084, %dma_start3A_1085] : memref<16x32xi32, #tpu.memory_space<vmem>> -> memref<1x32xi32, #tpu.memory_space<vmem>>
          %dma_start3A_1087 = tpu.memref_squeeze %dma_start3A_1086 : memref<1x32xi32, #tpu.memory_space<vmem>> -> memref<32xi32, #tpu.memory_space<vmem>>
          %dma_start3A_1088 = arith.constant 0 : i32
          %dma_start3A_1089 = arith.constant 0 : i32
          %dma_start3A_1090 = tpu.memref_slice %arg2[%dma_start3A_1088, %dma_start3A_1089] : memref<10240x128xf32, #tpu.memory_space<hbm>> -> memref<10240x128xf32, #tpu.memory_space<hbm>>
          tpu.enqueue_indirect_dma source(%dma_start3A_1090 : memref<10240x128xf32, #tpu.memory_space<hbm>>) target(%arg15 : memref<32x128xf32, #tpu.memory_space<vmem>>) offsets(%dma_start3A_1087 : memref<32xi32, #tpu.memory_space<vmem>>) semaphore(%arg24 : memref<!tpu.dma_semaphore, #tpu.memory_space<semaphore_mem>>)
        } else {
        }
        %mul3A_1052 = arith.constant 16 : i32
        %mul3A_1053 = arith.muli %add3A_617, %mul3A_1052 : i32
        %add3A_1054 = arith.constant 15 : i32
        %add3A_1055 = arith.addi %mul3A_1053, %add3A_1054 : i32
        %dma_wait3A_1056 = arith.constant 15 : i32
        %dma_wait3A_1057 = arith.constant 0 : i32
        %dma_wait3A_1058 = tpu.memref_slice %arg8[%dma_wait3A_1056, %dma_wait3A_1057] : memref<16x32xi32, #tpu.memory_space<vmem>> -> memref<1x32xi32, #tpu.memory_space<vmem>>
        %dma_wait3A_1059 = tpu.memref_squeeze %dma_wait3A_1058 : memref<1x32xi32, #tpu.memory_space<vmem>> -> memref<32xi32, #tpu.memory_space<vmem>>
        %dma_wait3A_1060 = arith.constant 0 : i32
        %dma_wait3A_1061 = arith.constant 0 : i32
        %dma_wait3A_1062 = tpu.memref_slice %arg2[%dma_wait3A_1060, %dma_wait3A_1061] : memref<10240x128xf32, #tpu.memory_space<hbm>> -> memref<10240x128xf32, #tpu.memory_space<hbm>>
        tpu.wait_indirect_dma semaphore(%arg26 : memref<!tpu.dma_semaphore, #tpu.memory_space<semaphore_mem>>) src(%dma_wait3A_1062 : memref<10240x128xf32, #tpu.memory_space<hbm>>) dst(%arg17 : memref<32x128xf32, #tpu.memory_space<vmem>>)
        %dma_start3A_1063 = arith.constant 15 : i32
        %dma_start3A_1064 = arith.constant 0 : i32
        %dma_start3A_1065 = tpu.memref_slice %arg9[%dma_start3A_1063, %dma_start3A_1064] : memref<16x32xi32, #tpu.memory_space<vmem>> -> memref<1x32xi32, #tpu.memory_space<vmem>>
        %dma_start3A_1066 = tpu.memref_squeeze %dma_start3A_1065 : memref<1x32xi32, #tpu.memory_space<vmem>> -> memref<32xi32, #tpu.memory_space<vmem>>
        %dma_start3A_1067 = arith.constant 0 : i32
        %dma_start3A_1068 = arith.constant 0 : i32
        %dma_start3A_1069 = tpu.memref_slice %arg18[%dma_start3A_1067, %dma_start3A_1068] : memref<10240x128xf32, #tpu.memory_space<vmem_shared>> -> memref<10240x128xf32, #tpu.memory_space<vmem_shared>>
        tpu.enqueue_indirect_dma source(%arg17 : memref<32x128xf32, #tpu.memory_space<vmem>>) target(%dma_start3A_1069 : memref<10240x128xf32, #tpu.memory_space<vmem_shared>>) offsets(%dma_start3A_1066 : memref<32xi32, #tpu.memory_space<vmem>>) semaphore(%arg34 : memref<!tpu.dma_semaphore, #tpu.memory_space<semaphore_mem>>) {add = true}
        %add3A_1070 = arith.constant 1 : i32
        %add3A_1071 = arith.addi %add3A_617, %add3A_1070 : i32
        %lt3A_1072 = arith.constant 20 : i32
        %lt3A_1073 = arith.cmpi slt, %add3A_1071, %lt3A_1072 : i32
        %convert_element_type3A_1074 = arith.extui %lt3A_1073 : i1 to i32
        %cond3A_1075 = arith.constant 0 : i32
        %cond3A_1076 = arith.cmpi ne, %convert_element_type3A_1074, %cond3A_1075 : i32
        scf.if %cond3A_1076 {
          %dma_wait3A_1077 = arith.constant 6 : i32
          %dma_wait3A_1078 = arith.constant 0 : i32
          %dma_wait3A_1079 = tpu.memref_slice %arg9[%dma_wait3A_1077, %dma_wait3A_1078] : memref<16x32xi32, #tpu.memory_space<vmem>> -> memref<1x32xi32, #tpu.memory_space<vmem>>
          %dma_wait3A_1080 = tpu.memref_squeeze %dma_wait3A_1079 : memref<1x32xi32, #tpu.memory_space<vmem>> -> memref<32xi32, #tpu.memory_space<vmem>>
          %dma_wait3A_1081 = arith.constant 0 : i32
          %dma_wait3A_1082 = arith.constant 0 : i32
          %dma_wait3A_1083 = tpu.memref_slice %arg18[%dma_wait3A_1081, %dma_wait3A_1082] : memref<10240x128xf32, #tpu.memory_space<vmem_shared>> -> memref<10240x128xf32, #tpu.memory_space<vmem_shared>>
          tpu.wait_indirect_dma semaphore(%arg33 : memref<!tpu.dma_semaphore, #tpu.memory_space<semaphore_mem>>) src(%arg16 : memref<32x128xf32, #tpu.memory_space<vmem>>) dst(%dma_wait3A_1083 : memref<10240x128xf32, #tpu.memory_space<vmem_shared>>)
          %dma_start3A_1084 = arith.constant 6 : i32
          %dma_start3A_1085 = arith.constant 0 : i32
          %dma_start3A_1086 = tpu.memref_slice %arg6[%dma_start3A_1084, %dma_start3A_1085] : memref<16x32xi32, #tpu.memory_space<vmem>> -> memref<1x32xi32, #tpu.memory_space<vmem>>
          %dma_start3A_1087 = tpu.memref_squeeze %dma_start3A_1086 : memref<1x32xi32, #tpu.memory_space<vmem>> -> memref<32xi32, #tpu.memory_space<vmem>>
          %dma_start3A_1088 = arith.constant 0 : i32
          %dma_start3A_1089 = arith.constant 0 : i32
          %dma_start3A_1090 = tpu.memref_slice %arg2[%dma_start3A_1088, %dma_start3A_1089] : memref<10240x128xf32, #tpu.memory_space<hbm>> -> memref<10240x128xf32, #tpu.memory_space<hbm>>
          tpu.enqueue_indirect_dma source(%dma_start3A_1090 : memref<10240x128xf32, #tpu.memory_space<hbm>>) target(%arg16 : memref<32x128xf32, #tpu.memory_space<vmem>>) offsets(%dma_start3A_1087 : memref<32xi32, #tpu.memory_space<vmem>>) semaphore(%arg25 : memref<!tpu.dma_semaphore, #tpu.memory_space<semaphore_mem>>)
        } else {
        }
      }
      %scan3A_95 = arith.constant 10 : i32
      %dma_wait3A_96 = arith.constant 0 : i32
      %dma_wait3A_97 = arith.constant 0 : i32
      %dma_wait3A_98 = tpu.memref_slice %arg6[%dma_wait3A_96, %dma_wait3A_97] : memref<16x32xi32, #tpu.memory_space<vmem>> -> memref<1x32xi32, #tpu.memory_space<vmem>>
      %dma_wait3A_99 = tpu.memref_squeeze %dma_wait3A_98 : memref<1x32xi32, #tpu.memory_space<vmem>> -> memref<32xi32, #tpu.memory_space<vmem>>
      %dma_wait3A_100 = arith.constant 0 : i32
      %dma_wait3A_101 = arith.constant 0 : i32
      %dma_wait3A_102 = tpu.memref_slice %arg18[%dma_wait3A_100, %dma_wait3A_101] : memref<10240x128xf32, #tpu.memory_space<vmem_shared>> -> memref<10240x128xf32, #tpu.memory_space<vmem_shared>>
      tpu.wait_indirect_dma semaphore(%arg27 : memref<!tpu.dma_semaphore, #tpu.memory_space<semaphore_mem>>) src(%arg10 : memref<32x128xf32, #tpu.memory_space<vmem>>) dst(%dma_wait3A_102 : memref<10240x128xf32, #tpu.memory_space<vmem_shared>>)
      %dma_wait3A_103 = arith.constant 0 : i32
      %dma_wait3A_104 = arith.constant 0 : i32
      %dma_wait3A_105 = tpu.memref_slice %arg6[%dma_wait3A_103, %dma_wait3A_104] : memref<16x32xi32, #tpu.memory_space<vmem>> -> memref<1x32xi32, #tpu.memory_space<vmem>>
      %dma_wait3A_106 = tpu.memref_squeeze %dma_wait3A_105 : memref<1x32xi32, #tpu.memory_space<vmem>> -> memref<32xi32, #tpu.memory_space<vmem>>
      %dma_wait3A_107 = arith.constant 0 : i32
      %dma_wait3A_108 = arith.constant 0 : i32
      %dma_wait3A_109 = tpu.memref_slice %arg18[%dma_wait3A_107, %dma_wait3A_108] : memref<10240x128xf32, #tpu.memory_space<vmem_shared>> -> memref<10240x128xf32, #tpu.memory_space<vmem_shared>>
      tpu.wait_indirect_dma semaphore(%arg28 : memref<!tpu.dma_semaphore, #tpu.memory_space<semaphore_mem>>) src(%arg11 : memref<32x128xf32, #tpu.memory_space<vmem>>) dst(%dma_wait3A_109 : memref<10240x128xf32, #tpu.memory_space<vmem_shared>>)
      %dma_wait3A_110 = arith.constant 0 : i32
      %dma_wait3A_111 = arith.constant 0 : i32
      %dma_wait3A_112 = tpu.memref_slice %arg6[%dma_wait3A_110, %dma_wait3A_111] : memref<16x32xi32, #tpu.memory_space<vmem>> -> memref<1x32xi32, #tpu.memory_space<vmem>>
      %dma_wait3A_113 = tpu.memref_squeeze %dma_wait3A_112 : memref<1x32xi32, #tpu.memory_space<vmem>> -> memref<32xi32, #tpu.memory_space<vmem>>
      %dma_wait3A_114 = arith.constant 0 : i32
      %dma_wait3A_115 = arith.constant 0 : i32
      %dma_wait3A_116 = tpu.memref_slice %arg18[%dma_wait3A_114, %dma_wait3A_115] : memref<10240x128xf32, #tpu.memory_space<vmem_shared>> -> memref<10240x128xf32, #tpu.memory_space<vmem_shared>>
      tpu.wait_indirect_dma semaphore(%arg29 : memref<!tpu.dma_semaphore, #tpu.memory_space<semaphore_mem>>) src(%arg12 : memref<32x128xf32, #tpu.memory_space<vmem>>) dst(%dma_wait3A_116 : memref<10240x128xf32, #tpu.memory_space<vmem_shared>>)
      %dma_wait3A_117 = arith.constant 0 : i32
      %dma_wait3A_118 = arith.constant 0 : i32
      %dma_wait3A_119 = tpu.memref_slice %arg6[%dma_wait3A_117, %dma_wait3A_118] : memref<16x32xi32, #tpu.memory_space<vmem>> -> memref<1x32xi32, #tpu.memory_space<vmem>>
      %dma_wait3A_120 = tpu.memref_squeeze %dma_wait3A_119 : memref<1x32xi32, #tpu.memory_space<vmem>> -> memref<32xi32, #tpu.memory_space<vmem>>
      %dma_wait3A_121 = arith.constant 0 : i32
      %dma_wait3A_122 = arith.constant 0 : i32
      %dma_wait3A_123 = tpu.memref_slice %arg18[%dma_wait3A_121, %dma_wait3A_122] : memref<10240x128xf32, #tpu.memory_space<vmem_shared>> -> memref<10240x128xf32, #tpu.memory_space<vmem_shared>>
      tpu.wait_indirect_dma semaphore(%arg30 : memref<!tpu.dma_semaphore, #tpu.memory_space<semaphore_mem>>) src(%arg13 : memref<32x128xf32, #tpu.memory_space<vmem>>) dst(%dma_wait3A_123 : memref<10240x128xf32, #tpu.memory_space<vmem_shared>>)
      %dma_wait3A_124 = arith.constant 0 : i32
      %dma_wait3A_125 = arith.constant 0 : i32
      %dma_wait3A_126 = tpu.memref_slice %arg6[%dma_wait3A_124, %dma_wait3A_125] : memref<16x32xi32, #tpu.memory_space<vmem>> -> memref<1x32xi32, #tpu.memory_space<vmem>>
      %dma_wait3A_127 = tpu.memref_squeeze %dma_wait3A_126 : memref<1x32xi32, #tpu.memory_space<vmem>> -> memref<32xi32, #tpu.memory_space<vmem>>
      %dma_wait3A_128 = arith.constant 0 : i32
      %dma_wait3A_129 = arith.constant 0 : i32
      %dma_wait3A_130 = tpu.memref_slice %arg18[%dma_wait3A_128, %dma_wait3A_129] : memref<10240x128xf32, #tpu.memory_space<vmem_shared>> -> memref<10240x128xf32, #tpu.memory_space<vmem_shared>>
      tpu.wait_indirect_dma semaphore(%arg31 : memref<!tpu.dma_semaphore, #tpu.memory_space<semaphore_mem>>) src(%arg14 : memref<32x128xf32, #tpu.memory_space<vmem>>) dst(%dma_wait3A_130 : memref<10240x128xf32, #tpu.memory_space<vmem_shared>>)
      %dma_wait3A_131 = arith.constant 0 : i32
      %dma_wait3A_132 = arith.constant 0 : i32
      %dma_wait3A_133 = tpu.memref_slice %arg6[%dma_wait3A_131, %dma_wait3A_132] : memref<16x32xi32, #tpu.memory_space<vmem>> -> memref<1x32xi32, #tpu.memory_space<vmem>>
      %dma_wait3A_134 = tpu.memref_squeeze %dma_wait3A_133 : memref<1x32xi32, #tpu.memory_space<vmem>> -> memref<32xi32, #tpu.memory_space<vmem>>
      %dma_wait3A_135 = arith.constant 0 : i32
      %dma_wait3A_136 = arith.constant 0 : i32
      %dma_wait3A_137 = tpu.memref_slice %arg18[%dma_wait3A_135, %dma_wait3A_136] : memref<10240x128xf32, #tpu.memory_space<vmem_shared>> -> memref<10240x128xf32, #tpu.memory_space<vmem_shared>>
      tpu.wait_indirect_dma semaphore(%arg32 : memref<!tpu.dma_semaphore, #tpu.memory_space<semaphore_mem>>) src(%arg15 : memref<32x128xf32, #tpu.memory_space<vmem>>) dst(%dma_wait3A_137 : memref<10240x128xf32, #tpu.memory_space<vmem_shared>>)
      %dma_wait3A_138 = arith.constant 0 : i32
      %dma_wait3A_139 = arith.constant 0 : i32
      %dma_wait3A_140 = tpu.memref_slice %arg6[%dma_wait3A_138, %dma_wait3A_139] : memref<16x32xi32, #tpu.memory_space<vmem>> -> memref<1x32xi32, #tpu.memory_space<vmem>>
      %dma_wait3A_141 = tpu.memref_squeeze %dma_wait3A_140 : memref<1x32xi32, #tpu.memory_space<vmem>> -> memref<32xi32, #tpu.memory_space<vmem>>
      %dma_wait3A_142 = arith.constant 0 : i32
      %dma_wait3A_143 = arith.constant 0 : i32
      %dma_wait3A_144 = tpu.memref_slice %arg18[%dma_wait3A_142, %dma_wait3A_143] : memref<10240x128xf32, #tpu.memory_space<vmem_shared>> -> memref<10240x128xf32, #tpu.memory_space<vmem_shared>>
      tpu.wait_indirect_dma semaphore(%arg33 : memref<!tpu.dma_semaphore, #tpu.memory_space<semaphore_mem>>) src(%arg16 : memref<32x128xf32, #tpu.memory_space<vmem>>) dst(%dma_wait3A_144 : memref<10240x128xf32, #tpu.memory_space<vmem_shared>>)
      %dma_wait3A_145 = arith.constant 0 : i32
      %dma_wait3A_146 = arith.constant 0 : i32
      %dma_wait3A_147 = tpu.memref_slice %arg6[%dma_wait3A_145, %dma_wait3A_146] : memref<16x32xi32, #tpu.memory_space<vmem>> -> memref<1x32xi32, #tpu.memory_space<vmem>>
      %dma_wait3A_148 = tpu.memref_squeeze %dma_wait3A_147 : memref<1x32xi32, #tpu.memory_space<vmem>> -> memref<32xi32, #tpu.memory_space<vmem>>
      %dma_wait3A_149 = arith.constant 0 : i32
      %dma_wait3A_150 = arith.constant 0 : i32
      %dma_wait3A_151 = tpu.memref_slice %arg18[%dma_wait3A_149, %dma_wait3A_150] : memref<10240x128xf32, #tpu.memory_space<vmem_shared>> -> memref<10240x128xf32, #tpu.memory_space<vmem_shared>>
      tpu.wait_indirect_dma semaphore(%arg34 : memref<!tpu.dma_semaphore, #tpu.memory_space<semaphore_mem>>) src(%arg17 : memref<32x128xf32, #tpu.memory_space<vmem>>) dst(%dma_wait3A_151 : memref<10240x128xf32, #tpu.memory_space<vmem_shared>>)
    } else {
    }
    "tpu.trace_stop"() : () -> ()
    %barrier3A_16 = arith.constant 0 : index
    tpu.barrier barrier_id(%barrier3A_16)
    "tpu.trace_start"() <{level = 10 : i32, message = "dump"}> : () -> ()
    %mul3A = arith.constant 640 : i32
    %mul3A_17 = arith.muli %arg1, %mul3A : i32
    %mul3A_18 = arith.constant 10240 : i32
    %mul3A_19 = arith.muli %arg0, %mul3A_18 : i32
    %add3A = arith.addi %mul3A_19, %mul3A_17 : i32
    "tpu.region"() ({
      %run_scoped3A = tpu.sem_alloc : memref<!tpu.dma_semaphore, #tpu.memory_space<semaphore_mem>>
      %dma_start3A = arith.constant 0 : i32
      %dma_start3A_20 = tpu.memref_slice %arg5[%add3A, %dma_start3A] : memref<20480x128xf32, #tpu.memory_space<hbm>> -> memref<640x128xf32, #tpu.memory_space<hbm>>
      %dma_start3A_21 = arith.constant 0 : i32
      %dma_start3A_22 = tpu.memref_slice %arg18[%mul3A_17, %dma_start3A_21] : memref<10240x128xf32, #tpu.memory_space<vmem_shared>> -> memref<640x128xf32, #tpu.memory_space<vmem_shared>>
      tpu.enqueue_dma source(%dma_start3A_22 : memref<640x128xf32, #tpu.memory_space<vmem_shared>>) target(%dma_start3A_20 : memref<640x128xf32, #tpu.memory_space<hbm>>) target_semaphore(%run_scoped3A : memref<!tpu.dma_semaphore, #tpu.memory_space<semaphore_mem>>)
      %dma_wait3A = arith.constant 0 : i32
      %dma_wait3A_23 = tpu.memref_slice %arg5[%add3A, %dma_wait3A] : memref<20480x128xf32, #tpu.memory_space<hbm>> -> memref<640x128xf32, #tpu.memory_space<hbm>>
      %dma_wait3A_24 = arith.constant 0 : i32
      %dma_wait3A_25 = tpu.memref_slice %arg18[%mul3A_17, %dma_wait3A_24] : memref<10240x128xf32, #tpu.memory_space<vmem_shared>> -> memref<640x128xf32, #tpu.memory_space<vmem_shared>>
      tpu.wait_dma2 semaphore(%run_scoped3A : memref<!tpu.dma_semaphore, #tpu.memory_space<semaphore_mem>>) src(%dma_wait3A_25 : memref<640x128xf32, #tpu.memory_space<vmem_shared>>) dst(%dma_wait3A_23 : memref<640x128xf32, #tpu.memory_space<hbm>>)
      tpu.yield
    }) : () -> ()
    "tpu.trace_stop"() : () -> ()
    return
  }
}

module attributes {stable_mosaic.version = 14 : i64} {
  func.func @_scale_body(%arg0: i32, %arg1: memref<2048x128xf32, #tpu.memory_space<vmem>>, %arg2: memref<4x2048xf32, #tpu.memory_space<vmem>>, %arg3: memref<2048x128xf32, #tpu.memory_space<vmem>>) attributes {dimension_semantics = [#tpu.dimension_semantics<arbitrary>], iteration_bounds = array<i64: 5>, scalar_prefetch = 0 : i64, scratch_operands = 0 : i64, tpu.core_type = #tpu.core_type<tc>, window_params = [{transform_indices = @transform_0, window_bounds = array<i64: 2048, 128>}, {transform_indices = @transform_1, window_bounds = array<i64: 4, 2048>}, {transform_indices = @transform_2, window_bounds = array<i64: 2048, 128>}]} {
    %get3A = arith.constant 0 : index
    %get3A_0 = arith.constant 0 : index
    %get3A_1 = vector.load %arg2[%get3A, %get3A_0] : memref<4x2048xf32, #tpu.memory_space<vmem>>, vector<1x2048xf32>
    %get3A_2 = vector.shape_cast %get3A_1 : vector<1x2048xf32> to vector<2048xf32>
    %get3A_3 = arith.constant 2 : index
    %get3A_4 = arith.constant 0 : index
    %get3A_5 = vector.load %arg2[%get3A_3, %get3A_4] : memref<4x2048xf32, #tpu.memory_space<vmem>>, vector<1x2048xf32>
    %get3A_6 = vector.shape_cast %get3A_5 : vector<1x2048xf32> to vector<2048xf32>
    %add3A = arith.addf %get3A_2, %get3A_6 : vector<2048xf32>
    %gt3A = arith.constant 0.000000e+00 : f32
    %gt3A_7 = vector.broadcast %gt3A : f32 to vector<2048xf32>
    %gt3A_8 = arith.cmpf ogt, %add3A, %gt3A_7 : vector<2048xf32>
    %rsqrt3A = math.rsqrt %add3A : vector<2048xf32>
    %jit3A = arith.constant 0.000000e+00 : f32
    %broadcast_in_dim3A = vector.broadcast %jit3A : f32 to vector<2048xf32>
    %select_n3A = arith.select %gt3A_8, %rsqrt3A, %broadcast_in_dim3A : vector<2048xi1>, vector<2048xf32>
    %get3A_9 = arith.constant 0 : index
    %get3A_10 = arith.constant 0 : index
    %get3A_11 = vector.load %arg1[%get3A_9, %get3A_10] : memref<2048x128xf32, #tpu.memory_space<vmem>>, vector<2048x128xf32>
    %broadcast_in_dim3A_12 = vector.shape_cast %select_n3A : vector<2048xf32> to vector<2048x1xf32>
    %mul3A = vector.broadcast %broadcast_in_dim3A_12 : vector<2048x1xf32> to vector<2048x128xf32>
    %mul3A_13 = arith.mulf %get3A_11, %mul3A : vector<2048x128xf32>
    %swap3A = arith.constant 0 : index
    %swap3A_14 = arith.constant 0 : index
    %swap3A_15 = vector.load %arg3[%swap3A, %swap3A_14] : memref<2048x128xf32, #tpu.memory_space<vmem>>, vector<2048x128xf32>
    tpu.vector_store %arg3[%swap3A, %swap3A_14], %mul3A_13 {strides = array<i32>} : memref<2048x128xf32, #tpu.memory_space<vmem>>, vector<2048x128xf32>,
    return
  }
  func.func @transform_0(%arg0: i32) -> (i32, i32) {
    %c0_i32 = arith.constant 0 : i32
    %c0_i32_0 = arith.constant 0 : i32
    return %arg0, %c0_i32 : i32, i32
  }
  func.func @transform_1(%arg0: i32) -> (i32, i32) {
    %c0_i32 = arith.constant 0 : i32
    %c0_i32_0 = arith.constant 0 : i32
    return %c0_i32, %arg0 : i32, i32
  }
  func.func @transform_2(%arg0: i32) -> (i32, i32) {
    %c0_i32 = arith.constant 0 : i32
    %c0_i32_0 = arith.constant 0 : i32
    return %arg0, %c0_i32 : i32, i32
  }
}

module attributes {stable_mosaic.version = 14 : i64} {
  func.func @_tail_body(%arg0: i32, %arg1: memref<2048x128xf32, #tpu.memory_space<vmem>>, %arg2: memref<2048x128xf32, #tpu.memory_space<vmem>>, %arg3: memref<2048x4xf32, #tpu.memory_space<vmem>>, %arg4: memref<2048x128xf32, #tpu.memory_space<vmem>>, %arg5: memref<128x128xf32, #tpu.memory_space<vmem>>, %arg6: memref<1x128xf32, #tpu.memory_space<vmem>>, %arg7: memref<1x128xf32, #tpu.memory_space<vmem>>, %arg8: memref<1x128xf32, #tpu.memory_space<vmem>>, %arg9: memref<2048x128xf32, #tpu.memory_space<vmem>>) attributes {dimension_semantics = [#tpu.dimension_semantics<arbitrary>], iteration_bounds = array<i64: 5>, scalar_prefetch = 0 : i64, scratch_operands = 0 : i64, tpu.core_type = #tpu.core_type<tc>, window_params = [{transform_indices = @transform_0, window_bounds = array<i64: 2048, 128>}, {transform_indices = @transform_1, window_bounds = array<i64: 2048, 128>}, {transform_indices = @transform_2, window_bounds = array<i64: 2048, 4>}, {transform_indices = @transform_3, window_bounds = array<i64: 2048, 128>}, {pipeline_mode = #tpu.pipeline_mode<synchronous>, transform_indices = @transform_4, window_bounds = array<i64: 128, 128>}, {pipeline_mode = #tpu.pipeline_mode<synchronous>, transform_indices = @transform_5, window_bounds = array<i64: 1, 128>}, {pipeline_mode = #tpu.pipeline_mode<synchronous>, transform_indices = @transform_6, window_bounds = array<i64: 1, 128>}, {pipeline_mode = #tpu.pipeline_mode<synchronous>, transform_indices = @transform_7, window_bounds = array<i64: 1, 128>}, {transform_indices = @transform_8, window_bounds = array<i64: 2048, 128>}]} {
    %get3A = arith.constant 0 : index
    %get3A_0 = arith.constant 1 : index
    %get3A_1 = vector.load %arg3[%get3A, %get3A_0] : memref<2048x4xf32, #tpu.memory_space<vmem>>, vector<2048x1xf32>
    %get3A_2 = vector.shape_cast %get3A_1 : vector<2048x1xf32> to vector<2048xf32>
    %get3A_3 = arith.constant 0 : index
    %get3A_4 = arith.constant 3 : index
    %get3A_5 = vector.load %arg3[%get3A_3, %get3A_4] : memref<2048x4xf32, #tpu.memory_space<vmem>>, vector<2048x1xf32>
    %get3A_6 = vector.shape_cast %get3A_5 : vector<2048x1xf32> to vector<2048xf32>
    %add3A = arith.addf %get3A_2, %get3A_6 : vector<2048xf32>
    %gt3A = arith.constant 0.000000e+00 : f32
    %gt3A_7 = vector.broadcast %gt3A : f32 to vector<2048xf32>
    %gt3A_8 = arith.cmpf ogt, %add3A, %gt3A_7 : vector<2048xf32>
    %rsqrt3A = math.rsqrt %add3A : vector<2048xf32>
    %jit3A = arith.constant 0.000000e+00 : f32
    %broadcast_in_dim3A = vector.broadcast %jit3A : f32 to vector<2048xf32>
    %select_n3A = arith.select %gt3A_8, %rsqrt3A, %broadcast_in_dim3A : vector<2048xi1>, vector<2048xf32>
    %get3A_9 = arith.constant 0 : index
    %get3A_10 = arith.constant 0 : index
    %get3A_11 = vector.load %arg1[%get3A_9, %get3A_10] : memref<2048x128xf32, #tpu.memory_space<vmem>>, vector<2048x128xf32>
    %get3A_12 = arith.constant 0 : index
    %get3A_13 = arith.constant 0 : index
    %get3A_14 = vector.load %arg2[%get3A_12, %get3A_13] : memref<2048x128xf32, #tpu.memory_space<vmem>>, vector<2048x128xf32>
    %add3A_15 = arith.addf %get3A_11, %get3A_14 : vector<2048x128xf32>
    %broadcast_in_dim3A_16 = vector.shape_cast %select_n3A : vector<2048xf32> to vector<2048x1xf32>
    %mul3A = vector.broadcast %broadcast_in_dim3A_16 : vector<2048x1xf32> to vector<2048x128xf32>
    %mul3A_17 = arith.mulf %add3A_15, %mul3A : vector<2048x128xf32>
    %get3A_18 = arith.constant 0 : index
    %get3A_19 = arith.constant 0 : index
    %get3A_20 = vector.load %arg5[%get3A_18, %get3A_19] : memref<128x128xf32, #tpu.memory_space<vmem>>, vector<128x128xf32>
    %dot_general3A = arith.constant dense<0.000000e+00> : vector<2048x128xf32>
    %dot_general3A_21 = tpu.matmul %mul3A_17, %get3A_20, %dot_general3A {dimension_numbers = #tpu.dot_dimension_numbers<[1], [0], [0], [1], [0, 0, 1, 1], [], []>, transpose_lhs_hint = false} : vector<2048x128xf32>, vector<128x128xf32>, vector<2048x128xf32> -> vector<2048x128xf32>
    %get3A_22 = arith.constant 0 : index
    %get3A_23 = arith.constant 0 : index
    %get3A_24 = vector.load %arg6[%get3A_22, %get3A_23] : memref<1x128xf32, #tpu.memory_space<vmem>>, vector<1x128xf32>
    %add3A_25 = vector.broadcast %get3A_24 : vector<1x128xf32> to vector<2048x128xf32>
    %add3A_26 = arith.addf %dot_general3A_21, %add3A_25 : vector<2048x128xf32>
    %reduce_sum3A = arith.constant dense<0.000000e+00> : vector<2048xf32>
    %reduce_sum3A_27 = vector.multi_reduction <add>, %add3A_26, %reduce_sum3A [1] : vector<2048x128xf32> to vector<2048xf32>
    %broadcast_in_dim3A_28 = vector.shape_cast %reduce_sum3A_27 : vector<2048xf32> to vector<2048x1xf32>
    %div3A = arith.constant 1.280000e+02 : f32
    %div3A_29 = vector.broadcast %div3A : f32 to vector<2048x1xf32>
    %div3A_30 = arith.divf %broadcast_in_dim3A_28, %div3A_29 : vector<2048x1xf32>
    %sub3A = vector.broadcast %div3A_30 : vector<2048x1xf32> to vector<2048x128xf32>
    %sub3A_31 = arith.subf %add3A_26, %sub3A : vector<2048x128xf32>
    %integer_pow3A = arith.mulf %sub3A_31, %sub3A_31 : vector<2048x128xf32>
    %reduce_sum3A_32 = arith.constant dense<0.000000e+00> : vector<2048xf32>
    %reduce_sum3A_33 = vector.multi_reduction <add>, %integer_pow3A, %reduce_sum3A_32 [1] : vector<2048x128xf32> to vector<2048xf32>
    %broadcast_in_dim3A_34 = vector.shape_cast %reduce_sum3A_33 : vector<2048xf32> to vector<2048x1xf32>
    %div3A_35 = arith.constant 1.280000e+02 : f32
    %div3A_36 = vector.broadcast %div3A_35 : f32 to vector<2048x1xf32>
    %div3A_37 = arith.divf %broadcast_in_dim3A_34, %div3A_36 : vector<2048x1xf32>
    %sub3A_38 = vector.broadcast %div3A_30 : vector<2048x1xf32> to vector<2048x128xf32>
    %sub3A_39 = arith.subf %add3A_26, %sub3A_38 : vector<2048x128xf32>
    %add3A_40 = arith.constant 9.99999974E-6 : f32
    %add3A_41 = vector.broadcast %add3A_40 : f32 to vector<2048x1xf32>
    %add3A_42 = arith.addf %div3A_37, %add3A_41 : vector<2048x1xf32>
    %rsqrt3A_43 = math.rsqrt %add3A_42 : vector<2048x1xf32>
    %mul3A_44 = vector.broadcast %rsqrt3A_43 : vector<2048x1xf32> to vector<2048x128xf32>
    %mul3A_45 = arith.mulf %sub3A_39, %mul3A_44 : vector<2048x128xf32>
    %get3A_46 = arith.constant 0 : index
    %get3A_47 = arith.constant 0 : index
    %get3A_48 = vector.load %arg7[%get3A_46, %get3A_47] : memref<1x128xf32, #tpu.memory_space<vmem>>, vector<1x128xf32>
    %mul3A_49 = vector.broadcast %get3A_48 : vector<1x128xf32> to vector<2048x128xf32>
    %mul3A_50 = arith.mulf %mul3A_45, %mul3A_49 : vector<2048x128xf32>
    %get3A_51 = arith.constant 0 : index
    %get3A_52 = arith.constant 0 : index
    %get3A_53 = vector.load %arg8[%get3A_51, %get3A_52] : memref<1x128xf32, #tpu.memory_space<vmem>>, vector<1x128xf32>
    %add3A_54 = vector.broadcast %get3A_53 : vector<1x128xf32> to vector<2048x128xf32>
    %add3A_55 = arith.addf %mul3A_50, %add3A_54 : vector<2048x128xf32>
    %max3A = arith.constant 0.000000e+00 : f32
    %max3A_56 = vector.broadcast %max3A : f32 to vector<2048x128xf32>
    %max3A_57 = arith.maximumf %add3A_55, %max3A_56 : vector<2048x128xf32>
    %get3A_58 = arith.constant 0 : index
    %get3A_59 = arith.constant 0 : index
    %get3A_60 = vector.load %arg4[%get3A_58, %get3A_59] : memref<2048x128xf32, #tpu.memory_space<vmem>>, vector<2048x128xf32>
    %add3A_61 = arith.addf %max3A_57, %get3A_60 : vector<2048x128xf32>
    %swap3A = arith.constant 0 : index
    %swap3A_62 = arith.constant 0 : index
    %swap3A_63 = vector.load %arg9[%swap3A, %swap3A_62] : memref<2048x128xf32, #tpu.memory_space<vmem>>, vector<2048x128xf32>
    tpu.vector_store %arg9[%swap3A, %swap3A_62], %add3A_61 {strides = array<i32>} : memref<2048x128xf32, #tpu.memory_space<vmem>>, vector<2048x128xf32>,
    return
  }
  func.func @transform_0(%arg0: i32) -> (i32, i32) {
    %c0_i32 = arith.constant 0 : i32
    %c0_i32_0 = arith.constant 0 : i32
    return %arg0, %c0_i32 : i32, i32
  }
  func.func @transform_1(%arg0: i32) -> (i32, i32) {
    %add3A = arith.constant 5 : i32
    %add3A_0 = arith.addi %arg0, %add3A : i32
    %c0_i32 = arith.constant 0 : i32
    %c0_i32_1 = arith.constant 0 : i32
    return %add3A_0, %c0_i32 : i32, i32
  }
  func.func @transform_2(%arg0: i32) -> (i32, i32) {
    %c0_i32 = arith.constant 0 : i32
    %c0_i32_0 = arith.constant 0 : i32
    return %arg0, %c0_i32 : i32, i32
  }
  func.func @transform_3(%arg0: i32) -> (i32, i32) {
    %c0_i32 = arith.constant 0 : i32
    %c0_i32_0 = arith.constant 0 : i32
    return %arg0, %c0_i32 : i32, i32
  }
  func.func @transform_4(%arg0: i32) -> (i32, i32) {
    %c0_i32 = arith.constant 0 : i32
    %c0_i32_0 = arith.constant 0 : i32
    %c0_i32_1 = arith.constant 0 : i32
    return %c0_i32, %c0_i32_0 : i32, i32
  }
  func.func @transform_5(%arg0: i32) -> (i32, i32) {
    %c0_i32 = arith.constant 0 : i32
    %c0_i32_0 = arith.constant 0 : i32
    %c0_i32_1 = arith.constant 0 : i32
    return %c0_i32, %c0_i32_0 : i32, i32
  }
  func.func @transform_6(%arg0: i32) -> (i32, i32) {
    %c0_i32 = arith.constant 0 : i32
    %c0_i32_0 = arith.constant 0 : i32
    %c0_i32_1 = arith.constant 0 : i32
    return %c0_i32, %c0_i32_0 : i32, i32
  }
  func.func @transform_7(%arg0: i32) -> (i32, i32) {
    %c0_i32 = arith.constant 0 : i32
    %c0_i32_0 = arith.constant 0 : i32
    %c0_i32_1 = arith.constant 0 : i32
    return %c0_i32, %c0_i32_0 : i32, i32
  }
  func.func @transform_8(%arg0: i32) -> (i32, i32) {
    %c0_i32 = arith.constant 0 : i32
    %c0_i32_0 = arith.constant 0 : i32
    return %arg0, %c0_i32 : i32, i32
  }
}

</mosaic_0001>

<sc_bundles>
// kernel: kernel.6.cloned.1.call-start
scs
__scs_entry_jumppad:
0x0: {  	(pc) =	sbr.rel $0x88, $3  }
0x1: {  	(tag) =	ssettag $0x0;
	lr =	simm.s32 $0x1  }
0x2: {  	[smem:$0x3F9B] =	sst lr;
	_ =	strace $0xD0000000  }
0x3: {  	_ = 	snop  }
0x4: {  	_ = 	snop  }
0x5: {  	_ = 	snop  }
0x6: {  	_ = 	snop  }
0x7: {  	_ = 	snop  }
__scs_overlays_trampoline_lowered:
0x8: {  	[smem:$0x3FAA] =	sst s0  }
0x9: {  	[smem:$0x3FAB] =	sst s1  }
0xa: {  	[smem:$0x3FAC] =	sst s2  }
0xb: {  	[smem:$0x3FAD] =	sst s3  }
0xc: {  	[smem:$0x3FAE] =	sst s4  }
0xd: {  	[smem:$0x3FAF] =	sst s5  }
0xe: {  	[smem:$0x3FB0] =	sst s6  }
0xf: {  	[smem:$0x3FB1] =	sst s7  }
0x10: {  	[smem:$0x3FB2] =	sst s8  }
0x11: {  	[smem:$0x3FB3] =	sst s9;
	s0 =	simm.s32 @!p0 $0x0  }
0x12: {  	s1 =	sld [smem:$0x3F99];
	s0 =	simm.s32 @p0 $0x1  }
0x13: {  	[smem:$0x3FB4] =	sst s0;
	s0 =	simm.s32 @!p1 $0x0  }
0x14: {  	s2 =	sld [smem:$0x3F98];
	s0 =	simm.s32 @p1 $0x1  }
0x15: {  	[smem:$0x3FB5] =	sst s0;
	s0 =	simm.s32 @!p2 $0x0  }
0x16: {  	s3 =	sld [smem:$0x3FDB];
	s0 =	simm.s32 @p2 $0x1  }
0x17: {  	s4 =	simm.s32 $0x1BF5;
	[smem:$0x3FB7] =	sst s0  }
0x18: {  	s0 =	sld [smem:$0x3F9A];
	_ =	swait.ge [sflag:s4], $0x0  }
0x19: {  	s7 =	sld [smem:$0x3F9B]  }
0x1a: {  	s8 =	sadd.s32 $0xFFFFE003, lr  }
0x1b: {  	s9 =	sadd.s32 $0xFFFFFEF7, lr;
	s5 =	simm.s32 $0xFFFFFFFF;
	p2 =	slt.u32 s8, $0xFFFFF086  }
0x1c: {  	p1 =	slt.u32 s9, $0xF7A;
	s5 =	simm.s32 @!p2 $0x0  }
0x1d: {  	s5 =	simm.s32 @p1 $0x1;
	p0 =	seq.s32 s7, s2  }
0x1e: {  	s7 =	smul.u32 @!p0 $0xF7A, s2;
	p2 =	seq.s32 @!p0 s5, $0x0  }
0x1f: {  	s9 =	smul.u32 $0xF7A, s1;
	s8 =	simm.s32 @!p0 $0x1BF5;
	p2 =	por !p2, p0  }
0x20: {  	[sflag:s8] =	ssyncset.s32 @!p0 $0xFFFFF086;
	s6 =	sadd.s32 @!p0 s3, s7;
	s7 =	simm.s32 @!p0 $0x108  }
0x21: {  	s3 =	sadd.s32 s3, s9;
	s6 =	sadd.s32 @!p0 $0x88, s6;
	s7 =	simm.s32 @p2 $0x1082  }
0x22: {  	[simem:s7], [sflag:s8] =	dma.local @!p0 [hbm:s6], $0xF7A  }
0x23: {  	s9 =	sor.u32 $0xD0000000, s2;
	s6 =	simm.s32 $0x108;
	_ =	swait.ge @!p0 [sflag:s8], $0x0  }
0x24: {  	s3 =	sadd.s32 $0x88, s3;
	s6 =	simm.s32 @!p1 $0x1082;
	[sflag:s4] =	ssyncset.s32 $0xFFFFF086  }
0x25: {  	[simem:s6], [sflag:s4] =	dma.local [hbm:s3], $0xF7A  }
0x26: {  	[smem:$0x3F9B] =	sst s1;
	(tag) =	ssettag s2;
	_ =	strace s9  }
0x27: {  	s1 =	sld [smem:$0x3FAB]  }
0x28: {  	s2 =	sld [smem:$0x3FAC]  }
0x29: {  	s4 =	sld [smem:$0x3FAE]  }
0x2a: {  	p0 =	seq.s32 s5, $0x0;
	s5 =	sld [smem:$0x3FAF]  }
0x2b: {  	s6 =	sld [smem:$0x3FB0]  }
0x2c: {  	s7 =	sld [smem:$0x3FB1]  }
0x2d: {  	s3 =	simm.s32 $0x108;
	s8 =	sld [smem:$0x3FB2]  }
0x2e: {  	s3 =	simm.s32 @!p0 $0x1082;
	s9 =	sld [smem:$0x3FB3]  }
0x2f: {  	lr =	sadd.s32 s0, s3;
	s0 =	sld [smem:$0x3FAA]  }
0x30: {  	s3 =	sld [smem:$0x3FAD]  }
0x31: {  	[smem:$0x3FB6] =	sst s10  }
0x32: {  	s10 =	sld [smem:$0x3FB4];
	_ =	sdelay $0x3  }
0x33: {  	p0 =	seq.s32 s10, $0x1;
	s10 =	sld [smem:$0x3FB6];
	_ =	sdelay $0x3  }
0x34: {  	[smem:$0x3FB6] =	sst s10  }
0x35: {  	s10 =	sld [smem:$0x3FB5];
	_ =	sdelay $0x3  }
0x36: {  	p1 =	seq.s32 s10, $0x1;
	s10 =	sld [smem:$0x3FB6];
	_ =	sdelay $0x3  }
0x37: {  	[smem:$0x3FB6] =	sst s10  }
0x38: {  	s10 =	sld [smem:$0x3FB7]  }
0x39: {  	_ = 	snop;
	(pc) =	sbr.ind lr, $3  }
0x3a: {  	_ = 	snop  }
0x3b: {  	_ = 	snop  }
0x3c: {  	p2 =	seq.s32 s10, $0x1;
	s10 =	sld [smem:$0x3FB6]  }
0x3d: {  	_ =	shalt  }
0x3e: {  	_ =	shalt  }
0x3f: {  	_ =	shalt  }
0x40: {  	_ =	shalt  }
0x41: {  	_ =	shalt  }
0x42: {  	_ =	shalt  }
0x43: {  	_ =	shalt  }
0x44: {  	_ =	shalt  }
0x45: {  	_ =	shalt  }
0x46: {  	_ =	shalt  }
0x47: {  	_ =	shalt  }
0x48: {  	_ =	shalt  }
0x49: {  	_ =	shalt  }
0x4a: {  	_ =	shalt  }
0x4b: {  	_ =	shalt  }
0x4c: {  	_ =	shalt  }
0x4d: {  	_ =	shalt  }
0x4e: {  	_ =	shalt  }
0x4f: {  	_ =	shalt  }
0x50: {  	_ =	shalt  }
0x51: {  	_ =	shalt  }
0x52: {  	_ =	shalt  }
0x53: {  	_ =	shalt  }
0x54: {  	_ =	shalt  }
0x55: {  	_ =	shalt  }
0x56: {  	_ =	shalt  }
0x57: {  	_ =	shalt  }
0x58: {  	_ =	shalt  }
0x59: {  	_ =	shalt  }
0x5a: {  	_ =	shalt  }
0x5b: {  	_ =	shalt  }
0x5c: {  	_ =	shalt  }
0x5d: {  	_ =	shalt  }
0x5e: {  	_ =	shalt  }
0x5f: {  	_ =	shalt  }
0x60: {  	_ =	shalt  }
0x61: {  	_ =	shalt  }
0x62: {  	_ =	shalt  }
0x63: {  	_ =	shalt  }
0x64: {  	_ =	shalt  }
0x65: {  	_ =	shalt  }
0x66: {  	_ =	shalt  }
0x67: {  	_ =	shalt  }
0x68: {  	_ =	shalt  }
0x69: {  	_ =	shalt  }
0x6a: {  	_ =	shalt  }
0x6b: {  	_ =	shalt  }
0x6c: {  	_ =	shalt  }
0x6d: {  	_ =	shalt  }
0x6e: {  	_ =	shalt  }
0x6f: {  	_ =	shalt  }
0x70: {  	_ =	shalt  }
0x71: {  	_ =	shalt  }
0x72: {  	_ =	shalt  }
0x73: {  	_ =	shalt  }
0x74: {  	_ =	shalt  }
0x75: {  	_ =	shalt  }
0x76: {  	_ =	shalt  }
0x77: {  	_ =	shalt  }
0x78: {  	_ =	shalt  }
0x79: {  	_ =	shalt  }
0x7a: {  	_ =	shalt  }
0x7b: {  	_ =	shalt  }
0x7c: {  	_ =	shalt  }
0x7d: {  	_ =	shalt  }
0x7e: {  	_ =	shalt  }
0x7f: {  	_ =	shalt  }
0x80: {  	_ =	shalt  }
0x81: {  	_ =	shalt  }
0x82: {  	_ =	shalt  }
0x83: {  	_ =	shalt  }
0x84: {  	_ =	shalt  }
0x85: {  	_ =	shalt  }
0x86: {  	_ =	shalt  }
0x87: {  	_ =	shalt  }
.Lfunc_end0:
.L_simem_size_0:
called_computation_lowered:
.L_overlay_start_0:
0x88: {  	s2 =	sld [smem:$0x3FD9]  }
0x89: {  	s3 =	sld [smem:$0x3FFE];
	_ =	sdelay $0x1  }
0x8a: {  	s1 =	srdreg.scid  }
0x8b: {  	s0 =	sand.u32 $0x1, s1  }
0x8c: {  	s17 =	sshll.u32 s0, $0xA;
	s2 =	sadd.s32 s3, s2  }
0x8d: {  	s2 =	sadd.s32 s2, s17  }
0x8e: {  	[smem:$0x3FC2] =	sst s2  }
0x8f: {  	_ = 	snop  }
0x90: {  	s2 =	sld [smem:$0x3FD0];
	(tm) =	ssettm $0x1  }
0x91: {  	s18 =	sld [smem:$0x3FFB];
	_ =	sdelay $0x3  }
0x92: {  	_ =	strace s18  }
0x93: {  	s3 =	sld [smem:$0x3FFC];
	_ =	sdelay $0x3  }
0x94: {  	_ =	strace s3  }
0x95: {  	s3 =	sld [smem:$0x3FFD];
	_ =	sdelay $0x3  }
0x96: {  	_ =	strace s3  }
0x97: {  	_ =	strace $0x8FFFFFFF  }
0x98: {  	s19 =	sld [smem:$0x3FDB];
	_ =	sdelay $0x1  }
0x99: {  	s4 =	simm.s32 $_scs_section_size  }
0x9a: {  	s5 =	simm.s32 $_size__tile_overlayer_lowered;
	s6 =	simm.s32 $_tile_overlayer_lowered  }
0x9b: {  	s22 =	simm.s32 $0x1BFF;
	s21 =	sshll.u32 s6, $0x1;
	s3 =	sadd.s32 s4, s19  }
0x9c: {  	s7 =	simm.s32 $0x0;
	s20 =	sshll.u32 s5, $0x1;
	s5 =	sadd.s32 s21, s3  }
0x9d: {  	[timem:s7], [sflag:s22] =	dma.local [hbm:s5], s20  }
0x9e: {  	_ =	swait.ge [sflag:s22], s20  }
0x9f: {  	s4 =	ssub.s32 $0x0, s20;
	[sflag:s22] =	ssyncset.done $0x0  }
0xa0: {  	[sflag:s22] =	ssyncadd.s32 s4;
	_ =	sdelay $0x1  }
0xa1: {  	s23 =	simm.s32 $0x1B8B  }
0xa2: {  	_ =	swait.ge [sflag:s23], $0x1  }
0xa3: {  	[sflag:s23] =	ssyncset.done $0x0  }
0xa4: {  	s25 =	simm.s32 $0x1B8E;
	s24 =	sld [smem:$0x3FFE];
	[sflag:s23] =	ssyncadd.s32 $0xFFFFFFFF  }
0xa5: {  	s26 =	simm.s32 $execute0_lowered;
	[smem:$0x3FD2] =	sst s25  }
0xa6: {  	s5 =	sshll.u32 s26, $0x1;
	_ =	strace $0x80000046;
	[dreg:$0x1] =	wrdreg $0xFFFFFFFF  }
0xa7: {  	s28 =	simm.s32 $_size_execute0_lowered;
	s3 =	sadd.s32 s3, s5;
	[dreg:$0x0] =	wrdreg $0x0  }
0xa8: {  	s5 =	sshll.u32 s28, $0x1;
	[dreg:$0x2] =	wrdreg s3  }
0xa9: {  	[dreg:$0x3] =	wrdreg s5  }
0xaa: {  	[dreg:$0x4] =	wrdreg $0xC0  }
0xab: {  	_ =	task [dreg:s7], $0x5FFFF  }
0xac: {  	[dreg:$0x1] =	wrdreg $0xFFFFFFFF  }
0xad: {  	[dreg:$0x0] =	wrdreg $0x60  }
0xae: {  	[dreg:$0x2] =	wrdreg s24  }
0xaf: {  	[dreg:$0x3] =	wrdreg s2  }
0xb0: {  	[dreg:$0x4] =	wrdreg $0x53000  }
0xb1: {  	[dreg:$0x5] =	wrdreg $0x55800  }
0xb2: {  	[dreg:$0x6] =	wrdreg $0x9  }
0xb3: {  	_ =	task.clear_ibuf [dreg:s7], $0x7FFFF;
	_ =	strace $0x90000046  }
0xb4: {  	s29 =	simm.s32 $0x9;
	_ =	strace $0x80000048  }
0xb5: {  	_ =	swait.ge [sflag:s29], $0x1  }
0xb6: {  	[sflag:s29] =	ssyncadd.s32 $0xFFFFFFFF  }
0xb7: {  	_ =	strace $0x90000048  }
0xb8: {  	_ =	sfence  }
0xb9: {  	s30 =	sld [smem:$0x0];
	_ =	sdelay $0x2  }
0xba: {  	s31 =	sshll.u32 s1, $0xD;
	s1 =	sshrl.u32 s1, $0x2  }
0xbb: {  	s3 =	sand.u32 $0x4000, s31;
	s1 =	sadd.s32 s1, s30  }
0xbc: {  	s0 =	sor.u32 s3, s0;
	s1 =	sshll.u32 s1, $0x11  }
0xbd: {  	s0 =	sor.u32 s1, s0  }
0xbe: {  	s0 =	sadd.s32 $0x8F2B, s0  }
0xbf: {  	[sflag:s0] =	ssyncadd.remote.s32 $0x1  }
0xc0: {  	_ =	sfence.sel $0xFFFF  }
0xc1: {  	[dreg:$0x0] =	wrdreg $0xFFFFFFFF;
	(pc) =	sbr.abs _section_cstart, $3  }
0xc2: {  	[dreg:$0x1] =	wrdreg $0xFFFFFFFF  }
0xc3: {  	_ =	task.clear_ibuf [dreg:s7], $0x2FFFF;
	_ =	strace $0x9FFFFFFF  }
0xc4: {  	(tm) =	ssettm $0x7FFFFFFF  }
0xc5: {  	_ =	shalt  }
tec
execute0_lowered:
.L_overlay_start_1:
0x0: {  	(tag) =	ssettag $0x1  }
0x1: {  	s5 =	rddreg [dreg:$0x0]  }
0x2: {  	s6 =	rddreg [dreg:$0x1]  }
0x3: {  	s0 =	srdreg.scid;
	s2 =	rddreg [dreg:$0x2]  }
0x4: {  	s3 =	rddreg [dreg:$0x3];
	s4 =	simm.s32 $0x0;
	s15 =	simm.s32 $0x1  }
0x5: {  	s16 =	simm.s32 $0x80;
	s17 =	simm.s32 $0x5000;
	s20 =	simm.s32 $0x40  }
0x6: {  	s21 =	simm.s32 $0x10;
	s22 =	simm.s32 $0x0;
	s7 =	sand.u32 $0x1, s0  }
0x7: {  	s0 =	stileid.u32;
	[smem:$0x7FF] =	sst s4;
	s1 =	sshll.u32 s7, $0x4  }
0x8: {  	s9 =	smul.u32 $0xA00, s0;
	s10 =	sshll.u32 s7, $0x8;
	s7 =	ssub.s32 $0x2, s7  }
0x9: {  	s12 =	smul.u32 $0x280, s0;
	s18 =	sshll.u32 s0, $0x6;
	s8 =	sor.u32 s0, s1  }
0xa: {  	s1 =	rddreg [dreg:$0x4];
	_ =	strace $0x80000047;
	s31 =	sshrl.u32 s7, $0x1  }
0xb: {  	s18 =	sor.u32 $0x1C02, s18;
	s8 =	smul.u32 $0x500, s8;
	s9 =	sor.u32 s10, s9  }
0xc: {  	s14 =	ssub.s32 s7, s31;
	s7 =	sadd.s32 s12, s2;
	s9 =	sshrl.u32 s9, $0x3  }
0xd: {  	s19 =	sshrl.u32 s7, $0x3;
	s11 =	sadd.s32 s8, s5;
	s13 =	sadd.s32 s9, s5  }
0xe: {  	s6 =	sadd.s32 s6, s8;
	s8 =	sadd.s32 s12, s3;
	s12 =	simm.s32 $0x2800  }
0xf: {  	s5 =	sadd.s32 $0x1C00, s11;
	s9 =	sadd.s32 $0xBC00, s13;
	s10 =	sadd.s32 $0xBC10, s13  }
0x10: {  	v0 =	vimm.f32 $1.000000000e+00;
	v1 =	vimm.f32 $0.0e+00;
	s11 =	smax.u32 s14, $0x1;
	s13 =	simm.s32 $0x5080;
	s14 =	simm.s32 $0x2  }
.LBB2_1:
0x11: {  	[tilespmem:s4], [sflag:$0x1] =	stream.linear.gather [hbm4b:s5+s4], $0x2800, $0x38;
	[tilespmem:$0x5800] =	vst v63  }
0x12: {  	_ = 	snop  }
0x13: {  	[tilespmem:s12], [sflag:$0x1] =	stream.linear.gather [hbm4b:s6+s4], $0x2800, $0x38;
	[tilespmem:$0x5800] =	vst v63  }
0x14: {  	[tilespmem:$0x5000] =	vst v0  }
0x15: {  	[tilespmem:$0x5010] =	vst v0  }
0x16: {  	[tilespmem:$0x5020] =	vst v0  }
0x17: {  	[tilespmem:$0x5030] =	vst v0  }
0x18: {  	[tilespmem:$0x5040] =	vst v0  }
0x19: {  	[tilespmem:$0x5050] =	vst v0  }
0x1a: {  	[tilespmem:$0x5060] =	vst v0  }
0x1b: {  	[tilespmem:$0x5070] =	vst v0  }
0x1c: {  	[tilespmem:$0x5080] =	vst v1  }
0x1d: {  	[tilespmem:$0x5090] =	vst v1  }
0x1e: {  	[tilespmem:$0x50A0] =	vst v1  }
0x1f: {  	[tilespmem:$0x50B0] =	vst v1  }
0x20: {  	[tilespmem:$0x50C0] =	vst v1  }
0x21: {  	[tilespmem:$0x50D0] =	vst v1  }
0x22: {  	[tilespmem:$0x50E0] =	vst v1  }
0x23: {  	[tilespmem:$0x50F0] =	vst v1  }
0x24: {  	[tilespmem:$0x5100] =	vst v1  }
0x25: {  	[tilespmem:$0x5110] =	vst v1  }
0x26: {  	[tilespmem:$0x5120] =	vst v1  }
0x27: {  	[tilespmem:$0x5130] =	vst v1  }
0x28: {  	[tilespmem:$0x5140] =	vst v1  }
0x29: {  	[tilespmem:$0x5150] =	vst v1  }
0x2a: {  	[tilespmem:$0x5160] =	vst v1  }
0x2b: {  	[tilespmem:$0x5170] =	vst v1  }
0x2c: {  	[tilespmem:$0x5180] =	vst v1  }
0x2d: {  	[tilespmem:$0x5190] =	vst v1  }
0x2e: {  	[tilespmem:$0x51A0] =	vst v1  }
0x2f: {  	[tilespmem:$0x51B0] =	vst v1  }
0x30: {  	[tilespmem:$0x51C0] =	vst v1  }
0x31: {  	[tilespmem:$0x51D0] =	vst v1  }
0x32: {  	[tilespmem:$0x51E0] =	vst v1  }
0x33: {  	[tilespmem:$0x51F0] =	vst v1  }
0x34: {  	[tilespmem:$0x5200] =	vst v1  }
0x35: {  	[tilespmem:$0x5210] =	vst v1  }
0x36: {  	[tilespmem:$0x5220] =	vst v1  }
0x37: {  	[tilespmem:$0x5230] =	vst v1  }
0x38: {  	[tilespmem:$0x5240] =	vst v1  }
0x39: {  	[tilespmem:$0x5250] =	vst v1  }
0x3a: {  	[tilespmem:$0x5260] =	vst v1  }
0x3b: {  	[tilespmem:$0x5270] =	vst v1  }
0x3c: {  	[tilespmem:$0x5280] =	vst v1  }
0x3d: {  	[tilespmem:$0x5290] =	vst v1  }
0x3e: {  	[tilespmem:$0x52A0] =	vst v1  }
0x3f: {  	[tilespmem:$0x52B0] =	vst v1  }
0x40: {  	[tilespmem:$0x52C0] =	vst v1  }
0x41: {  	[tilespmem:$0x52D0] =	vst v1  }
0x42: {  	[tilespmem:$0x52E0] =	vst v1  }
0x43: {  	[tilespmem:$0x52F0] =	vst v1  }
0x44: {  	[spmem:s7] =	stream.linear.scatter [tilespmem:s13], [sflag:$0x2], $0x280, $0x38;
	[tilespmem:$0x5800] =	vst v63  }
0x45: {  	_ =	swait.ge [sflag:s14], $0x280  }
0x46: {  	[sflag:s14] =	ssyncset.done $0x0  }
0x47: {  	[sflag:s14] =	ssyncadd.s32 $0xFFFFFD80  }
0x48: {  	[spmem:s8] =	stream.linear.scatter [tilespmem:s13], [sflag:$0x2], $0x280, $0x38;
	[tilespmem:$0x5800] =	vst v63  }
0x49: {  	_ =	swait.ge [sflag:s14], $0x280  }
0x4a: {  	[sflag:s14] =	ssyncset.done $0x0  }
0x4b: {  	[sflag:s14] =	ssyncadd.s32 $0xFFFFFD80  }
0x4c: {  	_ =	swait.ge [sflag:s15], $0x2800  }
0x4d: {  	[sflag:s15] =	ssyncset.done $0x0  }
0x4e: {  	[sflag:s15] =	ssyncadd.s32 $0xFFFFD800  }
0x4f: {  	_ =	swait.ge [sflag:s15], $0x2800  }
0x50: {  	[sflag:s15] =	ssyncset.done $0x0  }
0x51: {  	[sflag:s15] =	ssyncadd.s32 $0xFFFFD800  }
0x52: {  	s23 =	simm.s32 $0x0;
	[bflag:$0x0] =	sbarrier.arrive $0xFFFF  }
0x53: {  	[spmem:s2] =	stream.indirect.scatter.add.f32 [tilespmem:s17], [sflag:$0x1], $0x1, s23, s16, $0xb8;
	[tilespmem:$0x5800] =	vst v63  }
0x54: {  	s24 =	simm.s32 $0x2800;
	s23 =	simm.s32 $0x200  }
.LBB2_2:
0x55: {  	[spmem:s3] =	stream.indirect.scatter.add.f32 [tilespmem:s17], [sflag:$0x1], $0x1, s24, s16, $0xb8;
	[tilespmem:$0x5800] =	vst v63  }
0x56: {  	s24 =	smov.u32 s23;
	p0 =	sne.s32 s23, $0x9E00  }
.Ltmp0:
0x57: {  	s23 =	sadd.s32 $0x200, s23;
	(pc) =	sbr.rel @p0 .LBB2_2-.Ltmp0, $4  }
0x58: {  	_ = 	snop  }
0x59: {  	s24 =	sshra.s32 s24, $0x2  }
0x5a: {  	[spmem:s2] =	stream.indirect.scatter.add.f32 [tilespmem:s17], [sflag:$0x1], $0x1, s24, s16, $0xb8;
	[tilespmem:$0x5800] =	vst v63  }
0x5b: {  	s24 =	sadd.s32 $0x2800, s24  }
0x5c: {  	[spmem:s3] =	stream.indirect.scatter.add.f32 [tilespmem:s17], [sflag:$0x1], $0x1, s24, s16, $0xb8;
	[tilespmem:$0x5800] =	vst v63  }
0x5d: {  	_ =	swait.ge [sflag:s15], $0x80  }
0x5e: {  	[sflag:s15] =	ssyncset.done $0x0  }
0x5f: {  	[sflag:s15] =	ssyncadd.s32 $0xFFFFFF80  }
0x60: {  	_ =	swait.ge [sflag:s15], $0x80  }
0x61: {  	s23 =	simm.s32 $0x4F;
	[sflag:s15] =	ssyncset.done $0x0  }
.LBB2_4:
0x62: {  	p0 =	sne.s32 s23, $0x1;
	s23 =	sadd.s32 $0xFFFFFFFF, s23;
	[sflag:s15] =	ssyncadd.s32 $0xFFFFFF80  }
.Ltmp1:
0x63: {  	_ =	swait.ge [sflag:s15], $0x80;
	(pc) =	sbr.rel @p0 .LBB2_4-.Ltmp1, $4  }
0x64: {  	[sflag:s15] =	ssyncset.done $0x0  }
0x65: {  	[sflag:s15] =	ssyncadd.s32 $0xFFFFFF80  }
0x66: {  	_ =	swait.ge [sflag:s15], $0x80  }
0x67: {  	[sflag:s15] =	ssyncset.done $0x0  }
0x68: {  	[sflag:s15] =	ssyncadd.s32 $0xFFFFFF80  }
0x69: {  	[bflag:$0x0] =	sbarrier.arrive $0xFFFF  }
0x6a: {  	[hbm:s9@s20], [sflag:s18] =	dma.strided [spmem:s19@s21], $0x50, s15, $0x10   }
0x6b: {  	s22 =	sadd.s32 $0x1, s22;
	_ =	swait.ge [sflag:s14], $0x50  }
0x6c: {  	p0 =	sne.s32 s22, s11;
	[sflag:s14] =	ssyncset.done $0x0  }
.Ltmp2:
0x6d: {  	s23 =	sshrl.u32 s8, $0x3;
	[sflag:s14] =	ssyncadd.s32 $0xFFFFFFB0;
	(pc) =	sbr.rel @p0 .LBB2_1-.Ltmp2, $4  }
0x6e: {  	[hbm:s10@s20], [sflag:s18] =	dma.strided [spmem:s23@s21], $0x50, s15, $0x10   }
0x6f: {  	_ =	swait.ge [sflag:s14], $0x50  }
0x70: {  	[sflag:s14] =	ssyncset.done $0x0  }
0x71: {  	[sflag:s14] =	ssyncadd.s32 $0xFFFFFFB0  }
0x72: {  	_ =	sfence.sel $0x180000  }
0x73: {  	[bflag:$0x0] =	sbarrier.arrive $0xFFFF  }
0x74: {  	p0 =	sne.s32 s0, $0x0;
	_ =	strace $0x90000047  }
0x75: {  	s0 =	sadd.s32 @!p0 $0x100000, s1;
	[bflag:$0x2] =	sbarrier.arrive $0xFFFF  }
0x76: {  	[sflag:s0] =	ssyncadd.tile.s32 @!p0 $0x1;
	_ =	shalt  }
.Lfunc_end2:
_tile_overlayer_lowered:
.L_overlay_start_2:
0x77: {  	(tag) =	ssettag $0x2  }
0x78: {  	s0 =	rddreg [dreg:$0x0];
	s2 =	stileid.u32  }
0x79: {  	s1 =	rddreg [dreg:$0x1];
	p0 =	sne.s32 s2, $0x0  }
0x7a: {  	s3 =	rddreg [dreg:$0x2];
	[bflag:$0x3] =	sbarrier.arrive $0xFFFF;
	s2 =	simm.s32 @!p0 $0x1C02  }
0x7b: {  	[timem:s3], [sflag:s2] =	dma.local @!p0 [hbm:s0], s1  }
0x7c: {  	s0 =	simm.s32 @!p0 $0x2  }
0x7d: {  	_ =	swait.ge @!p0 [sflag:s0], s1  }
0x7e: {  	s1 =	ssub.s32 @!p0 $0x0, s1;
	[sflag:s0] =	ssyncset.done @!p0 $0x0  }
0x7f: {  	[sflag:s0] =	ssyncadd.s32 @!p0 s1  }
0x80: {  	[bflag:$0x3] =	sbarrier.arrive $0xFFFF  }
0x81: {  	_ =	shalt  }

// kernel: kernel.9.cloned.1.call-start
scs
__scs_entry_jumppad:
0x0: {  	(pc) =	sbr.rel $0x88, $3  }
0x1: {  	(tag) =	ssettag $0x0;
	lr =	simm.s32 $0x1  }
0x2: {  	[smem:$0x3F9B] =	sst lr;
	_ =	strace $0xD0000000  }
0x3: {  	_ = 	snop  }
0x4: {  	_ = 	snop  }
0x5: {  	_ = 	snop  }
0x6: {  	_ = 	snop  }
0x7: {  	_ = 	snop  }
__scs_overlays_trampoline_lowered:
0x8: {  	[smem:$0x3FAA] =	sst s0  }
0x9: {  	[smem:$0x3FAB] =	sst s1  }
0xa: {  	[smem:$0x3FAC] =	sst s2  }
0xb: {  	[smem:$0x3FAD] =	sst s3  }
0xc: {  	[smem:$0x3FAE] =	sst s4  }
0xd: {  	[smem:$0x3FAF] =	sst s5  }
0xe: {  	[smem:$0x3FB0] =	sst s6  }
0xf: {  	[smem:$0x3FB1] =	sst s7  }
0x10: {  	[smem:$0x3FB2] =	sst s8  }
0x11: {  	[smem:$0x3FB3] =	sst s9;
	s0 =	simm.s32 @!p0 $0x0  }
0x12: {  	s1 =	sld [smem:$0x3F99];
	s0 =	simm.s32 @p0 $0x1  }
0x13: {  	[smem:$0x3FB4] =	sst s0;
	s0 =	simm.s32 @!p1 $0x0  }
0x14: {  	s2 =	sld [smem:$0x3F98];
	s0 =	simm.s32 @p1 $0x1  }
0x15: {  	[smem:$0x3FB5] =	sst s0;
	s0 =	simm.s32 @!p2 $0x0  }
0x16: {  	s3 =	sld [smem:$0x3FDB];
	s0 =	simm.s32 @p2 $0x1  }
0x17: {  	s4 =	simm.s32 $0x1BF5;
	[smem:$0x3FB7] =	sst s0  }
0x18: {  	s0 =	sld [smem:$0x3F9A];
	_ =	swait.ge [sflag:s4], $0x0  }
0x19: {  	s7 =	sld [smem:$0x3F9B]  }
0x1a: {  	s8 =	sadd.s32 $0xFFFFE003, lr  }
0x1b: {  	s9 =	sadd.s32 $0xFFFFFEF7, lr;
	s5 =	simm.s32 $0xFFFFFFFF;
	p2 =	slt.u32 s8, $0xFFFFF086  }
0x1c: {  	p1 =	slt.u32 s9, $0xF7A;
	s5 =	simm.s32 @!p2 $0x0  }
0x1d: {  	s5 =	simm.s32 @p1 $0x1;
	p0 =	seq.s32 s7, s2  }
0x1e: {  	s7 =	smul.u32 @!p0 $0xF7A, s2;
	p2 =	seq.s32 @!p0 s5, $0x0  }
0x1f: {  	s9 =	smul.u32 $0xF7A, s1;
	s8 =	simm.s32 @!p0 $0x1BF5;
	p2 =	por !p2, p0  }
0x20: {  	[sflag:s8] =	ssyncset.s32 @!p0 $0xFFFFF086;
	s6 =	sadd.s32 @!p0 s3, s7;
	s7 =	simm.s32 @!p0 $0x108  }
0x21: {  	s3 =	sadd.s32 s3, s9;
	s6 =	sadd.s32 @!p0 $0x88, s6;
	s7 =	simm.s32 @p2 $0x1082  }
0x22: {  	[simem:s7], [sflag:s8] =	dma.local @!p0 [hbm:s6], $0xF7A  }
0x23: {  	s9 =	sor.u32 $0xD0000000, s2;
	s6 =	simm.s32 $0x108;
	_ =	swait.ge @!p0 [sflag:s8], $0x0  }
0x24: {  	s3 =	sadd.s32 $0x88, s3;
	s6 =	simm.s32 @!p1 $0x1082;
	[sflag:s4] =	ssyncset.s32 $0xFFFFF086  }
0x25: {  	[simem:s6], [sflag:s4] =	dma.local [hbm:s3], $0xF7A  }
0x26: {  	[smem:$0x3F9B] =	sst s1;
	(tag) =	ssettag s2;
	_ =	strace s9  }
0x27: {  	s1 =	sld [smem:$0x3FAB]  }
0x28: {  	s2 =	sld [smem:$0x3FAC]  }
0x29: {  	s4 =	sld [smem:$0x3FAE]  }
0x2a: {  	p0 =	seq.s32 s5, $0x0;
	s5 =	sld [smem:$0x3FAF]  }
0x2b: {  	s6 =	sld [smem:$0x3FB0]  }
0x2c: {  	s7 =	sld [smem:$0x3FB1]  }
0x2d: {  	s3 =	simm.s32 $0x108;
	s8 =	sld [smem:$0x3FB2]  }
0x2e: {  	s3 =	simm.s32 @!p0 $0x1082;
	s9 =	sld [smem:$0x3FB3]  }
0x2f: {  	lr =	sadd.s32 s0, s3;
	s0 =	sld [smem:$0x3FAA]  }
0x30: {  	s3 =	sld [smem:$0x3FAD]  }
0x31: {  	[smem:$0x3FB6] =	sst s10  }
0x32: {  	s10 =	sld [smem:$0x3FB4];
	_ =	sdelay $0x3  }
0x33: {  	p0 =	seq.s32 s10, $0x1;
	s10 =	sld [smem:$0x3FB6];
	_ =	sdelay $0x3  }
0x34: {  	[smem:$0x3FB6] =	sst s10  }
0x35: {  	s10 =	sld [smem:$0x3FB5];
	_ =	sdelay $0x3  }
0x36: {  	p1 =	seq.s32 s10, $0x1;
	s10 =	sld [smem:$0x3FB6];
	_ =	sdelay $0x3  }
0x37: {  	[smem:$0x3FB6] =	sst s10  }
0x38: {  	s10 =	sld [smem:$0x3FB7]  }
0x39: {  	_ = 	snop;
	(pc) =	sbr.ind lr, $3  }
0x3a: {  	_ = 	snop  }
0x3b: {  	_ = 	snop  }
0x3c: {  	p2 =	seq.s32 s10, $0x1;
	s10 =	sld [smem:$0x3FB6]  }
0x3d: {  	_ =	shalt  }
0x3e: {  	_ =	shalt  }
0x3f: {  	_ =	shalt  }
0x40: {  	_ =	shalt  }
0x41: {  	_ =	shalt  }
0x42: {  	_ =	shalt  }
0x43: {  	_ =	shalt  }
0x44: {  	_ =	shalt  }
0x45: {  	_ =	shalt  }
0x46: {  	_ =	shalt  }
0x47: {  	_ =	shalt  }
0x48: {  	_ =	shalt  }
0x49: {  	_ =	shalt  }
0x4a: {  	_ =	shalt  }
0x4b: {  	_ =	shalt  }
0x4c: {  	_ =	shalt  }
0x4d: {  	_ =	shalt  }
0x4e: {  	_ =	shalt  }
0x4f: {  	_ =	shalt  }
0x50: {  	_ =	shalt  }
0x51: {  	_ =	shalt  }
0x52: {  	_ =	shalt  }
0x53: {  	_ =	shalt  }
0x54: {  	_ =	shalt  }
0x55: {  	_ =	shalt  }
0x56: {  	_ =	shalt  }
0x57: {  	_ =	shalt  }
0x58: {  	_ =	shalt  }
0x59: {  	_ =	shalt  }
0x5a: {  	_ =	shalt  }
0x5b: {  	_ =	shalt  }
0x5c: {  	_ =	shalt  }
0x5d: {  	_ =	shalt  }
0x5e: {  	_ =	shalt  }
0x5f: {  	_ =	shalt  }
0x60: {  	_ =	shalt  }
0x61: {  	_ =	shalt  }
0x62: {  	_ =	shalt  }
0x63: {  	_ =	shalt  }
0x64: {  	_ =	shalt  }
0x65: {  	_ =	shalt  }
0x66: {  	_ =	shalt  }
0x67: {  	_ =	shalt  }
0x68: {  	_ =	shalt  }
0x69: {  	_ =	shalt  }
0x6a: {  	_ =	shalt  }
0x6b: {  	_ =	shalt  }
0x6c: {  	_ =	shalt  }
0x6d: {  	_ =	shalt  }
0x6e: {  	_ =	shalt  }
0x6f: {  	_ =	shalt  }
0x70: {  	_ =	shalt  }
0x71: {  	_ =	shalt  }
0x72: {  	_ =	shalt  }
0x73: {  	_ =	shalt  }
0x74: {  	_ =	shalt  }
0x75: {  	_ =	shalt  }
0x76: {  	_ =	shalt  }
0x77: {  	_ =	shalt  }
0x78: {  	_ =	shalt  }
0x79: {  	_ =	shalt  }
0x7a: {  	_ =	shalt  }
0x7b: {  	_ =	shalt  }
0x7c: {  	_ =	shalt  }
0x7d: {  	_ =	shalt  }
0x7e: {  	_ =	shalt  }
0x7f: {  	_ =	shalt  }
0x80: {  	_ =	shalt  }
0x81: {  	_ =	shalt  }
0x82: {  	_ =	shalt  }
0x83: {  	_ =	shalt  }
0x84: {  	_ =	shalt  }
0x85: {  	_ =	shalt  }
0x86: {  	_ =	shalt  }
0x87: {  	_ =	shalt  }
.Lfunc_end0:
.L_simem_size_0:
called_computation.1_lowered:
.L_overlay_start_0:
0x88: {  	s2 =	sld [smem:$0x3FD9]  }
0x89: {  	s3 =	sld [smem:$0x3FFE];
	_ =	sdelay $0x1  }
0x8a: {  	s1 =	srdreg.scid  }
0x8b: {  	s0 =	sand.u32 $0x1, s1  }
0x8c: {  	s16 =	sshll.u32 s0, $0xA;
	s2 =	sadd.s32 s3, s2  }
0x8d: {  	s2 =	sadd.s32 s2, s16  }
0x8e: {  	[smem:$0x3FC2] =	sst s2  }
0x8f: {  	_ = 	snop  }
0x90: {  	(tm) =	ssettm $0x1  }
0x91: {  	s17 =	sld [smem:$0x3FFB];
	_ =	sdelay $0x3  }
0x92: {  	_ =	strace s17  }
0x93: {  	s2 =	sld [smem:$0x3FFC];
	_ =	sdelay $0x3  }
0x94: {  	_ =	strace s2  }
0x95: {  	s2 =	sld [smem:$0x3FFD];
	_ =	sdelay $0x3  }
0x96: {  	_ =	strace s2  }
0x97: {  	_ =	strace $0x8FFFFFFF  }
0x98: {  	s18 =	sld [smem:$0x3FDB];
	_ =	sdelay $0x1  }
0x99: {  	s19 =	simm.s32 $_scs_section_size  }
0x9a: {  	s4 =	simm.s32 $_size__tile_overlayer_lowered;
	s5 =	simm.s32 $_tile_overlayer_lowered  }
0x9b: {  	s22 =	simm.s32 $0x1BFF;
	s21 =	sshll.u32 s5, $0x1;
	s2 =	sadd.s32 s19, s18  }
0x9c: {  	s6 =	simm.s32 $0x0;
	s20 =	sshll.u32 s4, $0x1;
	s4 =	sadd.s32 s21, s2  }
0x9d: {  	[timem:s6], [sflag:s22] =	dma.local [hbm:s4], s20  }
0x9e: {  	_ =	swait.ge [sflag:s22], s20  }
0x9f: {  	s3 =	ssub.s32 $0x0, s20;
	[sflag:s22] =	ssyncset.done $0x0  }
0xa0: {  	[sflag:s22] =	ssyncadd.s32 s3;
	_ =	sdelay $0x1  }
0xa1: {  	s23 =	simm.s32 $0x1B8B  }
0xa2: {  	_ =	swait.ge [sflag:s23], $0x1  }
0xa3: {  	[sflag:s23] =	ssyncset.done $0x0  }
0xa4: {  	s25 =	simm.s32 $0x1B8E;
	s24 =	sld [smem:$0x3FFE];
	[sflag:s23] =	ssyncadd.s32 $0xFFFFFFFF  }
0xa5: {  	s26 =	simm.s32 $execute0_lowered;
	[smem:$0x3FD2] =	sst s25  }
0xa6: {  	s4 =	sshll.u32 s26, $0x1;
	_ =	strace $0x80000049;
	[dreg:$0x1] =	wrdreg $0xFFFFFFFF  }
0xa7: {  	s28 =	simm.s32 $_size_execute0_lowered;
	s2 =	sadd.s32 s2, s4;
	[dreg:$0x0] =	wrdreg $0x0  }
0xa8: {  	s4 =	sshll.u32 s28, $0x1;
	[dreg:$0x2] =	wrdreg s2  }
0xa9: {  	[dreg:$0x3] =	wrdreg s4  }
0xaa: {  	[dreg:$0x4] =	wrdreg $0xC0  }
0xab: {  	_ =	task [dreg:s6], $0x5FFFF  }
0xac: {  	[dreg:$0x1] =	wrdreg $0xFFFFFFFF  }
0xad: {  	[dreg:$0x0] =	wrdreg $0x60  }
0xae: {  	[dreg:$0x2] =	wrdreg s24  }
0xaf: {  	[dreg:$0x3] =	wrdreg $0xA0000  }
0xb0: {  	[dreg:$0x4] =	wrdreg $0x9  }
0xb1: {  	_ =	task.clear_ibuf [dreg:s6], $0x5FFFF;
	_ =	strace $0x90000049  }
0xb2: {  	s29 =	simm.s32 $0x9;
	_ =	strace $0x8000004E  }
0xb3: {  	_ =	swait.ge [sflag:s29], $0x1  }
0xb4: {  	[sflag:s29] =	ssyncadd.s32 $0xFFFFFFFF  }
0xb5: {  	_ =	strace $0x9000004E  }
0xb6: {  	_ =	sfence  }
0xb7: {  	s30 =	sld [smem:$0x0];
	_ =	sdelay $0x2  }
0xb8: {  	s31 =	sshll.u32 s1, $0xD;
	s1 =	sshrl.u32 s1, $0x2  }
0xb9: {  	s3 =	sand.u32 $0x4000, s31;
	s1 =	sadd.s32 s1, s30  }
0xba: {  	s0 =	sor.u32 s3, s0;
	s1 =	sshll.u32 s1, $0x11  }
0xbb: {  	s0 =	sor.u32 s1, s0  }
0xbc: {  	s0 =	sadd.s32 $0x8F2B, s0  }
0xbd: {  	[sflag:s0] =	ssyncadd.remote.s32 $0x1  }
0xbe: {  	_ =	sfence.sel $0xFFFF  }
0xbf: {  	[dreg:$0x0] =	wrdreg $0xFFFFFFFF;
	(pc) =	sbr.abs _section_cstart, $3  }
0xc0: {  	[dreg:$0x1] =	wrdreg $0xFFFFFFFF  }
0xc1: {  	_ =	task.clear_ibuf [dreg:s6], $0x2FFFF;
	_ =	strace $0x9FFFFFFF  }
0xc2: {  	(tm) =	ssettm $0x7FFFFFFF  }
0xc3: {  	_ =	shalt  }
tec
execute0_lowered:
.L_overlay_start_1:
0x0: {  	(tag) =	ssettag $0x1  }
0x1: {  	s0 =	rddreg [dreg:$0x0]  }
0x2: {  	s1 =	rddreg [dreg:$0x1];
	s9 =	stileid.u32  }
0x3: {  	s2 =	srdreg.scid;
	s4 =	simm.s32 $0x0;
	s5 =	smul.u32 $0x2800, s9  }
0x4: {  	s2 =	sand.u32 $0x1, s2;
	[smem:$0x7FF] =	sst s4;
	s29 =	smul.u32 $0x50000, s9  }
0x5: {  	s4 =	sadd.s32 $0x5D000, s0;
	s6 =	sadd.s32 $0x35000, s0;
	s9 =	smul.u32 $0x1400, s9  }
0x6: {  	s7 =	sadd.s32 $0xD000, s0;
	s3 =	smul.u32 $0x28000, s2;
	s30 =	ssub.s32 $0x2, s2  }
0x7: {  	_ =	strace $0x8000004A;
	s8 =	sshrl.u32 s30, $0x1;
	s31 =	sadd.s32 s6, s9  }
0x8: {  	s3 =	sadd.s32 s5, s3;
	s5 =	sshrl.u32 s29, $0x2;
	[dreg:$0x4] =	wrdreg s31  }
0x9: {  	s0 =	sadd.s32 s3, s0;
	s12 =	sadd.s32 s5, s1;
	s5 =	sadd.s32 s7, s9  }
0xa: {  	s3 =	ssub.s32 s30, s8;
	s8 =	sadd.s32 $0x14000, s9;
	[dreg:$0x5] =	wrdreg s5  }
0xb: {  	s9 =	sadd.s32 s6, s8;
	[dreg:$0x3] =	wrdreg s12  }
0xc: {  	p0 =	seq.s32 s2, $0x1;
	s2 =	sadd.s32 s7, s8;
	[dreg:$0x6] =	wrdreg s9  }
0xd: {  	s0 =	sadd.s32 $0x85000, s0;
	[dreg:$0x7] =	wrdreg s2  }
0xe: {  	s10 =	smax.u32 s3, $0x1;
	[dreg:$0x8] =	wrdreg s0  }
0xf: {  	s11 =	sadd.s32 $0x1000, s12;
	[dreg:$0x9] =	wrdreg s10  }
0x10: {  	s13 =	sadd.s32 $0x2000, s12;
	[dreg:$0xa] =	wrdreg s11  }
0x11: {  	s14 =	sadd.s32 $0x3000, s12;
	[dreg:$0xb] =	wrdreg s13  }
0x12: {  	s15 =	sadd.s32 $0x4000, s12;
	[dreg:$0xc] =	wrdreg s14  }
0x13: {  	s16 =	sadd.s32 $0x5000, s12;
	[dreg:$0xd] =	wrdreg s15  }
0x14: {  	s17 =	sadd.s32 $0x6000, s12;
	[dreg:$0xe] =	wrdreg s16  }
0x15: {  	s18 =	sadd.s32 $0x7000, s12;
	[dreg:$0xf] =	wrdreg s17  }
0x16: {  	s19 =	sadd.s32 $0x8000, s12;
	[dreg:$0x10] =	wrdreg s18  }
0x17: {  	s20 =	sadd.s32 $0x9000, s12;
	[dreg:$0x11] =	wrdreg s19  }
0x18: {  	s21 =	sadd.s32 $0xA000, s12;
	[dreg:$0x12] =	wrdreg s20  }
0x19: {  	s22 =	sadd.s32 $0xB000, s12;
	[dreg:$0x13] =	wrdreg s21  }
0x1a: {  	s23 =	sadd.s32 $0xC000, s12;
	[dreg:$0x14] =	wrdreg s22  }
0x1b: {  	s24 =	sadd.s32 $0xD000, s12;
	[dreg:$0x15] =	wrdreg s23  }
0x1c: {  	s25 =	sadd.s32 $0xE000, s12;
	[dreg:$0x16] =	wrdreg s24  }
0x1d: {  	s26 =	sadd.s32 $0xF000, s12;
	[dreg:$0x17] =	wrdreg s25  }
0x1e: {  	s28 =	sadd.s32 $0x10000, s12;
	[dreg:$0x18] =	wrdreg s26  }
0x1f: {  	s29 =	sadd.s32 $0x11000, s12;
	[dreg:$0x19] =	wrdreg s28  }
.Ltmp0:
0x20: {  	s30 =	sadd.s32 $0x12000, s12;
	[dreg:$0x1a] =	wrdreg s29;
	(pc) =	sbr.rel .LBB2_1-.Ltmp0, $4  }
0x21: {  	s31 =	sadd.s32 $0x13000, s12;
	[dreg:$0x1b] =	wrdreg s30  }
0x22: {  	s3 =	simm.s32 $0x0;
	[dreg:$0x1c] =	wrdreg s31;
	s14 =	simm.s32 $0x12  }
0x23: {  	s10 =	simm.s32 $0x20;
	s13 =	simm.s32 $0x3000;
	s21 =	simm.s32 $0x4000  }
0x24: {  	v0 =	vimm.f32 $0.0e+00;
	s17 =	simm.s32 $0x5000;
	s0 =	simm.s32 $0x6000;
	s15 =	simm.s32 $0x7000  }
.LBB2_10:
0x25: {  	s2 =	simm.s32 $0x9  }
0x26: {  	_ =	swait.ge [sflag:s2], $0x1000  }
0x27: {  	[sflag:s2] =	ssyncset.done $0x0  }
0x28: {  	s22 =	simm.s32 $0xA;
	[sflag:s2] =	ssyncadd.s32 $0xFFFFF000  }
0x29: {  	_ =	swait.ge [sflag:s22], $0x1000  }
0x2a: {  	[sflag:s22] =	ssyncset.done $0x0  }
0x2b: {  	s23 =	simm.s32 $0xB;
	[sflag:s22] =	ssyncadd.s32 $0xFFFFF000  }
0x2c: {  	_ =	swait.ge [sflag:s23], $0x1000  }
0x2d: {  	[sflag:s23] =	ssyncset.done $0x0  }
0x2e: {  	s24 =	simm.s32 $0xC;
	[sflag:s23] =	ssyncadd.s32 $0xFFFFF000  }
0x2f: {  	_ =	swait.ge [sflag:s24], $0x1000  }
0x30: {  	[sflag:s24] =	ssyncset.done $0x0  }
0x31: {  	s25 =	simm.s32 $0xD;
	[sflag:s24] =	ssyncadd.s32 $0xFFFFF000  }
0x32: {  	_ =	swait.ge [sflag:s25], $0x1000  }
0x33: {  	[sflag:s25] =	ssyncset.done $0x0  }
0x34: {  	s26 =	simm.s32 $0xE;
	[sflag:s25] =	ssyncadd.s32 $0xFFFFF000  }
0x35: {  	_ =	swait.ge [sflag:s26], $0x1000  }
0x36: {  	[sflag:s26] =	ssyncset.done $0x0  }
0x37: {  	[sflag:s26] =	ssyncadd.s32 $0xFFFFF000  }
0x38: {  	_ =	swait.ge [sflag:s3], $0x1000  }
0x39: {  	[sflag:s3] =	ssyncset.done $0x0  }
0x3a: {  	s28 =	simm.s32 $0x10;
	[sflag:s3] =	ssyncadd.s32 $0xFFFFF000  }
0x3b: {  	_ =	swait.ge [sflag:s28], $0x1000  }
0x3c: {  	[sflag:s28] =	ssyncset.done $0x0  }
0x3d: {  	[sflag:s28] =	ssyncadd.s32 $0xFFFFF000  }
0x3e: {  	_ =	strace $0x9000004C  }
0x3f: {  	[bflag:$0x0] =	sbarrier.arrive $0xFFFF  }
0x40: {  	s29 =	stileid.u32;
	_ =	strace $0x8000004D  }
0x41: {  	s14 =	simm.s32 $0x12;
	s2 =	sshll.u32 s29, $0x6;
	s12 =	rddreg [dreg:$0x3]  }
0x42: {  	s2 =	sor.u32 $0x1C12, s2;
	s7 =	rddreg [dreg:$0x8];
	s6 =	sshrl.u32 s12, $0x3  }
0x43: {  	[hbm:s7], [sflag:s2] =	dma.local [spmem:s6], $0x2800  }
0x44: {  	_ =	swait.ge [sflag:s14], $0x2800  }
0x45: {  	s30 =	rddreg [dreg:$0x1d]  }
0x46: {  	s31 =	rddreg [dreg:$0x9];
	s3 =	sadd.s32 $0x1, s30  }
0x47: {  	p1 =	sne.s32 s3, s31  }
.Ltmp1:
0x48: {  	_ = 	snop;
	(pc) =	sbr.rel @!p1 .LBB2_11-.Ltmp1, $4  }
0x49: {  	_ = 	snop  }
0x4a: {  	[sflag:s14] =	ssyncset.done $0x0  }
0x4b: {  	[sflag:s14] =	ssyncadd.s32 $0xFFFFD800  }
0x4c: {  	_ =	strace $0x9000004D  }
.LBB2_1:
0x4d: {  	_ =	strace $0x8000004B;
	s6 =	simm.s32 $0x0;
	s7 =	simm.s32 $0x200  }
.LBB2_2:
0x4e: {  	p1 =	seq.s32 s7, $0x3E00;
	[tilespmem:s6+$0x2070] =	vst v0  }
0x4f: {  	[tilespmem:s6+$0x2000] =	vst v0  }
0x50: {  	[tilespmem:s6+$0x2010] =	vst v0  }
.Ltmp2:
0x51: {  	[tilespmem:s6+$0x2020] =	vst v0;
	(pc) =	sbr.rel @!p1 .LBB2_2-.Ltmp2, $4  }
0x52: {  	[tilespmem:s6+$0x2030] =	vst v0  }
0x53: {  	[tilespmem:s6+$0x2040] =	vst v0  }
0x54: {  	[tilespmem:s6+$0x2050] =	vst v0  }
0x55: {  	[tilespmem:s6+$0x2060] =	vst v0;
	s6 =	sshra.s32 s7, $0x2;
	s7 =	sadd.s32 $0x200, s7  }
0x56: {  	[tilespmem:s6+$0x2070] =	vst v0  }
0x57: {  	[tilespmem:s6+$0x2000] =	vst v0  }
0x58: {  	[tilespmem:s6+$0x2010] =	vst v0  }
0x59: {  	[tilespmem:s6+$0x2020] =	vst v0  }
0x5a: {  	[tilespmem:s6+$0x2030] =	vst v0  }
0x5b: {  	[tilespmem:s6+$0x2040] =	vst v0  }
0x5c: {  	[tilespmem:s6+$0x2050] =	vst v0  }
0x5d: {  	[tilespmem:s6+$0x2060] =	vst v0;
	[dreg:$0x1d] =	wrdreg s3;
	s7 =	simm.s32 $0x2000  }
0x5e: {  	[spmem:s12] =	stream.linear.scatter [tilespmem:s7], [sflag:$0x12], $0x1000, $0x200038;
	[tilespmem:$0x1E000] =	vst v63  }
0x5f: {  	_ =	swait.ge [sflag:s14], $0x1000  }
0x60: {  	[sflag:s14] =	ssyncset.done $0x0  }
0x61: {  	s2 =	rddreg [dreg:$0xa];
	[sflag:s14] =	ssyncadd.s32 $0xFFFFF000  }
0x62: {  	[spmem:s2] =	stream.linear.scatter [tilespmem:s7], [sflag:$0x12], $0x1000, $0x200038;
	[tilespmem:$0x1E000] =	vst v63  }
0x63: {  	_ =	swait.ge [sflag:s14], $0x1000  }
0x64: {  	[sflag:s14] =	ssyncset.done $0x0  }
0x65: {  	s5 =	rddreg [dreg:$0xb];
	[sflag:s14] =	ssyncadd.s32 $0xFFFFF000  }
0x66: {  	[spmem:s5] =	stream.linear.scatter [tilespmem:s7], [sflag:$0x12], $0x1000, $0x200038;
	[tilespmem:$0x1E000] =	vst v63  }
0x67: {  	_ =	swait.ge [sflag:s14], $0x1000  }
0x68: {  	[sflag:s14] =	ssyncset.done $0x0  }
0x69: {  	s6 =	rddreg [dreg:$0xc];
	[sflag:s14] =	ssyncadd.s32 $0xFFFFF000  }
0x6a: {  	[spmem:s6] =	stream.linear.scatter [tilespmem:s7], [sflag:$0x12], $0x1000, $0x200038;
	[tilespmem:$0x1E000] =	vst v63  }
0x6b: {  	_ =	swait.ge [sflag:s14], $0x1000  }
0x6c: {  	[sflag:s14] =	ssyncset.done $0x0  }
0x6d: {  	s8 =	rddreg [dreg:$0xd];
	[sflag:s14] =	ssyncadd.s32 $0xFFFFF000  }
0x6e: {  	[spmem:s8] =	stream.linear.scatter [tilespmem:s7], [sflag:$0x12], $0x1000, $0x200038;
	[tilespmem:$0x1E000] =	vst v63  }
0x6f: {  	_ =	swait.ge [sflag:s14], $0x1000  }
0x70: {  	[sflag:s14] =	ssyncset.done $0x0  }
0x71: {  	s9 =	rddreg [dreg:$0xe];
	[sflag:s14] =	ssyncadd.s32 $0xFFFFF000  }
0x72: {  	[spmem:s9] =	stream.linear.scatter [tilespmem:s7], [sflag:$0x12], $0x1000, $0x200038;
	[tilespmem:$0x1E000] =	vst v63  }
0x73: {  	_ =	swait.ge [sflag:s14], $0x1000  }
0x74: {  	[sflag:s14] =	ssyncset.done $0x0  }
0x75: {  	s11 =	rddreg [dreg:$0xf];
	[sflag:s14] =	ssyncadd.s32 $0xFFFFF000  }
0x76: {  	[spmem:s11] =	stream.linear.scatter [tilespmem:s7], [sflag:$0x12], $0x1000, $0x200038;
	[tilespmem:$0x1E000] =	vst v63  }
0x77: {  	_ =	swait.ge [sflag:s14], $0x1000  }
0x78: {  	[sflag:s14] =	ssyncset.done $0x0  }
0x79: {  	s12 =	rddreg [dreg:$0x10];
	[sflag:s14] =	ssyncadd.s32 $0xFFFFF000  }
0x7a: {  	[spmem:s12] =	stream.linear.scatter [tilespmem:s7], [sflag:$0x12], $0x1000, $0x200038;
	[tilespmem:$0x1E000] =	vst v63  }
0x7b: {  	_ =	swait.ge [sflag:s14], $0x1000  }
0x7c: {  	[sflag:s14] =	ssyncset.done $0x0  }
0x7d: {  	s16 =	rddreg [dreg:$0x11];
	[sflag:s14] =	ssyncadd.s32 $0xFFFFF000  }
0x7e: {  	[spmem:s16] =	stream.linear.scatter [tilespmem:s7], [sflag:$0x12], $0x1000, $0x200038;
	[tilespmem:$0x1E000] =	vst v63  }
0x7f: {  	_ =	swait.ge [sflag:s14], $0x1000  }
0x80: {  	[sflag:s14] =	ssyncset.done $0x0  }
0x81: {  	s18 =	rddreg [dreg:$0x12];
	[sflag:s14] =	ssyncadd.s32 $0xFFFFF000  }
0x82: {  	[spmem:s18] =	stream.linear.scatter [tilespmem:s7], [sflag:$0x12], $0x1000, $0x200038;
	[tilespmem:$0x1E000] =	vst v63  }
0x83: {  	_ =	swait.ge [sflag:s14], $0x1000  }
0x84: {  	[sflag:s14] =	ssyncset.done $0x0  }
0x85: {  	s19 =	rddreg [dreg:$0x13];
	[sflag:s14] =	ssyncadd.s32 $0xFFFFF000  }
0x86: {  	[spmem:s19] =	stream.linear.scatter [tilespmem:s7], [sflag:$0x12], $0x1000, $0x200038;
	[tilespmem:$0x1E000] =	vst v63  }
0x87: {  	_ =	swait.ge [sflag:s14], $0x1000  }
0x88: {  	[sflag:s14] =	ssyncset.done $0x0  }
0x89: {  	s20 =	rddreg [dreg:$0x14];
	[sflag:s14] =	ssyncadd.s32 $0xFFFFF000  }
0x8a: {  	[spmem:s20] =	stream.linear.scatter [tilespmem:s7], [sflag:$0x12], $0x1000, $0x200038;
	[tilespmem:$0x1E000] =	vst v63  }
0x8b: {  	_ =	swait.ge [sflag:s14], $0x1000  }
0x8c: {  	[sflag:s14] =	ssyncset.done $0x0  }
0x8d: {  	s22 =	rddreg [dreg:$0x15];
	[sflag:s14] =	ssyncadd.s32 $0xFFFFF000  }
0x8e: {  	[spmem:s22] =	stream.linear.scatter [tilespmem:s7], [sflag:$0x12], $0x1000, $0x200038;
	[tilespmem:$0x1E000] =	vst v63  }
0x8f: {  	_ =	swait.ge [sflag:s14], $0x1000  }
0x90: {  	[sflag:s14] =	ssyncset.done $0x0  }
0x91: {  	s23 =	rddreg [dreg:$0x16];
	[sflag:s14] =	ssyncadd.s32 $0xFFFFF000  }
0x92: {  	[spmem:s23] =	stream.linear.scatter [tilespmem:s7], [sflag:$0x12], $0x1000, $0x200038;
	[tilespmem:$0x1E000] =	vst v63  }
0x93: {  	_ =	swait.ge [sflag:s14], $0x1000  }
0x94: {  	[sflag:s14] =	ssyncset.done $0x0  }
0x95: {  	s24 =	rddreg [dreg:$0x17];
	[sflag:s14] =	ssyncadd.s32 $0xFFFFF000  }
0x96: {  	[spmem:s24] =	stream.linear.scatter [tilespmem:s7], [sflag:$0x12], $0x1000, $0x200038;
	[tilespmem:$0x1E000] =	vst v63  }
0x97: {  	_ =	swait.ge [sflag:s14], $0x1000  }
0x98: {  	[sflag:s14] =	ssyncset.done $0x0  }
0x99: {  	s25 =	rddreg [dreg:$0x18];
	[sflag:s14] =	ssyncadd.s32 $0xFFFFF000  }
0x9a: {  	[spmem:s25] =	stream.linear.scatter [tilespmem:s7], [sflag:$0x12], $0x1000, $0x200038;
	[tilespmem:$0x1E000] =	vst v63  }
0x9b: {  	_ =	swait.ge [sflag:s14], $0x1000  }
0x9c: {  	[sflag:s14] =	ssyncset.done $0x0  }
0x9d: {  	s26 =	rddreg [dreg:$0x19];
	[sflag:s14] =	ssyncadd.s32 $0xFFFFF000  }
0x9e: {  	[spmem:s26] =	stream.linear.scatter [tilespmem:s7], [sflag:$0x12], $0x1000, $0x200038;
	[tilespmem:$0x1E000] =	vst v63  }
0x9f: {  	_ =	swait.ge [sflag:s14], $0x1000  }
0xa0: {  	[sflag:s14] =	ssyncset.done $0x0  }
0xa1: {  	s29 =	rddreg [dreg:$0x1a];
	[sflag:s14] =	ssyncadd.s32 $0xFFFFF000  }
0xa2: {  	[spmem:s29] =	stream.linear.scatter [tilespmem:s7], [sflag:$0x12], $0x1000, $0x200038;
	[tilespmem:$0x1E000] =	vst v63  }
0xa3: {  	_ =	swait.ge [sflag:s14], $0x1000  }
0xa4: {  	[sflag:s14] =	ssyncset.done $0x0  }
0xa5: {  	s30 =	rddreg [dreg:$0x1b];
	[sflag:s14] =	ssyncadd.s32 $0xFFFFF000  }
0xa6: {  	[spmem:s30] =	stream.linear.scatter [tilespmem:s7], [sflag:$0x12], $0x1000, $0x200038;
	[tilespmem:$0x1E000] =	vst v63  }
0xa7: {  	_ =	swait.ge [sflag:s14], $0x1000  }
0xa8: {  	[sflag:s14] =	ssyncset.done $0x0  }
0xa9: {  	s31 =	rddreg [dreg:$0x1c];
	[sflag:s14] =	ssyncadd.s32 $0xFFFFF000  }
0xaa: {  	[spmem:s31] =	stream.linear.scatter [tilespmem:s7], [sflag:$0x12], $0x1000, $0x200038;
	[tilespmem:$0x1E000] =	vst v63  }
0xab: {  	_ =	swait.ge [sflag:s14], $0x1000  }
.Ltmp3:
0xac: {  	[sflag:s14] =	ssyncset.done $0x0;
	(pc) =	sbr.rel @!p0 .LBB2_4-.Ltmp3, $4  }
0xad: {  	[sflag:s14] =	ssyncadd.s32 $0xFFFFF000  }
0xae: {  	_ =	strace $0x9000004B  }
0xaf: {  	[bflag:$0x0] =	sbarrier.arrive $0xFFFF  }
0xb0: {  	s28 =	simm.s32 $0x0;
	_ =	strace $0x8000004C  }
0xb1: {  	s2 =	rddreg [dreg:$0x6]  }
0xb2: {  	[tilespmem:s28], [sflag:$0x11] =	stream.linear.gather [hbm4b:s2+s28], $0x800, $0x200038;
	[tilespmem:$0x1E000] =	vst v63  }
0xb3: {  	s20 =	rddreg [dreg:$0x7];
	s6 =	simm.s32 $0x800;
	s22 =	simm.s32 $0x11  }
0xb4: {  	[tilespmem:s6], [sflag:$0x11] =	stream.linear.gather [hbm4b:s20+s28], $0x800, $0x200038;
	[tilespmem:$0x1E000] =	vst v63  }
0xb5: {  	_ =	swait.ge [sflag:s22], $0x800  }
0xb6: {  	[sflag:s22] =	ssyncset.done $0x0  }
0xb7: {  	[sflag:s22] =	ssyncadd.s32 $0xFFFFF800  }
0xb8: {  	_ =	swait.ge [sflag:s22], $0x800  }
0xb9: {  	[sflag:s22] =	ssyncset.done $0x0  }
0xba: {  	[sflag:s22] =	ssyncadd.s32 $0xFFFFF800  }
0xbb: {  	[tilespmem:s7], [sflag:$0x1] =	stream.indirect.gather [hbm4b:s4+s10], $0x80, s28, s10, $0x2000b8;
	[tilespmem:$0x1E000] =	vst v63  }
0xbc: {  	s23 =	simm.s32 $0x80  }
0xbd: {  	[tilespmem:s13], [sflag:$0x2] =	stream.indirect.gather [hbm4b:s4+s10], $0x80, s23, s10, $0x2000b8;
	[tilespmem:$0x1E000] =	vst v63  }
0xbe: {  	s24 =	simm.s32 $0x100  }
0xbf: {  	[tilespmem:s21], [sflag:$0x3] =	stream.indirect.gather [hbm4b:s4+s10], $0x80, s24, s10, $0x2000b8;
	[tilespmem:$0x1E000] =	vst v63  }
0xc0: {  	s25 =	simm.s32 $0x180  }
0xc1: {  	[tilespmem:s17], [sflag:$0x4] =	stream.indirect.gather [hbm4b:s4+s10], $0x80, s25, s10, $0x2000b8;
	[tilespmem:$0x1E000] =	vst v63  }
0xc2: {  	s26 =	simm.s32 $0x200  }
0xc3: {  	[tilespmem:s0], [sflag:$0x5] =	stream.indirect.gather [hbm4b:s4+s10], $0x80, s26, s10, $0x2000b8;
	[tilespmem:$0x1E000] =	vst v63  }
0xc4: {  	s29 =	simm.s32 $0x280;
	s30 =	simm.s32 $0x300  }
0xc5: {  	[tilespmem:s15], [sflag:$0x6] =	stream.indirect.gather [hbm4b:s4+s10], $0x80, s29, s10, $0x2000b8;
	[tilespmem:$0x1E000] =	vst v63  }
0xc6: {  	s31 =	simm.s32 $0x8000;
	s0 =	simm.s32 $0x8000;
	s26 =	simm.s32 $0xF  }
0xc7: {  	[tilespmem:s31], [sflag:$0x7] =	stream.indirect.gather [hbm4b:s4+s10], $0x80, s30, s10, $0x2000b8;
	[tilespmem:$0x1E000] =	vst v63  }
.LBB2_8:
0xc8: {  	s7 =	rddreg [dreg:$0x4]  }
0xc9: {  	s6 =	simm.s32 $0x0;
	s12 =	rddreg [dreg:$0x5];
	s2 =	sadd.s32 s28, s7  }
0xca: {  	s3 =	simm.s32 $0x1000;
	s16 =	sadd.s32 s28, s12;
	s2 =	sadd.s32 $0x14100, s2  }
0xcb: {  	[tilespmem:s3], [sflag:$0x11] =	stream.linear.gather [hbm4b:s2+s6], $0x800, $0x200038;
	[tilespmem:$0x1E000] =	vst v63  }
0xcc: {  	s17 =	simm.s32 $0x1800;
	s23 =	simm.s32 $0x1;
	s2 =	sadd.s32 $0x14100, s16  }
0xcd: {  	[tilespmem:s17], [sflag:$0x11] =	stream.linear.gather [hbm4b:s2+s6], $0x800, $0x200038;
	[tilespmem:$0x1E000] =	vst v63  }
0xce: {  	_ =	swait.ge [sflag:s23], $0x1000  }
0xcf: {  	s18 =	simm.s32 $0x800;
	p1 =	seq.s32 s28, $0x0;
	[sflag:s23] =	ssyncset.done $0x0  }
0xd0: {  	s22 =	simm.s32 $0x2000;
	s2 =	simm.s32 @!p1 $0x10;
	[sflag:s23] =	ssyncadd.s32 $0xFFFFF000  }
0xd1: {  	[spmem:s1] =	stream.indirect.scatter.add.f32 [tilespmem:s22], [sflag:$0x9], $0x80, s18, s10, $0x2000b8;
	[tilespmem:$0x1E000] =	vst v63  }
0xd2: {  	_ =	swait.ge @!p1 [sflag:s2], $0x1000  }
0xd3: {  	s19 =	simm.s32 $0x380;
	[sflag:s2] =	ssyncset.done @!p1 $0x0  }
0xd4: {  	s20 =	simm.s32 $0x9000;
	s5 =	simm.s32 $0x2;
	[sflag:s2] =	ssyncadd.s32 @!p1 $0xFFFFF000  }
0xd5: {  	[tilespmem:s20], [sflag:$0x8] =	stream.indirect.gather [hbm4b:s4+s10], $0x80, s19, s10, $0x2000b8;
	[tilespmem:$0x1E000] =	vst v63  }
0xd6: {  	_ =	swait.ge [sflag:s5], $0x1000  }
0xd7: {  	s21 =	simm.s32 $0x880;
	[sflag:s5] =	ssyncset.done $0x0  }
0xd8: {  	s30 =	simm.s32 $0x9;
	s17 =	simm.s32 $0x3000;
	[sflag:s5] =	ssyncadd.s32 $0xFFFFF000  }
0xd9: {  	[spmem:s1] =	stream.indirect.scatter.add.f32 [tilespmem:s17], [sflag:$0xA], $0x80, s21, s10, $0x2000b8;
	[tilespmem:$0x1E000] =	vst v63  }
0xda: {  	_ =	swait.ge [sflag:s30], $0x1000  }
0xdb: {  	[sflag:s30] =	ssyncset.done $0x0  }
0xdc: {  	s24 =	simm.s32 $0x400;
	s21 =	simm.s32 $0x3;
	[sflag:s30] =	ssyncadd.s32 $0xFFFFF000  }
0xdd: {  	[tilespmem:s22], [sflag:$0x1] =	stream.indirect.gather [hbm4b:s4+s10], $0x80, s24, s10, $0x2000b8;
	[tilespmem:$0x1E000] =	vst v63  }
0xde: {  	_ =	swait.ge [sflag:s21], $0x1000  }
0xdf: {  	s14 =	simm.s32 $0x4000;
	[sflag:s21] =	ssyncset.done $0x0  }
0xe0: {  	s29 =	simm.s32 $0x900;
	s24 =	simm.s32 $0xA;
	[sflag:s21] =	ssyncadd.s32 $0xFFFFF000  }
0xe1: {  	[spmem:s1] =	stream.indirect.scatter.add.f32 [tilespmem:s14], [sflag:$0xB], $0x80, s29, s10, $0x2000b8;
	[tilespmem:$0x1E000] =	vst v63  }
0xe2: {  	_ =	swait.ge [sflag:s24], $0x1000  }
0xe3: {  	[sflag:s24] =	ssyncset.done $0x0  }
0xe4: {  	s31 =	simm.s32 $0x480;
	s9 =	simm.s32 $0x4;
	[sflag:s24] =	ssyncadd.s32 $0xFFFFF000  }
0xe5: {  	[tilespmem:s17], [sflag:$0x2] =	stream.indirect.gather [hbm4b:s4+s10], $0x80, s31, s10, $0x2000b8;
	[tilespmem:$0x1E000] =	vst v63  }
0xe6: {  	_ =	swait.ge [sflag:s9], $0x1000  }
0xe7: {  	s15 =	simm.s32 $0x5000;
	[sflag:s9] =	ssyncset.done $0x0  }
0xe8: {  	s3 =	simm.s32 $0x980;
	s31 =	simm.s32 $0xB;
	[sflag:s9] =	ssyncadd.s32 $0xFFFFF000  }
0xe9: {  	[spmem:s1] =	stream.indirect.scatter.add.f32 [tilespmem:s15], [sflag:$0xC], $0x80, s3, s10, $0x2000b8;
	[tilespmem:$0x1E000] =	vst v63  }
0xea: {  	_ =	swait.ge [sflag:s31], $0x1000  }
0xeb: {  	[sflag:s31] =	ssyncset.done $0x0  }
0xec: {  	s6 =	simm.s32 $0x500;
	s29 =	simm.s32 $0x5;
	[sflag:s31] =	ssyncadd.s32 $0xFFFFF000  }
0xed: {  	[tilespmem:s14], [sflag:$0x3] =	stream.indirect.gather [hbm4b:s4+s10], $0x80, s6, s10, $0x2000b8;
	[tilespmem:$0x1E000] =	vst v63  }
0xee: {  	_ =	swait.ge [sflag:s29], $0x1000  }
0xef: {  	s13 =	simm.s32 $0x6000;
	[sflag:s29] =	ssyncset.done $0x0  }
0xf0: {  	s8 =	simm.s32 $0xA00;
	s16 =	simm.s32 $0xC;
	[sflag:s29] =	ssyncadd.s32 $0xFFFFF000  }
0xf1: {  	[spmem:s1] =	stream.indirect.scatter.add.f32 [tilespmem:s13], [sflag:$0xD], $0x80, s8, s10, $0x2000b8;
	[tilespmem:$0x1E000] =	vst v63  }
0xf2: {  	_ =	swait.ge [sflag:s16], $0x1000  }
0xf3: {  	[sflag:s16] =	ssyncset.done $0x0  }
0xf4: {  	s11 =	simm.s32 $0x580;
	s3 =	simm.s32 $0x6;
	[sflag:s16] =	ssyncadd.s32 $0xFFFFF000  }
0xf5: {  	[tilespmem:s15], [sflag:$0x4] =	stream.indirect.gather [hbm4b:s4+s10], $0x80, s11, s10, $0x2000b8;
	[tilespmem:$0x1E000] =	vst v63  }
0xf6: {  	_ =	swait.ge [sflag:s3], $0x1000  }
0xf7: {  	[sflag:s3] =	ssyncset.done $0x0  }
0xf8: {  	s18 =	simm.s32 $0x7000;
	s19 =	simm.s32 $0xA80;
	[sflag:s3] =	ssyncadd.s32 $0xFFFFF000  }
0xf9: {  	[spmem:s1] =	stream.indirect.scatter.add.f32 [tilespmem:s18], [sflag:$0xE], $0x80, s19, s10, $0x2000b8;
	[tilespmem:$0x1E000] =	vst v63  }
0xfa: {  	s18 =	simm.s32 $0xD  }
0xfb: {  	_ =	swait.ge [sflag:s18], $0x1000  }
0xfc: {  	[sflag:s18] =	ssyncset.done $0x0  }
0xfd: {  	s20 =	simm.s32 $0x600;
	[sflag:s18] =	ssyncadd.s32 $0xFFFFF000  }
0xfe: {  	[tilespmem:s13], [sflag:$0x5] =	stream.indirect.gather [hbm4b:s4+s10], $0x80, s20, s10, $0x2000b8;
	[tilespmem:$0x1E000] =	vst v63  }
0xff: {  	s20 =	simm.s32 $0x7  }
0x100: {  	_ =	swait.ge [sflag:s20], $0x1000  }
0x101: {  	[sflag:s20] =	ssyncset.done $0x0  }
0x102: {  	s8 =	simm.s32 $0xB00;
	[sflag:s20] =	ssyncadd.s32 $0xFFFFF000  }
0x103: {  	[spmem:s1] =	stream.indirect.scatter.add.f32 [tilespmem:s0], [sflag:$0xF], $0x80, s8, s10, $0x2000b8;
	[tilespmem:$0x1E000] =	vst v63  }
0x104: {  	s8 =	simm.s32 $0xE  }
0x105: {  	_ =	swait.ge [sflag:s8], $0x1000  }
0x106: {  	[sflag:s8] =	ssyncset.done $0x0  }
0x107: {  	s6 =	simm.s32 $0x7000;
	s11 =	simm.s32 $0x680;
	[sflag:s8] =	ssyncadd.s32 $0xFFFFF000  }
0x108: {  	[tilespmem:s6], [sflag:$0x6] =	stream.indirect.gather [hbm4b:s4+s10], $0x80, s11, s10, $0x2000b8;
	[tilespmem:$0x1E000] =	vst v63  }
0x109: {  	s11 =	simm.s32 $0x8  }
0x10a: {  	_ =	swait.ge [sflag:s11], $0x1000  }
0x10b: {  	[sflag:s11] =	ssyncset.done $0x0  }
0x10c: {  	s25 =	simm.s32 $0x9000;
	s19 =	simm.s32 $0xB80;
	[sflag:s11] =	ssyncadd.s32 $0xFFFFF000  }
0x10d: {  	[spmem:s1] =	stream.indirect.scatter.add.f32 [tilespmem:s25], [sflag:$0x10], $0x80, s19, s10, $0x2000b8;
	[tilespmem:$0x1E000] =	vst v63  }
0x10e: {  	_ =	swait.ge [sflag:s26], $0x1000  }
0x10f: {  	[sflag:s26] =	ssyncset.done $0x0  }
0x110: {  	s19 =	simm.s32 $0x700;
	[sflag:s26] =	ssyncadd.s32 $0xFFFFF000  }
0x111: {  	[tilespmem:s0], [sflag:$0x7] =	stream.indirect.gather [hbm4b:s4+s10], $0x80, s19, s10, $0x2000b8;
	[tilespmem:$0x1E000] =	vst v63  }
0x112: {  	_ =	swait.ge [sflag:s23], $0x1000  }
0x113: {  	[sflag:s23] =	ssyncset.done $0x0  }
0x114: {  	s19 =	simm.s32 $0xC00;
	[sflag:s23] =	ssyncadd.s32 $0xFFFFF000  }
0x115: {  	[spmem:s1] =	stream.indirect.scatter.add.f32 [tilespmem:s22], [sflag:$0x9], $0x80, s19, s10, $0x2000b8;
	[tilespmem:$0x1E000] =	vst v63  }
0x116: {  	s19 =	simm.s32 $0x10  }
0x117: {  	_ =	swait.ge [sflag:s19], $0x1000  }
0x118: {  	[sflag:s19] =	ssyncset.done $0x0  }
0x119: {  	s2 =	simm.s32 $0x780;
	[sflag:s19] =	ssyncadd.s32 $0xFFFFF000  }
0x11a: {  	[tilespmem:s25], [sflag:$0x8] =	stream.indirect.gather [hbm4b:s4+s10], $0x80, s2, s10, $0x2000b8;
	[tilespmem:$0x1E000] =	vst v63  }
0x11b: {  	_ =	swait.ge [sflag:s5], $0x1000  }
0x11c: {  	[sflag:s5] =	ssyncset.done $0x0  }
0x11d: {  	s2 =	simm.s32 $0xC80;
	[sflag:s5] =	ssyncadd.s32 $0xFFFFF000  }
0x11e: {  	[spmem:s1] =	stream.indirect.scatter.add.f32 [tilespmem:s17], [sflag:$0xA], $0x80, s2, s10, $0x2000b8;
	[tilespmem:$0x1E000] =	vst v63  }
0x11f: {  	s2 =	simm.s32 $0x11  }
0x120: {  	_ =	swait.ge [sflag:s2], $0x800  }
0x121: {  	[sflag:s2] =	ssyncset.done $0x0  }
0x122: {  	[sflag:s2] =	ssyncadd.s32 $0xFFFFF800  }
0x123: {  	_ =	swait.ge [sflag:s2], $0x800  }
0x124: {  	[sflag:s2] =	ssyncset.done $0x0  }
0x125: {  	[sflag:s2] =	ssyncadd.s32 $0xFFFFF800  }
0x126: {  	_ =	swait.ge [sflag:s30], $0x1000  }
0x127: {  	[sflag:s30] =	ssyncset.done $0x0  }
0x128: {  	s2 =	simm.s32 $0x1000;
	[sflag:s30] =	ssyncadd.s32 $0xFFFFF000  }
0x129: {  	[tilespmem:s22], [sflag:$0x1] =	stream.indirect.gather [hbm4b:s4+s10], $0x80, s2, s10, $0x2000b8;
	[tilespmem:$0x1E000] =	vst v63  }
0x12a: {  	_ =	swait.ge [sflag:s21], $0x1000  }
0x12b: {  	[sflag:s21] =	ssyncset.done $0x0  }
0x12c: {  	s2 =	simm.s32 $0xD00;
	[sflag:s21] =	ssyncadd.s32 $0xFFFFF000  }
0x12d: {  	[spmem:s1] =	stream.indirect.scatter.add.f32 [tilespmem:s14], [sflag:$0xB], $0x80, s2, s10, $0x2000b8;
	[tilespmem:$0x1E000] =	vst v63  }
0x12e: {  	_ =	swait.ge [sflag:s24], $0x1000  }
0x12f: {  	[sflag:s24] =	ssyncset.done $0x0  }
0x130: {  	s2 =	simm.s32 $0x1080;
	[sflag:s24] =	ssyncadd.s32 $0xFFFFF000  }
0x131: {  	[tilespmem:s17], [sflag:$0x2] =	stream.indirect.gather [hbm4b:s4+s10], $0x80, s2, s10, $0x2000b8;
	[tilespmem:$0x1E000] =	vst v63  }
0x132: {  	_ =	swait.ge [sflag:s9], $0x1000  }
0x133: {  	[sflag:s9] =	ssyncset.done $0x0  }
0x134: {  	s2 =	simm.s32 $0xD80;
	[sflag:s9] =	ssyncadd.s32 $0xFFFFF000  }
0x135: {  	[spmem:s1] =	stream.indirect.scatter.add.f32 [tilespmem:s15], [sflag:$0xC], $0x80, s2, s10, $0x2000b8;
	[tilespmem:$0x1E000] =	vst v63  }
0x136: {  	_ =	swait.ge [sflag:s31], $0x1000  }
0x137: {  	[sflag:s31] =	ssyncset.done $0x0  }
0x138: {  	s2 =	simm.s32 $0x1100;
	[sflag:s31] =	ssyncadd.s32 $0xFFFFF000  }
0x139: {  	[tilespmem:s14], [sflag:$0x3] =	stream.indirect.gather [hbm4b:s4+s10], $0x80, s2, s10, $0x2000b8;
	[tilespmem:$0x1E000] =	vst v63  }
0x13a: {  	_ =	swait.ge [sflag:s29], $0x1000  }
0x13b: {  	[sflag:s29] =	ssyncset.done $0x0  }
0x13c: {  	s2 =	simm.s32 $0xE00;
	[sflag:s29] =	ssyncadd.s32 $0xFFFFF000  }
0x13d: {  	[spmem:s1] =	stream.indirect.scatter.add.f32 [tilespmem:s13], [sflag:$0xD], $0x80, s2, s10, $0x2000b8;
	[tilespmem:$0x1E000] =	vst v63  }
0x13e: {  	_ =	swait.ge [sflag:s16], $0x1000  }
0x13f: {  	[sflag:s16] =	ssyncset.done $0x0  }
0x140: {  	s2 =	simm.s32 $0x1180;
	[sflag:s16] =	ssyncadd.s32 $0xFFFFF000  }
0x141: {  	[tilespmem:s15], [sflag:$0x4] =	stream.indirect.gather [hbm4b:s4+s10], $0x80, s2, s10, $0x2000b8;
	[tilespmem:$0x1E000] =	vst v63  }
0x142: {  	_ =	swait.ge [sflag:s3], $0x1000  }
0x143: {  	[sflag:s3] =	ssyncset.done $0x0  }
0x144: {  	s2 =	simm.s32 $0xE80;
	[sflag:s3] =	ssyncadd.s32 $0xFFFFF000  }
0x145: {  	[spmem:s1] =	stream.indirect.scatter.add.f32 [tilespmem:s6], [sflag:$0xE], $0x80, s2, s10, $0x2000b8;
	[tilespmem:$0x1E000] =	vst v63  }
0x146: {  	_ =	swait.ge [sflag:s18], $0x1000  }
0x147: {  	[sflag:s18] =	ssyncset.done $0x0  }
0x148: {  	s2 =	simm.s32 $0x1200;
	[sflag:s18] =	ssyncadd.s32 $0xFFFFF000  }
0x149: {  	[tilespmem:s13], [sflag:$0x5] =	stream.indirect.gather [hbm4b:s4+s10], $0x80, s2, s10, $0x2000b8;
	[tilespmem:$0x1E000] =	vst v63  }
0x14a: {  	_ =	swait.ge [sflag:s20], $0x1000  }
0x14b: {  	[sflag:s20] =	ssyncset.done $0x0  }
0x14c: {  	s2 =	simm.s32 $0xF00;
	[sflag:s20] =	ssyncadd.s32 $0xFFFFF000  }
0x14d: {  	[spmem:s1] =	stream.indirect.scatter.add.f32 [tilespmem:s0], [sflag:$0xF], $0x80, s2, s10, $0x2000b8;
	[tilespmem:$0x1E000] =	vst v63  }
0x14e: {  	_ =	swait.ge [sflag:s8], $0x1000  }
0x14f: {  	[sflag:s8] =	ssyncset.done $0x0  }
0x150: {  	s2 =	simm.s32 $0x1280;
	[sflag:s8] =	ssyncadd.s32 $0xFFFFF000  }
0x151: {  	[tilespmem:s6], [sflag:$0x6] =	stream.indirect.gather [hbm4b:s4+s10], $0x80, s2, s10, $0x2000b8;
	[tilespmem:$0x1E000] =	vst v63  }
0x152: {  	_ =	swait.ge [sflag:s11], $0x1000  }
0x153: {  	[sflag:s11] =	ssyncset.done $0x0  }
0x154: {  	s6 =	simm.s32 $0xF80;
	[sflag:s11] =	ssyncadd.s32 $0xFFFFF000  }
0x155: {  	[spmem:s1] =	stream.indirect.scatter.add.f32 [tilespmem:s25], [sflag:$0x10], $0x80, s6, s10, $0x2000b8;
	[tilespmem:$0x1E000] =	vst v63  }
0x156: {  	_ =	swait.ge [sflag:s26], $0x1000  }
0x157: {  	p1 =	seq.s32 s28, $0x1200;
	[sflag:s26] =	ssyncset.done $0x0  }
0x158: {  	s2 =	sadd.s32 @!p1 s28, s7;
	s6 =	simm.s32 $0x1300;
	[sflag:s26] =	ssyncadd.s32 $0xFFFFF000  }
0x159: {  	[tilespmem:s0], [sflag:$0x7] =	stream.indirect.gather [hbm4b:s4+s10], $0x80, s6, s10, $0x2000b8;
	[tilespmem:$0x1E000] =	vst v63  }
0x15a: {  	s2 =	sadd.s32 @!p1 $0x14200, s2;
	s6 =	simm.s32 @!p1 $0x0  }
0x15b: {  	[tilespmem:s6], [sflag:$0x11] =	stream.linear.gather @!p1 [hbm4b:s2+s6], $0x800, $0x200038;
	[tilespmem:$0x1E000] =	vst v63  }
0x15c: {  	s2 =	sadd.s32 @!p1 s28, s12  }
0x15d: {  	s7 =	simm.s32 @!p1 $0x800;
	s2 =	sadd.s32 @!p1 $0x14200, s2  }
0x15e: {  	[tilespmem:s7], [sflag:$0x11] =	stream.linear.gather @!p1 [hbm4b:s2+s6], $0x800, $0x200038;
	[tilespmem:$0x1E000] =	vst v63  }
0x15f: {  	_ =	swait.ge [sflag:s23], $0x1000  }
0x160: {  	[sflag:s23] =	ssyncset.done $0x0  }
0x161: {  	s12 =	simm.s32 $0x1800;
	[sflag:s23] =	ssyncadd.s32 $0xFFFFF000  }
0x162: {  	[spmem:s1] =	stream.indirect.scatter.add.f32 [tilespmem:s22], [sflag:$0x9], $0x80, s12, s10, $0x2000b8;
	[tilespmem:$0x1E000] =	vst v63  }
0x163: {  	_ =	swait.ge [sflag:s19], $0x1000  }
0x164: {  	[sflag:s19] =	ssyncset.done $0x0  }
0x165: {  	s2 =	simm.s32 $0x1380;
	[sflag:s19] =	ssyncadd.s32 $0xFFFFF000  }
0x166: {  	[tilespmem:s25], [sflag:$0x8] =	stream.indirect.gather [hbm4b:s4+s10], $0x80, s2, s10, $0x2000b8;
	[tilespmem:$0x1E000] =	vst v63  }
0x167: {  	_ =	swait.ge [sflag:s5], $0x1000  }
0x168: {  	[sflag:s5] =	ssyncset.done $0x0  }
0x169: {  	s7 =	simm.s32 $0x1880;
	[sflag:s5] =	ssyncadd.s32 $0xFFFFF000  }
0x16a: {  	[spmem:s1] =	stream.indirect.scatter.add.f32 [tilespmem:s17], [sflag:$0xA], $0x80, s7, s10, $0x2000b8;
	[tilespmem:$0x1E000] =	vst v63  }
0x16b: {  	_ =	swait.ge [sflag:s30], $0x1000  }
0x16c: {  	[sflag:s30] =	ssyncset.done $0x0  }
0x16d: {  	s12 =	simm.s32 $0x1400;
	[sflag:s30] =	ssyncadd.s32 $0xFFFFF000  }
0x16e: {  	[tilespmem:s22], [sflag:$0x1] =	stream.indirect.gather [hbm4b:s4+s10], $0x80, s12, s10, $0x2000b8;
	[tilespmem:$0x1E000] =	vst v63  }
0x16f: {  	_ =	swait.ge [sflag:s21], $0x1000  }
0x170: {  	[sflag:s21] =	ssyncset.done $0x0  }
0x171: {  	s25 =	simm.s32 $0x1900;
	[sflag:s21] =	ssyncadd.s32 $0xFFFFF000  }
0x172: {  	[spmem:s1] =	stream.indirect.scatter.add.f32 [tilespmem:s14], [sflag:$0xB], $0x80, s25, s10, $0x2000b8;
	[tilespmem:$0x1E000] =	vst v63  }
0x173: {  	_ =	swait.ge [sflag:s24], $0x1000  }
0x174: {  	[sflag:s24] =	ssyncset.done $0x0  }
0x175: {  	s30 =	simm.s32 $0x1480;
	[sflag:s24] =	ssyncadd.s32 $0xFFFFF000  }
0x176: {  	[tilespmem:s17], [sflag:$0x2] =	stream.indirect.gather [hbm4b:s4+s10], $0x80, s30, s10, $0x2000b8;
	[tilespmem:$0x1E000] =	vst v63  }
0x177: {  	_ =	swait.ge [sflag:s9], $0x1000  }
0x178: {  	[sflag:s9] =	ssyncset.done $0x0  }
0x179: {  	s2 =	simm.s32 $0x1980;
	[sflag:s9] =	ssyncadd.s32 $0xFFFFF000  }
0x17a: {  	[spmem:s1] =	stream.indirect.scatter.add.f32 [tilespmem:s15], [sflag:$0xC], $0x80, s2, s10, $0x2000b8;
	[tilespmem:$0x1E000] =	vst v63  }
0x17b: {  	_ =	swait.ge [sflag:s31], $0x1000  }
0x17c: {  	[sflag:s31] =	ssyncset.done $0x0  }
0x17d: {  	s7 =	simm.s32 $0x1500;
	[sflag:s31] =	ssyncadd.s32 $0xFFFFF000  }
0x17e: {  	[tilespmem:s14], [sflag:$0x3] =	stream.indirect.gather [hbm4b:s4+s10], $0x80, s7, s10, $0x2000b8;
	[tilespmem:$0x1E000] =	vst v63  }
0x17f: {  	_ =	swait.ge [sflag:s29], $0x1000  }
0x180: {  	[sflag:s29] =	ssyncset.done $0x0  }
0x181: {  	s12 =	simm.s32 $0x1A00;
	[sflag:s29] =	ssyncadd.s32 $0xFFFFF000  }
0x182: {  	[spmem:s1] =	stream.indirect.scatter.add.f32 [tilespmem:s13], [sflag:$0xD], $0x80, s12, s10, $0x2000b8;
	[tilespmem:$0x1E000] =	vst v63  }
0x183: {  	_ =	swait.ge [sflag:s16], $0x1000  }
0x184: {  	[sflag:s16] =	ssyncset.done $0x0  }
0x185: {  	s14 =	simm.s32 $0x1580;
	[sflag:s16] =	ssyncadd.s32 $0xFFFFF000  }
0x186: {  	[tilespmem:s15], [sflag:$0x4] =	stream.indirect.gather [hbm4b:s4+s10], $0x80, s14, s10, $0x2000b8;
	[tilespmem:$0x1E000] =	vst v63  }
0x187: {  	_ =	swait.ge [sflag:s3], $0x1000  }
0x188: {  	[sflag:s3] =	ssyncset.done $0x0  }
0x189: {  	s24 =	simm.s32 $0x7000;
	s16 =	simm.s32 $0x1A80;
	[sflag:s3] =	ssyncadd.s32 $0xFFFFF000  }
0x18a: {  	[spmem:s1] =	stream.indirect.scatter.add.f32 [tilespmem:s24], [sflag:$0xE], $0x80, s16, s10, $0x2000b8;
	[tilespmem:$0x1E000] =	vst v63  }
0x18b: {  	_ =	swait.ge [sflag:s18], $0x1000  }
0x18c: {  	[sflag:s18] =	ssyncset.done $0x0  }
0x18d: {  	s29 =	simm.s32 $0x1600;
	[sflag:s18] =	ssyncadd.s32 $0xFFFFF000  }
0x18e: {  	[tilespmem:s13], [sflag:$0x5] =	stream.indirect.gather [hbm4b:s4+s10], $0x80, s29, s10, $0x2000b8;
	[tilespmem:$0x1E000] =	vst v63  }
0x18f: {  	_ =	swait.ge [sflag:s20], $0x1000  }
0x190: {  	[sflag:s20] =	ssyncset.done $0x0  }
0x191: {  	s25 =	simm.s32 $0x8000;
	s30 =	simm.s32 $0x1B00;
	[sflag:s20] =	ssyncadd.s32 $0xFFFFF000  }
0x192: {  	[spmem:s1] =	stream.indirect.scatter.add.f32 [tilespmem:s25], [sflag:$0xF], $0x80, s30, s10, $0x2000b8;
	[tilespmem:$0x1E000] =	vst v63  }
0x193: {  	_ =	swait.ge [sflag:s8], $0x1000  }
0x194: {  	[sflag:s8] =	ssyncset.done $0x0  }
0x195: {  	s31 =	simm.s32 $0x1680;
	[sflag:s8] =	ssyncadd.s32 $0xFFFFF000  }
0x196: {  	[tilespmem:s24], [sflag:$0x6] =	stream.indirect.gather [hbm4b:s4+s10], $0x80, s31, s10, $0x2000b8;
	[tilespmem:$0x1E000] =	vst v63  }
0x197: {  	_ =	swait.ge [sflag:s11], $0x1000  }
0x198: {  	[sflag:s11] =	ssyncset.done $0x0  }
0x199: {  	s14 =	simm.s32 $0x9000;
	s13 =	simm.s32 $0x1B80;
	[sflag:s11] =	ssyncadd.s32 $0xFFFFF000  }
0x19a: {  	[spmem:s1] =	stream.indirect.scatter.add.f32 [tilespmem:s14], [sflag:$0x10], $0x80, s13, s10, $0x2000b8;
	[tilespmem:$0x1E000] =	vst v63  }
0x19b: {  	_ =	swait.ge [sflag:s26], $0x1000  }
0x19c: {  	[sflag:s26] =	ssyncset.done $0x0  }
0x19d: {  	s18 =	simm.s32 $0x1700;
	[sflag:s26] =	ssyncadd.s32 $0xFFFFF000  }
0x19e: {  	[tilespmem:s25], [sflag:$0x7] =	stream.indirect.gather [hbm4b:s4+s10], $0x80, s18, s10, $0x2000b8;
	[tilespmem:$0x1E000] =	vst v63  }
0x19f: {  	_ =	swait.ge [sflag:s23], $0x1000  }
0x1a0: {  	[sflag:s23] =	ssyncset.done $0x0  }
0x1a1: {  	s20 =	simm.s32 $0x1C00;
	[sflag:s23] =	ssyncadd.s32 $0xFFFFF000  }
0x1a2: {  	[spmem:s1] =	stream.indirect.scatter.add.f32 [tilespmem:s22], [sflag:$0x9], $0x80, s20, s10, $0x2000b8;
	[tilespmem:$0x1E000] =	vst v63  }
0x1a3: {  	_ =	swait.ge [sflag:s19], $0x1000  }
0x1a4: {  	[sflag:s19] =	ssyncset.done $0x0  }
0x1a5: {  	s23 =	simm.s32 $0x1780;
	[sflag:s19] =	ssyncadd.s32 $0xFFFFF000  }
0x1a6: {  	[tilespmem:s14], [sflag:$0x8] =	stream.indirect.gather [hbm4b:s4+s10], $0x80, s23, s10, $0x2000b8;
	[tilespmem:$0x1E000] =	vst v63  }
0x1a7: {  	_ =	swait.ge [sflag:s5], $0x1000  }
0x1a8: {  	[sflag:s5] =	ssyncset.done $0x0  }
0x1a9: {  	s2 =	simm.s32 @p1 $0x3;
	s26 =	simm.s32 $0x1C80;
	[sflag:s5] =	ssyncadd.s32 $0xFFFFF000  }
0x1aa: {  	[spmem:s1] =	stream.indirect.scatter.add.f32 [tilespmem:s17], [sflag:$0xA], $0x80, s26, s10, $0x2000b8;
	[tilespmem:$0x1E000] =	vst v63  }
0x1ab: {  	_ =	swait.ge @p1 [sflag:s2], $0x1000  }
0x1ac: {  	s7 =	simm.s32 @p1 $0x4000;
	[sflag:s2] =	ssyncset.done @p1 $0x0  }
0x1ad: {  	s12 =	simm.s32 @p1 $0x20;
	[sflag:s2] =	ssyncadd.s32 @p1 $0xFFFFF000;
	s2 =	simm.s32 @p1 $0x1D00  }
0x1ae: {  	[spmem:s1] =	stream.indirect.scatter.add.f32 @p1 [tilespmem:s7], [sflag:$0xB], $0x80, s2, s12, $0x2000b8;
	[tilespmem:$0x1E000] =	vst v63  }
0x1af: {  	s2 =	simm.s32 @!p1 $0x11  }
0x1b0: {  	_ =	swait.ge @!p1 [sflag:s2], $0x800  }
0x1b1: {  	[sflag:s2] =	ssyncset.done @!p1 $0x0  }
0x1b2: {  	[sflag:s2] =	ssyncadd.s32 @!p1 $0xFFFFF800  }
0x1b3: {  	_ =	swait.ge @!p1 [sflag:s2], $0x800  }
0x1b4: {  	[sflag:s2] =	ssyncset.done @!p1 $0x0  }
0x1b5: {  	[sflag:s2] =	ssyncadd.s32 @!p1 $0xFFFFF800;
	s2 =	simm.s32 @!p1 $0x9  }
0x1b6: {  	_ =	swait.ge @!p1 [sflag:s2], $0x1000  }
0x1b7: {  	[sflag:s2] =	ssyncset.done @!p1 $0x0  }
0x1b8: {  	s7 =	simm.s32 @!p1 $0x20;
	[sflag:s2] =	ssyncadd.s32 @!p1 $0xFFFFF000;
	s2 =	simm.s32 @!p1 $0x2000  }
0x1b9: {  	[tilespmem:s2], [sflag:$0x1] =	stream.indirect.gather @!p1 [hbm4b:s4+s7], $0x80, s6, s7, $0x2000b8;
	[tilespmem:$0x1E000] =	vst v63  }
0x1ba: {  	s2 =	simm.s32 @!p1 $0x3  }
0x1bb: {  	_ =	swait.ge @!p1 [sflag:s2], $0x1000  }
0x1bc: {  	[sflag:s2] =	ssyncset.done @!p1 $0x0  }
0x1bd: {  	s6 =	simm.s32 @!p1 $0x4000;
	[sflag:s2] =	ssyncadd.s32 @!p1 $0xFFFFF000;
	s2 =	simm.s32 @!p1 $0x1D00  }
0x1be: {  	[spmem:s1] =	stream.indirect.scatter.add.f32 @!p1 [tilespmem:s6], [sflag:$0xB], $0x80, s2, s7, $0x2000b8;
	[tilespmem:$0x1E000] =	vst v63  }
0x1bf: {  	s2 =	simm.s32 @!p1 $0xA  }
0x1c0: {  	_ =	swait.ge @!p1 [sflag:s2], $0x1000  }
0x1c1: {  	[sflag:s2] =	ssyncset.done @!p1 $0x0  }
0x1c2: {  	s14 =	simm.s32 @!p1 $0x3000;
	[sflag:s2] =	ssyncadd.s32 @!p1 $0xFFFFF000;
	s2 =	simm.s32 @!p1 $0x80  }
0x1c3: {  	[tilespmem:s14], [sflag:$0x2] =	stream.indirect.gather @!p1 [hbm4b:s4+s7], $0x80, s2, s7, $0x2000b8;
	[tilespmem:$0x1E000] =	vst v63  }
0x1c4: {  	_ =	swait.ge [sflag:s9], $0x1000  }
0x1c5: {  	[sflag:s9] =	ssyncset.done $0x0  }
0x1c6: {  	s29 =	simm.s32 $0x1D80;
	s2 =	simm.s32 @p1 $0x5;
	[sflag:s9] =	ssyncadd.s32 $0xFFFFF000  }
0x1c7: {  	[spmem:s1] =	stream.indirect.scatter.add.f32 [tilespmem:s15], [sflag:$0xC], $0x80, s29, s10, $0x2000b8;
	[tilespmem:$0x1E000] =	vst v63  }
0x1c8: {  	_ =	swait.ge @p1 [sflag:s2], $0x1000  }
0x1c9: {  	[sflag:s2] =	ssyncset.done @p1 $0x0  }
0x1ca: {  	s14 =	simm.s32 @p1 $0x6000;
	[sflag:s2] =	ssyncadd.s32 @p1 $0xFFFFF000;
	s2 =	simm.s32 @p1 $0x1E00  }
0x1cb: {  	[spmem:s1] =	stream.indirect.scatter.add.f32 @p1 [tilespmem:s14], [sflag:$0xD], $0x80, s2, s12, $0x2000b8;
	[tilespmem:$0x1E000] =	vst v63  }
0x1cc: {  	s2 =	simm.s32 @!p1 $0xB  }
0x1cd: {  	_ =	swait.ge @!p1 [sflag:s2], $0x1000  }
0x1ce: {  	[sflag:s2] =	ssyncset.done @!p1 $0x0  }
0x1cf: {  	[sflag:s2] =	ssyncadd.s32 @!p1 $0xFFFFF000;
	s2 =	simm.s32 @!p1 $0x100  }
0x1d0: {  	[tilespmem:s6], [sflag:$0x3] =	stream.indirect.gather @!p1 [hbm4b:s4+s7], $0x80, s2, s7, $0x2000b8;
	[tilespmem:$0x1E000] =	vst v63  }
0x1d1: {  	s2 =	simm.s32 @!p1 $0x5  }
0x1d2: {  	_ =	swait.ge @!p1 [sflag:s2], $0x1000  }
0x1d3: {  	[sflag:s2] =	ssyncset.done @!p1 $0x0  }
0x1d4: {  	s6 =	simm.s32 @!p1 $0x6000;
	[sflag:s2] =	ssyncadd.s32 @!p1 $0xFFFFF000;
	s2 =	simm.s32 @!p1 $0x1E00  }
0x1d5: {  	[spmem:s1] =	stream.indirect.scatter.add.f32 @!p1 [tilespmem:s6], [sflag:$0xD], $0x80, s2, s7, $0x2000b8;
	[tilespmem:$0x1E000] =	vst v63  }
0x1d6: {  	s2 =	simm.s32 @!p1 $0xC  }
0x1d7: {  	_ =	swait.ge @!p1 [sflag:s2], $0x1000  }
0x1d8: {  	[sflag:s2] =	ssyncset.done @!p1 $0x0  }
0x1d9: {  	s14 =	simm.s32 @!p1 $0x5000;
	[sflag:s2] =	ssyncadd.s32 @!p1 $0xFFFFF000;
	s2 =	simm.s32 @!p1 $0x180  }
0x1da: {  	[tilespmem:s14], [sflag:$0x4] =	stream.indirect.gather @!p1 [hbm4b:s4+s7], $0x80, s2, s7, $0x2000b8;
	[tilespmem:$0x1E000] =	vst v63  }
0x1db: {  	_ =	swait.ge [sflag:s3], $0x1000  }
0x1dc: {  	s30 =	simm.s32 $0x1E80;
	[sflag:s3] =	ssyncset.done $0x0  }
0x1dd: {  	s8 =	simm.s32 $0x7000;
	s2 =	simm.s32 @p1 $0x7;
	[sflag:s3] =	ssyncadd.s32 $0xFFFFF000  }
0x1de: {  	[spmem:s1] =	stream.indirect.scatter.add.f32 [tilespmem:s8], [sflag:$0xE], $0x80, s30, s10, $0x2000b8;
	[tilespmem:$0x1E000] =	vst v63  }
0x1df: {  	_ =	swait.ge @p1 [sflag:s2], $0x1000  }
0x1e0: {  	[sflag:s2] =	ssyncset.done @p1 $0x0  }
0x1e1: {  	s14 =	simm.s32 @p1 $0x8000;
	[sflag:s2] =	ssyncadd.s32 @p1 $0xFFFFF000;
	s2 =	simm.s32 @p1 $0x1F00  }
0x1e2: {  	[spmem:s1] =	stream.indirect.scatter.add.f32 @p1 [tilespmem:s14], [sflag:$0xF], $0x80, s2, s12, $0x2000b8;
	[tilespmem:$0x1E000] =	vst v63  }
0x1e3: {  	s2 =	simm.s32 @!p1 $0xD  }
0x1e4: {  	_ =	swait.ge @!p1 [sflag:s2], $0x1000  }
0x1e5: {  	[sflag:s2] =	ssyncset.done @!p1 $0x0  }
0x1e6: {  	[sflag:s2] =	ssyncadd.s32 @!p1 $0xFFFFF000;
	s2 =	simm.s32 @!p1 $0x200  }
0x1e7: {  	[tilespmem:s6], [sflag:$0x5] =	stream.indirect.gather @!p1 [hbm4b:s4+s7], $0x80, s2, s7, $0x2000b8;
	[tilespmem:$0x1E000] =	vst v63  }
0x1e8: {  	s2 =	simm.s32 @!p1 $0x7  }
0x1e9: {  	_ =	swait.ge @!p1 [sflag:s2], $0x1000  }
0x1ea: {  	[sflag:s2] =	ssyncset.done @!p1 $0x0  }
0x1eb: {  	s6 =	simm.s32 @!p1 $0x8000;
	[sflag:s2] =	ssyncadd.s32 @!p1 $0xFFFFF000;
	s2 =	simm.s32 @!p1 $0x1F00  }
0x1ec: {  	[spmem:s1] =	stream.indirect.scatter.add.f32 @!p1 [tilespmem:s6], [sflag:$0xF], $0x80, s2, s7, $0x2000b8;
	[tilespmem:$0x1E000] =	vst v63  }
0x1ed: {  	s2 =	simm.s32 @!p1 $0xE  }
0x1ee: {  	_ =	swait.ge @!p1 [sflag:s2], $0x1000  }
0x1ef: {  	[sflag:s2] =	ssyncset.done @!p1 $0x0  }
0x1f0: {  	s6 =	simm.s32 @!p1 $0x7000;
	[sflag:s2] =	ssyncadd.s32 @!p1 $0xFFFFF000;
	s2 =	simm.s32 @!p1 $0x280  }
0x1f1: {  	[tilespmem:s6], [sflag:$0x6] =	stream.indirect.gather @!p1 [hbm4b:s4+s7], $0x80, s2, s7, $0x2000b8;
	[tilespmem:$0x1E000] =	vst v63  }
.Ltmp4:
0x1f2: {  	s0 =	simm.s32 $0x6000;
	s21 =	simm.s32 $0x4000;
	(pc) =	sbr.rel @p1 .LBB2_10-.Ltmp4, $4  }
0x1f3: {  	s24 =	simm.s32 $0x9000;
	s31 =	simm.s32 $0x1F80;
	_ =	swait.ge [sflag:s11], $0x1000  }
0x1f4: {  	s13 =	simm.s32 $0x3000;
	s17 =	simm.s32 $0x5000;
	[sflag:s11] =	ssyncset.done $0x0  }
0x1f5: {  	s15 =	simm.s32 $0x7000;
	s3 =	simm.s32 $0xF;
	[sflag:s11] =	ssyncadd.s32 $0xFFFFF000  }
0x1f6: {  	[spmem:s1] =	stream.indirect.scatter.add.f32 [tilespmem:s24], [sflag:$0x10], $0x80, s31, s10, $0x2000b8;
	[tilespmem:$0x1E000] =	vst v63  }
.Ltmp5:
0x1f7: {  	_ =	swait.ge [sflag:s3], $0x1000;
	(pc) =	sbr.rel .LBB2_8-.Ltmp5, $4  }
0x1f8: {  	[sflag:s3] =	ssyncset.done $0x0  }
0x1f9: {  	s0 =	simm.s32 $0x300;
	[sflag:s3] =	ssyncadd.s32 $0xFFFFF000  }
0x1fa: {  	[tilespmem:s25], [sflag:$0x7] =	stream.indirect.gather [hbm4b:s4+s10], $0x80, s0, s10, $0x2000b8;
	[tilespmem:$0x1E000] =	vst v63  }
0x1fb: {  	s28 =	sadd.s32 $0x200, s28;
	s26 =	simm.s32 $0xF;
	s0 =	simm.s32 $0x8000  }
.LBB2_4:
0x1fc: {  	s2 =	rddreg [dreg:$0x4]  }
0x1fd: {  	[tilespmem:s28], [sflag:$0x11] =	stream.linear.gather [hbm4b:s2+s28], $0x800, $0x200038;
	[tilespmem:$0x1E000] =	vst v63  }
0x1fe: {  	s20 =	rddreg [dreg:$0x5];
	s6 =	simm.s32 $0x800;
	s22 =	simm.s32 $0x11  }
0x1ff: {  	[tilespmem:s6], [sflag:$0x11] =	stream.linear.gather [hbm4b:s20+s28], $0x800, $0x200038;
	[tilespmem:$0x1E000] =	vst v63  }
0x200: {  	_ =	swait.ge [sflag:s22], $0x800  }
0x201: {  	[sflag:s22] =	ssyncset.done $0x0  }
0x202: {  	[sflag:s22] =	ssyncadd.s32 $0xFFFFF800  }
0x203: {  	_ =	swait.ge [sflag:s22], $0x800  }
0x204: {  	[sflag:s22] =	ssyncset.done $0x0  }
0x205: {  	[sflag:s22] =	ssyncadd.s32 $0xFFFFF800  }
0x206: {  	[tilespmem:s7], [sflag:$0x1] =	stream.indirect.gather [hbm4b:s4+s10], $0x80, s28, s10, $0x2000b8;
	[tilespmem:$0x1E000] =	vst v63  }
0x207: {  	s23 =	simm.s32 $0x80  }
0x208: {  	[tilespmem:s13], [sflag:$0x2] =	stream.indirect.gather [hbm4b:s4+s10], $0x80, s23, s10, $0x2000b8;
	[tilespmem:$0x1E000] =	vst v63  }
0x209: {  	s24 =	simm.s32 $0x100  }
0x20a: {  	[tilespmem:s21], [sflag:$0x3] =	stream.indirect.gather [hbm4b:s4+s10], $0x80, s24, s10, $0x2000b8;
	[tilespmem:$0x1E000] =	vst v63  }
0x20b: {  	s25 =	simm.s32 $0x180  }
0x20c: {  	[tilespmem:s17], [sflag:$0x4] =	stream.indirect.gather [hbm4b:s4+s10], $0x80, s25, s10, $0x2000b8;
	[tilespmem:$0x1E000] =	vst v63  }
0x20d: {  	s26 =	simm.s32 $0x200  }
0x20e: {  	[tilespmem:s0], [sflag:$0x5] =	stream.indirect.gather [hbm4b:s4+s10], $0x80, s26, s10, $0x2000b8;
	[tilespmem:$0x1E000] =	vst v63  }
0x20f: {  	s29 =	simm.s32 $0x280;
	s30 =	simm.s32 $0x300  }
0x210: {  	[tilespmem:s15], [sflag:$0x6] =	stream.indirect.gather [hbm4b:s4+s10], $0x80, s29, s10, $0x2000b8;
	[tilespmem:$0x1E000] =	vst v63  }
0x211: {  	s31 =	simm.s32 $0x8000;
	s0 =	simm.s32 $0x8000;
	s26 =	simm.s32 $0xF  }
0x212: {  	[tilespmem:s31], [sflag:$0x7] =	stream.indirect.gather [hbm4b:s4+s10], $0x80, s30, s10, $0x2000b8;
	[tilespmem:$0x1E000] =	vst v63  }
.LBB2_5:
0x213: {  	s7 =	rddreg [dreg:$0x4]  }
0x214: {  	s2 =	simm.s32 $0x0;
	s12 =	rddreg [dreg:$0x5];
	s6 =	sadd.s32 s28, s7  }
0x215: {  	s3 =	simm.s32 $0x1000;
	s16 =	sadd.s32 s28, s12;
	s6 =	sadd.s32 $0x100, s6  }
0x216: {  	[tilespmem:s3], [sflag:$0x11] =	stream.linear.gather [hbm4b:s6+s2], $0x800, $0x200038;
	[tilespmem:$0x1E000] =	vst v63  }
0x217: {  	s17 =	simm.s32 $0x1800;
	s23 =	simm.s32 $0x1;
	s6 =	sadd.s32 $0x100, s16  }
0x218: {  	[tilespmem:s17], [sflag:$0x11] =	stream.linear.gather [hbm4b:s6+s2], $0x800, $0x200038;
	[tilespmem:$0x1E000] =	vst v63  }
0x219: {  	_ =	swait.ge [sflag:s23], $0x1000  }
0x21a: {  	s18 =	simm.s32 $0x800;
	p1 =	seq.s32 s28, $0x0;
	[sflag:s23] =	ssyncset.done $0x0  }
0x21b: {  	s22 =	simm.s32 $0x2000;
	s6 =	simm.s32 @!p1 $0x10;
	[sflag:s23] =	ssyncadd.s32 $0xFFFFF000  }
0x21c: {  	[spmem:s1] =	stream.indirect.scatter.add.f32 [tilespmem:s22], [sflag:$0x9], $0x80, s18, s10, $0x2000b8;
	[tilespmem:$0x1E000] =	vst v63  }
0x21d: {  	_ =	swait.ge @!p1 [sflag:s6], $0x1000  }
0x21e: {  	s19 =	simm.s32 $0x380;
	[sflag:s6] =	ssyncset.done @!p1 $0x0  }
0x21f: {  	s20 =	simm.s32 $0x9000;
	s5 =	simm.s32 $0x2;
	[sflag:s6] =	ssyncadd.s32 @!p1 $0xFFFFF000  }
0x220: {  	[tilespmem:s20], [sflag:$0x8] =	stream.indirect.gather [hbm4b:s4+s10], $0x80, s19, s10, $0x2000b8;
	[tilespmem:$0x1E000] =	vst v63  }
0x221: {  	_ =	swait.ge [sflag:s5], $0x1000  }
0x222: {  	s21 =	simm.s32 $0x880;
	[sflag:s5] =	ssyncset.done $0x0  }
0x223: {  	s30 =	simm.s32 $0x9;
	s17 =	simm.s32 $0x3000;
	[sflag:s5] =	ssyncadd.s32 $0xFFFFF000  }
0x224: {  	[spmem:s1] =	stream.indirect.scatter.add.f32 [tilespmem:s17], [sflag:$0xA], $0x80, s21, s10, $0x2000b8;
	[tilespmem:$0x1E000] =	vst v63  }
0x225: {  	_ =	swait.ge [sflag:s30], $0x1000  }
0x226: {  	[sflag:s30] =	ssyncset.done $0x0  }
0x227: {  	s24 =	simm.s32 $0x400;
	s21 =	simm.s32 $0x3;
	[sflag:s30] =	ssyncadd.s32 $0xFFFFF000  }
0x228: {  	[tilespmem:s22], [sflag:$0x1] =	stream.indirect.gather [hbm4b:s4+s10], $0x80, s24, s10, $0x2000b8;
	[tilespmem:$0x1E000] =	vst v63  }
0x229: {  	_ =	swait.ge [sflag:s21], $0x1000  }
0x22a: {  	s14 =	simm.s32 $0x4000;
	[sflag:s21] =	ssyncset.done $0x0  }
0x22b: {  	s29 =	simm.s32 $0x900;
	s24 =	simm.s32 $0xA;
	[sflag:s21] =	ssyncadd.s32 $0xFFFFF000  }
0x22c: {  	[spmem:s1] =	stream.indirect.scatter.add.f32 [tilespmem:s14], [sflag:$0xB], $0x80, s29, s10, $0x2000b8;
	[tilespmem:$0x1E000] =	vst v63  }
0x22d: {  	_ =	swait.ge [sflag:s24], $0x1000  }
0x22e: {  	[sflag:s24] =	ssyncset.done $0x0  }
0x22f: {  	s31 =	simm.s32 $0x480;
	s9 =	simm.s32 $0x4;
	[sflag:s24] =	ssyncadd.s32 $0xFFFFF000  }
0x230: {  	[tilespmem:s17], [sflag:$0x2] =	stream.indirect.gather [hbm4b:s4+s10], $0x80, s31, s10, $0x2000b8;
	[tilespmem:$0x1E000] =	vst v63  }
0x231: {  	_ =	swait.ge [sflag:s9], $0x1000  }
0x232: {  	s15 =	simm.s32 $0x5000;
	[sflag:s9] =	ssyncset.done $0x0  }
0x233: {  	s3 =	simm.s32 $0x980;
	s31 =	simm.s32 $0xB;
	[sflag:s9] =	ssyncadd.s32 $0xFFFFF000  }
0x234: {  	[spmem:s1] =	stream.indirect.scatter.add.f32 [tilespmem:s15], [sflag:$0xC], $0x80, s3, s10, $0x2000b8;
	[tilespmem:$0x1E000] =	vst v63  }
0x235: {  	_ =	swait.ge [sflag:s31], $0x1000  }
0x236: {  	[sflag:s31] =	ssyncset.done $0x0  }
0x237: {  	s6 =	simm.s32 $0x500;
	s29 =	simm.s32 $0x5;
	[sflag:s31] =	ssyncadd.s32 $0xFFFFF000  }
0x238: {  	[tilespmem:s14], [sflag:$0x3] =	stream.indirect.gather [hbm4b:s4+s10], $0x80, s6, s10, $0x2000b8;
	[tilespmem:$0x1E000] =	vst v63  }
0x239: {  	_ =	swait.ge [sflag:s29], $0x1000  }
0x23a: {  	s13 =	simm.s32 $0x6000;
	[sflag:s29] =	ssyncset.done $0x0  }
0x23b: {  	s8 =	simm.s32 $0xA00;
	s16 =	simm.s32 $0xC;
	[sflag:s29] =	ssyncadd.s32 $0xFFFFF000  }
0x23c: {  	[spmem:s1] =	stream.indirect.scatter.add.f32 [tilespmem:s13], [sflag:$0xD], $0x80, s8, s10, $0x2000b8;
	[tilespmem:$0x1E000] =	vst v63  }
0x23d: {  	_ =	swait.ge [sflag:s16], $0x1000  }
0x23e: {  	[sflag:s16] =	ssyncset.done $0x0  }
0x23f: {  	s11 =	simm.s32 $0x580;
	s3 =	simm.s32 $0x6;
	[sflag:s16] =	ssyncadd.s32 $0xFFFFF000  }
0x240: {  	[tilespmem:s15], [sflag:$0x4] =	stream.indirect.gather [hbm4b:s4+s10], $0x80, s11, s10, $0x2000b8;
	[tilespmem:$0x1E000] =	vst v63  }
0x241: {  	_ =	swait.ge [sflag:s3], $0x1000  }
0x242: {  	[sflag:s3] =	ssyncset.done $0x0  }
0x243: {  	s18 =	simm.s32 $0x7000;
	s19 =	simm.s32 $0xA80;
	[sflag:s3] =	ssyncadd.s32 $0xFFFFF000  }
0x244: {  	[spmem:s1] =	stream.indirect.scatter.add.f32 [tilespmem:s18], [sflag:$0xE], $0x80, s19, s10, $0x2000b8;
	[tilespmem:$0x1E000] =	vst v63  }
0x245: {  	s18 =	simm.s32 $0xD  }
0x246: {  	_ =	swait.ge [sflag:s18], $0x1000  }
0x247: {  	[sflag:s18] =	ssyncset.done $0x0  }
0x248: {  	s20 =	simm.s32 $0x600;
	[sflag:s18] =	ssyncadd.s32 $0xFFFFF000  }
0x249: {  	[tilespmem:s13], [sflag:$0x5] =	stream.indirect.gather [hbm4b:s4+s10], $0x80, s20, s10, $0x2000b8;
	[tilespmem:$0x1E000] =	vst v63  }
0x24a: {  	s20 =	simm.s32 $0x7  }
0x24b: {  	_ =	swait.ge [sflag:s20], $0x1000  }
0x24c: {  	[sflag:s20] =	ssyncset.done $0x0  }
0x24d: {  	s8 =	simm.s32 $0xB00;
	[sflag:s20] =	ssyncadd.s32 $0xFFFFF000  }
0x24e: {  	[spmem:s1] =	stream.indirect.scatter.add.f32 [tilespmem:s0], [sflag:$0xF], $0x80, s8, s10, $0x2000b8;
	[tilespmem:$0x1E000] =	vst v63  }
0x24f: {  	s8 =	simm.s32 $0xE  }
0x250: {  	_ =	swait.ge [sflag:s8], $0x1000  }
0x251: {  	[sflag:s8] =	ssyncset.done $0x0  }
0x252: {  	s6 =	simm.s32 $0x7000;
	s11 =	simm.s32 $0x680;
	[sflag:s8] =	ssyncadd.s32 $0xFFFFF000  }
0x253: {  	[tilespmem:s6], [sflag:$0x6] =	stream.indirect.gather [hbm4b:s4+s10], $0x80, s11, s10, $0x2000b8;
	[tilespmem:$0x1E000] =	vst v63  }
0x254: {  	s11 =	simm.s32 $0x8  }
0x255: {  	_ =	swait.ge [sflag:s11], $0x1000  }
0x256: {  	[sflag:s11] =	ssyncset.done $0x0  }
0x257: {  	s25 =	simm.s32 $0x9000;
	s19 =	simm.s32 $0xB80;
	[sflag:s11] =	ssyncadd.s32 $0xFFFFF000  }
0x258: {  	[spmem:s1] =	stream.indirect.scatter.add.f32 [tilespmem:s25], [sflag:$0x10], $0x80, s19, s10, $0x2000b8;
	[tilespmem:$0x1E000] =	vst v63  }
0x259: {  	_ =	swait.ge [sflag:s26], $0x1000  }
0x25a: {  	[sflag:s26] =	ssyncset.done $0x0  }
0x25b: {  	s19 =	simm.s32 $0x700;
	[sflag:s26] =	ssyncadd.s32 $0xFFFFF000  }
0x25c: {  	[tilespmem:s0], [sflag:$0x7] =	stream.indirect.gather [hbm4b:s4+s10], $0x80, s19, s10, $0x2000b8;
	[tilespmem:$0x1E000] =	vst v63  }
0x25d: {  	_ =	swait.ge [sflag:s23], $0x1000  }
0x25e: {  	[sflag:s23] =	ssyncset.done $0x0  }
0x25f: {  	s19 =	simm.s32 $0xC00;
	[sflag:s23] =	ssyncadd.s32 $0xFFFFF000  }
0x260: {  	[spmem:s1] =	stream.indirect.scatter.add.f32 [tilespmem:s22], [sflag:$0x9], $0x80, s19, s10, $0x2000b8;
	[tilespmem:$0x1E000] =	vst v63  }
0x261: {  	s19 =	simm.s32 $0x10  }
0x262: {  	_ =	swait.ge [sflag:s19], $0x1000  }
0x263: {  	[sflag:s19] =	ssyncset.done $0x0  }
0x264: {  	s2 =	simm.s32 $0x780;
	[sflag:s19] =	ssyncadd.s32 $0xFFFFF000  }
0x265: {  	[tilespmem:s25], [sflag:$0x8] =	stream.indirect.gather [hbm4b:s4+s10], $0x80, s2, s10, $0x2000b8;
	[tilespmem:$0x1E000] =	vst v63  }
0x266: {  	_ =	swait.ge [sflag:s5], $0x1000  }
0x267: {  	[sflag:s5] =	ssyncset.done $0x0  }
0x268: {  	s2 =	simm.s32 $0xC80;
	[sflag:s5] =	ssyncadd.s32 $0xFFFFF000  }
0x269: {  	[spmem:s1] =	stream.indirect.scatter.add.f32 [tilespmem:s17], [sflag:$0xA], $0x80, s2, s10, $0x2000b8;
	[tilespmem:$0x1E000] =	vst v63  }
0x26a: {  	s2 =	simm.s32 $0x11  }
0x26b: {  	_ =	swait.ge [sflag:s2], $0x800  }
0x26c: {  	[sflag:s2] =	ssyncset.done $0x0  }
0x26d: {  	[sflag:s2] =	ssyncadd.s32 $0xFFFFF800  }
0x26e: {  	_ =	swait.ge [sflag:s2], $0x800  }
0x26f: {  	[sflag:s2] =	ssyncset.done $0x0  }
0x270: {  	[sflag:s2] =	ssyncadd.s32 $0xFFFFF800  }
0x271: {  	_ =	swait.ge [sflag:s30], $0x1000  }
0x272: {  	[sflag:s30] =	ssyncset.done $0x0  }
0x273: {  	s2 =	simm.s32 $0x1000;
	[sflag:s30] =	ssyncadd.s32 $0xFFFFF000  }
0x274: {  	[tilespmem:s22], [sflag:$0x1] =	stream.indirect.gather [hbm4b:s4+s10], $0x80, s2, s10, $0x2000b8;
	[tilespmem:$0x1E000] =	vst v63  }
0x275: {  	_ =	swait.ge [sflag:s21], $0x1000  }
0x276: {  	[sflag:s21] =	ssyncset.done $0x0  }
0x277: {  	s2 =	simm.s32 $0xD00;
	[sflag:s21] =	ssyncadd.s32 $0xFFFFF000  }
0x278: {  	[spmem:s1] =	stream.indirect.scatter.add.f32 [tilespmem:s14], [sflag:$0xB], $0x80, s2, s10, $0x2000b8;
	[tilespmem:$0x1E000] =	vst v63  }
0x279: {  	_ =	swait.ge [sflag:s24], $0x1000  }
0x27a: {  	[sflag:s24] =	ssyncset.done $0x0  }
0x27b: {  	s2 =	simm.s32 $0x1080;
	[sflag:s24] =	ssyncadd.s32 $0xFFFFF000  }
0x27c: {  	[tilespmem:s17], [sflag:$0x2] =	stream.indirect.gather [hbm4b:s4+s10], $0x80, s2, s10, $0x2000b8;
	[tilespmem:$0x1E000] =	vst v63  }
0x27d: {  	_ =	swait.ge [sflag:s9], $0x1000  }
0x27e: {  	[sflag:s9] =	ssyncset.done $0x0  }
0x27f: {  	s2 =	simm.s32 $0xD80;
	[sflag:s9] =	ssyncadd.s32 $0xFFFFF000  }
0x280: {  	[spmem:s1] =	stream.indirect.scatter.add.f32 [tilespmem:s15], [sflag:$0xC], $0x80, s2, s10, $0x2000b8;
	[tilespmem:$0x1E000] =	vst v63  }
0x281: {  	_ =	swait.ge [sflag:s31], $0x1000  }
0x282: {  	[sflag:s31] =	ssyncset.done $0x0  }
0x283: {  	s2 =	simm.s32 $0x1100;
	[sflag:s31] =	ssyncadd.s32 $0xFFFFF000  }
0x284: {  	[tilespmem:s14], [sflag:$0x3] =	stream.indirect.gather [hbm4b:s4+s10], $0x80, s2, s10, $0x2000b8;
	[tilespmem:$0x1E000] =	vst v63  }
0x285: {  	_ =	swait.ge [sflag:s29], $0x1000  }
0x286: {  	[sflag:s29] =	ssyncset.done $0x0  }
0x287: {  	s2 =	simm.s32 $0xE00;
	[sflag:s29] =	ssyncadd.s32 $0xFFFFF000  }
0x288: {  	[spmem:s1] =	stream.indirect.scatter.add.f32 [tilespmem:s13], [sflag:$0xD], $0x80, s2, s10, $0x2000b8;
	[tilespmem:$0x1E000] =	vst v63  }
0x289: {  	_ =	swait.ge [sflag:s16], $0x1000  }
0x28a: {  	[sflag:s16] =	ssyncset.done $0x0  }
0x28b: {  	s2 =	simm.s32 $0x1180;
	[sflag:s16] =	ssyncadd.s32 $0xFFFFF000  }
0x28c: {  	[tilespmem:s15], [sflag:$0x4] =	stream.indirect.gather [hbm4b:s4+s10], $0x80, s2, s10, $0x2000b8;
	[tilespmem:$0x1E000] =	vst v63  }
0x28d: {  	_ =	swait.ge [sflag:s3], $0x1000  }
0x28e: {  	[sflag:s3] =	ssyncset.done $0x0  }
0x28f: {  	s2 =	simm.s32 $0xE80;
	[sflag:s3] =	ssyncadd.s32 $0xFFFFF000  }
0x290: {  	[spmem:s1] =	stream.indirect.scatter.add.f32 [tilespmem:s6], [sflag:$0xE], $0x80, s2, s10, $0x2000b8;
	[tilespmem:$0x1E000] =	vst v63  }
0x291: {  	_ =	swait.ge [sflag:s18], $0x1000  }
0x292: {  	[sflag:s18] =	ssyncset.done $0x0  }
0x293: {  	s2 =	simm.s32 $0x1200;
	[sflag:s18] =	ssyncadd.s32 $0xFFFFF000  }
0x294: {  	[tilespmem:s13], [sflag:$0x5] =	stream.indirect.gather [hbm4b:s4+s10], $0x80, s2, s10, $0x2000b8;
	[tilespmem:$0x1E000] =	vst v63  }
0x295: {  	_ =	swait.ge [sflag:s20], $0x1000  }
0x296: {  	[sflag:s20] =	ssyncset.done $0x0  }
0x297: {  	s2 =	simm.s32 $0xF00;
	[sflag:s20] =	ssyncadd.s32 $0xFFFFF000  }
0x298: {  	[spmem:s1] =	stream.indirect.scatter.add.f32 [tilespmem:s0], [sflag:$0xF], $0x80, s2, s10, $0x2000b8;
	[tilespmem:$0x1E000] =	vst v63  }
0x299: {  	_ =	swait.ge [sflag:s8], $0x1000  }
0x29a: {  	[sflag:s8] =	ssyncset.done $0x0  }
0x29b: {  	s2 =	simm.s32 $0x1280;
	[sflag:s8] =	ssyncadd.s32 $0xFFFFF000  }
0x29c: {  	[tilespmem:s6], [sflag:$0x6] =	stream.indirect.gather [hbm4b:s4+s10], $0x80, s2, s10, $0x2000b8;
	[tilespmem:$0x1E000] =	vst v63  }
0x29d: {  	_ =	swait.ge [sflag:s11], $0x1000  }
0x29e: {  	[sflag:s11] =	ssyncset.done $0x0  }
0x29f: {  	s6 =	simm.s32 $0xF80;
	[sflag:s11] =	ssyncadd.s32 $0xFFFFF000  }
0x2a0: {  	[spmem:s1] =	stream.indirect.scatter.add.f32 [tilespmem:s25], [sflag:$0x10], $0x80, s6, s10, $0x2000b8;
	[tilespmem:$0x1E000] =	vst v63  }
0x2a1: {  	_ =	swait.ge [sflag:s26], $0x1000  }
0x2a2: {  	[sflag:s26] =	ssyncset.done $0x0  }
0x2a3: {  	p1 =	seq.s32 s28, $0x1200;
	s6 =	simm.s32 $0x1300;
	[sflag:s26] =	ssyncadd.s32 $0xFFFFF000  }
0x2a4: {  	[tilespmem:s0], [sflag:$0x7] =	stream.indirect.gather [hbm4b:s4+s10], $0x80, s6, s10, $0x2000b8;
	[tilespmem:$0x1E000] =	vst v63  }
0x2a5: {  	s6 =	sadd.s32 @!p1 s28, s7  }
0x2a6: {  	s7 =	sadd.s32 @!p1 $0x200, s6;
	s6 =	simm.s32 @!p1 $0x0  }
0x2a7: {  	[tilespmem:s6], [sflag:$0x11] =	stream.linear.gather @!p1 [hbm4b:s7+s6], $0x800, $0x200038;
	[tilespmem:$0x1E000] =	vst v63  }
0x2a8: {  	s7 =	sadd.s32 @!p1 s28, s12  }
0x2a9: {  	s12 =	simm.s32 @!p1 $0x800;
	s7 =	sadd.s32 @!p1 $0x200, s7  }
0x2aa: {  	[tilespmem:s12], [sflag:$0x11] =	stream.linear.gather @!p1 [hbm4b:s7+s6], $0x800, $0x200038;
	[tilespmem:$0x1E000] =	vst v63  }
0x2ab: {  	_ =	swait.ge [sflag:s23], $0x1000  }
0x2ac: {  	[sflag:s23] =	ssyncset.done $0x0  }
0x2ad: {  	s12 =	simm.s32 $0x1800;
	[sflag:s23] =	ssyncadd.s32 $0xFFFFF000  }
0x2ae: {  	[spmem:s1] =	stream.indirect.scatter.add.f32 [tilespmem:s22], [sflag:$0x9], $0x80, s12, s10, $0x2000b8;
	[tilespmem:$0x1E000] =	vst v63  }
0x2af: {  	_ =	swait.ge [sflag:s19], $0x1000  }
0x2b0: {  	[sflag:s19] =	ssyncset.done $0x0  }
0x2b1: {  	s2 =	simm.s32 $0x1380;
	[sflag:s19] =	ssyncadd.s32 $0xFFFFF000  }
0x2b2: {  	[tilespmem:s25], [sflag:$0x8] =	stream.indirect.gather [hbm4b:s4+s10], $0x80, s2, s10, $0x2000b8;
	[tilespmem:$0x1E000] =	vst v63  }
0x2b3: {  	_ =	swait.ge [sflag:s5], $0x1000  }
0x2b4: {  	[sflag:s5] =	ssyncset.done $0x0  }
0x2b5: {  	s7 =	simm.s32 $0x1880;
	[sflag:s5] =	ssyncadd.s32 $0xFFFFF000  }
0x2b6: {  	[spmem:s1] =	stream.indirect.scatter.add.f32 [tilespmem:s17], [sflag:$0xA], $0x80, s7, s10, $0x2000b8;
	[tilespmem:$0x1E000] =	vst v63  }
0x2b7: {  	_ =	swait.ge [sflag:s30], $0x1000  }
0x2b8: {  	[sflag:s30] =	ssyncset.done $0x0  }
0x2b9: {  	s12 =	simm.s32 $0x1400;
	[sflag:s30] =	ssyncadd.s32 $0xFFFFF000  }
0x2ba: {  	[tilespmem:s22], [sflag:$0x1] =	stream.indirect.gather [hbm4b:s4+s10], $0x80, s12, s10, $0x2000b8;
	[tilespmem:$0x1E000] =	vst v63  }
0x2bb: {  	_ =	swait.ge [sflag:s21], $0x1000  }
0x2bc: {  	[sflag:s21] =	ssyncset.done $0x0  }
0x2bd: {  	s25 =	simm.s32 $0x1900;
	[sflag:s21] =	ssyncadd.s32 $0xFFFFF000  }
0x2be: {  	[spmem:s1] =	stream.indirect.scatter.add.f32 [tilespmem:s14], [sflag:$0xB], $0x80, s25, s10, $0x2000b8;
	[tilespmem:$0x1E000] =	vst v63  }
0x2bf: {  	_ =	swait.ge [sflag:s24], $0x1000  }
0x2c0: {  	[sflag:s24] =	ssyncset.done $0x0  }
0x2c1: {  	s30 =	simm.s32 $0x1480;
	[sflag:s24] =	ssyncadd.s32 $0xFFFFF000  }
0x2c2: {  	[tilespmem:s17], [sflag:$0x2] =	stream.indirect.gather [hbm4b:s4+s10], $0x80, s30, s10, $0x2000b8;
	[tilespmem:$0x1E000] =	vst v63  }
0x2c3: {  	_ =	swait.ge [sflag:s9], $0x1000  }
0x2c4: {  	[sflag:s9] =	ssyncset.done $0x0  }
0x2c5: {  	s2 =	simm.s32 $0x1980;
	[sflag:s9] =	ssyncadd.s32 $0xFFFFF000  }
0x2c6: {  	[spmem:s1] =	stream.indirect.scatter.add.f32 [tilespmem:s15], [sflag:$0xC], $0x80, s2, s10, $0x2000b8;
	[tilespmem:$0x1E000] =	vst v63  }
0x2c7: {  	_ =	swait.ge [sflag:s31], $0x1000  }
0x2c8: {  	[sflag:s31] =	ssyncset.done $0x0  }
0x2c9: {  	s7 =	simm.s32 $0x1500;
	[sflag:s31] =	ssyncadd.s32 $0xFFFFF000  }
0x2ca: {  	[tilespmem:s14], [sflag:$0x3] =	stream.indirect.gather [hbm4b:s4+s10], $0x80, s7, s10, $0x2000b8;
	[tilespmem:$0x1E000] =	vst v63  }
0x2cb: {  	_ =	swait.ge [sflag:s29], $0x1000  }
0x2cc: {  	[sflag:s29] =	ssyncset.done $0x0  }
0x2cd: {  	s12 =	simm.s32 $0x1A00;
	[sflag:s29] =	ssyncadd.s32 $0xFFFFF000  }
0x2ce: {  	[spmem:s1] =	stream.indirect.scatter.add.f32 [tilespmem:s13], [sflag:$0xD], $0x80, s12, s10, $0x2000b8;
	[tilespmem:$0x1E000] =	vst v63  }
0x2cf: {  	_ =	swait.ge [sflag:s16], $0x1000  }
0x2d0: {  	[sflag:s16] =	ssyncset.done $0x0  }
0x2d1: {  	s14 =	simm.s32 $0x1580;
	[sflag:s16] =	ssyncadd.s32 $0xFFFFF000  }
0x2d2: {  	[tilespmem:s15], [sflag:$0x4] =	stream.indirect.gather [hbm4b:s4+s10], $0x80, s14, s10, $0x2000b8;
	[tilespmem:$0x1E000] =	vst v63  }
0x2d3: {  	_ =	swait.ge [sflag:s3], $0x1000  }
0x2d4: {  	[sflag:s3] =	ssyncset.done $0x0  }
0x2d5: {  	s24 =	simm.s32 $0x7000;
	s16 =	simm.s32 $0x1A80;
	[sflag:s3] =	ssyncadd.s32 $0xFFFFF000  }
0x2d6: {  	[spmem:s1] =	stream.indirect.scatter.add.f32 [tilespmem:s24], [sflag:$0xE], $0x80, s16, s10, $0x2000b8;
	[tilespmem:$0x1E000] =	vst v63  }
0x2d7: {  	_ =	swait.ge [sflag:s18], $0x1000  }
0x2d8: {  	[sflag:s18] =	ssyncset.done $0x0  }
0x2d9: {  	s29 =	simm.s32 $0x1600;
	[sflag:s18] =	ssyncadd.s32 $0xFFFFF000  }
0x2da: {  	[tilespmem:s13], [sflag:$0x5] =	stream.indirect.gather [hbm4b:s4+s10], $0x80, s29, s10, $0x2000b8;
	[tilespmem:$0x1E000] =	vst v63  }
0x2db: {  	_ =	swait.ge [sflag:s20], $0x1000  }
0x2dc: {  	[sflag:s20] =	ssyncset.done $0x0  }
0x2dd: {  	s25 =	simm.s32 $0x8000;
	s30 =	simm.s32 $0x1B00;
	[sflag:s20] =	ssyncadd.s32 $0xFFFFF000  }
0x2de: {  	[spmem:s1] =	stream.indirect.scatter.add.f32 [tilespmem:s25], [sflag:$0xF], $0x80, s30, s10, $0x2000b8;
	[tilespmem:$0x1E000] =	vst v63  }
0x2df: {  	_ =	swait.ge [sflag:s8], $0x1000  }
0x2e0: {  	[sflag:s8] =	ssyncset.done $0x0  }
0x2e1: {  	s31 =	simm.s32 $0x1680;
	[sflag:s8] =	ssyncadd.s32 $0xFFFFF000  }
0x2e2: {  	[tilespmem:s24], [sflag:$0x6] =	stream.indirect.gather [hbm4b:s4+s10], $0x80, s31, s10, $0x2000b8;
	[tilespmem:$0x1E000] =	vst v63  }
0x2e3: {  	_ =	swait.ge [sflag:s11], $0x1000  }
0x2e4: {  	[sflag:s11] =	ssyncset.done $0x0  }
0x2e5: {  	s14 =	simm.s32 $0x9000;
	s13 =	simm.s32 $0x1B80;
	[sflag:s11] =	ssyncadd.s32 $0xFFFFF000  }
0x2e6: {  	[spmem:s1] =	stream.indirect.scatter.add.f32 [tilespmem:s14], [sflag:$0x10], $0x80, s13, s10, $0x2000b8;
	[tilespmem:$0x1E000] =	vst v63  }
0x2e7: {  	_ =	swait.ge [sflag:s26], $0x1000  }
0x2e8: {  	[sflag:s26] =	ssyncset.done $0x0  }
0x2e9: {  	s18 =	simm.s32 $0x1700;
	[sflag:s26] =	ssyncadd.s32 $0xFFFFF000  }
0x2ea: {  	[tilespmem:s25], [sflag:$0x7] =	stream.indirect.gather [hbm4b:s4+s10], $0x80, s18, s10, $0x2000b8;
	[tilespmem:$0x1E000] =	vst v63  }
0x2eb: {  	_ =	swait.ge [sflag:s23], $0x1000  }
0x2ec: {  	[sflag:s23] =	ssyncset.done $0x0  }
0x2ed: {  	s20 =	simm.s32 $0x1C00;
	[sflag:s23] =	ssyncadd.s32 $0xFFFFF000  }
0x2ee: {  	[spmem:s1] =	stream.indirect.scatter.add.f32 [tilespmem:s22], [sflag:$0x9], $0x80, s20, s10, $0x2000b8;
	[tilespmem:$0x1E000] =	vst v63  }
0x2ef: {  	_ =	swait.ge [sflag:s19], $0x1000  }
0x2f0: {  	[sflag:s19] =	ssyncset.done $0x0  }
0x2f1: {  	s23 =	simm.s32 $0x1780;
	[sflag:s19] =	ssyncadd.s32 $0xFFFFF000  }
0x2f2: {  	[tilespmem:s14], [sflag:$0x8] =	stream.indirect.gather [hbm4b:s4+s10], $0x80, s23, s10, $0x2000b8;
	[tilespmem:$0x1E000] =	vst v63  }
0x2f3: {  	_ =	swait.ge [sflag:s5], $0x1000  }
0x2f4: {  	[sflag:s5] =	ssyncset.done $0x0  }
0x2f5: {  	s7 =	simm.s32 @p1 $0x3;
	s26 =	simm.s32 $0x1C80;
	[sflag:s5] =	ssyncadd.s32 $0xFFFFF000  }
0x2f6: {  	[spmem:s1] =	stream.indirect.scatter.add.f32 [tilespmem:s17], [sflag:$0xA], $0x80, s26, s10, $0x2000b8;
	[tilespmem:$0x1E000] =	vst v63  }
0x2f7: {  	_ =	swait.ge @p1 [sflag:s7], $0x1000  }
0x2f8: {  	s12 =	simm.s32 @p1 $0x20;
	[sflag:s7] =	ssyncset.done @p1 $0x0  }
0x2f9: {  	s14 =	simm.s32 @p1 $0x4000;
	[sflag:s7] =	ssyncadd.s32 @p1 $0xFFFFF000;
	s7 =	simm.s32 @p1 $0x1D00  }
0x2fa: {  	[spmem:s1] =	stream.indirect.scatter.add.f32 @p1 [tilespmem:s14], [sflag:$0xB], $0x80, s7, s12, $0x2000b8;
	[tilespmem:$0x1E000] =	vst v63  }
0x2fb: {  	s7 =	simm.s32 @!p1 $0x11  }
0x2fc: {  	_ =	swait.ge @!p1 [sflag:s7], $0x800  }
0x2fd: {  	[sflag:s7] =	ssyncset.done @!p1 $0x0  }
0x2fe: {  	[sflag:s7] =	ssyncadd.s32 @!p1 $0xFFFFF800  }
0x2ff: {  	_ =	swait.ge @!p1 [sflag:s7], $0x800  }
0x300: {  	[sflag:s7] =	ssyncset.done @!p1 $0x0  }
0x301: {  	[sflag:s7] =	ssyncadd.s32 @!p1 $0xFFFFF800;
	s7 =	simm.s32 @!p1 $0x9  }
0x302: {  	_ =	swait.ge @!p1 [sflag:s7], $0x1000  }
0x303: {  	[sflag:s7] =	ssyncset.done @!p1 $0x0  }
0x304: {  	s14 =	simm.s32 @!p1 $0x2000;
	[sflag:s7] =	ssyncadd.s32 @!p1 $0xFFFFF000;
	s7 =	simm.s32 @!p1 $0x20  }
0x305: {  	[tilespmem:s14], [sflag:$0x1] =	stream.indirect.gather @!p1 [hbm4b:s4+s7], $0x80, s6, s7, $0x2000b8;
	[tilespmem:$0x1E000] =	vst v63  }
0x306: {  	s6 =	simm.s32 @!p1 $0x3  }
0x307: {  	_ =	swait.ge @!p1 [sflag:s6], $0x1000  }
0x308: {  	[sflag:s6] =	ssyncset.done @!p1 $0x0  }
0x309: {  	s14 =	simm.s32 @!p1 $0x4000;
	[sflag:s6] =	ssyncadd.s32 @!p1 $0xFFFFF000;
	s6 =	simm.s32 @!p1 $0x1D00  }
0x30a: {  	[spmem:s1] =	stream.indirect.scatter.add.f32 @!p1 [tilespmem:s14], [sflag:$0xB], $0x80, s6, s7, $0x2000b8;
	[tilespmem:$0x1E000] =	vst v63  }
0x30b: {  	s6 =	simm.s32 @!p1 $0xA  }
0x30c: {  	_ =	swait.ge @!p1 [sflag:s6], $0x1000  }
0x30d: {  	[sflag:s6] =	ssyncset.done @!p1 $0x0  }
0x30e: {  	s2 =	simm.s32 @!p1 $0x3000;
	[sflag:s6] =	ssyncadd.s32 @!p1 $0xFFFFF000;
	s6 =	simm.s32 @!p1 $0x80  }
0x30f: {  	[tilespmem:s2], [sflag:$0x2] =	stream.indirect.gather @!p1 [hbm4b:s4+s7], $0x80, s6, s7, $0x2000b8;
	[tilespmem:$0x1E000] =	vst v63  }
0x310: {  	_ =	swait.ge [sflag:s9], $0x1000  }
0x311: {  	[sflag:s9] =	ssyncset.done $0x0  }
0x312: {  	s29 =	simm.s32 $0x1D80;
	s2 =	simm.s32 @p1 $0x5;
	[sflag:s9] =	ssyncadd.s32 $0xFFFFF000  }
0x313: {  	[spmem:s1] =	stream.indirect.scatter.add.f32 [tilespmem:s15], [sflag:$0xC], $0x80, s29, s10, $0x2000b8;
	[tilespmem:$0x1E000] =	vst v63  }
0x314: {  	_ =	swait.ge @p1 [sflag:s2], $0x1000  }
0x315: {  	[sflag:s2] =	ssyncset.done @p1 $0x0  }
0x316: {  	s6 =	simm.s32 @p1 $0x6000;
	[sflag:s2] =	ssyncadd.s32 @p1 $0xFFFFF000;
	s2 =	simm.s32 @p1 $0x1E00  }
0x317: {  	[spmem:s1] =	stream.indirect.scatter.add.f32 @p1 [tilespmem:s6], [sflag:$0xD], $0x80, s2, s12, $0x2000b8;
	[tilespmem:$0x1E000] =	vst v63  }
0x318: {  	s2 =	simm.s32 @!p1 $0xB  }
0x319: {  	_ =	swait.ge @!p1 [sflag:s2], $0x1000  }
0x31a: {  	[sflag:s2] =	ssyncset.done @!p1 $0x0  }
0x31b: {  	[sflag:s2] =	ssyncadd.s32 @!p1 $0xFFFFF000;
	s2 =	simm.s32 @!p1 $0x100  }
0x31c: {  	[tilespmem:s14], [sflag:$0x3] =	stream.indirect.gather @!p1 [hbm4b:s4+s7], $0x80, s2, s7, $0x2000b8;
	[tilespmem:$0x1E000] =	vst v63  }
0x31d: {  	s2 =	simm.s32 @!p1 $0x5  }
0x31e: {  	_ =	swait.ge @!p1 [sflag:s2], $0x1000  }
0x31f: {  	[sflag:s2] =	ssyncset.done @!p1 $0x0  }
0x320: {  	s6 =	simm.s32 @!p1 $0x6000;
	[sflag:s2] =	ssyncadd.s32 @!p1 $0xFFFFF000;
	s2 =	simm.s32 @!p1 $0x1E00  }
0x321: {  	[spmem:s1] =	stream.indirect.scatter.add.f32 @!p1 [tilespmem:s6], [sflag:$0xD], $0x80, s2, s7, $0x2000b8;
	[tilespmem:$0x1E000] =	vst v63  }
0x322: {  	s2 =	simm.s32 @!p1 $0xC  }
0x323: {  	_ =	swait.ge @!p1 [sflag:s2], $0x1000  }
0x324: {  	[sflag:s2] =	ssyncset.done @!p1 $0x0  }
0x325: {  	s14 =	simm.s32 @!p1 $0x5000;
	[sflag:s2] =	ssyncadd.s32 @!p1 $0xFFFFF000;
	s2 =	simm.s32 @!p1 $0x180  }
0x326: {  	[tilespmem:s14], [sflag:$0x4] =	stream.indirect.gather @!p1 [hbm4b:s4+s7], $0x80, s2, s7, $0x2000b8;
	[tilespmem:$0x1E000] =	vst v63  }
0x327: {  	_ =	swait.ge [sflag:s3], $0x1000  }
0x328: {  	s30 =	simm.s32 $0x1E80;
	[sflag:s3] =	ssyncset.done $0x0  }
0x329: {  	s8 =	simm.s32 $0x7000;
	s2 =	simm.s32 @p1 $0x7;
	[sflag:s3] =	ssyncadd.s32 $0xFFFFF000  }
0x32a: {  	[spmem:s1] =	stream.indirect.scatter.add.f32 [tilespmem:s8], [sflag:$0xE], $0x80, s30, s10, $0x2000b8;
	[tilespmem:$0x1E000] =	vst v63  }
0x32b: {  	_ =	swait.ge @p1 [sflag:s2], $0x1000  }
0x32c: {  	[sflag:s2] =	ssyncset.done @p1 $0x0  }
0x32d: {  	s14 =	simm.s32 @p1 $0x8000;
	[sflag:s2] =	ssyncadd.s32 @p1 $0xFFFFF000;
	s2 =	simm.s32 @p1 $0x1F00  }
0x32e: {  	[spmem:s1] =	stream.indirect.scatter.add.f32 @p1 [tilespmem:s14], [sflag:$0xF], $0x80, s2, s12, $0x2000b8;
	[tilespmem:$0x1E000] =	vst v63  }
0x32f: {  	s2 =	simm.s32 @!p1 $0xD  }
0x330: {  	_ =	swait.ge @!p1 [sflag:s2], $0x1000  }
0x331: {  	[sflag:s2] =	ssyncset.done @!p1 $0x0  }
0x332: {  	[sflag:s2] =	ssyncadd.s32 @!p1 $0xFFFFF000;
	s2 =	simm.s32 @!p1 $0x200  }
0x333: {  	[tilespmem:s6], [sflag:$0x5] =	stream.indirect.gather @!p1 [hbm4b:s4+s7], $0x80, s2, s7, $0x2000b8;
	[tilespmem:$0x1E000] =	vst v63  }
0x334: {  	s2 =	simm.s32 @!p1 $0x7  }
0x335: {  	_ =	swait.ge @!p1 [sflag:s2], $0x1000  }
0x336: {  	[sflag:s2] =	ssyncset.done @!p1 $0x0  }
0x337: {  	s6 =	simm.s32 @!p1 $0x8000;
	[sflag:s2] =	ssyncadd.s32 @!p1 $0xFFFFF000;
	s2 =	simm.s32 @!p1 $0x1F00  }
0x338: {  	[spmem:s1] =	stream.indirect.scatter.add.f32 @!p1 [tilespmem:s6], [sflag:$0xF], $0x80, s2, s7, $0x2000b8;
	[tilespmem:$0x1E000] =	vst v63  }
0x339: {  	s2 =	simm.s32 @!p1 $0xE  }
0x33a: {  	_ =	swait.ge @!p1 [sflag:s2], $0x1000  }
0x33b: {  	[sflag:s2] =	ssyncset.done @!p1 $0x0  }
0x33c: {  	s6 =	simm.s32 @!p1 $0x7000;
	[sflag:s2] =	ssyncadd.s32 @!p1 $0xFFFFF000;
	s2 =	simm.s32 @!p1 $0x280  }
0x33d: {  	[tilespmem:s6], [sflag:$0x6] =	stream.indirect.gather @!p1 [hbm4b:s4+s7], $0x80, s2, s7, $0x2000b8;
	[tilespmem:$0x1E000] =	vst v63  }
.Ltmp6:
0x33e: {  	s0 =	simm.s32 $0x6000;
	s21 =	simm.s32 $0x4000;
	(pc) =	sbr.rel @p1 .LBB2_10-.Ltmp6, $4  }
0x33f: {  	s24 =	simm.s32 $0x9000;
	s31 =	simm.s32 $0x1F80;
	_ =	swait.ge [sflag:s11], $0x1000  }
0x340: {  	s13 =	simm.s32 $0x3000;
	s17 =	simm.s32 $0x5000;
	[sflag:s11] =	ssyncset.done $0x0  }
0x341: {  	s15 =	simm.s32 $0x7000;
	s3 =	simm.s32 $0xF;
	[sflag:s11] =	ssyncadd.s32 $0xFFFFF000  }
0x342: {  	[spmem:s1] =	stream.indirect.scatter.add.f32 [tilespmem:s24], [sflag:$0x10], $0x80, s31, s10, $0x2000b8;
	[tilespmem:$0x1E000] =	vst v63  }
.Ltmp7:
0x343: {  	_ =	swait.ge [sflag:s3], $0x1000;
	(pc) =	sbr.rel .LBB2_5-.Ltmp7, $4  }
0x344: {  	[sflag:s3] =	ssyncset.done $0x0  }
0x345: {  	s0 =	simm.s32 $0x300;
	[sflag:s3] =	ssyncadd.s32 $0xFFFFF000  }
0x346: {  	[tilespmem:s25], [sflag:$0x7] =	stream.indirect.gather [hbm4b:s4+s10], $0x80, s0, s10, $0x2000b8;
	[tilespmem:$0x1E000] =	vst v63  }
0x347: {  	s28 =	sadd.s32 $0x200, s28;
	s26 =	simm.s32 $0xF;
	s0 =	simm.s32 $0x8000  }
.LBB2_11:
0x348: {  	_ =	sfence.sel $0x180000  }
0x349: {  	[bflag:$0x0] =	sbarrier.arrive $0xFFFF  }
0x34a: {  	_ =	strace $0x9000004A  }
0x34b: {  	s0 =	stileid.u32;
	[bflag:$0x2] =	sbarrier.arrive $0xFFFF  }
0x34c: {  	p0 =	sne.s32 s0, $0x0;
	s0 =	rddreg [dreg:$0x2]  }
0x34d: {  	s0 =	sadd.s32 @!p0 $0x100000, s0  }
0x34e: {  	[sflag:s0] =	ssyncadd.tile.s32 @!p0 $0x1;
	_ =	shalt  }
.Lfunc_end2:
_tile_overlayer_lowered:
.L_overlay_start_2:
0x34f: {  	(tag) =	ssettag $0x2  }
0x350: {  	s0 =	rddreg [dreg:$0x0];
	s2 =	stileid.u32  }
0x351: {  	s1 =	rddreg [dreg:$0x1];
	p0 =	sne.s32 s2, $0x0  }
0x352: {  	s3 =	rddreg [dreg:$0x2];
	[bflag:$0x3] =	sbarrier.arrive $0xFFFF;
	s2 =	simm.s32 @!p0 $0x1C12  }
0x353: {  	[timem:s3], [sflag:s2] =	dma.local @!p0 [hbm:s0], s1  }
0x354: {  	s0 =	simm.s32 @!p0 $0x12  }
0x355: {  	_ =	swait.ge @!p0 [sflag:s0], s1  }
0x356: {  	s1 =	ssub.s32 @!p0 $0x0, s1;
	[sflag:s0] =	ssyncset.done @!p0 $0x0  }
0x357: {  	[sflag:s0] =	ssyncadd.s32 @!p0 s1  }
0x358: {  	[bflag:$0x3] =	sbarrier.arrive $0xFFFF  }
0x359: {  	_ =	shalt  }

</sc_bundles>
